<compile_context>
chip_gen: v7x
topology: tpu7x:2x2x1
jax: 0.10.2.dev20260603
libtpu: 0.0.44.dev20260713+nightly
codegen_flags: <defaults>
</compile_context>

<pallas_src>
import functools

import jax
import jax.numpy as jnp
from jax import lax
from jax.experimental import pallas as pl
from jax.experimental.pallas import tpu as pltpu
from jax.experimental.pallas import tpu_sc as plsc

NN = 10000
CH_F = 128
CHH = 64
NP = 10240
CHUNK = 128
NCHW = 160
NQ = 5
NCQ = NCHW // NQ
NB = 5
GA = 3
SD = NB - GA
ND = 8
NCHD = 80
EW = CHUNK * NCHW
EPAD = EW * 16
RPT = NP // 16
RST = NN // 16

_MESH = plsc.VectorSubcoreMesh(core_axis_name="c", subcore_axis_name="s")


def _deg_body(dstr, z1, out, idxd, ones, accd, dsem):
    c = lax.axis_index("c")
    s = lax.axis_index("s")
    wid = c * 16 + s
    pltpu.sync_copy(z1, accd.at[pl.ds(s * RPT, RPT)])
    pltpu.sync_copy(dstr.at[wid], idxd)
    for i in range(CHUNK // 16):
        ones[pl.ds(i * 16, 16)] = jnp.ones((16,), jnp.float32)
    plsc.subcore_barrier()

    for b in range(ND):
        pltpu.async_copy(ones, accd.at[idxd.at[b]], dsem, add=True)

    def step(j, carry):
        pltpu.make_async_copy(ones, accd.at[idxd.at[j]], dsem).wait()
        nj = j + ND

        @pl.when(nj < NCHD)
        def _():
            pltpu.async_copy(ones, accd.at[idxd.at[nj]], dsem, add=True)

        return carry

    lax.fori_loop(0, NCHD, step, 0)
    plsc.subcore_barrier()
    pltpu.sync_copy(accd.at[pl.ds(s * RPT, RPT)], out.at[pl.ds(c * NP + s * RPT, RPT)])


_deg = functools.partial(
    pl.kernel,
    out_type=jax.ShapeDtypeStruct((2 * NP,), jnp.float32),
    mesh=_MESH,
    scratch_types=[
        pltpu.VMEM((NCHD, CHUNK), jnp.int32),
        pltpu.VMEM((CHUNK,), jnp.float32),
        pltpu.VMEM_SHARED((NP,), jnp.float32),
        pltpu.SemaphoreType.DMA,
    ],
)(_deg_body)


def _prop_body(y, srcr, dstr, zrows, out, idxs, idxd, rows, ytab, acc, gsem, ssem):
    c = lax.axis_index("c")
    s = lax.axis_index("s")
    pltpu.sync_copy(zrows, acc.at[pl.ds(s * RPT, RPT)])
    pltpu.sync_copy(y.at[pl.ds(c * NN + s * RST, RST)], ytab.at[pl.ds(s * RST, RST)])
    plsc.subcore_barrier()

    for q in range(NQ):
        pltpu.sync_copy(srcr.at[s, pl.ds(q * NCQ, NCQ)], idxs)
        pltpu.sync_copy(dstr.at[s, pl.ds(q * NCQ, NCQ)], idxd)

        for b in range(GA):
            pltpu.async_copy(ytab.at[idxs.at[b]], rows.at[b], gsem)

        def step(j, carry):
            b = lax.rem(j, NB)
            pltpu.make_async_copy(ytab.at[idxs.at[j]], rows.at[b], gsem).wait()
            pltpu.async_copy(rows.at[b], acc.at[idxd.at[j]], ssem, add=True)

            @pl.when(j >= SD)
            def _():
                pltpu.make_async_copy(rows.at[0], acc.at[idxd.at[0]], ssem).wait()

            nj = j + GA

            @pl.when(nj < NCQ)
            def _():
                pltpu.async_copy(ytab.at[idxs.at[nj]], rows.at[lax.rem(nj, NB)], gsem)

            return carry

        lax.fori_loop(0, NCQ, step, 0)

        def drain(j, carry):
            pltpu.make_async_copy(rows.at[0], acc.at[idxd.at[0]], ssem).wait()
            return carry

        lax.fori_loop(0, SD, drain, 0)

    plsc.subcore_barrier()
    pltpu.sync_copy(acc.at[pl.ds(s * RPT, RPT)], out.at[c, pl.ds(s * RPT, RPT)])


_prop = functools.partial(
    pl.kernel,
    out_type=jax.ShapeDtypeStruct((2, NP, CHH), jnp.float32),
    mesh=_MESH,
    compiler_params=pltpu.CompilerParams(use_tc_tiling_on_sc=False),
    scratch_types=[
        pltpu.VMEM((NCQ, CHUNK), jnp.int32),
        pltpu.VMEM((NCQ, CHUNK), jnp.int32),
        pltpu.VMEM((NB, CHUNK, CHH), jnp.float32),
        pltpu.VMEM_SHARED((NN, CHH), jnp.float32),
        pltpu.VMEM_SHARED((NP, CHH), jnp.float32),
        pltpu.SemaphoreType.DMA,
        pltpu.SemaphoreType.DMA,
    ],
)(_prop_body)


BR = 1000


def _prescale_body(d0, d1, x, xp, inv):
    d = d0[...] + d1[...] + 1.0
    r = lax.rsqrt(d)
    v = x[...] * r
    xp[0] = v[:, :CHH]
    xp[1] = v[:, CHH:]
    inv[...] = r


_prescale = pl.pallas_call(
    _prescale_body,
    grid=(NN // BR,),
    in_specs=[
        pl.BlockSpec((BR, 1), lambda i: (i, 0)),
        pl.BlockSpec((BR, 1), lambda i: (i, 0)),
        pl.BlockSpec((BR, CH_F), lambda i: (i, 0)),
    ],
    out_specs=[
        pl.BlockSpec((2, BR, CHH), lambda i: (0, i, 0)),
        pl.BlockSpec((BR, 1), lambda i: (i, 0)),
    ],
    out_shape=[
        jax.ShapeDtypeStruct((2, NN, CHH), jnp.float32),
        jax.ShapeDtypeStruct((NN, 1), jnp.float32),
    ],
)


def _dense_body(pa, pb, xa, xb, inv, w1, b1, w2, out):
    p = jnp.concatenate([pa[0], pb[0]], axis=1)
    xpv = jnp.concatenate([xa[0], xb[0]], axis=1)
    z1 = inv[...] * (p + xpv)
    h = jnp.dot(z1, w1[...], preferred_element_type=jnp.float32) + b1[...]
    h = jnp.maximum(h, 0.0)
    z2 = jnp.dot(h, w2[...], preferred_element_type=jnp.float32) * inv[...]
    out[0] = z2[:, :CHH]
    out[1] = z2[:, CHH:]


_dense = pl.pallas_call(
    _dense_body,
    grid=(NN // BR,),
    in_specs=[
        pl.BlockSpec((1, BR, CHH), lambda i: (0, i, 0)),
        pl.BlockSpec((1, BR, CHH), lambda i: (1, i, 0)),
        pl.BlockSpec((1, BR, CHH), lambda i: (0, i, 0)),
        pl.BlockSpec((1, BR, CHH), lambda i: (1, i, 0)),
        pl.BlockSpec((BR, 1), lambda i: (i, 0)),
        pl.BlockSpec((CH_F, 2 * CH_F), lambda i: (0, 0)),
        pl.BlockSpec((1, 2 * CH_F), lambda i: (0, 0)),
        pl.BlockSpec((2 * CH_F, CH_F), lambda i: (0, 0)),
    ],
    out_specs=pl.BlockSpec((2, BR, CHH), lambda i: (0, i, 0)),
    out_shape=jax.ShapeDtypeStruct((2, NN, CHH), jnp.float32),
)


def _final_body(pa, pb, za, zb, inv, b2, out):
    p = jnp.concatenate([pa[0], pb[0]], axis=1)
    z = jnp.concatenate([za[0], zb[0]], axis=1)
    out[...] = inv[...] * (p + z) + b2[...]


_final = pl.pallas_call(
    _final_body,
    grid=(NN // BR,),
    in_specs=[
        pl.BlockSpec((1, BR, CHH), lambda i: (0, i, 0)),
        pl.BlockSpec((1, BR, CHH), lambda i: (1, i, 0)),
        pl.BlockSpec((1, BR, CHH), lambda i: (0, i, 0)),
        pl.BlockSpec((1, BR, CHH), lambda i: (1, i, 0)),
        pl.BlockSpec((BR, 1), lambda i: (i, 0)),
        pl.BlockSpec((1, CH_F), lambda i: (0, 0)),
    ],
    out_specs=pl.BlockSpec((BR, CH_F), lambda i: (i, 0)),
    out_shape=jax.ShapeDtypeStruct((NN, CH_F), jnp.float32),
)


def kernel(x, edge_index, W1, b1, W2, b2):
    ei = edge_index.astype(jnp.int32)
    npad = EPAD - ei.shape[1]
    src = jnp.concatenate([ei[0], jnp.zeros((npad,), jnp.int32)])
    dst = jnp.concatenate([ei[1], jnp.full((npad,), NN, jnp.int32)])
    srcr = src.reshape(16, NCHW, CHUNK)
    dstr = dst.reshape(16, NCHW, CHUNK)
    dstr32 = dst.reshape(32, NCHD, CHUNK)
    zrows = jnp.zeros((RPT, CHH), jnp.float32)
    z1 = jnp.zeros((RPT,), jnp.float32)

    degp = _deg(dstr32, z1)
    d0 = degp[:NP].reshape(NP, 1)
    d1 = degp[NP:].reshape(NP, 1)
    xp, inv = _prescale(d0, d1, x)
    xp2 = xp.reshape(2 * NN, CHH)
    p1 = _prop(xp2, srcr, dstr, zrows)
    z2p = _dense(p1, p1, xp, xp, inv, W1, b1.reshape(1, -1), W2)
    p2 = _prop(z2p.reshape(2 * NN, CHH), srcr, dstr, zrows)
    out = _final(p2, p2, z2p, z2p, inv, b2.reshape(1, -1))
    return out

# --- scband reference (transcript-rebuilt; emitter-appended) ---
"""Pipeline reference for scband-gcndecoder-32959579030036 (READ-ONLY COPY).

The authoritative reference and input builder live on the scoring server;
editing this copy changes nothing except your own understanding.
"""

import jax, jax.numpy as jnp
import numpy as np

N_NODES = 10000
IN_CH = 128
HID_CH = 2 * IN_CH
OUT_CH = 128
N_EDGES = 320000


def _glorot(key, shape):
    fan_in, fan_out = shape[0], shape[1]
    limit = jnp.sqrt(6.0 / (fan_in + fan_out))
    return jax.random.uniform(key, shape, minval=-limit, maxval=limit, dtype=jnp.float32)


def setup_inputs(seed: int = 0) -> dict:
    key = jax.random.key(seed)
    k1, k2, k3, k4 = jax.random.split(key, 4)
    x = jax.random.normal(k1, (N_NODES, IN_CH), dtype=jnp.float32)
    edge_index = jax.random.randint(k2, (2, N_EDGES), 0, N_NODES, dtype=jnp.int64)
    W1 = _glorot(k3, (IN_CH, HID_CH))
    b1 = jnp.zeros((HID_CH,), dtype=jnp.float32)
    W2 = _glorot(k4, (HID_CH, OUT_CH))
    b2 = jnp.zeros((OUT_CH,), dtype=jnp.float32)
    return {"x": x, "edge_index": edge_index, "W1": W1, "b1": b1, "W2": W2, "b2": b2}


def _gcn_conv(x, W, b, full_src, full_dst, norm, n_nodes):
    # GCNConv: out = D^{-1/2} (A + I) D^{-1/2} (X W) + b
    h = x @ W
    msg = jnp.take(h, full_src, axis=0) * norm[:, None]
    out = jax.ops.segment_sum(msg, full_dst, num_segments=n_nodes)
    return out + b


def reference(x, edge_index, W1, b1, W2, b2):
    n_nodes = x.shape[0]
    src = edge_index[0]
    dst = edge_index[1]
    loop = jnp.arange(n_nodes, dtype=edge_index.dtype)
    full_src = jnp.concatenate([src, loop])
    full_dst = jnp.concatenate([dst, loop])
    ones = jnp.ones(full_dst.shape[0], dtype=jnp.float32)
    deg = jax.ops.segment_sum(ones, full_dst, num_segments=n_nodes)
    inv_sqrt = jnp.where(deg > 0, jax.lax.rsqrt(jnp.maximum(deg, 1e-12)), 0.0)
    norm = jnp.take(inv_sqrt, full_src) * jnp.take(inv_sqrt, full_dst)
    h = _gcn_conv(x, W1, b1, full_src, full_dst, norm, n_nodes)
    h = jax.nn.relu(h)
    out = _gcn_conv(h, W2, b2, full_src, full_dst, norm, n_nodes)
    return out

if __name__ == "__main__":
    import jax
    _d = setup_inputs()
    print(jax.jit(kernel)(*tuple(_d.values())))

</pallas_src>

<mosaic_0001>
#map = affine_map<(d0, d1) -> (0, 0)>
#map1 = affine_map<(d0, d1) -> (0, 0, 0)>
module attributes {stable_mosaic.version = 14 : i64} {
  func.func @_prop_body(%arg0: i32, %arg1: i32, %arg2: memref<20000x64xf32, #tpu.memory_space<hbm>>, %arg3: memref<16x160x128xi32, #tpu.memory_space<hbm>>, %arg4: memref<16x160x128xi32, #tpu.memory_space<hbm>>, %arg5: memref<640x64xf32, #tpu.memory_space<hbm>>, %arg6: memref<2x10240x64xf32, #tpu.memory_space<hbm>>, %arg7: memref<32x128xi32, #tpu.memory_space<vmem>>, %arg8: memref<32x128xi32, #tpu.memory_space<vmem>>, %arg9: memref<5x128x64xf32, #tpu.memory_space<vmem>>, %arg10: memref<10000x64xf32, #tpu.memory_space<vmem_shared>>, %arg11: memref<10240x64xf32, #tpu.memory_space<vmem_shared>>, %arg12: memref<!tpu.dma_semaphore, #tpu.memory_space<semaphore_mem>>, %arg13: memref<!tpu.dma_semaphore, #tpu.memory_space<semaphore_mem>>) attributes {dimension_semantics = [#tpu.dimension_semantics<core_parallel>, #tpu.dimension_semantics<subcore_parallel>], iteration_bounds = array<i64: 2, 16>, scalar_prefetch = 0 : i64, scratch_operands = 7 : i64, tpu.core_type = #tpu.core_type<sc_vector_subcore>, window_params = [{transform_indices = #map}, {transform_indices = #map1}, {transform_indices = #map1}, {transform_indices = #map}, {transform_indices = #map1}]} {
    %mul3A = arith.constant 640 : i32
    %mul3A_0 = arith.muli %arg1, %mul3A : i32
    "tpu.region"() ({
      %run_scoped3A = tpu.sem_alloc : memref<!tpu.dma_semaphore, #tpu.memory_space<semaphore_mem>>
      %dma_start3A_250 = arith.constant 0 : i32
      %dma_start3A_251 = tpu.memref_slice %arg11[%mul3A_0, %dma_start3A_250] : memref<10240x64xf32, #tpu.memory_space<vmem_shared>> -> memref<640x64xf32, #tpu.memory_space<vmem_shared>>
      tpu.enqueue_dma source(%arg5 : memref<640x64xf32, #tpu.memory_space<hbm>>) target(%dma_start3A_251 : memref<640x64xf32, #tpu.memory_space<vmem_shared>>) target_semaphore(%run_scoped3A : memref<!tpu.dma_semaphore, #tpu.memory_space<semaphore_mem>>)
      %dma_wait3A = arith.constant 0 : i32
      %dma_wait3A_252 = tpu.memref_slice %arg11[%mul3A_0, %dma_wait3A] : memref<10240x64xf32, #tpu.memory_space<vmem_shared>> -> memref<640x64xf32, #tpu.memory_space<vmem_shared>>
      tpu.wait_dma2 semaphore(%run_scoped3A : memref<!tpu.dma_semaphore, #tpu.memory_space<semaphore_mem>>) src(%arg5 : memref<640x64xf32, #tpu.memory_space<hbm>>) dst(%dma_wait3A_252 : memref<640x64xf32, #tpu.memory_space<vmem_shared>>)
      tpu.yield
    }) : () -> ()
    %mul3A_1 = arith.constant 10000 : i32
    %mul3A_2 = arith.muli %arg0, %mul3A_1 : i32
    %mul3A_3 = arith.constant 625 : i32
    %mul3A_4 = arith.muli %arg1, %mul3A_3 : i32
    %add3A = arith.addi %mul3A_2, %mul3A_4 : i32
    %mul3A_5 = arith.constant 625 : i32
    %mul3A_6 = arith.muli %arg1, %mul3A_5 : i32
    "tpu.region"() ({
      %run_scoped3A = tpu.sem_alloc : memref<!tpu.dma_semaphore, #tpu.memory_space<semaphore_mem>>
      %dma_start3A_250 = arith.constant 0 : i32
      %dma_start3A_251 = tpu.memref_slice %arg10[%mul3A_6, %dma_start3A_250] : memref<10000x64xf32, #tpu.memory_space<vmem_shared>> -> memref<625x64xf32, #tpu.memory_space<vmem_shared>>
      %dma_start3A_252 = arith.constant 0 : i32
      %dma_start3A_253 = tpu.memref_slice %arg2[%add3A, %dma_start3A_252] : memref<20000x64xf32, #tpu.memory_space<hbm>> -> memref<625x64xf32, #tpu.memory_space<hbm>>
      tpu.enqueue_dma source(%dma_start3A_253 : memref<625x64xf32, #tpu.memory_space<hbm>>) target(%dma_start3A_251 : memref<625x64xf32, #tpu.memory_space<vmem_shared>>) target_semaphore(%run_scoped3A : memref<!tpu.dma_semaphore, #tpu.memory_space<semaphore_mem>>)
      %dma_wait3A = arith.constant 0 : i32
      %dma_wait3A_254 = tpu.memref_slice %arg10[%mul3A_6, %dma_wait3A] : memref<10000x64xf32, #tpu.memory_space<vmem_shared>> -> memref<625x64xf32, #tpu.memory_space<vmem_shared>>
      %dma_wait3A_255 = arith.constant 0 : i32
      %dma_wait3A_256 = tpu.memref_slice %arg2[%add3A, %dma_wait3A_255] : memref<20000x64xf32, #tpu.memory_space<hbm>> -> memref<625x64xf32, #tpu.memory_space<hbm>>
      tpu.wait_dma2 semaphore(%run_scoped3A : memref<!tpu.dma_semaphore, #tpu.memory_space<semaphore_mem>>) src(%dma_wait3A_256 : memref<625x64xf32, #tpu.memory_space<hbm>>) dst(%dma_wait3A_254 : memref<625x64xf32, #tpu.memory_space<vmem_shared>>)
      tpu.yield
    }) : () -> ()
    %barrier3A = arith.constant 0 : index
    tpu.barrier barrier_id(%barrier3A)
    "tpu.region"() ({
      %run_scoped3A = tpu.sem_alloc : memref<!tpu.dma_semaphore, #tpu.memory_space<semaphore_mem>>
      %dma_start3A_250 = arith.constant 0 : i32
      %dma_start3A_251 = arith.constant 0 : i32
      %dma_start3A_252 = tpu.memref_slice %arg3[%arg1, %dma_start3A_250, %dma_start3A_251] : memref<16x160x128xi32, #tpu.memory_space<hbm>> -> memref<1x32x128xi32, #tpu.memory_space<hbm>>
      %dma_start3A_253 = tpu.memref_squeeze %dma_start3A_252 : memref<1x32x128xi32, #tpu.memory_space<hbm>> -> memref<32x128xi32, #tpu.memory_space<hbm>>
      %dma_start3A_254 = arith.constant 0 : i32
      %dma_start3A_255 = arith.constant 0 : i32
      %dma_start3A_256 = tpu.memref_slice %arg3[%arg1, %dma_start3A_254, %dma_start3A_255] : memref<16x160x128xi32, #tpu.memory_space<hbm>> -> memref<1x32x128xi32, #tpu.memory_space<hbm>>
      %dma_start3A_257 = tpu.memref_squeeze %dma_start3A_256 : memref<1x32x128xi32, #tpu.memory_space<hbm>> -> memref<32x128xi32, #tpu.memory_space<hbm>>
      tpu.enqueue_dma source(%dma_start3A_257 : memref<32x128xi32, #tpu.memory_space<hbm>>) target(%arg7 : memref<32x128xi32, #tpu.memory_space<vmem>>) target_semaphore(%run_scoped3A : memref<!tpu.dma_semaphore, #tpu.memory_space<semaphore_mem>>)
      %dma_wait3A = arith.constant 0 : i32
      %dma_wait3A_258 = arith.constant 0 : i32
      %dma_wait3A_259 = tpu.memref_slice %arg3[%arg1, %dma_wait3A, %dma_wait3A_258] : memref<16x160x128xi32, #tpu.memory_space<hbm>> -> memref<1x32x128xi32, #tpu.memory_space<hbm>>
      %dma_wait3A_260 = tpu.memref_squeeze %dma_wait3A_259 : memref<1x32x128xi32, #tpu.memory_space<hbm>> -> memref<32x128xi32, #tpu.memory_space<hbm>>
      %dma_wait3A_261 = arith.constant 0 : i32
      %dma_wait3A_262 = arith.constant 0 : i32
      %dma_wait3A_263 = tpu.memref_slice %arg3[%arg1, %dma_wait3A_261, %dma_wait3A_262] : memref<16x160x128xi32, #tpu.memory_space<hbm>> -> memref<1x32x128xi32, #tpu.memory_space<hbm>>
      %dma_wait3A_264 = tpu.memref_squeeze %dma_wait3A_263 : memref<1x32x128xi32, #tpu.memory_space<hbm>> -> memref<32x128xi32, #tpu.memory_space<hbm>>
      tpu.wait_dma2 semaphore(%run_scoped3A : memref<!tpu.dma_semaphore, #tpu.memory_space<semaphore_mem>>) src(%dma_wait3A_264 : memref<32x128xi32, #tpu.memory_space<hbm>>) dst(%arg7 : memref<32x128xi32, #tpu.memory_space<vmem>>)
      tpu.yield
    }) : () -> ()
    "tpu.region"() ({
      %run_scoped3A = tpu.sem_alloc : memref<!tpu.dma_semaphore, #tpu.memory_space<semaphore_mem>>
      %dma_start3A_250 = arith.constant 0 : i32
      %dma_start3A_251 = arith.constant 0 : i32
      %dma_start3A_252 = tpu.memref_slice %arg4[%arg1, %dma_start3A_250, %dma_start3A_251] : memref<16x160x128xi32, #tpu.memory_space<hbm>> -> memref<1x32x128xi32, #tpu.memory_space<hbm>>
      %dma_start3A_253 = tpu.memref_squeeze %dma_start3A_252 : memref<1x32x128xi32, #tpu.memory_space<hbm>> -> memref<32x128xi32, #tpu.memory_space<hbm>>
      %dma_start3A_254 = arith.constant 0 : i32
      %dma_start3A_255 = arith.constant 0 : i32
      %dma_start3A_256 = tpu.memref_slice %arg4[%arg1, %dma_start3A_254, %dma_start3A_255] : memref<16x160x128xi32, #tpu.memory_space<hbm>> -> memref<1x32x128xi32, #tpu.memory_space<hbm>>
      %dma_start3A_257 = tpu.memref_squeeze %dma_start3A_256 : memref<1x32x128xi32, #tpu.memory_space<hbm>> -> memref<32x128xi32, #tpu.memory_space<hbm>>
      tpu.enqueue_dma source(%dma_start3A_257 : memref<32x128xi32, #tpu.memory_space<hbm>>) target(%arg8 : memref<32x128xi32, #tpu.memory_space<vmem>>) target_semaphore(%run_scoped3A : memref<!tpu.dma_semaphore, #tpu.memory_space<semaphore_mem>>)
      %dma_wait3A = arith.constant 0 : i32
      %dma_wait3A_258 = arith.constant 0 : i32
      %dma_wait3A_259 = tpu.memref_slice %arg4[%arg1, %dma_wait3A, %dma_wait3A_258] : memref<16x160x128xi32, #tpu.memory_space<hbm>> -> memref<1x32x128xi32, #tpu.memory_space<hbm>>
      %dma_wait3A_260 = tpu.memref_squeeze %dma_wait3A_259 : memref<1x32x128xi32, #tpu.memory_space<hbm>> -> memref<32x128xi32, #tpu.memory_space<hbm>>
      %dma_wait3A_261 = arith.constant 0 : i32
      %dma_wait3A_262 = arith.constant 0 : i32
      %dma_wait3A_263 = tpu.memref_slice %arg4[%arg1, %dma_wait3A_261, %dma_wait3A_262] : memref<16x160x128xi32, #tpu.memory_space<hbm>> -> memref<1x32x128xi32, #tpu.memory_space<hbm>>
      %dma_wait3A_264 = tpu.memref_squeeze %dma_wait3A_263 : memref<1x32x128xi32, #tpu.memory_space<hbm>> -> memref<32x128xi32, #tpu.memory_space<hbm>>
      tpu.wait_dma2 semaphore(%run_scoped3A : memref<!tpu.dma_semaphore, #tpu.memory_space<semaphore_mem>>) src(%dma_wait3A_264 : memref<32x128xi32, #tpu.memory_space<hbm>>) dst(%arg8 : memref<32x128xi32, #tpu.memory_space<vmem>>)
      tpu.yield
    }) : () -> ()
    %dma_start3A = arith.constant 0 : i32
    %dma_start3A_7 = arith.constant 0 : i32
    %dma_start3A_8 = arith.constant 0 : i32
    %dma_start3A_9 = arith.constant 0 : i32
    %dma_start3A_10 = tpu.memref_slice %arg9[%dma_start3A_7, %dma_start3A_8, %dma_start3A_9] : memref<5x128x64xf32, #tpu.memory_space<vmem>> -> memref<1x128x64xf32, #tpu.memory_space<vmem>>
    %dma_start3A_11 = tpu.memref_squeeze %dma_start3A_10 : memref<1x128x64xf32, #tpu.memory_space<vmem>> -> memref<128x64xf32, #tpu.memory_space<vmem>>
    %dma_start3A_12 = arith.constant 0 : i32
    %dma_start3A_13 = tpu.memref_slice %arg7[%dma_start3A, %dma_start3A_12] : memref<32x128xi32, #tpu.memory_space<vmem>> -> memref<1x128xi32, #tpu.memory_space<vmem>>
    %dma_start3A_14 = tpu.memref_squeeze %dma_start3A_13 : memref<1x128xi32, #tpu.memory_space<vmem>> -> memref<128xi32, #tpu.memory_space<vmem>>
    %dma_start3A_15 = arith.constant 0 : i32
    %dma_start3A_16 = arith.constant 0 : i32
    %dma_start3A_17 = tpu.memref_slice %arg10[%dma_start3A_15, %dma_start3A_16] : memref<10000x64xf32, #tpu.memory_space<vmem_shared>> -> memref<10000x64xf32, #tpu.memory_space<vmem_shared>>
    tpu.enqueue_indirect_dma source(%dma_start3A_17 : memref<10000x64xf32, #tpu.memory_space<vmem_shared>>) target(%dma_start3A_11 : memref<128x64xf32, #tpu.memory_space<vmem>>) offsets(%dma_start3A_14 : memref<128xi32, #tpu.memory_space<vmem>>) semaphore(%arg12 : memref<!tpu.dma_semaphore, #tpu.memory_space<semaphore_mem>>)
    %dma_start3A_18 = arith.constant 1 : i32
    %dma_start3A_19 = arith.constant 1 : i32
    %dma_start3A_20 = arith.constant 0 : i32
    %dma_start3A_21 = arith.constant 0 : i32
    %dma_start3A_22 = tpu.memref_slice %arg9[%dma_start3A_19, %dma_start3A_20, %dma_start3A_21] : memref<5x128x64xf32, #tpu.memory_space<vmem>> -> memref<1x128x64xf32, #tpu.memory_space<vmem>>
    %dma_start3A_23 = tpu.memref_squeeze %dma_start3A_22 : memref<1x128x64xf32, #tpu.memory_space<vmem>> -> memref<128x64xf32, #tpu.memory_space<vmem>>
    %dma_start3A_24 = arith.constant 0 : i32
    %dma_start3A_25 = tpu.memref_slice %arg7[%dma_start3A_18, %dma_start3A_24] : memref<32x128xi32, #tpu.memory_space<vmem>> -> memref<1x128xi32, #tpu.memory_space<vmem>>
    %dma_start3A_26 = tpu.memref_squeeze %dma_start3A_25 : memref<1x128xi32, #tpu.memory_space<vmem>> -> memref<128xi32, #tpu.memory_space<vmem>>
    %dma_start3A_27 = arith.constant 0 : i32
    %dma_start3A_28 = arith.constant 0 : i32
    %dma_start3A_29 = tpu.memref_slice %arg10[%dma_start3A_27, %dma_start3A_28] : memref<10000x64xf32, #tpu.memory_space<vmem_shared>> -> memref<10000x64xf32, #tpu.memory_space<vmem_shared>>
    tpu.enqueue_indirect_dma source(%dma_start3A_29 : memref<10000x64xf32, #tpu.memory_space<vmem_shared>>) target(%dma_start3A_23 : memref<128x64xf32, #tpu.memory_space<vmem>>) offsets(%dma_start3A_26 : memref<128xi32, #tpu.memory_space<vmem>>) semaphore(%arg12 : memref<!tpu.dma_semaphore, #tpu.memory_space<semaphore_mem>>)
    %dma_start3A_30 = arith.constant 2 : i32
    %dma_start3A_31 = arith.constant 2 : i32
    %dma_start3A_32 = arith.constant 0 : i32
    %dma_start3A_33 = arith.constant 0 : i32
    %dma_start3A_34 = tpu.memref_slice %arg9[%dma_start3A_31, %dma_start3A_32, %dma_start3A_33] : memref<5x128x64xf32, #tpu.memory_space<vmem>> -> memref<1x128x64xf32, #tpu.memory_space<vmem>>
    %dma_start3A_35 = tpu.memref_squeeze %dma_start3A_34 : memref<1x128x64xf32, #tpu.memory_space<vmem>> -> memref<128x64xf32, #tpu.memory_space<vmem>>
    %dma_start3A_36 = arith.constant 0 : i32
    %dma_start3A_37 = tpu.memref_slice %arg7[%dma_start3A_30, %dma_start3A_36] : memref<32x128xi32, #tpu.memory_space<vmem>> -> memref<1x128xi32, #tpu.memory_space<vmem>>
    %dma_start3A_38 = tpu.memref_squeeze %dma_start3A_37 : memref<1x128xi32, #tpu.memory_space<vmem>> -> memref<128xi32, #tpu.memory_space<vmem>>
    %dma_start3A_39 = arith.constant 0 : i32
    %dma_start3A_40 = arith.constant 0 : i32
    %dma_start3A_41 = tpu.memref_slice %arg10[%dma_start3A_39, %dma_start3A_40] : memref<10000x64xf32, #tpu.memory_space<vmem_shared>> -> memref<10000x64xf32, #tpu.memory_space<vmem_shared>>
    tpu.enqueue_indirect_dma source(%dma_start3A_41 : memref<10000x64xf32, #tpu.memory_space<vmem_shared>>) target(%dma_start3A_35 : memref<128x64xf32, #tpu.memory_space<vmem>>) offsets(%dma_start3A_38 : memref<128xi32, #tpu.memory_space<vmem>>) semaphore(%arg12 : memref<!tpu.dma_semaphore, #tpu.memory_space<semaphore_mem>>)
    %scan3A = arith.constant 0 : i32
    %scan3A_42 = arith.constant 0 : i32
    %scan3A_43 = arith.constant 32 : i32
    %scan3A_44 = arith.addi %scan3A_42, %scan3A_43 : i32
    %scan3A_45 = arith.constant 1 : i32
    scf.for %scan3A_250 = %scan3A_42 to %scan3A_44 step %scan3A_45  : i32 {
      %rem3A = arith.constant 5 : i32
      %rem3A_251 = arith.remsi %scan3A_250, %rem3A : i32
      %dma_wait3A = arith.constant 0 : i32
      %dma_wait3A_252 = arith.constant 0 : i32
      %dma_wait3A_253 = tpu.memref_slice %arg9[%rem3A_251, %dma_wait3A, %dma_wait3A_252] : memref<5x128x64xf32, #tpu.memory_space<vmem>> -> memref<1x128x64xf32, #tpu.memory_space<vmem>>
      %dma_wait3A_254 = tpu.memref_squeeze %dma_wait3A_253 : memref<1x128x64xf32, #tpu.memory_space<vmem>> -> memref<128x64xf32, #tpu.memory_space<vmem>>
      %dma_wait3A_255 = arith.constant 0 : i32
      %dma_wait3A_256 = tpu.memref_slice %arg7[%scan3A_250, %dma_wait3A_255] : memref<32x128xi32, #tpu.memory_space<vmem>> -> memref<1x128xi32, #tpu.memory_space<vmem>>
      %dma_wait3A_257 = tpu.memref_squeeze %dma_wait3A_256 : memref<1x128xi32, #tpu.memory_space<vmem>> -> memref<128xi32, #tpu.memory_space<vmem>>
      %dma_wait3A_258 = arith.constant 0 : i32
      %dma_wait3A_259 = arith.constant 0 : i32
      %dma_wait3A_260 = tpu.memref_slice %arg10[%dma_wait3A_258, %dma_wait3A_259] : memref<10000x64xf32, #tpu.memory_space<vmem_shared>> -> memref<10000x64xf32, #tpu.memory_space<vmem_shared>>
      tpu.wait_indirect_dma semaphore(%arg12 : memref<!tpu.dma_semaphore, #tpu.memory_space<semaphore_mem>>) src(%dma_wait3A_260 : memref<10000x64xf32, #tpu.memory_space<vmem_shared>>) dst(%dma_wait3A_254 : memref<128x64xf32, #tpu.memory_space<vmem>>)
      %dma_start3A_261 = arith.constant 0 : i32
      %dma_start3A_262 = arith.constant 0 : i32
      %dma_start3A_263 = tpu.memref_slice %arg9[%rem3A_251, %dma_start3A_261, %dma_start3A_262] : memref<5x128x64xf32, #tpu.memory_space<vmem>> -> memref<1x128x64xf32, #tpu.memory_space<vmem>>
      %dma_start3A_264 = tpu.memref_squeeze %dma_start3A_263 : memref<1x128x64xf32, #tpu.memory_space<vmem>> -> memref<128x64xf32, #tpu.memory_space<vmem>>
      %dma_start3A_265 = arith.constant 0 : i32
      %dma_start3A_266 = tpu.memref_slice %arg8[%scan3A_250, %dma_start3A_265] : memref<32x128xi32, #tpu.memory_space<vmem>> -> memref<1x128xi32, #tpu.memory_space<vmem>>
      %dma_start3A_267 = tpu.memref_squeeze %dma_start3A_266 : memref<1x128xi32, #tpu.memory_space<vmem>> -> memref<128xi32, #tpu.memory_space<vmem>>
      %dma_start3A_268 = arith.constant 0 : i32
      %dma_start3A_269 = arith.constant 0 : i32
      %dma_start3A_270 = tpu.memref_slice %arg11[%dma_start3A_268, %dma_start3A_269] : memref<10240x64xf32, #tpu.memory_space<vmem_shared>> -> memref<10240x64xf32, #tpu.memory_space<vmem_shared>>
      tpu.enqueue_indirect_dma source(%dma_start3A_264 : memref<128x64xf32, #tpu.memory_space<vmem>>) target(%dma_start3A_270 : memref<10240x64xf32, #tpu.memory_space<vmem_shared>>) offsets(%dma_start3A_267 : memref<128xi32, #tpu.memory_space<vmem>>) semaphore(%arg13 : memref<!tpu.dma_semaphore, #tpu.memory_space<semaphore_mem>>) {add = true}
      %ge3A = arith.constant 2 : i32
      %ge3A_271 = arith.cmpi sge, %scan3A_250, %ge3A : i32
      %convert_element_type3A = arith.extui %ge3A_271 : i1 to i32
      %cond3A = arith.constant 0 : i32
      %cond3A_272 = arith.cmpi ne, %convert_element_type3A, %cond3A : i32
      scf.if %cond3A_272 {
        %dma_wait3A_279 = arith.constant 0 : i32
        %dma_wait3A_280 = arith.constant 0 : i32
        %dma_wait3A_281 = arith.constant 0 : i32
        %dma_wait3A_282 = arith.constant 0 : i32
        %dma_wait3A_283 = tpu.memref_slice %arg9[%dma_wait3A_279, %dma_wait3A_281, %dma_wait3A_282] : memref<5x128x64xf32, #tpu.memory_space<vmem>> -> memref<1x128x64xf32, #tpu.memory_space<vmem>>
        %dma_wait3A_284 = tpu.memref_squeeze %dma_wait3A_283 : memref<1x128x64xf32, #tpu.memory_space<vmem>> -> memref<128x64xf32, #tpu.memory_space<vmem>>
        %dma_wait3A_285 = arith.constant 0 : i32
        %dma_wait3A_286 = tpu.memref_slice %arg8[%dma_wait3A_280, %dma_wait3A_285] : memref<32x128xi32, #tpu.memory_space<vmem>> -> memref<1x128xi32, #tpu.memory_space<vmem>>
        %dma_wait3A_287 = tpu.memref_squeeze %dma_wait3A_286 : memref<1x128xi32, #tpu.memory_space<vmem>> -> memref<128xi32, #tpu.memory_space<vmem>>
        %dma_wait3A_288 = arith.constant 0 : i32
        %dma_wait3A_289 = arith.constant 0 : i32
        %dma_wait3A_290 = tpu.memref_slice %arg11[%dma_wait3A_288, %dma_wait3A_289] : memref<10240x64xf32, #tpu.memory_space<vmem_shared>> -> memref<10240x64xf32, #tpu.memory_space<vmem_shared>>
        tpu.wait_indirect_dma semaphore(%arg13 : memref<!tpu.dma_semaphore, #tpu.memory_space<semaphore_mem>>) src(%dma_wait3A_284 : memref<128x64xf32, #tpu.memory_space<vmem>>) dst(%dma_wait3A_290 : memref<10240x64xf32, #tpu.memory_space<vmem_shared>>)
      } else {
      }
      %add3A_273 = arith.constant 3 : i32
      %add3A_274 = arith.addi %scan3A_250, %add3A_273 : i32
      %lt3A = arith.constant 32 : i32
      %lt3A_275 = arith.cmpi slt, %add3A_274, %lt3A : i32
      %convert_element_type3A_276 = arith.extui %lt3A_275 : i1 to i32
      %cond3A_277 = arith.constant 0 : i32
      %cond3A_278 = arith.cmpi ne, %convert_element_type3A_276, %cond3A_277 : i32
      scf.if %cond3A_278 {
        %rem3A_279 = arith.constant 5 : i32
        %rem3A_280 = arith.remsi %add3A_274, %rem3A_279 : i32
        %dma_start3A_281 = arith.constant 0 : i32
        %dma_start3A_282 = arith.constant 0 : i32
        %dma_start3A_283 = tpu.memref_slice %arg9[%rem3A_280, %dma_start3A_281, %dma_start3A_282] : memref<5x128x64xf32, #tpu.memory_space<vmem>> -> memref<1x128x64xf32, #tpu.memory_space<vmem>>
        %dma_start3A_284 = tpu.memref_squeeze %dma_start3A_283 : memref<1x128x64xf32, #tpu.memory_space<vmem>> -> memref<128x64xf32, #tpu.memory_space<vmem>>
        %dma_start3A_285 = arith.constant 0 : i32
        %dma_start3A_286 = tpu.memref_slice %arg7[%add3A_274, %dma_start3A_285] : memref<32x128xi32, #tpu.memory_space<vmem>> -> memref<1x128xi32, #tpu.memory_space<vmem>>
        %dma_start3A_287 = tpu.memref_squeeze %dma_start3A_286 : memref<1x128xi32, #tpu.memory_space<vmem>> -> memref<128xi32, #tpu.memory_space<vmem>>
        %dma_start3A_288 = arith.constant 0 : i32
        %dma_start3A_289 = arith.constant 0 : i32
        %dma_start3A_290 = tpu.memref_slice %arg10[%dma_start3A_288, %dma_start3A_289] : memref<10000x64xf32, #tpu.memory_space<vmem_shared>> -> memref<10000x64xf32, #tpu.memory_space<vmem_shared>>
        tpu.enqueue_indirect_dma source(%dma_start3A_290 : memref<10000x64xf32, #tpu.memory_space<vmem_shared>>) target(%dma_start3A_284 : memref<128x64xf32, #tpu.memory_space<vmem>>) offsets(%dma_start3A_287 : memref<128xi32, #tpu.memory_space<vmem>>) semaphore(%arg12 : memref<!tpu.dma_semaphore, #tpu.memory_space<semaphore_mem>>)
      } else {
      }
    }
    %scan3A_46 = arith.constant 32 : i32
    %scan3A_47 = arith.constant 0 : i32
    %scan3A_48 = arith.constant 0 : i32
    %scan3A_49 = arith.constant 2 : i32
    %scan3A_50 = arith.addi %scan3A_48, %scan3A_49 : i32
    %scan3A_51 = arith.constant 1 : i32
    scf.for %scan3A_250 = %scan3A_48 to %scan3A_50 step %scan3A_51  : i32 {
      %dma_wait3A = arith.constant 0 : i32
      %dma_wait3A_251 = arith.constant 0 : i32
      %dma_wait3A_252 = arith.constant 0 : i32
      %dma_wait3A_253 = arith.constant 0 : i32
      %dma_wait3A_254 = tpu.memref_slice %arg9[%dma_wait3A, %dma_wait3A_252, %dma_wait3A_253] : memref<5x128x64xf32, #tpu.memory_space<vmem>> -> memref<1x128x64xf32, #tpu.memory_space<vmem>>
      %dma_wait3A_255 = tpu.memref_squeeze %dma_wait3A_254 : memref<1x128x64xf32, #tpu.memory_space<vmem>> -> memref<128x64xf32, #tpu.memory_space<vmem>>
      %dma_wait3A_256 = arith.constant 0 : i32
      %dma_wait3A_257 = tpu.memref_slice %arg8[%dma_wait3A_251, %dma_wait3A_256] : memref<32x128xi32, #tpu.memory_space<vmem>> -> memref<1x128xi32, #tpu.memory_space<vmem>>
      %dma_wait3A_258 = tpu.memref_squeeze %dma_wait3A_257 : memref<1x128xi32, #tpu.memory_space<vmem>> -> memref<128xi32, #tpu.memory_space<vmem>>
      %dma_wait3A_259 = arith.constant 0 : i32
      %dma_wait3A_260 = arith.constant 0 : i32
      %dma_wait3A_261 = tpu.memref_slice %arg11[%dma_wait3A_259, %dma_wait3A_260] : memref<10240x64xf32, #tpu.memory_space<vmem_shared>> -> memref<10240x64xf32, #tpu.memory_space<vmem_shared>>
      tpu.wait_indirect_dma semaphore(%arg13 : memref<!tpu.dma_semaphore, #tpu.memory_space<semaphore_mem>>) src(%dma_wait3A_255 : memref<128x64xf32, #tpu.memory_space<vmem>>) dst(%dma_wait3A_261 : memref<10240x64xf32, #tpu.memory_space<vmem_shared>>)
    }
    %scan3A_52 = arith.constant 2 : i32
    "tpu.region"() ({
      %run_scoped3A = tpu.sem_alloc : memref<!tpu.dma_semaphore, #tpu.memory_space<semaphore_mem>>
      %dma_start3A_250 = arith.constant 32 : i32
      %dma_start3A_251 = arith.constant 0 : i32
      %dma_start3A_252 = tpu.memref_slice %arg3[%arg1, %dma_start3A_250, %dma_start3A_251] : memref<16x160x128xi32, #tpu.memory_space<hbm>> -> memref<1x32x128xi32, #tpu.memory_space<hbm>>
      %dma_start3A_253 = tpu.memref_squeeze %dma_start3A_252 : memref<1x32x128xi32, #tpu.memory_space<hbm>> -> memref<32x128xi32, #tpu.memory_space<hbm>>
      %dma_start3A_254 = arith.constant 32 : i32
      %dma_start3A_255 = arith.constant 0 : i32
      %dma_start3A_256 = tpu.memref_slice %arg3[%arg1, %dma_start3A_254, %dma_start3A_255] : memref<16x160x128xi32, #tpu.memory_space<hbm>> -> memref<1x32x128xi32, #tpu.memory_space<hbm>>
      %dma_start3A_257 = tpu.memref_squeeze %dma_start3A_256 : memref<1x32x128xi32, #tpu.memory_space<hbm>> -> memref<32x128xi32, #tpu.memory_space<hbm>>
      tpu.enqueue_dma source(%dma_start3A_257 : memref<32x128xi32, #tpu.memory_space<hbm>>) target(%arg7 : memref<32x128xi32, #tpu.memory_space<vmem>>) target_semaphore(%run_scoped3A : memref<!tpu.dma_semaphore, #tpu.memory_space<semaphore_mem>>)
      %dma_wait3A = arith.constant 32 : i32
      %dma_wait3A_258 = arith.constant 0 : i32
      %dma_wait3A_259 = tpu.memref_slice %arg3[%arg1, %dma_wait3A, %dma_wait3A_258] : memref<16x160x128xi32, #tpu.memory_space<hbm>> -> memref<1x32x128xi32, #tpu.memory_space<hbm>>
      %dma_wait3A_260 = tpu.memref_squeeze %dma_wait3A_259 : memref<1x32x128xi32, #tpu.memory_space<hbm>> -> memref<32x128xi32, #tpu.memory_space<hbm>>
      %dma_wait3A_261 = arith.constant 32 : i32
      %dma_wait3A_262 = arith.constant 0 : i32
      %dma_wait3A_263 = tpu.memref_slice %arg3[%arg1, %dma_wait3A_261, %dma_wait3A_262] : memref<16x160x128xi32, #tpu.memory_space<hbm>> -> memref<1x32x128xi32, #tpu.memory_space<hbm>>
      %dma_wait3A_264 = tpu.memref_squeeze %dma_wait3A_263 : memref<1x32x128xi32, #tpu.memory_space<hbm>> -> memref<32x128xi32, #tpu.memory_space<hbm>>
      tpu.wait_dma2 semaphore(%run_scoped3A : memref<!tpu.dma_semaphore, #tpu.memory_space<semaphore_mem>>) src(%dma_wait3A_264 : memref<32x128xi32, #tpu.memory_space<hbm>>) dst(%arg7 : memref<32x128xi32, #tpu.memory_space<vmem>>)
      tpu.yield
    }) : () -> ()
    "tpu.region"() ({
      %run_scoped3A = tpu.sem_alloc : memref<!tpu.dma_semaphore, #tpu.memory_space<semaphore_mem>>
      %dma_start3A_250 = arith.constant 32 : i32
      %dma_start3A_251 = arith.constant 0 : i32
      %dma_start3A_252 = tpu.memref_slice %arg4[%arg1, %dma_start3A_250, %dma_start3A_251] : memref<16x160x128xi32, #tpu.memory_space<hbm>> -> memref<1x32x128xi32, #tpu.memory_space<hbm>>
      %dma_start3A_253 = tpu.memref_squeeze %dma_start3A_252 : memref<1x32x128xi32, #tpu.memory_space<hbm>> -> memref<32x128xi32, #tpu.memory_space<hbm>>
      %dma_start3A_254 = arith.constant 32 : i32
      %dma_start3A_255 = arith.constant 0 : i32
      %dma_start3A_256 = tpu.memref_slice %arg4[%arg1, %dma_start3A_254, %dma_start3A_255] : memref<16x160x128xi32, #tpu.memory_space<hbm>> -> memref<1x32x128xi32, #tpu.memory_space<hbm>>
      %dma_start3A_257 = tpu.memref_squeeze %dma_start3A_256 : memref<1x32x128xi32, #tpu.memory_space<hbm>> -> memref<32x128xi32, #tpu.memory_space<hbm>>
      tpu.enqueue_dma source(%dma_start3A_257 : memref<32x128xi32, #tpu.memory_space<hbm>>) target(%arg8 : memref<32x128xi32, #tpu.memory_space<vmem>>) target_semaphore(%run_scoped3A : memref<!tpu.dma_semaphore, #tpu.memory_space<semaphore_mem>>)
      %dma_wait3A = arith.constant 32 : i32
      %dma_wait3A_258 = arith.constant 0 : i32
      %dma_wait3A_259 = tpu.memref_slice %arg4[%arg1, %dma_wait3A, %dma_wait3A_258] : memref<16x160x128xi32, #tpu.memory_space<hbm>> -> memref<1x32x128xi32, #tpu.memory_space<hbm>>
      %dma_wait3A_260 = tpu.memref_squeeze %dma_wait3A_259 : memref<1x32x128xi32, #tpu.memory_space<hbm>> -> memref<32x128xi32, #tpu.memory_space<hbm>>
      %dma_wait3A_261 = arith.constant 32 : i32
      %dma_wait3A_262 = arith.constant 0 : i32
      %dma_wait3A_263 = tpu.memref_slice %arg4[%arg1, %dma_wait3A_261, %dma_wait3A_262] : memref<16x160x128xi32, #tpu.memory_space<hbm>> -> memref<1x32x128xi32, #tpu.memory_space<hbm>>
      %dma_wait3A_264 = tpu.memref_squeeze %dma_wait3A_263 : memref<1x32x128xi32, #tpu.memory_space<hbm>> -> memref<32x128xi32, #tpu.memory_space<hbm>>
      tpu.wait_dma2 semaphore(%run_scoped3A : memref<!tpu.dma_semaphore, #tpu.memory_space<semaphore_mem>>) src(%dma_wait3A_264 : memref<32x128xi32, #tpu.memory_space<hbm>>) dst(%arg8 : memref<32x128xi32, #tpu.memory_space<vmem>>)
      tpu.yield
    }) : () -> ()
    %dma_start3A_53 = arith.constant 0 : i32
    %dma_start3A_54 = arith.constant 0 : i32
    %dma_start3A_55 = arith.constant 0 : i32
    %dma_start3A_56 = arith.constant 0 : i32
    %dma_start3A_57 = tpu.memref_slice %arg9[%dma_start3A_54, %dma_start3A_55, %dma_start3A_56] : memref<5x128x64xf32, #tpu.memory_space<vmem>> -> memref<1x128x64xf32, #tpu.memory_space<vmem>>
    %dma_start3A_58 = tpu.memref_squeeze %dma_start3A_57 : memref<1x128x64xf32, #tpu.memory_space<vmem>> -> memref<128x64xf32, #tpu.memory_space<vmem>>
    %dma_start3A_59 = arith.constant 0 : i32
    %dma_start3A_60 = tpu.memref_slice %arg7[%dma_start3A_53, %dma_start3A_59] : memref<32x128xi32, #tpu.memory_space<vmem>> -> memref<1x128xi32, #tpu.memory_space<vmem>>
    %dma_start3A_61 = tpu.memref_squeeze %dma_start3A_60 : memref<1x128xi32, #tpu.memory_space<vmem>> -> memref<128xi32, #tpu.memory_space<vmem>>
    %dma_start3A_62 = arith.constant 0 : i32
    %dma_start3A_63 = arith.constant 0 : i32
    %dma_start3A_64 = tpu.memref_slice %arg10[%dma_start3A_62, %dma_start3A_63] : memref<10000x64xf32, #tpu.memory_space<vmem_shared>> -> memref<10000x64xf32, #tpu.memory_space<vmem_shared>>
    tpu.enqueue_indirect_dma source(%dma_start3A_64 : memref<10000x64xf32, #tpu.memory_space<vmem_shared>>) target(%dma_start3A_58 : memref<128x64xf32, #tpu.memory_space<vmem>>) offsets(%dma_start3A_61 : memref<128xi32, #tpu.memory_space<vmem>>) semaphore(%arg12 : memref<!tpu.dma_semaphore, #tpu.memory_space<semaphore_mem>>)
    %dma_start3A_65 = arith.constant 1 : i32
    %dma_start3A_66 = arith.constant 1 : i32
    %dma_start3A_67 = arith.constant 0 : i32
    %dma_start3A_68 = arith.constant 0 : i32
    %dma_start3A_69 = tpu.memref_slice %arg9[%dma_start3A_66, %dma_start3A_67, %dma_start3A_68] : memref<5x128x64xf32, #tpu.memory_space<vmem>> -> memref<1x128x64xf32, #tpu.memory_space<vmem>>
    %dma_start3A_70 = tpu.memref_squeeze %dma_start3A_69 : memref<1x128x64xf32, #tpu.memory_space<vmem>> -> memref<128x64xf32, #tpu.memory_space<vmem>>
    %dma_start3A_71 = arith.constant 0 : i32
    %dma_start3A_72 = tpu.memref_slice %arg7[%dma_start3A_65, %dma_start3A_71] : memref<32x128xi32, #tpu.memory_space<vmem>> -> memref<1x128xi32, #tpu.memory_space<vmem>>
    %dma_start3A_73 = tpu.memref_squeeze %dma_start3A_72 : memref<1x128xi32, #tpu.memory_space<vmem>> -> memref<128xi32, #tpu.memory_space<vmem>>
    %dma_start3A_74 = arith.constant 0 : i32
    %dma_start3A_75 = arith.constant 0 : i32
    %dma_start3A_76 = tpu.memref_slice %arg10[%dma_start3A_74, %dma_start3A_75] : memref<10000x64xf32, #tpu.memory_space<vmem_shared>> -> memref<10000x64xf32, #tpu.memory_space<vmem_shared>>
    tpu.enqueue_indirect_dma source(%dma_start3A_76 : memref<10000x64xf32, #tpu.memory_space<vmem_shared>>) target(%dma_start3A_70 : memref<128x64xf32, #tpu.memory_space<vmem>>) offsets(%dma_start3A_73 : memref<128xi32, #tpu.memory_space<vmem>>) semaphore(%arg12 : memref<!tpu.dma_semaphore, #tpu.memory_space<semaphore_mem>>)
    %dma_start3A_77 = arith.constant 2 : i32
    %dma_start3A_78 = arith.constant 2 : i32
    %dma_start3A_79 = arith.constant 0 : i32
    %dma_start3A_80 = arith.constant 0 : i32
    %dma_start3A_81 = tpu.memref_slice %arg9[%dma_start3A_78, %dma_start3A_79, %dma_start3A_80] : memref<5x128x64xf32, #tpu.memory_space<vmem>> -> memref<1x128x64xf32, #tpu.memory_space<vmem>>
    %dma_start3A_82 = tpu.memref_squeeze %dma_start3A_81 : memref<1x128x64xf32, #tpu.memory_space<vmem>> -> memref<128x64xf32, #tpu.memory_space<vmem>>
    %dma_start3A_83 = arith.constant 0 : i32
    %dma_start3A_84 = tpu.memref_slice %arg7[%dma_start3A_77, %dma_start3A_83] : memref<32x128xi32, #tpu.memory_space<vmem>> -> memref<1x128xi32, #tpu.memory_space<vmem>>
    %dma_start3A_85 = tpu.memref_squeeze %dma_start3A_84 : memref<1x128xi32, #tpu.memory_space<vmem>> -> memref<128xi32, #tpu.memory_space<vmem>>
    %dma_start3A_86 = arith.constant 0 : i32
    %dma_start3A_87 = arith.constant 0 : i32
    %dma_start3A_88 = tpu.memref_slice %arg10[%dma_start3A_86, %dma_start3A_87] : memref<10000x64xf32, #tpu.memory_space<vmem_shared>> -> memref<10000x64xf32, #tpu.memory_space<vmem_shared>>
    tpu.enqueue_indirect_dma source(%dma_start3A_88 : memref<10000x64xf32, #tpu.memory_space<vmem_shared>>) target(%dma_start3A_82 : memref<128x64xf32, #tpu.memory_space<vmem>>) offsets(%dma_start3A_85 : memref<128xi32, #tpu.memory_space<vmem>>) semaphore(%arg12 : memref<!tpu.dma_semaphore, #tpu.memory_space<semaphore_mem>>)
    %scan3A_89 = arith.constant 0 : i32
    %scan3A_90 = arith.constant 0 : i32
    %scan3A_91 = arith.constant 32 : i32
    %scan3A_92 = arith.addi %scan3A_90, %scan3A_91 : i32
    %scan3A_93 = arith.constant 1 : i32
    scf.for %scan3A_250 = %scan3A_90 to %scan3A_92 step %scan3A_93  : i32 {
      %rem3A = arith.constant 5 : i32
      %rem3A_251 = arith.remsi %scan3A_250, %rem3A : i32
      %dma_wait3A = arith.constant 0 : i32
      %dma_wait3A_252 = arith.constant 0 : i32
      %dma_wait3A_253 = tpu.memref_slice %arg9[%rem3A_251, %dma_wait3A, %dma_wait3A_252] : memref<5x128x64xf32, #tpu.memory_space<vmem>> -> memref<1x128x64xf32, #tpu.memory_space<vmem>>
      %dma_wait3A_254 = tpu.memref_squeeze %dma_wait3A_253 : memref<1x128x64xf32, #tpu.memory_space<vmem>> -> memref<128x64xf32, #tpu.memory_space<vmem>>
      %dma_wait3A_255 = arith.constant 0 : i32
      %dma_wait3A_256 = tpu.memref_slice %arg7[%scan3A_250, %dma_wait3A_255] : memref<32x128xi32, #tpu.memory_space<vmem>> -> memref<1x128xi32, #tpu.memory_space<vmem>>
      %dma_wait3A_257 = tpu.memref_squeeze %dma_wait3A_256 : memref<1x128xi32, #tpu.memory_space<vmem>> -> memref<128xi32, #tpu.memory_space<vmem>>
      %dma_wait3A_258 = arith.constant 0 : i32
      %dma_wait3A_259 = arith.constant 0 : i32
      %dma_wait3A_260 = tpu.memref_slice %arg10[%dma_wait3A_258, %dma_wait3A_259] : memref<10000x64xf32, #tpu.memory_space<vmem_shared>> -> memref<10000x64xf32, #tpu.memory_space<vmem_shared>>
      tpu.wait_indirect_dma semaphore(%arg12 : memref<!tpu.dma_semaphore, #tpu.memory_space<semaphore_mem>>) src(%dma_wait3A_260 : memref<10000x64xf32, #tpu.memory_space<vmem_shared>>) dst(%dma_wait3A_254 : memref<128x64xf32, #tpu.memory_space<vmem>>)
      %dma_start3A_261 = arith.constant 0 : i32
      %dma_start3A_262 = arith.constant 0 : i32
      %dma_start3A_263 = tpu.memref_slice %arg9[%rem3A_251, %dma_start3A_261, %dma_start3A_262] : memref<5x128x64xf32, #tpu.memory_space<vmem>> -> memref<1x128x64xf32, #tpu.memory_space<vmem>>
      %dma_start3A_264 = tpu.memref_squeeze %dma_start3A_263 : memref<1x128x64xf32, #tpu.memory_space<vmem>> -> memref<128x64xf32, #tpu.memory_space<vmem>>
      %dma_start3A_265 = arith.constant 0 : i32
      %dma_start3A_266 = tpu.memref_slice %arg8[%scan3A_250, %dma_start3A_265] : memref<32x128xi32, #tpu.memory_space<vmem>> -> memref<1x128xi32, #tpu.memory_space<vmem>>
      %dma_start3A_267 = tpu.memref_squeeze %dma_start3A_266 : memref<1x128xi32, #tpu.memory_space<vmem>> -> memref<128xi32, #tpu.memory_space<vmem>>
      %dma_start3A_268 = arith.constant 0 : i32
      %dma_start3A_269 = arith.constant 0 : i32
      %dma_start3A_270 = tpu.memref_slice %arg11[%dma_start3A_268, %dma_start3A_269] : memref<10240x64xf32, #tpu.memory_space<vmem_shared>> -> memref<10240x64xf32, #tpu.memory_space<vmem_shared>>
      tpu.enqueue_indirect_dma source(%dma_start3A_264 : memref<128x64xf32, #tpu.memory_space<vmem>>) target(%dma_start3A_270 : memref<10240x64xf32, #tpu.memory_space<vmem_shared>>) offsets(%dma_start3A_267 : memref<128xi32, #tpu.memory_space<vmem>>) semaphore(%arg13 : memref<!tpu.dma_semaphore, #tpu.memory_space<semaphore_mem>>) {add = true}
      %ge3A = arith.constant 2 : i32
      %ge3A_271 = arith.cmpi sge, %scan3A_250, %ge3A : i32
      %convert_element_type3A = arith.extui %ge3A_271 : i1 to i32
      %cond3A = arith.constant 0 : i32
      %cond3A_272 = arith.cmpi ne, %convert_element_type3A, %cond3A : i32
      scf.if %cond3A_272 {
        %dma_wait3A_279 = arith.constant 0 : i32
        %dma_wait3A_280 = arith.constant 0 : i32
        %dma_wait3A_281 = arith.constant 0 : i32
        %dma_wait3A_282 = arith.constant 0 : i32
        %dma_wait3A_283 = tpu.memref_slice %arg9[%dma_wait3A_279, %dma_wait3A_281, %dma_wait3A_282] : memref<5x128x64xf32, #tpu.memory_space<vmem>> -> memref<1x128x64xf32, #tpu.memory_space<vmem>>
        %dma_wait3A_284 = tpu.memref_squeeze %dma_wait3A_283 : memref<1x128x64xf32, #tpu.memory_space<vmem>> -> memref<128x64xf32, #tpu.memory_space<vmem>>
        %dma_wait3A_285 = arith.constant 0 : i32
        %dma_wait3A_286 = tpu.memref_slice %arg8[%dma_wait3A_280, %dma_wait3A_285] : memref<32x128xi32, #tpu.memory_space<vmem>> -> memref<1x128xi32, #tpu.memory_space<vmem>>
        %dma_wait3A_287 = tpu.memref_squeeze %dma_wait3A_286 : memref<1x128xi32, #tpu.memory_space<vmem>> -> memref<128xi32, #tpu.memory_space<vmem>>
        %dma_wait3A_288 = arith.constant 0 : i32
        %dma_wait3A_289 = arith.constant 0 : i32
        %dma_wait3A_290 = tpu.memref_slice %arg11[%dma_wait3A_288, %dma_wait3A_289] : memref<10240x64xf32, #tpu.memory_space<vmem_shared>> -> memref<10240x64xf32, #tpu.memory_space<vmem_shared>>
        tpu.wait_indirect_dma semaphore(%arg13 : memref<!tpu.dma_semaphore, #tpu.memory_space<semaphore_mem>>) src(%dma_wait3A_284 : memref<128x64xf32, #tpu.memory_space<vmem>>) dst(%dma_wait3A_290 : memref<10240x64xf32, #tpu.memory_space<vmem_shared>>)
      } else {
      }
      %add3A_273 = arith.constant 3 : i32
      %add3A_274 = arith.addi %scan3A_250, %add3A_273 : i32
      %lt3A = arith.constant 32 : i32
      %lt3A_275 = arith.cmpi slt, %add3A_274, %lt3A : i32
      %convert_element_type3A_276 = arith.extui %lt3A_275 : i1 to i32
      %cond3A_277 = arith.constant 0 : i32
      %cond3A_278 = arith.cmpi ne, %convert_element_type3A_276, %cond3A_277 : i32
      scf.if %cond3A_278 {
        %rem3A_279 = arith.constant 5 : i32
        %rem3A_280 = arith.remsi %add3A_274, %rem3A_279 : i32
        %dma_start3A_281 = arith.constant 0 : i32
        %dma_start3A_282 = arith.constant 0 : i32
        %dma_start3A_283 = tpu.memref_slice %arg9[%rem3A_280, %dma_start3A_281, %dma_start3A_282] : memref<5x128x64xf32, #tpu.memory_space<vmem>> -> memref<1x128x64xf32, #tpu.memory_space<vmem>>
        %dma_start3A_284 = tpu.memref_squeeze %dma_start3A_283 : memref<1x128x64xf32, #tpu.memory_space<vmem>> -> memref<128x64xf32, #tpu.memory_space<vmem>>
        %dma_start3A_285 = arith.constant 0 : i32
        %dma_start3A_286 = tpu.memref_slice %arg7[%add3A_274, %dma_start3A_285] : memref<32x128xi32, #tpu.memory_space<vmem>> -> memref<1x128xi32, #tpu.memory_space<vmem>>
        %dma_start3A_287 = tpu.memref_squeeze %dma_start3A_286 : memref<1x128xi32, #tpu.memory_space<vmem>> -> memref<128xi32, #tpu.memory_space<vmem>>
        %dma_start3A_288 = arith.constant 0 : i32
        %dma_start3A_289 = arith.constant 0 : i32
        %dma_start3A_290 = tpu.memref_slice %arg10[%dma_start3A_288, %dma_start3A_289] : memref<10000x64xf32, #tpu.memory_space<vmem_shared>> -> memref<10000x64xf32, #tpu.memory_space<vmem_shared>>
        tpu.enqueue_indirect_dma source(%dma_start3A_290 : memref<10000x64xf32, #tpu.memory_space<vmem_shared>>) target(%dma_start3A_284 : memref<128x64xf32, #tpu.memory_space<vmem>>) offsets(%dma_start3A_287 : memref<128xi32, #tpu.memory_space<vmem>>) semaphore(%arg12 : memref<!tpu.dma_semaphore, #tpu.memory_space<semaphore_mem>>)
      } else {
      }
    }
    %scan3A_94 = arith.constant 32 : i32
    %scan3A_95 = arith.constant 0 : i32
    %scan3A_96 = arith.constant 0 : i32
    %scan3A_97 = arith.constant 2 : i32
    %scan3A_98 = arith.addi %scan3A_96, %scan3A_97 : i32
    %scan3A_99 = arith.constant 1 : i32
    scf.for %scan3A_250 = %scan3A_96 to %scan3A_98 step %scan3A_99  : i32 {
      %dma_wait3A = arith.constant 0 : i32
      %dma_wait3A_251 = arith.constant 0 : i32
      %dma_wait3A_252 = arith.constant 0 : i32
      %dma_wait3A_253 = arith.constant 0 : i32
      %dma_wait3A_254 = tpu.memref_slice %arg9[%dma_wait3A, %dma_wait3A_252, %dma_wait3A_253] : memref<5x128x64xf32, #tpu.memory_space<vmem>> -> memref<1x128x64xf32, #tpu.memory_space<vmem>>
      %dma_wait3A_255 = tpu.memref_squeeze %dma_wait3A_254 : memref<1x128x64xf32, #tpu.memory_space<vmem>> -> memref<128x64xf32, #tpu.memory_space<vmem>>
      %dma_wait3A_256 = arith.constant 0 : i32
      %dma_wait3A_257 = tpu.memref_slice %arg8[%dma_wait3A_251, %dma_wait3A_256] : memref<32x128xi32, #tpu.memory_space<vmem>> -> memref<1x128xi32, #tpu.memory_space<vmem>>
      %dma_wait3A_258 = tpu.memref_squeeze %dma_wait3A_257 : memref<1x128xi32, #tpu.memory_space<vmem>> -> memref<128xi32, #tpu.memory_space<vmem>>
      %dma_wait3A_259 = arith.constant 0 : i32
      %dma_wait3A_260 = arith.constant 0 : i32
      %dma_wait3A_261 = tpu.memref_slice %arg11[%dma_wait3A_259, %dma_wait3A_260] : memref<10240x64xf32, #tpu.memory_space<vmem_shared>> -> memref<10240x64xf32, #tpu.memory_space<vmem_shared>>
      tpu.wait_indirect_dma semaphore(%arg13 : memref<!tpu.dma_semaphore, #tpu.memory_space<semaphore_mem>>) src(%dma_wait3A_255 : memref<128x64xf32, #tpu.memory_space<vmem>>) dst(%dma_wait3A_261 : memref<10240x64xf32, #tpu.memory_space<vmem_shared>>)
    }
    %scan3A_100 = arith.constant 2 : i32
    "tpu.region"() ({
      %run_scoped3A = tpu.sem_alloc : memref<!tpu.dma_semaphore, #tpu.memory_space<semaphore_mem>>
      %dma_start3A_250 = arith.constant 64 : i32
      %dma_start3A_251 = arith.constant 0 : i32
      %dma_start3A_252 = tpu.memref_slice %arg3[%arg1, %dma_start3A_250, %dma_start3A_251] : memref<16x160x128xi32, #tpu.memory_space<hbm>> -> memref<1x32x128xi32, #tpu.memory_space<hbm>>
      %dma_start3A_253 = tpu.memref_squeeze %dma_start3A_252 : memref<1x32x128xi32, #tpu.memory_space<hbm>> -> memref<32x128xi32, #tpu.memory_space<hbm>>
      %dma_start3A_254 = arith.constant 64 : i32
      %dma_start3A_255 = arith.constant 0 : i32
      %dma_start3A_256 = tpu.memref_slice %arg3[%arg1, %dma_start3A_254, %dma_start3A_255] : memref<16x160x128xi32, #tpu.memory_space<hbm>> -> memref<1x32x128xi32, #tpu.memory_space<hbm>>
      %dma_start3A_257 = tpu.memref_squeeze %dma_start3A_256 : memref<1x32x128xi32, #tpu.memory_space<hbm>> -> memref<32x128xi32, #tpu.memory_space<hbm>>
      tpu.enqueue_dma source(%dma_start3A_257 : memref<32x128xi32, #tpu.memory_space<hbm>>) target(%arg7 : memref<32x128xi32, #tpu.memory_space<vmem>>) target_semaphore(%run_scoped3A : memref<!tpu.dma_semaphore, #tpu.memory_space<semaphore_mem>>)
      %dma_wait3A = arith.constant 64 : i32
      %dma_wait3A_258 = arith.constant 0 : i32
      %dma_wait3A_259 = tpu.memref_slice %arg3[%arg1, %dma_wait3A, %dma_wait3A_258] : memref<16x160x128xi32, #tpu.memory_space<hbm>> -> memref<1x32x128xi32, #tpu.memory_space<hbm>>
      %dma_wait3A_260 = tpu.memref_squeeze %dma_wait3A_259 : memref<1x32x128xi32, #tpu.memory_space<hbm>> -> memref<32x128xi32, #tpu.memory_space<hbm>>
      %dma_wait3A_261 = arith.constant 64 : i32
      %dma_wait3A_262 = arith.constant 0 : i32
      %dma_wait3A_263 = tpu.memref_slice %arg3[%arg1, %dma_wait3A_261, %dma_wait3A_262] : memref<16x160x128xi32, #tpu.memory_space<hbm>> -> memref<1x32x128xi32, #tpu.memory_space<hbm>>
      %dma_wait3A_264 = tpu.memref_squeeze %dma_wait3A_263 : memref<1x32x128xi32, #tpu.memory_space<hbm>> -> memref<32x128xi32, #tpu.memory_space<hbm>>
      tpu.wait_dma2 semaphore(%run_scoped3A : memref<!tpu.dma_semaphore, #tpu.memory_space<semaphore_mem>>) src(%dma_wait3A_264 : memref<32x128xi32, #tpu.memory_space<hbm>>) dst(%arg7 : memref<32x128xi32, #tpu.memory_space<vmem>>)
      tpu.yield
    }) : () -> ()
    "tpu.region"() ({
      %run_scoped3A = tpu.sem_alloc : memref<!tpu.dma_semaphore, #tpu.memory_space<semaphore_mem>>
      %dma_start3A_250 = arith.constant 64 : i32
      %dma_start3A_251 = arith.constant 0 : i32
      %dma_start3A_252 = tpu.memref_slice %arg4[%arg1, %dma_start3A_250, %dma_start3A_251] : memref<16x160x128xi32, #tpu.memory_space<hbm>> -> memref<1x32x128xi32, #tpu.memory_space<hbm>>
      %dma_start3A_253 = tpu.memref_squeeze %dma_start3A_252 : memref<1x32x128xi32, #tpu.memory_space<hbm>> -> memref<32x128xi32, #tpu.memory_space<hbm>>
      %dma_start3A_254 = arith.constant 64 : i32
      %dma_start3A_255 = arith.constant 0 : i32
      %dma_start3A_256 = tpu.memref_slice %arg4[%arg1, %dma_start3A_254, %dma_start3A_255] : memref<16x160x128xi32, #tpu.memory_space<hbm>> -> memref<1x32x128xi32, #tpu.memory_space<hbm>>
      %dma_start3A_257 = tpu.memref_squeeze %dma_start3A_256 : memref<1x32x128xi32, #tpu.memory_space<hbm>> -> memref<32x128xi32, #tpu.memory_space<hbm>>
      tpu.enqueue_dma source(%dma_start3A_257 : memref<32x128xi32, #tpu.memory_space<hbm>>) target(%arg8 : memref<32x128xi32, #tpu.memory_space<vmem>>) target_semaphore(%run_scoped3A : memref<!tpu.dma_semaphore, #tpu.memory_space<semaphore_mem>>)
      %dma_wait3A = arith.constant 64 : i32
      %dma_wait3A_258 = arith.constant 0 : i32
      %dma_wait3A_259 = tpu.memref_slice %arg4[%arg1, %dma_wait3A, %dma_wait3A_258] : memref<16x160x128xi32, #tpu.memory_space<hbm>> -> memref<1x32x128xi32, #tpu.memory_space<hbm>>
      %dma_wait3A_260 = tpu.memref_squeeze %dma_wait3A_259 : memref<1x32x128xi32, #tpu.memory_space<hbm>> -> memref<32x128xi32, #tpu.memory_space<hbm>>
      %dma_wait3A_261 = arith.constant 64 : i32
      %dma_wait3A_262 = arith.constant 0 : i32
      %dma_wait3A_263 = tpu.memref_slice %arg4[%arg1, %dma_wait3A_261, %dma_wait3A_262] : memref<16x160x128xi32, #tpu.memory_space<hbm>> -> memref<1x32x128xi32, #tpu.memory_space<hbm>>
      %dma_wait3A_264 = tpu.memref_squeeze %dma_wait3A_263 : memref<1x32x128xi32, #tpu.memory_space<hbm>> -> memref<32x128xi32, #tpu.memory_space<hbm>>
      tpu.wait_dma2 semaphore(%run_scoped3A : memref<!tpu.dma_semaphore, #tpu.memory_space<semaphore_mem>>) src(%dma_wait3A_264 : memref<32x128xi32, #tpu.memory_space<hbm>>) dst(%arg8 : memref<32x128xi32, #tpu.memory_space<vmem>>)
      tpu.yield
    }) : () -> ()
    %dma_start3A_101 = arith.constant 0 : i32
    %dma_start3A_102 = arith.constant 0 : i32
    %dma_start3A_103 = arith.constant 0 : i32
    %dma_start3A_104 = arith.constant 0 : i32
    %dma_start3A_105 = tpu.memref_slice %arg9[%dma_start3A_102, %dma_start3A_103, %dma_start3A_104] : memref<5x128x64xf32, #tpu.memory_space<vmem>> -> memref<1x128x64xf32, #tpu.memory_space<vmem>>
    %dma_start3A_106 = tpu.memref_squeeze %dma_start3A_105 : memref<1x128x64xf32, #tpu.memory_space<vmem>> -> memref<128x64xf32, #tpu.memory_space<vmem>>
    %dma_start3A_107 = arith.constant 0 : i32
    %dma_start3A_108 = tpu.memref_slice %arg7[%dma_start3A_101, %dma_start3A_107] : memref<32x128xi32, #tpu.memory_space<vmem>> -> memref<1x128xi32, #tpu.memory_space<vmem>>
    %dma_start3A_109 = tpu.memref_squeeze %dma_start3A_108 : memref<1x128xi32, #tpu.memory_space<vmem>> -> memref<128xi32, #tpu.memory_space<vmem>>
    %dma_start3A_110 = arith.constant 0 : i32
    %dma_start3A_111 = arith.constant 0 : i32
    %dma_start3A_112 = tpu.memref_slice %arg10[%dma_start3A_110, %dma_start3A_111] : memref<10000x64xf32, #tpu.memory_space<vmem_shared>> -> memref<10000x64xf32, #tpu.memory_space<vmem_shared>>
    tpu.enqueue_indirect_dma source(%dma_start3A_112 : memref<10000x64xf32, #tpu.memory_space<vmem_shared>>) target(%dma_start3A_106 : memref<128x64xf32, #tpu.memory_space<vmem>>) offsets(%dma_start3A_109 : memref<128xi32, #tpu.memory_space<vmem>>) semaphore(%arg12 : memref<!tpu.dma_semaphore, #tpu.memory_space<semaphore_mem>>)
    %dma_start3A_113 = arith.constant 1 : i32
    %dma_start3A_114 = arith.constant 1 : i32
    %dma_start3A_115 = arith.constant 0 : i32
    %dma_start3A_116 = arith.constant 0 : i32
    %dma_start3A_117 = tpu.memref_slice %arg9[%dma_start3A_114, %dma_start3A_115, %dma_start3A_116] : memref<5x128x64xf32, #tpu.memory_space<vmem>> -> memref<1x128x64xf32, #tpu.memory_space<vmem>>
    %dma_start3A_118 = tpu.memref_squeeze %dma_start3A_117 : memref<1x128x64xf32, #tpu.memory_space<vmem>> -> memref<128x64xf32, #tpu.memory_space<vmem>>
    %dma_start3A_119 = arith.constant 0 : i32
    %dma_start3A_120 = tpu.memref_slice %arg7[%dma_start3A_113, %dma_start3A_119] : memref<32x128xi32, #tpu.memory_space<vmem>> -> memref<1x128xi32, #tpu.memory_space<vmem>>
    %dma_start3A_121 = tpu.memref_squeeze %dma_start3A_120 : memref<1x128xi32, #tpu.memory_space<vmem>> -> memref<128xi32, #tpu.memory_space<vmem>>
    %dma_start3A_122 = arith.constant 0 : i32
    %dma_start3A_123 = arith.constant 0 : i32
    %dma_start3A_124 = tpu.memref_slice %arg10[%dma_start3A_122, %dma_start3A_123] : memref<10000x64xf32, #tpu.memory_space<vmem_shared>> -> memref<10000x64xf32, #tpu.memory_space<vmem_shared>>
    tpu.enqueue_indirect_dma source(%dma_start3A_124 : memref<10000x64xf32, #tpu.memory_space<vmem_shared>>) target(%dma_start3A_118 : memref<128x64xf32, #tpu.memory_space<vmem>>) offsets(%dma_start3A_121 : memref<128xi32, #tpu.memory_space<vmem>>) semaphore(%arg12 : memref<!tpu.dma_semaphore, #tpu.memory_space<semaphore_mem>>)
    %dma_start3A_125 = arith.constant 2 : i32
    %dma_start3A_126 = arith.constant 2 : i32
    %dma_start3A_127 = arith.constant 0 : i32
    %dma_start3A_128 = arith.constant 0 : i32
    %dma_start3A_129 = tpu.memref_slice %arg9[%dma_start3A_126, %dma_start3A_127, %dma_start3A_128] : memref<5x128x64xf32, #tpu.memory_space<vmem>> -> memref<1x128x64xf32, #tpu.memory_space<vmem>>
    %dma_start3A_130 = tpu.memref_squeeze %dma_start3A_129 : memref<1x128x64xf32, #tpu.memory_space<vmem>> -> memref<128x64xf32, #tpu.memory_space<vmem>>
    %dma_start3A_131 = arith.constant 0 : i32
    %dma_start3A_132 = tpu.memref_slice %arg7[%dma_start3A_125, %dma_start3A_131] : memref<32x128xi32, #tpu.memory_space<vmem>> -> memref<1x128xi32, #tpu.memory_space<vmem>>
    %dma_start3A_133 = tpu.memref_squeeze %dma_start3A_132 : memref<1x128xi32, #tpu.memory_space<vmem>> -> memref<128xi32, #tpu.memory_space<vmem>>
    %dma_start3A_134 = arith.constant 0 : i32
    %dma_start3A_135 = arith.constant 0 : i32
    %dma_start3A_136 = tpu.memref_slice %arg10[%dma_start3A_134, %dma_start3A_135] : memref<10000x64xf32, #tpu.memory_space<vmem_shared>> -> memref<10000x64xf32, #tpu.memory_space<vmem_shared>>
    tpu.enqueue_indirect_dma source(%dma_start3A_136 : memref<10000x64xf32, #tpu.memory_space<vmem_shared>>) target(%dma_start3A_130 : memref<128x64xf32, #tpu.memory_space<vmem>>) offsets(%dma_start3A_133 : memref<128xi32, #tpu.memory_space<vmem>>) semaphore(%arg12 : memref<!tpu.dma_semaphore, #tpu.memory_space<semaphore_mem>>)
    %scan3A_137 = arith.constant 0 : i32
    %scan3A_138 = arith.constant 0 : i32
    %scan3A_139 = arith.constant 32 : i32
    %scan3A_140 = arith.addi %scan3A_138, %scan3A_139 : i32
    %scan3A_141 = arith.constant 1 : i32
    scf.for %scan3A_250 = %scan3A_138 to %scan3A_140 step %scan3A_141  : i32 {
      %rem3A = arith.constant 5 : i32
      %rem3A_251 = arith.remsi %scan3A_250, %rem3A : i32
      %dma_wait3A = arith.constant 0 : i32
      %dma_wait3A_252 = arith.constant 0 : i32
      %dma_wait3A_253 = tpu.memref_slice %arg9[%rem3A_251, %dma_wait3A, %dma_wait3A_252] : memref<5x128x64xf32, #tpu.memory_space<vmem>> -> memref<1x128x64xf32, #tpu.memory_space<vmem>>
      %dma_wait3A_254 = tpu.memref_squeeze %dma_wait3A_253 : memref<1x128x64xf32, #tpu.memory_space<vmem>> -> memref<128x64xf32, #tpu.memory_space<vmem>>
      %dma_wait3A_255 = arith.constant 0 : i32
      %dma_wait3A_256 = tpu.memref_slice %arg7[%scan3A_250, %dma_wait3A_255] : memref<32x128xi32, #tpu.memory_space<vmem>> -> memref<1x128xi32, #tpu.memory_space<vmem>>
      %dma_wait3A_257 = tpu.memref_squeeze %dma_wait3A_256 : memref<1x128xi32, #tpu.memory_space<vmem>> -> memref<128xi32, #tpu.memory_space<vmem>>
      %dma_wait3A_258 = arith.constant 0 : i32
      %dma_wait3A_259 = arith.constant 0 : i32
      %dma_wait3A_260 = tpu.memref_slice %arg10[%dma_wait3A_258, %dma_wait3A_259] : memref<10000x64xf32, #tpu.memory_space<vmem_shared>> -> memref<10000x64xf32, #tpu.memory_space<vmem_shared>>
      tpu.wait_indirect_dma semaphore(%arg12 : memref<!tpu.dma_semaphore, #tpu.memory_space<semaphore_mem>>) src(%dma_wait3A_260 : memref<10000x64xf32, #tpu.memory_space<vmem_shared>>) dst(%dma_wait3A_254 : memref<128x64xf32, #tpu.memory_space<vmem>>)
      %dma_start3A_261 = arith.constant 0 : i32
      %dma_start3A_262 = arith.constant 0 : i32
      %dma_start3A_263 = tpu.memref_slice %arg9[%rem3A_251, %dma_start3A_261, %dma_start3A_262] : memref<5x128x64xf32, #tpu.memory_space<vmem>> -> memref<1x128x64xf32, #tpu.memory_space<vmem>>
      %dma_start3A_264 = tpu.memref_squeeze %dma_start3A_263 : memref<1x128x64xf32, #tpu.memory_space<vmem>> -> memref<128x64xf32, #tpu.memory_space<vmem>>
      %dma_start3A_265 = arith.constant 0 : i32
      %dma_start3A_266 = tpu.memref_slice %arg8[%scan3A_250, %dma_start3A_265] : memref<32x128xi32, #tpu.memory_space<vmem>> -> memref<1x128xi32, #tpu.memory_space<vmem>>
      %dma_start3A_267 = tpu.memref_squeeze %dma_start3A_266 : memref<1x128xi32, #tpu.memory_space<vmem>> -> memref<128xi32, #tpu.memory_space<vmem>>
      %dma_start3A_268 = arith.constant 0 : i32
      %dma_start3A_269 = arith.constant 0 : i32
      %dma_start3A_270 = tpu.memref_slice %arg11[%dma_start3A_268, %dma_start3A_269] : memref<10240x64xf32, #tpu.memory_space<vmem_shared>> -> memref<10240x64xf32, #tpu.memory_space<vmem_shared>>
      tpu.enqueue_indirect_dma source(%dma_start3A_264 : memref<128x64xf32, #tpu.memory_space<vmem>>) target(%dma_start3A_270 : memref<10240x64xf32, #tpu.memory_space<vmem_shared>>) offsets(%dma_start3A_267 : memref<128xi32, #tpu.memory_space<vmem>>) semaphore(%arg13 : memref<!tpu.dma_semaphore, #tpu.memory_space<semaphore_mem>>) {add = true}
      %ge3A = arith.constant 2 : i32
      %ge3A_271 = arith.cmpi sge, %scan3A_250, %ge3A : i32
      %convert_element_type3A = arith.extui %ge3A_271 : i1 to i32
      %cond3A = arith.constant 0 : i32
      %cond3A_272 = arith.cmpi ne, %convert_element_type3A, %cond3A : i32
      scf.if %cond3A_272 {
        %dma_wait3A_279 = arith.constant 0 : i32
        %dma_wait3A_280 = arith.constant 0 : i32
        %dma_wait3A_281 = arith.constant 0 : i32
        %dma_wait3A_282 = arith.constant 0 : i32
        %dma_wait3A_283 = tpu.memref_slice %arg9[%dma_wait3A_279, %dma_wait3A_281, %dma_wait3A_282] : memref<5x128x64xf32, #tpu.memory_space<vmem>> -> memref<1x128x64xf32, #tpu.memory_space<vmem>>
        %dma_wait3A_284 = tpu.memref_squeeze %dma_wait3A_283 : memref<1x128x64xf32, #tpu.memory_space<vmem>> -> memref<128x64xf32, #tpu.memory_space<vmem>>
        %dma_wait3A_285 = arith.constant 0 : i32
        %dma_wait3A_286 = tpu.memref_slice %arg8[%dma_wait3A_280, %dma_wait3A_285] : memref<32x128xi32, #tpu.memory_space<vmem>> -> memref<1x128xi32, #tpu.memory_space<vmem>>
        %dma_wait3A_287 = tpu.memref_squeeze %dma_wait3A_286 : memref<1x128xi32, #tpu.memory_space<vmem>> -> memref<128xi32, #tpu.memory_space<vmem>>
        %dma_wait3A_288 = arith.constant 0 : i32
        %dma_wait3A_289 = arith.constant 0 : i32
        %dma_wait3A_290 = tpu.memref_slice %arg11[%dma_wait3A_288, %dma_wait3A_289] : memref<10240x64xf32, #tpu.memory_space<vmem_shared>> -> memref<10240x64xf32, #tpu.memory_space<vmem_shared>>
        tpu.wait_indirect_dma semaphore(%arg13 : memref<!tpu.dma_semaphore, #tpu.memory_space<semaphore_mem>>) src(%dma_wait3A_284 : memref<128x64xf32, #tpu.memory_space<vmem>>) dst(%dma_wait3A_290 : memref<10240x64xf32, #tpu.memory_space<vmem_shared>>)
      } else {
      }
      %add3A_273 = arith.constant 3 : i32
      %add3A_274 = arith.addi %scan3A_250, %add3A_273 : i32
      %lt3A = arith.constant 32 : i32
      %lt3A_275 = arith.cmpi slt, %add3A_274, %lt3A : i32
      %convert_element_type3A_276 = arith.extui %lt3A_275 : i1 to i32
      %cond3A_277 = arith.constant 0 : i32
      %cond3A_278 = arith.cmpi ne, %convert_element_type3A_276, %cond3A_277 : i32
      scf.if %cond3A_278 {
        %rem3A_279 = arith.constant 5 : i32
        %rem3A_280 = arith.remsi %add3A_274, %rem3A_279 : i32
        %dma_start3A_281 = arith.constant 0 : i32
        %dma_start3A_282 = arith.constant 0 : i32
        %dma_start3A_283 = tpu.memref_slice %arg9[%rem3A_280, %dma_start3A_281, %dma_start3A_282] : memref<5x128x64xf32, #tpu.memory_space<vmem>> -> memref<1x128x64xf32, #tpu.memory_space<vmem>>
        %dma_start3A_284 = tpu.memref_squeeze %dma_start3A_283 : memref<1x128x64xf32, #tpu.memory_space<vmem>> -> memref<128x64xf32, #tpu.memory_space<vmem>>
        %dma_start3A_285 = arith.constant 0 : i32
        %dma_start3A_286 = tpu.memref_slice %arg7[%add3A_274, %dma_start3A_285] : memref<32x128xi32, #tpu.memory_space<vmem>> -> memref<1x128xi32, #tpu.memory_space<vmem>>
        %dma_start3A_287 = tpu.memref_squeeze %dma_start3A_286 : memref<1x128xi32, #tpu.memory_space<vmem>> -> memref<128xi32, #tpu.memory_space<vmem>>
        %dma_start3A_288 = arith.constant 0 : i32
        %dma_start3A_289 = arith.constant 0 : i32
        %dma_start3A_290 = tpu.memref_slice %arg10[%dma_start3A_288, %dma_start3A_289] : memref<10000x64xf32, #tpu.memory_space<vmem_shared>> -> memref<10000x64xf32, #tpu.memory_space<vmem_shared>>
        tpu.enqueue_indirect_dma source(%dma_start3A_290 : memref<10000x64xf32, #tpu.memory_space<vmem_shared>>) target(%dma_start3A_284 : memref<128x64xf32, #tpu.memory_space<vmem>>) offsets(%dma_start3A_287 : memref<128xi32, #tpu.memory_space<vmem>>) semaphore(%arg12 : memref<!tpu.dma_semaphore, #tpu.memory_space<semaphore_mem>>)
      } else {
      }
    }
    %scan3A_142 = arith.constant 32 : i32
    %scan3A_143 = arith.constant 0 : i32
    %scan3A_144 = arith.constant 0 : i32
    %scan3A_145 = arith.constant 2 : i32
    %scan3A_146 = arith.addi %scan3A_144, %scan3A_145 : i32
    %scan3A_147 = arith.constant 1 : i32
    scf.for %scan3A_250 = %scan3A_144 to %scan3A_146 step %scan3A_147  : i32 {
      %dma_wait3A = arith.constant 0 : i32
      %dma_wait3A_251 = arith.constant 0 : i32
      %dma_wait3A_252 = arith.constant 0 : i32
      %dma_wait3A_253 = arith.constant 0 : i32
      %dma_wait3A_254 = tpu.memref_slice %arg9[%dma_wait3A, %dma_wait3A_252, %dma_wait3A_253] : memref<5x128x64xf32, #tpu.memory_space<vmem>> -> memref<1x128x64xf32, #tpu.memory_space<vmem>>
      %dma_wait3A_255 = tpu.memref_squeeze %dma_wait3A_254 : memref<1x128x64xf32, #tpu.memory_space<vmem>> -> memref<128x64xf32, #tpu.memory_space<vmem>>
      %dma_wait3A_256 = arith.constant 0 : i32
      %dma_wait3A_257 = tpu.memref_slice %arg8[%dma_wait3A_251, %dma_wait3A_256] : memref<32x128xi32, #tpu.memory_space<vmem>> -> memref<1x128xi32, #tpu.memory_space<vmem>>
      %dma_wait3A_258 = tpu.memref_squeeze %dma_wait3A_257 : memref<1x128xi32, #tpu.memory_space<vmem>> -> memref<128xi32, #tpu.memory_space<vmem>>
      %dma_wait3A_259 = arith.constant 0 : i32
      %dma_wait3A_260 = arith.constant 0 : i32
      %dma_wait3A_261 = tpu.memref_slice %arg11[%dma_wait3A_259, %dma_wait3A_260] : memref<10240x64xf32, #tpu.memory_space<vmem_shared>> -> memref<10240x64xf32, #tpu.memory_space<vmem_shared>>
      tpu.wait_indirect_dma semaphore(%arg13 : memref<!tpu.dma_semaphore, #tpu.memory_space<semaphore_mem>>) src(%dma_wait3A_255 : memref<128x64xf32, #tpu.memory_space<vmem>>) dst(%dma_wait3A_261 : memref<10240x64xf32, #tpu.memory_space<vmem_shared>>)
    }
    %scan3A_148 = arith.constant 2 : i32
    "tpu.region"() ({
      %run_scoped3A = tpu.sem_alloc : memref<!tpu.dma_semaphore, #tpu.memory_space<semaphore_mem>>
      %dma_start3A_250 = arith.constant 96 : i32
      %dma_start3A_251 = arith.constant 0 : i32
      %dma_start3A_252 = tpu.memref_slice %arg3[%arg1, %dma_start3A_250, %dma_start3A_251] : memref<16x160x128xi32, #tpu.memory_space<hbm>> -> memref<1x32x128xi32, #tpu.memory_space<hbm>>
      %dma_start3A_253 = tpu.memref_squeeze %dma_start3A_252 : memref<1x32x128xi32, #tpu.memory_space<hbm>> -> memref<32x128xi32, #tpu.memory_space<hbm>>
      %dma_start3A_254 = arith.constant 96 : i32
      %dma_start3A_255 = arith.constant 0 : i32
      %dma_start3A_256 = tpu.memref_slice %arg3[%arg1, %dma_start3A_254, %dma_start3A_255] : memref<16x160x128xi32, #tpu.memory_space<hbm>> -> memref<1x32x128xi32, #tpu.memory_space<hbm>>
      %dma_start3A_257 = tpu.memref_squeeze %dma_start3A_256 : memref<1x32x128xi32, #tpu.memory_space<hbm>> -> memref<32x128xi32, #tpu.memory_space<hbm>>
      tpu.enqueue_dma source(%dma_start3A_257 : memref<32x128xi32, #tpu.memory_space<hbm>>) target(%arg7 : memref<32x128xi32, #tpu.memory_space<vmem>>) target_semaphore(%run_scoped3A : memref<!tpu.dma_semaphore, #tpu.memory_space<semaphore_mem>>)
      %dma_wait3A = arith.constant 96 : i32
      %dma_wait3A_258 = arith.constant 0 : i32
      %dma_wait3A_259 = tpu.memref_slice %arg3[%arg1, %dma_wait3A, %dma_wait3A_258] : memref<16x160x128xi32, #tpu.memory_space<hbm>> -> memref<1x32x128xi32, #tpu.memory_space<hbm>>
      %dma_wait3A_260 = tpu.memref_squeeze %dma_wait3A_259 : memref<1x32x128xi32, #tpu.memory_space<hbm>> -> memref<32x128xi32, #tpu.memory_space<hbm>>
      %dma_wait3A_261 = arith.constant 96 : i32
      %dma_wait3A_262 = arith.constant 0 : i32
      %dma_wait3A_263 = tpu.memref_slice %arg3[%arg1, %dma_wait3A_261, %dma_wait3A_262] : memref<16x160x128xi32, #tpu.memory_space<hbm>> -> memref<1x32x128xi32, #tpu.memory_space<hbm>>
      %dma_wait3A_264 = tpu.memref_squeeze %dma_wait3A_263 : memref<1x32x128xi32, #tpu.memory_space<hbm>> -> memref<32x128xi32, #tpu.memory_space<hbm>>
      tpu.wait_dma2 semaphore(%run_scoped3A : memref<!tpu.dma_semaphore, #tpu.memory_space<semaphore_mem>>) src(%dma_wait3A_264 : memref<32x128xi32, #tpu.memory_space<hbm>>) dst(%arg7 : memref<32x128xi32, #tpu.memory_space<vmem>>)
      tpu.yield
    }) : () -> ()
    "tpu.region"() ({
      %run_scoped3A = tpu.sem_alloc : memref<!tpu.dma_semaphore, #tpu.memory_space<semaphore_mem>>
      %dma_start3A_250 = arith.constant 96 : i32
      %dma_start3A_251 = arith.constant 0 : i32
      %dma_start3A_252 = tpu.memref_slice %arg4[%arg1, %dma_start3A_250, %dma_start3A_251] : memref<16x160x128xi32, #tpu.memory_space<hbm>> -> memref<1x32x128xi32, #tpu.memory_space<hbm>>
      %dma_start3A_253 = tpu.memref_squeeze %dma_start3A_252 : memref<1x32x128xi32, #tpu.memory_space<hbm>> -> memref<32x128xi32, #tpu.memory_space<hbm>>
      %dma_start3A_254 = arith.constant 96 : i32
      %dma_start3A_255 = arith.constant 0 : i32
      %dma_start3A_256 = tpu.memref_slice %arg4[%arg1, %dma_start3A_254, %dma_start3A_255] : memref<16x160x128xi32, #tpu.memory_space<hbm>> -> memref<1x32x128xi32, #tpu.memory_space<hbm>>
      %dma_start3A_257 = tpu.memref_squeeze %dma_start3A_256 : memref<1x32x128xi32, #tpu.memory_space<hbm>> -> memref<32x128xi32, #tpu.memory_space<hbm>>
      tpu.enqueue_dma source(%dma_start3A_257 : memref<32x128xi32, #tpu.memory_space<hbm>>) target(%arg8 : memref<32x128xi32, #tpu.memory_space<vmem>>) target_semaphore(%run_scoped3A : memref<!tpu.dma_semaphore, #tpu.memory_space<semaphore_mem>>)
      %dma_wait3A = arith.constant 96 : i32
      %dma_wait3A_258 = arith.constant 0 : i32
      %dma_wait3A_259 = tpu.memref_slice %arg4[%arg1, %dma_wait3A, %dma_wait3A_258] : memref<16x160x128xi32, #tpu.memory_space<hbm>> -> memref<1x32x128xi32, #tpu.memory_space<hbm>>
      %dma_wait3A_260 = tpu.memref_squeeze %dma_wait3A_259 : memref<1x32x128xi32, #tpu.memory_space<hbm>> -> memref<32x128xi32, #tpu.memory_space<hbm>>
      %dma_wait3A_261 = arith.constant 96 : i32
      %dma_wait3A_262 = arith.constant 0 : i32
      %dma_wait3A_263 = tpu.memref_slice %arg4[%arg1, %dma_wait3A_261, %dma_wait3A_262] : memref<16x160x128xi32, #tpu.memory_space<hbm>> -> memref<1x32x128xi32, #tpu.memory_space<hbm>>
      %dma_wait3A_264 = tpu.memref_squeeze %dma_wait3A_263 : memref<1x32x128xi32, #tpu.memory_space<hbm>> -> memref<32x128xi32, #tpu.memory_space<hbm>>
      tpu.wait_dma2 semaphore(%run_scoped3A : memref<!tpu.dma_semaphore, #tpu.memory_space<semaphore_mem>>) src(%dma_wait3A_264 : memref<32x128xi32, #tpu.memory_space<hbm>>) dst(%arg8 : memref<32x128xi32, #tpu.memory_space<vmem>>)
      tpu.yield
    }) : () -> ()
    %dma_start3A_149 = arith.constant 0 : i32
    %dma_start3A_150 = arith.constant 0 : i32
    %dma_start3A_151 = arith.constant 0 : i32
    %dma_start3A_152 = arith.constant 0 : i32
    %dma_start3A_153 = tpu.memref_slice %arg9[%dma_start3A_150, %dma_start3A_151, %dma_start3A_152] : memref<5x128x64xf32, #tpu.memory_space<vmem>> -> memref<1x128x64xf32, #tpu.memory_space<vmem>>
    %dma_start3A_154 = tpu.memref_squeeze %dma_start3A_153 : memref<1x128x64xf32, #tpu.memory_space<vmem>> -> memref<128x64xf32, #tpu.memory_space<vmem>>
    %dma_start3A_155 = arith.constant 0 : i32
    %dma_start3A_156 = tpu.memref_slice %arg7[%dma_start3A_149, %dma_start3A_155] : memref<32x128xi32, #tpu.memory_space<vmem>> -> memref<1x128xi32, #tpu.memory_space<vmem>>
    %dma_start3A_157 = tpu.memref_squeeze %dma_start3A_156 : memref<1x128xi32, #tpu.memory_space<vmem>> -> memref<128xi32, #tpu.memory_space<vmem>>
    %dma_start3A_158 = arith.constant 0 : i32
    %dma_start3A_159 = arith.constant 0 : i32
    %dma_start3A_160 = tpu.memref_slice %arg10[%dma_start3A_158, %dma_start3A_159] : memref<10000x64xf32, #tpu.memory_space<vmem_shared>> -> memref<10000x64xf32, #tpu.memory_space<vmem_shared>>
    tpu.enqueue_indirect_dma source(%dma_start3A_160 : memref<10000x64xf32, #tpu.memory_space<vmem_shared>>) target(%dma_start3A_154 : memref<128x64xf32, #tpu.memory_space<vmem>>) offsets(%dma_start3A_157 : memref<128xi32, #tpu.memory_space<vmem>>) semaphore(%arg12 : memref<!tpu.dma_semaphore, #tpu.memory_space<semaphore_mem>>)
    %dma_start3A_161 = arith.constant 1 : i32
    %dma_start3A_162 = arith.constant 1 : i32
    %dma_start3A_163 = arith.constant 0 : i32
    %dma_start3A_164 = arith.constant 0 : i32
    %dma_start3A_165 = tpu.memref_slice %arg9[%dma_start3A_162, %dma_start3A_163, %dma_start3A_164] : memref<5x128x64xf32, #tpu.memory_space<vmem>> -> memref<1x128x64xf32, #tpu.memory_space<vmem>>
    %dma_start3A_166 = tpu.memref_squeeze %dma_start3A_165 : memref<1x128x64xf32, #tpu.memory_space<vmem>> -> memref<128x64xf32, #tpu.memory_space<vmem>>
    %dma_start3A_167 = arith.constant 0 : i32
    %dma_start3A_168 = tpu.memref_slice %arg7[%dma_start3A_161, %dma_start3A_167] : memref<32x128xi32, #tpu.memory_space<vmem>> -> memref<1x128xi32, #tpu.memory_space<vmem>>
    %dma_start3A_169 = tpu.memref_squeeze %dma_start3A_168 : memref<1x128xi32, #tpu.memory_space<vmem>> -> memref<128xi32, #tpu.memory_space<vmem>>
    %dma_start3A_170 = arith.constant 0 : i32
    %dma_start3A_171 = arith.constant 0 : i32
    %dma_start3A_172 = tpu.memref_slice %arg10[%dma_start3A_170, %dma_start3A_171] : memref<10000x64xf32, #tpu.memory_space<vmem_shared>> -> memref<10000x64xf32, #tpu.memory_space<vmem_shared>>
    tpu.enqueue_indirect_dma source(%dma_start3A_172 : memref<10000x64xf32, #tpu.memory_space<vmem_shared>>) target(%dma_start3A_166 : memref<128x64xf32, #tpu.memory_space<vmem>>) offsets(%dma_start3A_169 : memref<128xi32, #tpu.memory_space<vmem>>) semaphore(%arg12 : memref<!tpu.dma_semaphore, #tpu.memory_space<semaphore_mem>>)
    %dma_start3A_173 = arith.constant 2 : i32
    %dma_start3A_174 = arith.constant 2 : i32
    %dma_start3A_175 = arith.constant 0 : i32
    %dma_start3A_176 = arith.constant 0 : i32
    %dma_start3A_177 = tpu.memref_slice %arg9[%dma_start3A_174, %dma_start3A_175, %dma_start3A_176] : memref<5x128x64xf32, #tpu.memory_space<vmem>> -> memref<1x128x64xf32, #tpu.memory_space<vmem>>
    %dma_start3A_178 = tpu.memref_squeeze %dma_start3A_177 : memref<1x128x64xf32, #tpu.memory_space<vmem>> -> memref<128x64xf32, #tpu.memory_space<vmem>>
    %dma_start3A_179 = arith.constant 0 : i32
    %dma_start3A_180 = tpu.memref_slice %arg7[%dma_start3A_173, %dma_start3A_179] : memref<32x128xi32, #tpu.memory_space<vmem>> -> memref<1x128xi32, #tpu.memory_space<vmem>>
    %dma_start3A_181 = tpu.memref_squeeze %dma_start3A_180 : memref<1x128xi32, #tpu.memory_space<vmem>> -> memref<128xi32, #tpu.memory_space<vmem>>
    %dma_start3A_182 = arith.constant 0 : i32
    %dma_start3A_183 = arith.constant 0 : i32
    %dma_start3A_184 = tpu.memref_slice %arg10[%dma_start3A_182, %dma_start3A_183] : memref<10000x64xf32, #tpu.memory_space<vmem_shared>> -> memref<10000x64xf32, #tpu.memory_space<vmem_shared>>
    tpu.enqueue_indirect_dma source(%dma_start3A_184 : memref<10000x64xf32, #tpu.memory_space<vmem_shared>>) target(%dma_start3A_178 : memref<128x64xf32, #tpu.memory_space<vmem>>) offsets(%dma_start3A_181 : memref<128xi32, #tpu.memory_space<vmem>>) semaphore(%arg12 : memref<!tpu.dma_semaphore, #tpu.memory_space<semaphore_mem>>)
    %scan3A_185 = arith.constant 0 : i32
    %scan3A_186 = arith.constant 0 : i32
    %scan3A_187 = arith.constant 32 : i32
    %scan3A_188 = arith.addi %scan3A_186, %scan3A_187 : i32
    %scan3A_189 = arith.constant 1 : i32
    scf.for %scan3A_250 = %scan3A_186 to %scan3A_188 step %scan3A_189  : i32 {
      %rem3A = arith.constant 5 : i32
      %rem3A_251 = arith.remsi %scan3A_250, %rem3A : i32
      %dma_wait3A = arith.constant 0 : i32
      %dma_wait3A_252 = arith.constant 0 : i32
      %dma_wait3A_253 = tpu.memref_slice %arg9[%rem3A_251, %dma_wait3A, %dma_wait3A_252] : memref<5x128x64xf32, #tpu.memory_space<vmem>> -> memref<1x128x64xf32, #tpu.memory_space<vmem>>
      %dma_wait3A_254 = tpu.memref_squeeze %dma_wait3A_253 : memref<1x128x64xf32, #tpu.memory_space<vmem>> -> memref<128x64xf32, #tpu.memory_space<vmem>>
      %dma_wait3A_255 = arith.constant 0 : i32
      %dma_wait3A_256 = tpu.memref_slice %arg7[%scan3A_250, %dma_wait3A_255] : memref<32x128xi32, #tpu.memory_space<vmem>> -> memref<1x128xi32, #tpu.memory_space<vmem>>
      %dma_wait3A_257 = tpu.memref_squeeze %dma_wait3A_256 : memref<1x128xi32, #tpu.memory_space<vmem>> -> memref<128xi32, #tpu.memory_space<vmem>>
      %dma_wait3A_258 = arith.constant 0 : i32
      %dma_wait3A_259 = arith.constant 0 : i32
      %dma_wait3A_260 = tpu.memref_slice %arg10[%dma_wait3A_258, %dma_wait3A_259] : memref<10000x64xf32, #tpu.memory_space<vmem_shared>> -> memref<10000x64xf32, #tpu.memory_space<vmem_shared>>
      tpu.wait_indirect_dma semaphore(%arg12 : memref<!tpu.dma_semaphore, #tpu.memory_space<semaphore_mem>>) src(%dma_wait3A_260 : memref<10000x64xf32, #tpu.memory_space<vmem_shared>>) dst(%dma_wait3A_254 : memref<128x64xf32, #tpu.memory_space<vmem>>)
      %dma_start3A_261 = arith.constant 0 : i32
      %dma_start3A_262 = arith.constant 0 : i32
      %dma_start3A_263 = tpu.memref_slice %arg9[%rem3A_251, %dma_start3A_261, %dma_start3A_262] : memref<5x128x64xf32, #tpu.memory_space<vmem>> -> memref<1x128x64xf32, #tpu.memory_space<vmem>>
      %dma_start3A_264 = tpu.memref_squeeze %dma_start3A_263 : memref<1x128x64xf32, #tpu.memory_space<vmem>> -> memref<128x64xf32, #tpu.memory_space<vmem>>
      %dma_start3A_265 = arith.constant 0 : i32
      %dma_start3A_266 = tpu.memref_slice %arg8[%scan3A_250, %dma_start3A_265] : memref<32x128xi32, #tpu.memory_space<vmem>> -> memref<1x128xi32, #tpu.memory_space<vmem>>
      %dma_start3A_267 = tpu.memref_squeeze %dma_start3A_266 : memref<1x128xi32, #tpu.memory_space<vmem>> -> memref<128xi32, #tpu.memory_space<vmem>>
      %dma_start3A_268 = arith.constant 0 : i32
      %dma_start3A_269 = arith.constant 0 : i32
      %dma_start3A_270 = tpu.memref_slice %arg11[%dma_start3A_268, %dma_start3A_269] : memref<10240x64xf32, #tpu.memory_space<vmem_shared>> -> memref<10240x64xf32, #tpu.memory_space<vmem_shared>>
      tpu.enqueue_indirect_dma source(%dma_start3A_264 : memref<128x64xf32, #tpu.memory_space<vmem>>) target(%dma_start3A_270 : memref<10240x64xf32, #tpu.memory_space<vmem_shared>>) offsets(%dma_start3A_267 : memref<128xi32, #tpu.memory_space<vmem>>) semaphore(%arg13 : memref<!tpu.dma_semaphore, #tpu.memory_space<semaphore_mem>>) {add = true}
      %ge3A = arith.constant 2 : i32
      %ge3A_271 = arith.cmpi sge, %scan3A_250, %ge3A : i32
      %convert_element_type3A = arith.extui %ge3A_271 : i1 to i32
      %cond3A = arith.constant 0 : i32
      %cond3A_272 = arith.cmpi ne, %convert_element_type3A, %cond3A : i32
      scf.if %cond3A_272 {
        %dma_wait3A_279 = arith.constant 0 : i32
        %dma_wait3A_280 = arith.constant 0 : i32
        %dma_wait3A_281 = arith.constant 0 : i32
        %dma_wait3A_282 = arith.constant 0 : i32
        %dma_wait3A_283 = tpu.memref_slice %arg9[%dma_wait3A_279, %dma_wait3A_281, %dma_wait3A_282] : memref<5x128x64xf32, #tpu.memory_space<vmem>> -> memref<1x128x64xf32, #tpu.memory_space<vmem>>
        %dma_wait3A_284 = tpu.memref_squeeze %dma_wait3A_283 : memref<1x128x64xf32, #tpu.memory_space<vmem>> -> memref<128x64xf32, #tpu.memory_space<vmem>>
        %dma_wait3A_285 = arith.constant 0 : i32
        %dma_wait3A_286 = tpu.memref_slice %arg8[%dma_wait3A_280, %dma_wait3A_285] : memref<32x128xi32, #tpu.memory_space<vmem>> -> memref<1x128xi32, #tpu.memory_space<vmem>>
        %dma_wait3A_287 = tpu.memref_squeeze %dma_wait3A_286 : memref<1x128xi32, #tpu.memory_space<vmem>> -> memref<128xi32, #tpu.memory_space<vmem>>
        %dma_wait3A_288 = arith.constant 0 : i32
        %dma_wait3A_289 = arith.constant 0 : i32
        %dma_wait3A_290 = tpu.memref_slice %arg11[%dma_wait3A_288, %dma_wait3A_289] : memref<10240x64xf32, #tpu.memory_space<vmem_shared>> -> memref<10240x64xf32, #tpu.memory_space<vmem_shared>>
        tpu.wait_indirect_dma semaphore(%arg13 : memref<!tpu.dma_semaphore, #tpu.memory_space<semaphore_mem>>) src(%dma_wait3A_284 : memref<128x64xf32, #tpu.memory_space<vmem>>) dst(%dma_wait3A_290 : memref<10240x64xf32, #tpu.memory_space<vmem_shared>>)
      } else {
      }
      %add3A_273 = arith.constant 3 : i32
      %add3A_274 = arith.addi %scan3A_250, %add3A_273 : i32
      %lt3A = arith.constant 32 : i32
      %lt3A_275 = arith.cmpi slt, %add3A_274, %lt3A : i32
      %convert_element_type3A_276 = arith.extui %lt3A_275 : i1 to i32
      %cond3A_277 = arith.constant 0 : i32
      %cond3A_278 = arith.cmpi ne, %convert_element_type3A_276, %cond3A_277 : i32
      scf.if %cond3A_278 {
        %rem3A_279 = arith.constant 5 : i32
        %rem3A_280 = arith.remsi %add3A_274, %rem3A_279 : i32
        %dma_start3A_281 = arith.constant 0 : i32
        %dma_start3A_282 = arith.constant 0 : i32
        %dma_start3A_283 = tpu.memref_slice %arg9[%rem3A_280, %dma_start3A_281, %dma_start3A_282] : memref<5x128x64xf32, #tpu.memory_space<vmem>> -> memref<1x128x64xf32, #tpu.memory_space<vmem>>
        %dma_start3A_284 = tpu.memref_squeeze %dma_start3A_283 : memref<1x128x64xf32, #tpu.memory_space<vmem>> -> memref<128x64xf32, #tpu.memory_space<vmem>>
        %dma_start3A_285 = arith.constant 0 : i32
        %dma_start3A_286 = tpu.memref_slice %arg7[%add3A_274, %dma_start3A_285] : memref<32x128xi32, #tpu.memory_space<vmem>> -> memref<1x128xi32, #tpu.memory_space<vmem>>
        %dma_start3A_287 = tpu.memref_squeeze %dma_start3A_286 : memref<1x128xi32, #tpu.memory_space<vmem>> -> memref<128xi32, #tpu.memory_space<vmem>>
        %dma_start3A_288 = arith.constant 0 : i32
        %dma_start3A_289 = arith.constant 0 : i32
        %dma_start3A_290 = tpu.memref_slice %arg10[%dma_start3A_288, %dma_start3A_289] : memref<10000x64xf32, #tpu.memory_space<vmem_shared>> -> memref<10000x64xf32, #tpu.memory_space<vmem_shared>>
        tpu.enqueue_indirect_dma source(%dma_start3A_290 : memref<10000x64xf32, #tpu.memory_space<vmem_shared>>) target(%dma_start3A_284 : memref<128x64xf32, #tpu.memory_space<vmem>>) offsets(%dma_start3A_287 : memref<128xi32, #tpu.memory_space<vmem>>) semaphore(%arg12 : memref<!tpu.dma_semaphore, #tpu.memory_space<semaphore_mem>>)
      } else {
      }
    }
    %scan3A_190 = arith.constant 32 : i32
    %scan3A_191 = arith.constant 0 : i32
    %scan3A_192 = arith.constant 0 : i32
    %scan3A_193 = arith.constant 2 : i32
    %scan3A_194 = arith.addi %scan3A_192, %scan3A_193 : i32
    %scan3A_195 = arith.constant 1 : i32
    scf.for %scan3A_250 = %scan3A_192 to %scan3A_194 step %scan3A_195  : i32 {
      %dma_wait3A = arith.constant 0 : i32
      %dma_wait3A_251 = arith.constant 0 : i32
      %dma_wait3A_252 = arith.constant 0 : i32
      %dma_wait3A_253 = arith.constant 0 : i32
      %dma_wait3A_254 = tpu.memref_slice %arg9[%dma_wait3A, %dma_wait3A_252, %dma_wait3A_253] : memref<5x128x64xf32, #tpu.memory_space<vmem>> -> memref<1x128x64xf32, #tpu.memory_space<vmem>>
      %dma_wait3A_255 = tpu.memref_squeeze %dma_wait3A_254 : memref<1x128x64xf32, #tpu.memory_space<vmem>> -> memref<128x64xf32, #tpu.memory_space<vmem>>
      %dma_wait3A_256 = arith.constant 0 : i32
      %dma_wait3A_257 = tpu.memref_slice %arg8[%dma_wait3A_251, %dma_wait3A_256] : memref<32x128xi32, #tpu.memory_space<vmem>> -> memref<1x128xi32, #tpu.memory_space<vmem>>
      %dma_wait3A_258 = tpu.memref_squeeze %dma_wait3A_257 : memref<1x128xi32, #tpu.memory_space<vmem>> -> memref<128xi32, #tpu.memory_space<vmem>>
      %dma_wait3A_259 = arith.constant 0 : i32
      %dma_wait3A_260 = arith.constant 0 : i32
      %dma_wait3A_261 = tpu.memref_slice %arg11[%dma_wait3A_259, %dma_wait3A_260] : memref<10240x64xf32, #tpu.memory_space<vmem_shared>> -> memref<10240x64xf32, #tpu.memory_space<vmem_shared>>
      tpu.wait_indirect_dma semaphore(%arg13 : memref<!tpu.dma_semaphore, #tpu.memory_space<semaphore_mem>>) src(%dma_wait3A_255 : memref<128x64xf32, #tpu.memory_space<vmem>>) dst(%dma_wait3A_261 : memref<10240x64xf32, #tpu.memory_space<vmem_shared>>)
    }
    %scan3A_196 = arith.constant 2 : i32
    "tpu.region"() ({
      %run_scoped3A = tpu.sem_alloc : memref<!tpu.dma_semaphore, #tpu.memory_space<semaphore_mem>>
      %dma_start3A_250 = arith.constant 128 : i32
      %dma_start3A_251 = arith.constant 0 : i32
      %dma_start3A_252 = tpu.memref_slice %arg3[%arg1, %dma_start3A_250, %dma_start3A_251] : memref<16x160x128xi32, #tpu.memory_space<hbm>> -> memref<1x32x128xi32, #tpu.memory_space<hbm>>
      %dma_start3A_253 = tpu.memref_squeeze %dma_start3A_252 : memref<1x32x128xi32, #tpu.memory_space<hbm>> -> memref<32x128xi32, #tpu.memory_space<hbm>>
      %dma_start3A_254 = arith.constant 128 : i32
      %dma_start3A_255 = arith.constant 0 : i32
      %dma_start3A_256 = tpu.memref_slice %arg3[%arg1, %dma_start3A_254, %dma_start3A_255] : memref<16x160x128xi32, #tpu.memory_space<hbm>> -> memref<1x32x128xi32, #tpu.memory_space<hbm>>
      %dma_start3A_257 = tpu.memref_squeeze %dma_start3A_256 : memref<1x32x128xi32, #tpu.memory_space<hbm>> -> memref<32x128xi32, #tpu.memory_space<hbm>>
      tpu.enqueue_dma source(%dma_start3A_257 : memref<32x128xi32, #tpu.memory_space<hbm>>) target(%arg7 : memref<32x128xi32, #tpu.memory_space<vmem>>) target_semaphore(%run_scoped3A : memref<!tpu.dma_semaphore, #tpu.memory_space<semaphore_mem>>)
      %dma_wait3A = arith.constant 128 : i32
      %dma_wait3A_258 = arith.constant 0 : i32
      %dma_wait3A_259 = tpu.memref_slice %arg3[%arg1, %dma_wait3A, %dma_wait3A_258] : memref<16x160x128xi32, #tpu.memory_space<hbm>> -> memref<1x32x128xi32, #tpu.memory_space<hbm>>
      %dma_wait3A_260 = tpu.memref_squeeze %dma_wait3A_259 : memref<1x32x128xi32, #tpu.memory_space<hbm>> -> memref<32x128xi32, #tpu.memory_space<hbm>>
      %dma_wait3A_261 = arith.constant 128 : i32
      %dma_wait3A_262 = arith.constant 0 : i32
      %dma_wait3A_263 = tpu.memref_slice %arg3[%arg1, %dma_wait3A_261, %dma_wait3A_262] : memref<16x160x128xi32, #tpu.memory_space<hbm>> -> memref<1x32x128xi32, #tpu.memory_space<hbm>>
      %dma_wait3A_264 = tpu.memref_squeeze %dma_wait3A_263 : memref<1x32x128xi32, #tpu.memory_space<hbm>> -> memref<32x128xi32, #tpu.memory_space<hbm>>
      tpu.wait_dma2 semaphore(%run_scoped3A : memref<!tpu.dma_semaphore, #tpu.memory_space<semaphore_mem>>) src(%dma_wait3A_264 : memref<32x128xi32, #tpu.memory_space<hbm>>) dst(%arg7 : memref<32x128xi32, #tpu.memory_space<vmem>>)
      tpu.yield
    }) : () -> ()
    "tpu.region"() ({
      %run_scoped3A = tpu.sem_alloc : memref<!tpu.dma_semaphore, #tpu.memory_space<semaphore_mem>>
      %dma_start3A_250 = arith.constant 128 : i32
      %dma_start3A_251 = arith.constant 0 : i32
      %dma_start3A_252 = tpu.memref_slice %arg4[%arg1, %dma_start3A_250, %dma_start3A_251] : memref<16x160x128xi32, #tpu.memory_space<hbm>> -> memref<1x32x128xi32, #tpu.memory_space<hbm>>
      %dma_start3A_253 = tpu.memref_squeeze %dma_start3A_252 : memref<1x32x128xi32, #tpu.memory_space<hbm>> -> memref<32x128xi32, #tpu.memory_space<hbm>>
      %dma_start3A_254 = arith.constant 128 : i32
      %dma_start3A_255 = arith.constant 0 : i32
      %dma_start3A_256 = tpu.memref_slice %arg4[%arg1, %dma_start3A_254, %dma_start3A_255] : memref<16x160x128xi32, #tpu.memory_space<hbm>> -> memref<1x32x128xi32, #tpu.memory_space<hbm>>
      %dma_start3A_257 = tpu.memref_squeeze %dma_start3A_256 : memref<1x32x128xi32, #tpu.memory_space<hbm>> -> memref<32x128xi32, #tpu.memory_space<hbm>>
      tpu.enqueue_dma source(%dma_start3A_257 : memref<32x128xi32, #tpu.memory_space<hbm>>) target(%arg8 : memref<32x128xi32, #tpu.memory_space<vmem>>) target_semaphore(%run_scoped3A : memref<!tpu.dma_semaphore, #tpu.memory_space<semaphore_mem>>)
      %dma_wait3A = arith.constant 128 : i32
      %dma_wait3A_258 = arith.constant 0 : i32
      %dma_wait3A_259 = tpu.memref_slice %arg4[%arg1, %dma_wait3A, %dma_wait3A_258] : memref<16x160x128xi32, #tpu.memory_space<hbm>> -> memref<1x32x128xi32, #tpu.memory_space<hbm>>
      %dma_wait3A_260 = tpu.memref_squeeze %dma_wait3A_259 : memref<1x32x128xi32, #tpu.memory_space<hbm>> -> memref<32x128xi32, #tpu.memory_space<hbm>>
      %dma_wait3A_261 = arith.constant 128 : i32
      %dma_wait3A_262 = arith.constant 0 : i32
      %dma_wait3A_263 = tpu.memref_slice %arg4[%arg1, %dma_wait3A_261, %dma_wait3A_262] : memref<16x160x128xi32, #tpu.memory_space<hbm>> -> memref<1x32x128xi32, #tpu.memory_space<hbm>>
      %dma_wait3A_264 = tpu.memref_squeeze %dma_wait3A_263 : memref<1x32x128xi32, #tpu.memory_space<hbm>> -> memref<32x128xi32, #tpu.memory_space<hbm>>
      tpu.wait_dma2 semaphore(%run_scoped3A : memref<!tpu.dma_semaphore, #tpu.memory_space<semaphore_mem>>) src(%dma_wait3A_264 : memref<32x128xi32, #tpu.memory_space<hbm>>) dst(%arg8 : memref<32x128xi32, #tpu.memory_space<vmem>>)
      tpu.yield
    }) : () -> ()
    %dma_start3A_197 = arith.constant 0 : i32
    %dma_start3A_198 = arith.constant 0 : i32
    %dma_start3A_199 = arith.constant 0 : i32
    %dma_start3A_200 = arith.constant 0 : i32
    %dma_start3A_201 = tpu.memref_slice %arg9[%dma_start3A_198, %dma_start3A_199, %dma_start3A_200] : memref<5x128x64xf32, #tpu.memory_space<vmem>> -> memref<1x128x64xf32, #tpu.memory_space<vmem>>
    %dma_start3A_202 = tpu.memref_squeeze %dma_start3A_201 : memref<1x128x64xf32, #tpu.memory_space<vmem>> -> memref<128x64xf32, #tpu.memory_space<vmem>>
    %dma_start3A_203 = arith.constant 0 : i32
    %dma_start3A_204 = tpu.memref_slice %arg7[%dma_start3A_197, %dma_start3A_203] : memref<32x128xi32, #tpu.memory_space<vmem>> -> memref<1x128xi32, #tpu.memory_space<vmem>>
    %dma_start3A_205 = tpu.memref_squeeze %dma_start3A_204 : memref<1x128xi32, #tpu.memory_space<vmem>> -> memref<128xi32, #tpu.memory_space<vmem>>
    %dma_start3A_206 = arith.constant 0 : i32
    %dma_start3A_207 = arith.constant 0 : i32
    %dma_start3A_208 = tpu.memref_slice %arg10[%dma_start3A_206, %dma_start3A_207] : memref<10000x64xf32, #tpu.memory_space<vmem_shared>> -> memref<10000x64xf32, #tpu.memory_space<vmem_shared>>
    tpu.enqueue_indirect_dma source(%dma_start3A_208 : memref<10000x64xf32, #tpu.memory_space<vmem_shared>>) target(%dma_start3A_202 : memref<128x64xf32, #tpu.memory_space<vmem>>) offsets(%dma_start3A_205 : memref<128xi32, #tpu.memory_space<vmem>>) semaphore(%arg12 : memref<!tpu.dma_semaphore, #tpu.memory_space<semaphore_mem>>)
    %dma_start3A_209 = arith.constant 1 : i32
    %dma_start3A_210 = arith.constant 1 : i32
    %dma_start3A_211 = arith.constant 0 : i32
    %dma_start3A_212 = arith.constant 0 : i32
    %dma_start3A_213 = tpu.memref_slice %arg9[%dma_start3A_210, %dma_start3A_211, %dma_start3A_212] : memref<5x128x64xf32, #tpu.memory_space<vmem>> -> memref<1x128x64xf32, #tpu.memory_space<vmem>>
    %dma_start3A_214 = tpu.memref_squeeze %dma_start3A_213 : memref<1x128x64xf32, #tpu.memory_space<vmem>> -> memref<128x64xf32, #tpu.memory_space<vmem>>
    %dma_start3A_215 = arith.constant 0 : i32
    %dma_start3A_216 = tpu.memref_slice %arg7[%dma_start3A_209, %dma_start3A_215] : memref<32x128xi32, #tpu.memory_space<vmem>> -> memref<1x128xi32, #tpu.memory_space<vmem>>
    %dma_start3A_217 = tpu.memref_squeeze %dma_start3A_216 : memref<1x128xi32, #tpu.memory_space<vmem>> -> memref<128xi32, #tpu.memory_space<vmem>>
    %dma_start3A_218 = arith.constant 0 : i32
    %dma_start3A_219 = arith.constant 0 : i32
    %dma_start3A_220 = tpu.memref_slice %arg10[%dma_start3A_218, %dma_start3A_219] : memref<10000x64xf32, #tpu.memory_space<vmem_shared>> -> memref<10000x64xf32, #tpu.memory_space<vmem_shared>>
    tpu.enqueue_indirect_dma source(%dma_start3A_220 : memref<10000x64xf32, #tpu.memory_space<vmem_shared>>) target(%dma_start3A_214 : memref<128x64xf32, #tpu.memory_space<vmem>>) offsets(%dma_start3A_217 : memref<128xi32, #tpu.memory_space<vmem>>) semaphore(%arg12 : memref<!tpu.dma_semaphore, #tpu.memory_space<semaphore_mem>>)
    %dma_start3A_221 = arith.constant 2 : i32
    %dma_start3A_222 = arith.constant 2 : i32
    %dma_start3A_223 = arith.constant 0 : i32
    %dma_start3A_224 = arith.constant 0 : i32
    %dma_start3A_225 = tpu.memref_slice %arg9[%dma_start3A_222, %dma_start3A_223, %dma_start3A_224] : memref<5x128x64xf32, #tpu.memory_space<vmem>> -> memref<1x128x64xf32, #tpu.memory_space<vmem>>
    %dma_start3A_226 = tpu.memref_squeeze %dma_start3A_225 : memref<1x128x64xf32, #tpu.memory_space<vmem>> -> memref<128x64xf32, #tpu.memory_space<vmem>>
    %dma_start3A_227 = arith.constant 0 : i32
    %dma_start3A_228 = tpu.memref_slice %arg7[%dma_start3A_221, %dma_start3A_227] : memref<32x128xi32, #tpu.memory_space<vmem>> -> memref<1x128xi32, #tpu.memory_space<vmem>>
    %dma_start3A_229 = tpu.memref_squeeze %dma_start3A_228 : memref<1x128xi32, #tpu.memory_space<vmem>> -> memref<128xi32, #tpu.memory_space<vmem>>
    %dma_start3A_230 = arith.constant 0 : i32
    %dma_start3A_231 = arith.constant 0 : i32
    %dma_start3A_232 = tpu.memref_slice %arg10[%dma_start3A_230, %dma_start3A_231] : memref<10000x64xf32, #tpu.memory_space<vmem_shared>> -> memref<10000x64xf32, #tpu.memory_space<vmem_shared>>
    tpu.enqueue_indirect_dma source(%dma_start3A_232 : memref<10000x64xf32, #tpu.memory_space<vmem_shared>>) target(%dma_start3A_226 : memref<128x64xf32, #tpu.memory_space<vmem>>) offsets(%dma_start3A_229 : memref<128xi32, #tpu.memory_space<vmem>>) semaphore(%arg12 : memref<!tpu.dma_semaphore, #tpu.memory_space<semaphore_mem>>)
    %scan3A_233 = arith.constant 0 : i32
    %scan3A_234 = arith.constant 0 : i32
    %scan3A_235 = arith.constant 32 : i32
    %scan3A_236 = arith.addi %scan3A_234, %scan3A_235 : i32
    %scan3A_237 = arith.constant 1 : i32
    scf.for %scan3A_250 = %scan3A_234 to %scan3A_236 step %scan3A_237  : i32 {
      %rem3A = arith.constant 5 : i32
      %rem3A_251 = arith.remsi %scan3A_250, %rem3A : i32
      %dma_wait3A = arith.constant 0 : i32
      %dma_wait3A_252 = arith.constant 0 : i32
      %dma_wait3A_253 = tpu.memref_slice %arg9[%rem3A_251, %dma_wait3A, %dma_wait3A_252] : memref<5x128x64xf32, #tpu.memory_space<vmem>> -> memref<1x128x64xf32, #tpu.memory_space<vmem>>
      %dma_wait3A_254 = tpu.memref_squeeze %dma_wait3A_253 : memref<1x128x64xf32, #tpu.memory_space<vmem>> -> memref<128x64xf32, #tpu.memory_space<vmem>>
      %dma_wait3A_255 = arith.constant 0 : i32
      %dma_wait3A_256 = tpu.memref_slice %arg7[%scan3A_250, %dma_wait3A_255] : memref<32x128xi32, #tpu.memory_space<vmem>> -> memref<1x128xi32, #tpu.memory_space<vmem>>
      %dma_wait3A_257 = tpu.memref_squeeze %dma_wait3A_256 : memref<1x128xi32, #tpu.memory_space<vmem>> -> memref<128xi32, #tpu.memory_space<vmem>>
      %dma_wait3A_258 = arith.constant 0 : i32
      %dma_wait3A_259 = arith.constant 0 : i32
      %dma_wait3A_260 = tpu.memref_slice %arg10[%dma_wait3A_258, %dma_wait3A_259] : memref<10000x64xf32, #tpu.memory_space<vmem_shared>> -> memref<10000x64xf32, #tpu.memory_space<vmem_shared>>
      tpu.wait_indirect_dma semaphore(%arg12 : memref<!tpu.dma_semaphore, #tpu.memory_space<semaphore_mem>>) src(%dma_wait3A_260 : memref<10000x64xf32, #tpu.memory_space<vmem_shared>>) dst(%dma_wait3A_254 : memref<128x64xf32, #tpu.memory_space<vmem>>)
      %dma_start3A_261 = arith.constant 0 : i32
      %dma_start3A_262 = arith.constant 0 : i32
      %dma_start3A_263 = tpu.memref_slice %arg9[%rem3A_251, %dma_start3A_261, %dma_start3A_262] : memref<5x128x64xf32, #tpu.memory_space<vmem>> -> memref<1x128x64xf32, #tpu.memory_space<vmem>>
      %dma_start3A_264 = tpu.memref_squeeze %dma_start3A_263 : memref<1x128x64xf32, #tpu.memory_space<vmem>> -> memref<128x64xf32, #tpu.memory_space<vmem>>
      %dma_start3A_265 = arith.constant 0 : i32
      %dma_start3A_266 = tpu.memref_slice %arg8[%scan3A_250, %dma_start3A_265] : memref<32x128xi32, #tpu.memory_space<vmem>> -> memref<1x128xi32, #tpu.memory_space<vmem>>
      %dma_start3A_267 = tpu.memref_squeeze %dma_start3A_266 : memref<1x128xi32, #tpu.memory_space<vmem>> -> memref<128xi32, #tpu.memory_space<vmem>>
      %dma_start3A_268 = arith.constant 0 : i32
      %dma_start3A_269 = arith.constant 0 : i32
      %dma_start3A_270 = tpu.memref_slice %arg11[%dma_start3A_268, %dma_start3A_269] : memref<10240x64xf32, #tpu.memory_space<vmem_shared>> -> memref<10240x64xf32, #tpu.memory_space<vmem_shared>>
      tpu.enqueue_indirect_dma source(%dma_start3A_264 : memref<128x64xf32, #tpu.memory_space<vmem>>) target(%dma_start3A_270 : memref<10240x64xf32, #tpu.memory_space<vmem_shared>>) offsets(%dma_start3A_267 : memref<128xi32, #tpu.memory_space<vmem>>) semaphore(%arg13 : memref<!tpu.dma_semaphore, #tpu.memory_space<semaphore_mem>>) {add = true}
      %ge3A = arith.constant 2 : i32
      %ge3A_271 = arith.cmpi sge, %scan3A_250, %ge3A : i32
      %convert_element_type3A = arith.extui %ge3A_271 : i1 to i32
      %cond3A = arith.constant 0 : i32
      %cond3A_272 = arith.cmpi ne, %convert_element_type3A, %cond3A : i32
      scf.if %cond3A_272 {
        %dma_wait3A_279 = arith.constant 0 : i32
        %dma_wait3A_280 = arith.constant 0 : i32
        %dma_wait3A_281 = arith.constant 0 : i32
        %dma_wait3A_282 = arith.constant 0 : i32
        %dma_wait3A_283 = tpu.memref_slice %arg9[%dma_wait3A_279, %dma_wait3A_281, %dma_wait3A_282] : memref<5x128x64xf32, #tpu.memory_space<vmem>> -> memref<1x128x64xf32, #tpu.memory_space<vmem>>
        %dma_wait3A_284 = tpu.memref_squeeze %dma_wait3A_283 : memref<1x128x64xf32, #tpu.memory_space<vmem>> -> memref<128x64xf32, #tpu.memory_space<vmem>>
        %dma_wait3A_285 = arith.constant 0 : i32
        %dma_wait3A_286 = tpu.memref_slice %arg8[%dma_wait3A_280, %dma_wait3A_285] : memref<32x128xi32, #tpu.memory_space<vmem>> -> memref<1x128xi32, #tpu.memory_space<vmem>>
        %dma_wait3A_287 = tpu.memref_squeeze %dma_wait3A_286 : memref<1x128xi32, #tpu.memory_space<vmem>> -> memref<128xi32, #tpu.memory_space<vmem>>
        %dma_wait3A_288 = arith.constant 0 : i32
        %dma_wait3A_289 = arith.constant 0 : i32
        %dma_wait3A_290 = tpu.memref_slice %arg11[%dma_wait3A_288, %dma_wait3A_289] : memref<10240x64xf32, #tpu.memory_space<vmem_shared>> -> memref<10240x64xf32, #tpu.memory_space<vmem_shared>>
        tpu.wait_indirect_dma semaphore(%arg13 : memref<!tpu.dma_semaphore, #tpu.memory_space<semaphore_mem>>) src(%dma_wait3A_284 : memref<128x64xf32, #tpu.memory_space<vmem>>) dst(%dma_wait3A_290 : memref<10240x64xf32, #tpu.memory_space<vmem_shared>>)
      } else {
      }
      %add3A_273 = arith.constant 3 : i32
      %add3A_274 = arith.addi %scan3A_250, %add3A_273 : i32
      %lt3A = arith.constant 32 : i32
      %lt3A_275 = arith.cmpi slt, %add3A_274, %lt3A : i32
      %convert_element_type3A_276 = arith.extui %lt3A_275 : i1 to i32
      %cond3A_277 = arith.constant 0 : i32
      %cond3A_278 = arith.cmpi ne, %convert_element_type3A_276, %cond3A_277 : i32
      scf.if %cond3A_278 {
        %rem3A_279 = arith.constant 5 : i32
        %rem3A_280 = arith.remsi %add3A_274, %rem3A_279 : i32
        %dma_start3A_281 = arith.constant 0 : i32
        %dma_start3A_282 = arith.constant 0 : i32
        %dma_start3A_283 = tpu.memref_slice %arg9[%rem3A_280, %dma_start3A_281, %dma_start3A_282] : memref<5x128x64xf32, #tpu.memory_space<vmem>> -> memref<1x128x64xf32, #tpu.memory_space<vmem>>
        %dma_start3A_284 = tpu.memref_squeeze %dma_start3A_283 : memref<1x128x64xf32, #tpu.memory_space<vmem>> -> memref<128x64xf32, #tpu.memory_space<vmem>>
        %dma_start3A_285 = arith.constant 0 : i32
        %dma_start3A_286 = tpu.memref_slice %arg7[%add3A_274, %dma_start3A_285] : memref<32x128xi32, #tpu.memory_space<vmem>> -> memref<1x128xi32, #tpu.memory_space<vmem>>
        %dma_start3A_287 = tpu.memref_squeeze %dma_start3A_286 : memref<1x128xi32, #tpu.memory_space<vmem>> -> memref<128xi32, #tpu.memory_space<vmem>>
        %dma_start3A_288 = arith.constant 0 : i32
        %dma_start3A_289 = arith.constant 0 : i32
        %dma_start3A_290 = tpu.memref_slice %arg10[%dma_start3A_288, %dma_start3A_289] : memref<10000x64xf32, #tpu.memory_space<vmem_shared>> -> memref<10000x64xf32, #tpu.memory_space<vmem_shared>>
        tpu.enqueue_indirect_dma source(%dma_start3A_290 : memref<10000x64xf32, #tpu.memory_space<vmem_shared>>) target(%dma_start3A_284 : memref<128x64xf32, #tpu.memory_space<vmem>>) offsets(%dma_start3A_287 : memref<128xi32, #tpu.memory_space<vmem>>) semaphore(%arg12 : memref<!tpu.dma_semaphore, #tpu.memory_space<semaphore_mem>>)
      } else {
      }
    }
    %scan3A_238 = arith.constant 32 : i32
    %scan3A_239 = arith.constant 0 : i32
    %scan3A_240 = arith.constant 0 : i32
    %scan3A_241 = arith.constant 2 : i32
    %scan3A_242 = arith.addi %scan3A_240, %scan3A_241 : i32
    %scan3A_243 = arith.constant 1 : i32
    scf.for %scan3A_250 = %scan3A_240 to %scan3A_242 step %scan3A_243  : i32 {
      %dma_wait3A = arith.constant 0 : i32
      %dma_wait3A_251 = arith.constant 0 : i32
      %dma_wait3A_252 = arith.constant 0 : i32
      %dma_wait3A_253 = arith.constant 0 : i32
      %dma_wait3A_254 = tpu.memref_slice %arg9[%dma_wait3A, %dma_wait3A_252, %dma_wait3A_253] : memref<5x128x64xf32, #tpu.memory_space<vmem>> -> memref<1x128x64xf32, #tpu.memory_space<vmem>>
      %dma_wait3A_255 = tpu.memref_squeeze %dma_wait3A_254 : memref<1x128x64xf32, #tpu.memory_space<vmem>> -> memref<128x64xf32, #tpu.memory_space<vmem>>
      %dma_wait3A_256 = arith.constant 0 : i32
      %dma_wait3A_257 = tpu.memref_slice %arg8[%dma_wait3A_251, %dma_wait3A_256] : memref<32x128xi32, #tpu.memory_space<vmem>> -> memref<1x128xi32, #tpu.memory_space<vmem>>
      %dma_wait3A_258 = tpu.memref_squeeze %dma_wait3A_257 : memref<1x128xi32, #tpu.memory_space<vmem>> -> memref<128xi32, #tpu.memory_space<vmem>>
      %dma_wait3A_259 = arith.constant 0 : i32
      %dma_wait3A_260 = arith.constant 0 : i32
      %dma_wait3A_261 = tpu.memref_slice %arg11[%dma_wait3A_259, %dma_wait3A_260] : memref<10240x64xf32, #tpu.memory_space<vmem_shared>> -> memref<10240x64xf32, #tpu.memory_space<vmem_shared>>
      tpu.wait_indirect_dma semaphore(%arg13 : memref<!tpu.dma_semaphore, #tpu.memory_space<semaphore_mem>>) src(%dma_wait3A_255 : memref<128x64xf32, #tpu.memory_space<vmem>>) dst(%dma_wait3A_261 : memref<10240x64xf32, #tpu.memory_space<vmem_shared>>)
    }
    %scan3A_244 = arith.constant 2 : i32
    %barrier3A_245 = arith.constant 0 : index
    tpu.barrier barrier_id(%barrier3A_245)
    %mul3A_246 = arith.constant 640 : i32
    %mul3A_247 = arith.muli %arg1, %mul3A_246 : i32
    %mul3A_248 = arith.constant 640 : i32
    %mul3A_249 = arith.muli %arg1, %mul3A_248 : i32
    "tpu.region"() ({
      %run_scoped3A = tpu.sem_alloc : memref<!tpu.dma_semaphore, #tpu.memory_space<semaphore_mem>>
      %dma_start3A_250 = arith.constant 0 : i32
      %dma_start3A_251 = tpu.memref_slice %arg6[%arg0, %mul3A_249, %dma_start3A_250] : memref<2x10240x64xf32, #tpu.memory_space<hbm>> -> memref<1x640x64xf32, #tpu.memory_space<hbm>>
      %dma_start3A_252 = tpu.memref_squeeze %dma_start3A_251 : memref<1x640x64xf32, #tpu.memory_space<hbm>> -> memref<640x64xf32, #tpu.memory_space<hbm>>
      %dma_start3A_253 = arith.constant 0 : i32
      %dma_start3A_254 = tpu.memref_slice %arg11[%mul3A_247, %dma_start3A_253] : memref<10240x64xf32, #tpu.memory_space<vmem_shared>> -> memref<640x64xf32, #tpu.memory_space<vmem_shared>>
      tpu.enqueue_dma source(%dma_start3A_254 : memref<640x64xf32, #tpu.memory_space<vmem_shared>>) target(%dma_start3A_252 : memref<640x64xf32, #tpu.memory_space<hbm>>) target_semaphore(%run_scoped3A : memref<!tpu.dma_semaphore, #tpu.memory_space<semaphore_mem>>)
      %dma_wait3A = arith.constant 0 : i32
      %dma_wait3A_255 = tpu.memref_slice %arg6[%arg0, %mul3A_249, %dma_wait3A] : memref<2x10240x64xf32, #tpu.memory_space<hbm>> -> memref<1x640x64xf32, #tpu.memory_space<hbm>>
      %dma_wait3A_256 = tpu.memref_squeeze %dma_wait3A_255 : memref<1x640x64xf32, #tpu.memory_space<hbm>> -> memref<640x64xf32, #tpu.memory_space<hbm>>
      %dma_wait3A_257 = arith.constant 0 : i32
      %dma_wait3A_258 = tpu.memref_slice %arg11[%mul3A_247, %dma_wait3A_257] : memref<10240x64xf32, #tpu.memory_space<vmem_shared>> -> memref<640x64xf32, #tpu.memory_space<vmem_shared>>
      tpu.wait_dma2 semaphore(%run_scoped3A : memref<!tpu.dma_semaphore, #tpu.memory_space<semaphore_mem>>) src(%dma_wait3A_258 : memref<640x64xf32, #tpu.memory_space<vmem_shared>>) dst(%dma_wait3A_256 : memref<640x64xf32, #tpu.memory_space<hbm>>)
      tpu.yield
    }) : () -> ()
    return
  }
}

#map = affine_map<(d0, d1) -> (0, 0)>
#map1 = affine_map<(d0, d1) -> (0, 0, 0)>
module attributes {stable_mosaic.version = 14 : i64} {
  func.func @_prop_body(%arg0: i32, %arg1: i32, %arg2: memref<20000x64xf32, #tpu.memory_space<hbm>>, %arg3: memref<16x160x128xi32, #tpu.memory_space<hbm>>, %arg4: memref<16x160x128xi32, #tpu.memory_space<hbm>>, %arg5: memref<640x64xf32, #tpu.memory_space<hbm>>, %arg6: memref<2x10240x64xf32, #tpu.memory_space<hbm>>, %arg7: memref<32x128xi32, #tpu.memory_space<vmem>>, %arg8: memref<32x128xi32, #tpu.memory_space<vmem>>, %arg9: memref<5x128x64xf32, #tpu.memory_space<vmem>>, %arg10: memref<10000x64xf32, #tpu.memory_space<vmem_shared>>, %arg11: memref<10240x64xf32, #tpu.memory_space<vmem_shared>>, %arg12: memref<!tpu.dma_semaphore, #tpu.memory_space<semaphore_mem>>, %arg13: memref<!tpu.dma_semaphore, #tpu.memory_space<semaphore_mem>>) attributes {dimension_semantics = [#tpu.dimension_semantics<core_parallel>, #tpu.dimension_semantics<subcore_parallel>], iteration_bounds = array<i64: 2, 16>, scalar_prefetch = 0 : i64, scratch_operands = 7 : i64, tpu.core_type = #tpu.core_type<sc_vector_subcore>, window_params = [{transform_indices = #map}, {transform_indices = #map1}, {transform_indices = #map1}, {transform_indices = #map}, {transform_indices = #map1}]} {
    %mul3A = arith.constant 640 : i32
    %mul3A_0 = arith.muli %arg1, %mul3A : i32
    "tpu.region"() ({
      %run_scoped3A = tpu.sem_alloc : memref<!tpu.dma_semaphore, #tpu.memory_space<semaphore_mem>>
      %dma_start3A_250 = arith.constant 0 : i32
      %dma_start3A_251 = tpu.memref_slice %arg11[%mul3A_0, %dma_start3A_250] : memref<10240x64xf32, #tpu.memory_space<vmem_shared>> -> memref<640x64xf32, #tpu.memory_space<vmem_shared>>
      tpu.enqueue_dma source(%arg5 : memref<640x64xf32, #tpu.memory_space<hbm>>) target(%dma_start3A_251 : memref<640x64xf32, #tpu.memory_space<vmem_shared>>) target_semaphore(%run_scoped3A : memref<!tpu.dma_semaphore, #tpu.memory_space<semaphore_mem>>)
      %dma_wait3A = arith.constant 0 : i32
      %dma_wait3A_252 = tpu.memref_slice %arg11[%mul3A_0, %dma_wait3A] : memref<10240x64xf32, #tpu.memory_space<vmem_shared>> -> memref<640x64xf32, #tpu.memory_space<vmem_shared>>
      tpu.wait_dma2 semaphore(%run_scoped3A : memref<!tpu.dma_semaphore, #tpu.memory_space<semaphore_mem>>) src(%arg5 : memref<640x64xf32, #tpu.memory_space<hbm>>) dst(%dma_wait3A_252 : memref<640x64xf32, #tpu.memory_space<vmem_shared>>)
      tpu.yield
    }) : () -> ()
    %mul3A_1 = arith.constant 10000 : i32
    %mul3A_2 = arith.muli %arg0, %mul3A_1 : i32
    %mul3A_3 = arith.constant 625 : i32
    %mul3A_4 = arith.muli %arg1, %mul3A_3 : i32
    %add3A = arith.addi %mul3A_2, %mul3A_4 : i32
    %mul3A_5 = arith.constant 625 : i32
    %mul3A_6 = arith.muli %arg1, %mul3A_5 : i32
    "tpu.region"() ({
      %run_scoped3A = tpu.sem_alloc : memref<!tpu.dma_semaphore, #tpu.memory_space<semaphore_mem>>
      %dma_start3A_250 = arith.constant 0 : i32
      %dma_start3A_251 = tpu.memref_slice %arg10[%mul3A_6, %dma_start3A_250] : memref<10000x64xf32, #tpu.memory_space<vmem_shared>> -> memref<625x64xf32, #tpu.memory_space<vmem_shared>>
      %dma_start3A_252 = arith.constant 0 : i32
      %dma_start3A_253 = tpu.memref_slice %arg2[%add3A, %dma_start3A_252] : memref<20000x64xf32, #tpu.memory_space<hbm>> -> memref<625x64xf32, #tpu.memory_space<hbm>>
      tpu.enqueue_dma source(%dma_start3A_253 : memref<625x64xf32, #tpu.memory_space<hbm>>) target(%dma_start3A_251 : memref<625x64xf32, #tpu.memory_space<vmem_shared>>) target_semaphore(%run_scoped3A : memref<!tpu.dma_semaphore, #tpu.memory_space<semaphore_mem>>)
      %dma_wait3A = arith.constant 0 : i32
      %dma_wait3A_254 = tpu.memref_slice %arg10[%mul3A_6, %dma_wait3A] : memref<10000x64xf32, #tpu.memory_space<vmem_shared>> -> memref<625x64xf32, #tpu.memory_space<vmem_shared>>
      %dma_wait3A_255 = arith.constant 0 : i32
      %dma_wait3A_256 = tpu.memref_slice %arg2[%add3A, %dma_wait3A_255] : memref<20000x64xf32, #tpu.memory_space<hbm>> -> memref<625x64xf32, #tpu.memory_space<hbm>>
      tpu.wait_dma2 semaphore(%run_scoped3A : memref<!tpu.dma_semaphore, #tpu.memory_space<semaphore_mem>>) src(%dma_wait3A_256 : memref<625x64xf32, #tpu.memory_space<hbm>>) dst(%dma_wait3A_254 : memref<625x64xf32, #tpu.memory_space<vmem_shared>>)
      tpu.yield
    }) : () -> ()
    %barrier3A = arith.constant 0 : index
    tpu.barrier barrier_id(%barrier3A)
    "tpu.region"() ({
      %run_scoped3A = tpu.sem_alloc : memref<!tpu.dma_semaphore, #tpu.memory_space<semaphore_mem>>
      %dma_start3A_250 = arith.constant 0 : i32
      %dma_start3A_251 = arith.constant 0 : i32
      %dma_start3A_252 = tpu.memref_slice %arg3[%arg1, %dma_start3A_250, %dma_start3A_251] : memref<16x160x128xi32, #tpu.memory_space<hbm>> -> memref<1x32x128xi32, #tpu.memory_space<hbm>>
      %dma_start3A_253 = tpu.memref_squeeze %dma_start3A_252 : memref<1x32x128xi32, #tpu.memory_space<hbm>> -> memref<32x128xi32, #tpu.memory_space<hbm>>
      %dma_start3A_254 = arith.constant 0 : i32
      %dma_start3A_255 = arith.constant 0 : i32
      %dma_start3A_256 = tpu.memref_slice %arg3[%arg1, %dma_start3A_254, %dma_start3A_255] : memref<16x160x128xi32, #tpu.memory_space<hbm>> -> memref<1x32x128xi32, #tpu.memory_space<hbm>>
      %dma_start3A_257 = tpu.memref_squeeze %dma_start3A_256 : memref<1x32x128xi32, #tpu.memory_space<hbm>> -> memref<32x128xi32, #tpu.memory_space<hbm>>
      tpu.enqueue_dma source(%dma_start3A_257 : memref<32x128xi32, #tpu.memory_space<hbm>>) target(%arg7 : memref<32x128xi32, #tpu.memory_space<vmem>>) target_semaphore(%run_scoped3A : memref<!tpu.dma_semaphore, #tpu.memory_space<semaphore_mem>>)
      %dma_wait3A = arith.constant 0 : i32
      %dma_wait3A_258 = arith.constant 0 : i32
      %dma_wait3A_259 = tpu.memref_slice %arg3[%arg1, %dma_wait3A, %dma_wait3A_258] : memref<16x160x128xi32, #tpu.memory_space<hbm>> -> memref<1x32x128xi32, #tpu.memory_space<hbm>>
      %dma_wait3A_260 = tpu.memref_squeeze %dma_wait3A_259 : memref<1x32x128xi32, #tpu.memory_space<hbm>> -> memref<32x128xi32, #tpu.memory_space<hbm>>
      %dma_wait3A_261 = arith.constant 0 : i32
      %dma_wait3A_262 = arith.constant 0 : i32
      %dma_wait3A_263 = tpu.memref_slice %arg3[%arg1, %dma_wait3A_261, %dma_wait3A_262] : memref<16x160x128xi32, #tpu.memory_space<hbm>> -> memref<1x32x128xi32, #tpu.memory_space<hbm>>
      %dma_wait3A_264 = tpu.memref_squeeze %dma_wait3A_263 : memref<1x32x128xi32, #tpu.memory_space<hbm>> -> memref<32x128xi32, #tpu.memory_space<hbm>>
      tpu.wait_dma2 semaphore(%run_scoped3A : memref<!tpu.dma_semaphore, #tpu.memory_space<semaphore_mem>>) src(%dma_wait3A_264 : memref<32x128xi32, #tpu.memory_space<hbm>>) dst(%arg7 : memref<32x128xi32, #tpu.memory_space<vmem>>)
      tpu.yield
    }) : () -> ()
    "tpu.region"() ({
      %run_scoped3A = tpu.sem_alloc : memref<!tpu.dma_semaphore, #tpu.memory_space<semaphore_mem>>
      %dma_start3A_250 = arith.constant 0 : i32
      %dma_start3A_251 = arith.constant 0 : i32
      %dma_start3A_252 = tpu.memref_slice %arg4[%arg1, %dma_start3A_250, %dma_start3A_251] : memref<16x160x128xi32, #tpu.memory_space<hbm>> -> memref<1x32x128xi32, #tpu.memory_space<hbm>>
      %dma_start3A_253 = tpu.memref_squeeze %dma_start3A_252 : memref<1x32x128xi32, #tpu.memory_space<hbm>> -> memref<32x128xi32, #tpu.memory_space<hbm>>
      %dma_start3A_254 = arith.constant 0 : i32
      %dma_start3A_255 = arith.constant 0 : i32
      %dma_start3A_256 = tpu.memref_slice %arg4[%arg1, %dma_start3A_254, %dma_start3A_255] : memref<16x160x128xi32, #tpu.memory_space<hbm>> -> memref<1x32x128xi32, #tpu.memory_space<hbm>>
      %dma_start3A_257 = tpu.memref_squeeze %dma_start3A_256 : memref<1x32x128xi32, #tpu.memory_space<hbm>> -> memref<32x128xi32, #tpu.memory_space<hbm>>
      tpu.enqueue_dma source(%dma_start3A_257 : memref<32x128xi32, #tpu.memory_space<hbm>>) target(%arg8 : memref<32x128xi32, #tpu.memory_space<vmem>>) target_semaphore(%run_scoped3A : memref<!tpu.dma_semaphore, #tpu.memory_space<semaphore_mem>>)
      %dma_wait3A = arith.constant 0 : i32
      %dma_wait3A_258 = arith.constant 0 : i32
      %dma_wait3A_259 = tpu.memref_slice %arg4[%arg1, %dma_wait3A, %dma_wait3A_258] : memref<16x160x128xi32, #tpu.memory_space<hbm>> -> memref<1x32x128xi32, #tpu.memory_space<hbm>>
      %dma_wait3A_260 = tpu.memref_squeeze %dma_wait3A_259 : memref<1x32x128xi32, #tpu.memory_space<hbm>> -> memref<32x128xi32, #tpu.memory_space<hbm>>
      %dma_wait3A_261 = arith.constant 0 : i32
      %dma_wait3A_262 = arith.constant 0 : i32
      %dma_wait3A_263 = tpu.memref_slice %arg4[%arg1, %dma_wait3A_261, %dma_wait3A_262] : memref<16x160x128xi32, #tpu.memory_space<hbm>> -> memref<1x32x128xi32, #tpu.memory_space<hbm>>
      %dma_wait3A_264 = tpu.memref_squeeze %dma_wait3A_263 : memref<1x32x128xi32, #tpu.memory_space<hbm>> -> memref<32x128xi32, #tpu.memory_space<hbm>>
      tpu.wait_dma2 semaphore(%run_scoped3A : memref<!tpu.dma_semaphore, #tpu.memory_space<semaphore_mem>>) src(%dma_wait3A_264 : memref<32x128xi32, #tpu.memory_space<hbm>>) dst(%arg8 : memref<32x128xi32, #tpu.memory_space<vmem>>)
      tpu.yield
    }) : () -> ()
    %dma_start3A = arith.constant 0 : i32
    %dma_start3A_7 = arith.constant 0 : i32
    %dma_start3A_8 = arith.constant 0 : i32
    %dma_start3A_9 = arith.constant 0 : i32
    %dma_start3A_10 = tpu.memref_slice %arg9[%dma_start3A_7, %dma_start3A_8, %dma_start3A_9] : memref<5x128x64xf32, #tpu.memory_space<vmem>> -> memref<1x128x64xf32, #tpu.memory_space<vmem>>
    %dma_start3A_11 = tpu.memref_squeeze %dma_start3A_10 : memref<1x128x64xf32, #tpu.memory_space<vmem>> -> memref<128x64xf32, #tpu.memory_space<vmem>>
    %dma_start3A_12 = arith.constant 0 : i32
    %dma_start3A_13 = tpu.memref_slice %arg7[%dma_start3A, %dma_start3A_12] : memref<32x128xi32, #tpu.memory_space<vmem>> -> memref<1x128xi32, #tpu.memory_space<vmem>>
    %dma_start3A_14 = tpu.memref_squeeze %dma_start3A_13 : memref<1x128xi32, #tpu.memory_space<vmem>> -> memref<128xi32, #tpu.memory_space<vmem>>
    %dma_start3A_15 = arith.constant 0 : i32
    %dma_start3A_16 = arith.constant 0 : i32
    %dma_start3A_17 = tpu.memref_slice %arg10[%dma_start3A_15, %dma_start3A_16] : memref<10000x64xf32, #tpu.memory_space<vmem_shared>> -> memref<10000x64xf32, #tpu.memory_space<vmem_shared>>
    tpu.enqueue_indirect_dma source(%dma_start3A_17 : memref<10000x64xf32, #tpu.memory_space<vmem_shared>>) target(%dma_start3A_11 : memref<128x64xf32, #tpu.memory_space<vmem>>) offsets(%dma_start3A_14 : memref<128xi32, #tpu.memory_space<vmem>>) semaphore(%arg12 : memref<!tpu.dma_semaphore, #tpu.memory_space<semaphore_mem>>)
    %dma_start3A_18 = arith.constant 1 : i32
    %dma_start3A_19 = arith.constant 1 : i32
    %dma_start3A_20 = arith.constant 0 : i32
    %dma_start3A_21 = arith.constant 0 : i32
    %dma_start3A_22 = tpu.memref_slice %arg9[%dma_start3A_19, %dma_start3A_20, %dma_start3A_21] : memref<5x128x64xf32, #tpu.memory_space<vmem>> -> memref<1x128x64xf32, #tpu.memory_space<vmem>>
    %dma_start3A_23 = tpu.memref_squeeze %dma_start3A_22 : memref<1x128x64xf32, #tpu.memory_space<vmem>> -> memref<128x64xf32, #tpu.memory_space<vmem>>
    %dma_start3A_24 = arith.constant 0 : i32
    %dma_start3A_25 = tpu.memref_slice %arg7[%dma_start3A_18, %dma_start3A_24] : memref<32x128xi32, #tpu.memory_space<vmem>> -> memref<1x128xi32, #tpu.memory_space<vmem>>
    %dma_start3A_26 = tpu.memref_squeeze %dma_start3A_25 : memref<1x128xi32, #tpu.memory_space<vmem>> -> memref<128xi32, #tpu.memory_space<vmem>>
    %dma_start3A_27 = arith.constant 0 : i32
    %dma_start3A_28 = arith.constant 0 : i32
    %dma_start3A_29 = tpu.memref_slice %arg10[%dma_start3A_27, %dma_start3A_28] : memref<10000x64xf32, #tpu.memory_space<vmem_shared>> -> memref<10000x64xf32, #tpu.memory_space<vmem_shared>>
    tpu.enqueue_indirect_dma source(%dma_start3A_29 : memref<10000x64xf32, #tpu.memory_space<vmem_shared>>) target(%dma_start3A_23 : memref<128x64xf32, #tpu.memory_space<vmem>>) offsets(%dma_start3A_26 : memref<128xi32, #tpu.memory_space<vmem>>) semaphore(%arg12 : memref<!tpu.dma_semaphore, #tpu.memory_space<semaphore_mem>>)
    %dma_start3A_30 = arith.constant 2 : i32
    %dma_start3A_31 = arith.constant 2 : i32
    %dma_start3A_32 = arith.constant 0 : i32
    %dma_start3A_33 = arith.constant 0 : i32
    %dma_start3A_34 = tpu.memref_slice %arg9[%dma_start3A_31, %dma_start3A_32, %dma_start3A_33] : memref<5x128x64xf32, #tpu.memory_space<vmem>> -> memref<1x128x64xf32, #tpu.memory_space<vmem>>
    %dma_start3A_35 = tpu.memref_squeeze %dma_start3A_34 : memref<1x128x64xf32, #tpu.memory_space<vmem>> -> memref<128x64xf32, #tpu.memory_space<vmem>>
    %dma_start3A_36 = arith.constant 0 : i32
    %dma_start3A_37 = tpu.memref_slice %arg7[%dma_start3A_30, %dma_start3A_36] : memref<32x128xi32, #tpu.memory_space<vmem>> -> memref<1x128xi32, #tpu.memory_space<vmem>>
    %dma_start3A_38 = tpu.memref_squeeze %dma_start3A_37 : memref<1x128xi32, #tpu.memory_space<vmem>> -> memref<128xi32, #tpu.memory_space<vmem>>
    %dma_start3A_39 = arith.constant 0 : i32
    %dma_start3A_40 = arith.constant 0 : i32
    %dma_start3A_41 = tpu.memref_slice %arg10[%dma_start3A_39, %dma_start3A_40] : memref<10000x64xf32, #tpu.memory_space<vmem_shared>> -> memref<10000x64xf32, #tpu.memory_space<vmem_shared>>
    tpu.enqueue_indirect_dma source(%dma_start3A_41 : memref<10000x64xf32, #tpu.memory_space<vmem_shared>>) target(%dma_start3A_35 : memref<128x64xf32, #tpu.memory_space<vmem>>) offsets(%dma_start3A_38 : memref<128xi32, #tpu.memory_space<vmem>>) semaphore(%arg12 : memref<!tpu.dma_semaphore, #tpu.memory_space<semaphore_mem>>)
    %scan3A = arith.constant 0 : i32
    %scan3A_42 = arith.constant 0 : i32
    %scan3A_43 = arith.constant 32 : i32
    %scan3A_44 = arith.addi %scan3A_42, %scan3A_43 : i32
    %scan3A_45 = arith.constant 1 : i32
    scf.for %scan3A_250 = %scan3A_42 to %scan3A_44 step %scan3A_45  : i32 {
      %rem3A = arith.constant 5 : i32
      %rem3A_251 = arith.remsi %scan3A_250, %rem3A : i32
      %dma_wait3A = arith.constant 0 : i32
      %dma_wait3A_252 = arith.constant 0 : i32
      %dma_wait3A_253 = tpu.memref_slice %arg9[%rem3A_251, %dma_wait3A, %dma_wait3A_252] : memref<5x128x64xf32, #tpu.memory_space<vmem>> -> memref<1x128x64xf32, #tpu.memory_space<vmem>>
      %dma_wait3A_254 = tpu.memref_squeeze %dma_wait3A_253 : memref<1x128x64xf32, #tpu.memory_space<vmem>> -> memref<128x64xf32, #tpu.memory_space<vmem>>
      %dma_wait3A_255 = arith.constant 0 : i32
      %dma_wait3A_256 = tpu.memref_slice %arg7[%scan3A_250, %dma_wait3A_255] : memref<32x128xi32, #tpu.memory_space<vmem>> -> memref<1x128xi32, #tpu.memory_space<vmem>>
      %dma_wait3A_257 = tpu.memref_squeeze %dma_wait3A_256 : memref<1x128xi32, #tpu.memory_space<vmem>> -> memref<128xi32, #tpu.memory_space<vmem>>
      %dma_wait3A_258 = arith.constant 0 : i32
      %dma_wait3A_259 = arith.constant 0 : i32
      %dma_wait3A_260 = tpu.memref_slice %arg10[%dma_wait3A_258, %dma_wait3A_259] : memref<10000x64xf32, #tpu.memory_space<vmem_shared>> -> memref<10000x64xf32, #tpu.memory_space<vmem_shared>>
      tpu.wait_indirect_dma semaphore(%arg12 : memref<!tpu.dma_semaphore, #tpu.memory_space<semaphore_mem>>) src(%dma_wait3A_260 : memref<10000x64xf32, #tpu.memory_space<vmem_shared>>) dst(%dma_wait3A_254 : memref<128x64xf32, #tpu.memory_space<vmem>>)
      %dma_start3A_261 = arith.constant 0 : i32
      %dma_start3A_262 = arith.constant 0 : i32
      %dma_start3A_263 = tpu.memref_slice %arg9[%rem3A_251, %dma_start3A_261, %dma_start3A_262] : memref<5x128x64xf32, #tpu.memory_space<vmem>> -> memref<1x128x64xf32, #tpu.memory_space<vmem>>
      %dma_start3A_264 = tpu.memref_squeeze %dma_start3A_263 : memref<1x128x64xf32, #tpu.memory_space<vmem>> -> memref<128x64xf32, #tpu.memory_space<vmem>>
      %dma_start3A_265 = arith.constant 0 : i32
      %dma_start3A_266 = tpu.memref_slice %arg8[%scan3A_250, %dma_start3A_265] : memref<32x128xi32, #tpu.memory_space<vmem>> -> memref<1x128xi32, #tpu.memory_space<vmem>>
      %dma_start3A_267 = tpu.memref_squeeze %dma_start3A_266 : memref<1x128xi32, #tpu.memory_space<vmem>> -> memref<128xi32, #tpu.memory_space<vmem>>
      %dma_start3A_268 = arith.constant 0 : i32
      %dma_start3A_269 = arith.constant 0 : i32
      %dma_start3A_270 = tpu.memref_slice %arg11[%dma_start3A_268, %dma_start3A_269] : memref<10240x64xf32, #tpu.memory_space<vmem_shared>> -> memref<10240x64xf32, #tpu.memory_space<vmem_shared>>
      tpu.enqueue_indirect_dma source(%dma_start3A_264 : memref<128x64xf32, #tpu.memory_space<vmem>>) target(%dma_start3A_270 : memref<10240x64xf32, #tpu.memory_space<vmem_shared>>) offsets(%dma_start3A_267 : memref<128xi32, #tpu.memory_space<vmem>>) semaphore(%arg13 : memref<!tpu.dma_semaphore, #tpu.memory_space<semaphore_mem>>) {add = true}
      %ge3A = arith.constant 2 : i32
      %ge3A_271 = arith.cmpi sge, %scan3A_250, %ge3A : i32
      %convert_element_type3A = arith.extui %ge3A_271 : i1 to i32
      %cond3A = arith.constant 0 : i32
      %cond3A_272 = arith.cmpi ne, %convert_element_type3A, %cond3A : i32
      scf.if %cond3A_272 {
        %dma_wait3A_279 = arith.constant 0 : i32
        %dma_wait3A_280 = arith.constant 0 : i32
        %dma_wait3A_281 = arith.constant 0 : i32
        %dma_wait3A_282 = arith.constant 0 : i32
        %dma_wait3A_283 = tpu.memref_slice %arg9[%dma_wait3A_279, %dma_wait3A_281, %dma_wait3A_282] : memref<5x128x64xf32, #tpu.memory_space<vmem>> -> memref<1x128x64xf32, #tpu.memory_space<vmem>>
        %dma_wait3A_284 = tpu.memref_squeeze %dma_wait3A_283 : memref<1x128x64xf32, #tpu.memory_space<vmem>> -> memref<128x64xf32, #tpu.memory_space<vmem>>
        %dma_wait3A_285 = arith.constant 0 : i32
        %dma_wait3A_286 = tpu.memref_slice %arg8[%dma_wait3A_280, %dma_wait3A_285] : memref<32x128xi32, #tpu.memory_space<vmem>> -> memref<1x128xi32, #tpu.memory_space<vmem>>
        %dma_wait3A_287 = tpu.memref_squeeze %dma_wait3A_286 : memref<1x128xi32, #tpu.memory_space<vmem>> -> memref<128xi32, #tpu.memory_space<vmem>>
        %dma_wait3A_288 = arith.constant 0 : i32
        %dma_wait3A_289 = arith.constant 0 : i32
        %dma_wait3A_290 = tpu.memref_slice %arg11[%dma_wait3A_288, %dma_wait3A_289] : memref<10240x64xf32, #tpu.memory_space<vmem_shared>> -> memref<10240x64xf32, #tpu.memory_space<vmem_shared>>
        tpu.wait_indirect_dma semaphore(%arg13 : memref<!tpu.dma_semaphore, #tpu.memory_space<semaphore_mem>>) src(%dma_wait3A_284 : memref<128x64xf32, #tpu.memory_space<vmem>>) dst(%dma_wait3A_290 : memref<10240x64xf32, #tpu.memory_space<vmem_shared>>)
      } else {
      }
      %add3A_273 = arith.constant 3 : i32
      %add3A_274 = arith.addi %scan3A_250, %add3A_273 : i32
      %lt3A = arith.constant 32 : i32
      %lt3A_275 = arith.cmpi slt, %add3A_274, %lt3A : i32
      %convert_element_type3A_276 = arith.extui %lt3A_275 : i1 to i32
      %cond3A_277 = arith.constant 0 : i32
      %cond3A_278 = arith.cmpi ne, %convert_element_type3A_276, %cond3A_277 : i32
      scf.if %cond3A_278 {
        %rem3A_279 = arith.constant 5 : i32
        %rem3A_280 = arith.remsi %add3A_274, %rem3A_279 : i32
        %dma_start3A_281 = arith.constant 0 : i32
        %dma_start3A_282 = arith.constant 0 : i32
        %dma_start3A_283 = tpu.memref_slice %arg9[%rem3A_280, %dma_start3A_281, %dma_start3A_282] : memref<5x128x64xf32, #tpu.memory_space<vmem>> -> memref<1x128x64xf32, #tpu.memory_space<vmem>>
        %dma_start3A_284 = tpu.memref_squeeze %dma_start3A_283 : memref<1x128x64xf32, #tpu.memory_space<vmem>> -> memref<128x64xf32, #tpu.memory_space<vmem>>
        %dma_start3A_285 = arith.constant 0 : i32
        %dma_start3A_286 = tpu.memref_slice %arg7[%add3A_274, %dma_start3A_285] : memref<32x128xi32, #tpu.memory_space<vmem>> -> memref<1x128xi32, #tpu.memory_space<vmem>>
        %dma_start3A_287 = tpu.memref_squeeze %dma_start3A_286 : memref<1x128xi32, #tpu.memory_space<vmem>> -> memref<128xi32, #tpu.memory_space<vmem>>
        %dma_start3A_288 = arith.constant 0 : i32
        %dma_start3A_289 = arith.constant 0 : i32
        %dma_start3A_290 = tpu.memref_slice %arg10[%dma_start3A_288, %dma_start3A_289] : memref<10000x64xf32, #tpu.memory_space<vmem_shared>> -> memref<10000x64xf32, #tpu.memory_space<vmem_shared>>
        tpu.enqueue_indirect_dma source(%dma_start3A_290 : memref<10000x64xf32, #tpu.memory_space<vmem_shared>>) target(%dma_start3A_284 : memref<128x64xf32, #tpu.memory_space<vmem>>) offsets(%dma_start3A_287 : memref<128xi32, #tpu.memory_space<vmem>>) semaphore(%arg12 : memref<!tpu.dma_semaphore, #tpu.memory_space<semaphore_mem>>)
      } else {
      }
    }
    %scan3A_46 = arith.constant 32 : i32
    %scan3A_47 = arith.constant 0 : i32
    %scan3A_48 = arith.constant 0 : i32
    %scan3A_49 = arith.constant 2 : i32
    %scan3A_50 = arith.addi %scan3A_48, %scan3A_49 : i32
    %scan3A_51 = arith.constant 1 : i32
    scf.for %scan3A_250 = %scan3A_48 to %scan3A_50 step %scan3A_51  : i32 {
      %dma_wait3A = arith.constant 0 : i32
      %dma_wait3A_251 = arith.constant 0 : i32
      %dma_wait3A_252 = arith.constant 0 : i32
      %dma_wait3A_253 = arith.constant 0 : i32
      %dma_wait3A_254 = tpu.memref_slice %arg9[%dma_wait3A, %dma_wait3A_252, %dma_wait3A_253] : memref<5x128x64xf32, #tpu.memory_space<vmem>> -> memref<1x128x64xf32, #tpu.memory_space<vmem>>
      %dma_wait3A_255 = tpu.memref_squeeze %dma_wait3A_254 : memref<1x128x64xf32, #tpu.memory_space<vmem>> -> memref<128x64xf32, #tpu.memory_space<vmem>>
      %dma_wait3A_256 = arith.constant 0 : i32
      %dma_wait3A_257 = tpu.memref_slice %arg8[%dma_wait3A_251, %dma_wait3A_256] : memref<32x128xi32, #tpu.memory_space<vmem>> -> memref<1x128xi32, #tpu.memory_space<vmem>>
      %dma_wait3A_258 = tpu.memref_squeeze %dma_wait3A_257 : memref<1x128xi32, #tpu.memory_space<vmem>> -> memref<128xi32, #tpu.memory_space<vmem>>
      %dma_wait3A_259 = arith.constant 0 : i32
      %dma_wait3A_260 = arith.constant 0 : i32
      %dma_wait3A_261 = tpu.memref_slice %arg11[%dma_wait3A_259, %dma_wait3A_260] : memref<10240x64xf32, #tpu.memory_space<vmem_shared>> -> memref<10240x64xf32, #tpu.memory_space<vmem_shared>>
      tpu.wait_indirect_dma semaphore(%arg13 : memref<!tpu.dma_semaphore, #tpu.memory_space<semaphore_mem>>) src(%dma_wait3A_255 : memref<128x64xf32, #tpu.memory_space<vmem>>) dst(%dma_wait3A_261 : memref<10240x64xf32, #tpu.memory_space<vmem_shared>>)
    }
    %scan3A_52 = arith.constant 2 : i32
    "tpu.region"() ({
      %run_scoped3A = tpu.sem_alloc : memref<!tpu.dma_semaphore, #tpu.memory_space<semaphore_mem>>
      %dma_start3A_250 = arith.constant 32 : i32
      %dma_start3A_251 = arith.constant 0 : i32
      %dma_start3A_252 = tpu.memref_slice %arg3[%arg1, %dma_start3A_250, %dma_start3A_251] : memref<16x160x128xi32, #tpu.memory_space<hbm>> -> memref<1x32x128xi32, #tpu.memory_space<hbm>>
      %dma_start3A_253 = tpu.memref_squeeze %dma_start3A_252 : memref<1x32x128xi32, #tpu.memory_space<hbm>> -> memref<32x128xi32, #tpu.memory_space<hbm>>
      %dma_start3A_254 = arith.constant 32 : i32
      %dma_start3A_255 = arith.constant 0 : i32
      %dma_start3A_256 = tpu.memref_slice %arg3[%arg1, %dma_start3A_254, %dma_start3A_255] : memref<16x160x128xi32, #tpu.memory_space<hbm>> -> memref<1x32x128xi32, #tpu.memory_space<hbm>>
      %dma_start3A_257 = tpu.memref_squeeze %dma_start3A_256 : memref<1x32x128xi32, #tpu.memory_space<hbm>> -> memref<32x128xi32, #tpu.memory_space<hbm>>
      tpu.enqueue_dma source(%dma_start3A_257 : memref<32x128xi32, #tpu.memory_space<hbm>>) target(%arg7 : memref<32x128xi32, #tpu.memory_space<vmem>>) target_semaphore(%run_scoped3A : memref<!tpu.dma_semaphore, #tpu.memory_space<semaphore_mem>>)
      %dma_wait3A = arith.constant 32 : i32
      %dma_wait3A_258 = arith.constant 0 : i32
      %dma_wait3A_259 = tpu.memref_slice %arg3[%arg1, %dma_wait3A, %dma_wait3A_258] : memref<16x160x128xi32, #tpu.memory_space<hbm>> -> memref<1x32x128xi32, #tpu.memory_space<hbm>>
      %dma_wait3A_260 = tpu.memref_squeeze %dma_wait3A_259 : memref<1x32x128xi32, #tpu.memory_space<hbm>> -> memref<32x128xi32, #tpu.memory_space<hbm>>
      %dma_wait3A_261 = arith.constant 32 : i32
      %dma_wait3A_262 = arith.constant 0 : i32
      %dma_wait3A_263 = tpu.memref_slice %arg3[%arg1, %dma_wait3A_261, %dma_wait3A_262] : memref<16x160x128xi32, #tpu.memory_space<hbm>> -> memref<1x32x128xi32, #tpu.memory_space<hbm>>
      %dma_wait3A_264 = tpu.memref_squeeze %dma_wait3A_263 : memref<1x32x128xi32, #tpu.memory_space<hbm>> -> memref<32x128xi32, #tpu.memory_space<hbm>>
      tpu.wait_dma2 semaphore(%run_scoped3A : memref<!tpu.dma_semaphore, #tpu.memory_space<semaphore_mem>>) src(%dma_wait3A_264 : memref<32x128xi32, #tpu.memory_space<hbm>>) dst(%arg7 : memref<32x128xi32, #tpu.memory_space<vmem>>)
      tpu.yield
    }) : () -> ()
    "tpu.region"() ({
      %run_scoped3A = tpu.sem_alloc : memref<!tpu.dma_semaphore, #tpu.memory_space<semaphore_mem>>
      %dma_start3A_250 = arith.constant 32 : i32
      %dma_start3A_251 = arith.constant 0 : i32
      %dma_start3A_252 = tpu.memref_slice %arg4[%arg1, %dma_start3A_250, %dma_start3A_251] : memref<16x160x128xi32, #tpu.memory_space<hbm>> -> memref<1x32x128xi32, #tpu.memory_space<hbm>>
      %dma_start3A_253 = tpu.memref_squeeze %dma_start3A_252 : memref<1x32x128xi32, #tpu.memory_space<hbm>> -> memref<32x128xi32, #tpu.memory_space<hbm>>
      %dma_start3A_254 = arith.constant 32 : i32
      %dma_start3A_255 = arith.constant 0 : i32
      %dma_start3A_256 = tpu.memref_slice %arg4[%arg1, %dma_start3A_254, %dma_start3A_255] : memref<16x160x128xi32, #tpu.memory_space<hbm>> -> memref<1x32x128xi32, #tpu.memory_space<hbm>>
      %dma_start3A_257 = tpu.memref_squeeze %dma_start3A_256 : memref<1x32x128xi32, #tpu.memory_space<hbm>> -> memref<32x128xi32, #tpu.memory_space<hbm>>
      tpu.enqueue_dma source(%dma_start3A_257 : memref<32x128xi32, #tpu.memory_space<hbm>>) target(%arg8 : memref<32x128xi32, #tpu.memory_space<vmem>>) target_semaphore(%run_scoped3A : memref<!tpu.dma_semaphore, #tpu.memory_space<semaphore_mem>>)
      %dma_wait3A = arith.constant 32 : i32
      %dma_wait3A_258 = arith.constant 0 : i32
      %dma_wait3A_259 = tpu.memref_slice %arg4[%arg1, %dma_wait3A, %dma_wait3A_258] : memref<16x160x128xi32, #tpu.memory_space<hbm>> -> memref<1x32x128xi32, #tpu.memory_space<hbm>>
      %dma_wait3A_260 = tpu.memref_squeeze %dma_wait3A_259 : memref<1x32x128xi32, #tpu.memory_space<hbm>> -> memref<32x128xi32, #tpu.memory_space<hbm>>
      %dma_wait3A_261 = arith.constant 32 : i32
      %dma_wait3A_262 = arith.constant 0 : i32
      %dma_wait3A_263 = tpu.memref_slice %arg4[%arg1, %dma_wait3A_261, %dma_wait3A_262] : memref<16x160x128xi32, #tpu.memory_space<hbm>> -> memref<1x32x128xi32, #tpu.memory_space<hbm>>
      %dma_wait3A_264 = tpu.memref_squeeze %dma_wait3A_263 : memref<1x32x128xi32, #tpu.memory_space<hbm>> -> memref<32x128xi32, #tpu.memory_space<hbm>>
      tpu.wait_dma2 semaphore(%run_scoped3A : memref<!tpu.dma_semaphore, #tpu.memory_space<semaphore_mem>>) src(%dma_wait3A_264 : memref<32x128xi32, #tpu.memory_space<hbm>>) dst(%arg8 : memref<32x128xi32, #tpu.memory_space<vmem>>)
      tpu.yield
    }) : () -> ()
    %dma_start3A_53 = arith.constant 0 : i32
    %dma_start3A_54 = arith.constant 0 : i32
    %dma_start3A_55 = arith.constant 0 : i32
    %dma_start3A_56 = arith.constant 0 : i32
    %dma_start3A_57 = tpu.memref_slice %arg9[%dma_start3A_54, %dma_start3A_55, %dma_start3A_56] : memref<5x128x64xf32, #tpu.memory_space<vmem>> -> memref<1x128x64xf32, #tpu.memory_space<vmem>>
    %dma_start3A_58 = tpu.memref_squeeze %dma_start3A_57 : memref<1x128x64xf32, #tpu.memory_space<vmem>> -> memref<128x64xf32, #tpu.memory_space<vmem>>
    %dma_start3A_59 = arith.constant 0 : i32
    %dma_start3A_60 = tpu.memref_slice %arg7[%dma_start3A_53, %dma_start3A_59] : memref<32x128xi32, #tpu.memory_space<vmem>> -> memref<1x128xi32, #tpu.memory_space<vmem>>
    %dma_start3A_61 = tpu.memref_squeeze %dma_start3A_60 : memref<1x128xi32, #tpu.memory_space<vmem>> -> memref<128xi32, #tpu.memory_space<vmem>>
    %dma_start3A_62 = arith.constant 0 : i32
    %dma_start3A_63 = arith.constant 0 : i32
    %dma_start3A_64 = tpu.memref_slice %arg10[%dma_start3A_62, %dma_start3A_63] : memref<10000x64xf32, #tpu.memory_space<vmem_shared>> -> memref<10000x64xf32, #tpu.memory_space<vmem_shared>>
    tpu.enqueue_indirect_dma source(%dma_start3A_64 : memref<10000x64xf32, #tpu.memory_space<vmem_shared>>) target(%dma_start3A_58 : memref<128x64xf32, #tpu.memory_space<vmem>>) offsets(%dma_start3A_61 : memref<128xi32, #tpu.memory_space<vmem>>) semaphore(%arg12 : memref<!tpu.dma_semaphore, #tpu.memory_space<semaphore_mem>>)
    %dma_start3A_65 = arith.constant 1 : i32
    %dma_start3A_66 = arith.constant 1 : i32
    %dma_start3A_67 = arith.constant 0 : i32
    %dma_start3A_68 = arith.constant 0 : i32
    %dma_start3A_69 = tpu.memref_slice %arg9[%dma_start3A_66, %dma_start3A_67, %dma_start3A_68] : memref<5x128x64xf32, #tpu.memory_space<vmem>> -> memref<1x128x64xf32, #tpu.memory_space<vmem>>
    %dma_start3A_70 = tpu.memref_squeeze %dma_start3A_69 : memref<1x128x64xf32, #tpu.memory_space<vmem>> -> memref<128x64xf32, #tpu.memory_space<vmem>>
    %dma_start3A_71 = arith.constant 0 : i32
    %dma_start3A_72 = tpu.memref_slice %arg7[%dma_start3A_65, %dma_start3A_71] : memref<32x128xi32, #tpu.memory_space<vmem>> -> memref<1x128xi32, #tpu.memory_space<vmem>>
    %dma_start3A_73 = tpu.memref_squeeze %dma_start3A_72 : memref<1x128xi32, #tpu.memory_space<vmem>> -> memref<128xi32, #tpu.memory_space<vmem>>
    %dma_start3A_74 = arith.constant 0 : i32
    %dma_start3A_75 = arith.constant 0 : i32
    %dma_start3A_76 = tpu.memref_slice %arg10[%dma_start3A_74, %dma_start3A_75] : memref<10000x64xf32, #tpu.memory_space<vmem_shared>> -> memref<10000x64xf32, #tpu.memory_space<vmem_shared>>
    tpu.enqueue_indirect_dma source(%dma_start3A_76 : memref<10000x64xf32, #tpu.memory_space<vmem_shared>>) target(%dma_start3A_70 : memref<128x64xf32, #tpu.memory_space<vmem>>) offsets(%dma_start3A_73 : memref<128xi32, #tpu.memory_space<vmem>>) semaphore(%arg12 : memref<!tpu.dma_semaphore, #tpu.memory_space<semaphore_mem>>)
    %dma_start3A_77 = arith.constant 2 : i32
    %dma_start3A_78 = arith.constant 2 : i32
    %dma_start3A_79 = arith.constant 0 : i32
    %dma_start3A_80 = arith.constant 0 : i32
    %dma_start3A_81 = tpu.memref_slice %arg9[%dma_start3A_78, %dma_start3A_79, %dma_start3A_80] : memref<5x128x64xf32, #tpu.memory_space<vmem>> -> memref<1x128x64xf32, #tpu.memory_space<vmem>>
    %dma_start3A_82 = tpu.memref_squeeze %dma_start3A_81 : memref<1x128x64xf32, #tpu.memory_space<vmem>> -> memref<128x64xf32, #tpu.memory_space<vmem>>
    %dma_start3A_83 = arith.constant 0 : i32
    %dma_start3A_84 = tpu.memref_slice %arg7[%dma_start3A_77, %dma_start3A_83] : memref<32x128xi32, #tpu.memory_space<vmem>> -> memref<1x128xi32, #tpu.memory_space<vmem>>
    %dma_start3A_85 = tpu.memref_squeeze %dma_start3A_84 : memref<1x128xi32, #tpu.memory_space<vmem>> -> memref<128xi32, #tpu.memory_space<vmem>>
    %dma_start3A_86 = arith.constant 0 : i32
    %dma_start3A_87 = arith.constant 0 : i32
    %dma_start3A_88 = tpu.memref_slice %arg10[%dma_start3A_86, %dma_start3A_87] : memref<10000x64xf32, #tpu.memory_space<vmem_shared>> -> memref<10000x64xf32, #tpu.memory_space<vmem_shared>>
    tpu.enqueue_indirect_dma source(%dma_start3A_88 : memref<10000x64xf32, #tpu.memory_space<vmem_shared>>) target(%dma_start3A_82 : memref<128x64xf32, #tpu.memory_space<vmem>>) offsets(%dma_start3A_85 : memref<128xi32, #tpu.memory_space<vmem>>) semaphore(%arg12 : memref<!tpu.dma_semaphore, #tpu.memory_space<semaphore_mem>>)
    %scan3A_89 = arith.constant 0 : i32
    %scan3A_90 = arith.constant 0 : i32
    %scan3A_91 = arith.constant 32 : i32
    %scan3A_92 = arith.addi %scan3A_90, %scan3A_91 : i32
    %scan3A_93 = arith.constant 1 : i32
    scf.for %scan3A_250 = %scan3A_90 to %scan3A_92 step %scan3A_93  : i32 {
      %rem3A = arith.constant 5 : i32
      %rem3A_251 = arith.remsi %scan3A_250, %rem3A : i32
      %dma_wait3A = arith.constant 0 : i32
      %dma_wait3A_252 = arith.constant 0 : i32
      %dma_wait3A_253 = tpu.memref_slice %arg9[%rem3A_251, %dma_wait3A, %dma_wait3A_252] : memref<5x128x64xf32, #tpu.memory_space<vmem>> -> memref<1x128x64xf32, #tpu.memory_space<vmem>>
      %dma_wait3A_254 = tpu.memref_squeeze %dma_wait3A_253 : memref<1x128x64xf32, #tpu.memory_space<vmem>> -> memref<128x64xf32, #tpu.memory_space<vmem>>
      %dma_wait3A_255 = arith.constant 0 : i32
      %dma_wait3A_256 = tpu.memref_slice %arg7[%scan3A_250, %dma_wait3A_255] : memref<32x128xi32, #tpu.memory_space<vmem>> -> memref<1x128xi32, #tpu.memory_space<vmem>>
      %dma_wait3A_257 = tpu.memref_squeeze %dma_wait3A_256 : memref<1x128xi32, #tpu.memory_space<vmem>> -> memref<128xi32, #tpu.memory_space<vmem>>
      %dma_wait3A_258 = arith.constant 0 : i32
      %dma_wait3A_259 = arith.constant 0 : i32
      %dma_wait3A_260 = tpu.memref_slice %arg10[%dma_wait3A_258, %dma_wait3A_259] : memref<10000x64xf32, #tpu.memory_space<vmem_shared>> -> memref<10000x64xf32, #tpu.memory_space<vmem_shared>>
      tpu.wait_indirect_dma semaphore(%arg12 : memref<!tpu.dma_semaphore, #tpu.memory_space<semaphore_mem>>) src(%dma_wait3A_260 : memref<10000x64xf32, #tpu.memory_space<vmem_shared>>) dst(%dma_wait3A_254 : memref<128x64xf32, #tpu.memory_space<vmem>>)
      %dma_start3A_261 = arith.constant 0 : i32
      %dma_start3A_262 = arith.constant 0 : i32
      %dma_start3A_263 = tpu.memref_slice %arg9[%rem3A_251, %dma_start3A_261, %dma_start3A_262] : memref<5x128x64xf32, #tpu.memory_space<vmem>> -> memref<1x128x64xf32, #tpu.memory_space<vmem>>
      %dma_start3A_264 = tpu.memref_squeeze %dma_start3A_263 : memref<1x128x64xf32, #tpu.memory_space<vmem>> -> memref<128x64xf32, #tpu.memory_space<vmem>>
      %dma_start3A_265 = arith.constant 0 : i32
      %dma_start3A_266 = tpu.memref_slice %arg8[%scan3A_250, %dma_start3A_265] : memref<32x128xi32, #tpu.memory_space<vmem>> -> memref<1x128xi32, #tpu.memory_space<vmem>>
      %dma_start3A_267 = tpu.memref_squeeze %dma_start3A_266 : memref<1x128xi32, #tpu.memory_space<vmem>> -> memref<128xi32, #tpu.memory_space<vmem>>
      %dma_start3A_268 = arith.constant 0 : i32
      %dma_start3A_269 = arith.constant 0 : i32
      %dma_start3A_270 = tpu.memref_slice %arg11[%dma_start3A_268, %dma_start3A_269] : memref<10240x64xf32, #tpu.memory_space<vmem_shared>> -> memref<10240x64xf32, #tpu.memory_space<vmem_shared>>
      tpu.enqueue_indirect_dma source(%dma_start3A_264 : memref<128x64xf32, #tpu.memory_space<vmem>>) target(%dma_start3A_270 : memref<10240x64xf32, #tpu.memory_space<vmem_shared>>) offsets(%dma_start3A_267 : memref<128xi32, #tpu.memory_space<vmem>>) semaphore(%arg13 : memref<!tpu.dma_semaphore, #tpu.memory_space<semaphore_mem>>) {add = true}
      %ge3A = arith.constant 2 : i32
      %ge3A_271 = arith.cmpi sge, %scan3A_250, %ge3A : i32
      %convert_element_type3A = arith.extui %ge3A_271 : i1 to i32
      %cond3A = arith.constant 0 : i32
      %cond3A_272 = arith.cmpi ne, %convert_element_type3A, %cond3A : i32
      scf.if %cond3A_272 {
        %dma_wait3A_279 = arith.constant 0 : i32
        %dma_wait3A_280 = arith.constant 0 : i32
        %dma_wait3A_281 = arith.constant 0 : i32
        %dma_wait3A_282 = arith.constant 0 : i32
        %dma_wait3A_283 = tpu.memref_slice %arg9[%dma_wait3A_279, %dma_wait3A_281, %dma_wait3A_282] : memref<5x128x64xf32, #tpu.memory_space<vmem>> -> memref<1x128x64xf32, #tpu.memory_space<vmem>>
        %dma_wait3A_284 = tpu.memref_squeeze %dma_wait3A_283 : memref<1x128x64xf32, #tpu.memory_space<vmem>> -> memref<128x64xf32, #tpu.memory_space<vmem>>
        %dma_wait3A_285 = arith.constant 0 : i32
        %dma_wait3A_286 = tpu.memref_slice %arg8[%dma_wait3A_280, %dma_wait3A_285] : memref<32x128xi32, #tpu.memory_space<vmem>> -> memref<1x128xi32, #tpu.memory_space<vmem>>
        %dma_wait3A_287 = tpu.memref_squeeze %dma_wait3A_286 : memref<1x128xi32, #tpu.memory_space<vmem>> -> memref<128xi32, #tpu.memory_space<vmem>>
        %dma_wait3A_288 = arith.constant 0 : i32
        %dma_wait3A_289 = arith.constant 0 : i32
        %dma_wait3A_290 = tpu.memref_slice %arg11[%dma_wait3A_288, %dma_wait3A_289] : memref<10240x64xf32, #tpu.memory_space<vmem_shared>> -> memref<10240x64xf32, #tpu.memory_space<vmem_shared>>
        tpu.wait_indirect_dma semaphore(%arg13 : memref<!tpu.dma_semaphore, #tpu.memory_space<semaphore_mem>>) src(%dma_wait3A_284 : memref<128x64xf32, #tpu.memory_space<vmem>>) dst(%dma_wait3A_290 : memref<10240x64xf32, #tpu.memory_space<vmem_shared>>)
      } else {
      }
      %add3A_273 = arith.constant 3 : i32
      %add3A_274 = arith.addi %scan3A_250, %add3A_273 : i32
      %lt3A = arith.constant 32 : i32
      %lt3A_275 = arith.cmpi slt, %add3A_274, %lt3A : i32
      %convert_element_type3A_276 = arith.extui %lt3A_275 : i1 to i32
      %cond3A_277 = arith.constant 0 : i32
      %cond3A_278 = arith.cmpi ne, %convert_element_type3A_276, %cond3A_277 : i32
      scf.if %cond3A_278 {
        %rem3A_279 = arith.constant 5 : i32
        %rem3A_280 = arith.remsi %add3A_274, %rem3A_279 : i32
        %dma_start3A_281 = arith.constant 0 : i32
        %dma_start3A_282 = arith.constant 0 : i32
        %dma_start3A_283 = tpu.memref_slice %arg9[%rem3A_280, %dma_start3A_281, %dma_start3A_282] : memref<5x128x64xf32, #tpu.memory_space<vmem>> -> memref<1x128x64xf32, #tpu.memory_space<vmem>>
        %dma_start3A_284 = tpu.memref_squeeze %dma_start3A_283 : memref<1x128x64xf32, #tpu.memory_space<vmem>> -> memref<128x64xf32, #tpu.memory_space<vmem>>
        %dma_start3A_285 = arith.constant 0 : i32
        %dma_start3A_286 = tpu.memref_slice %arg7[%add3A_274, %dma_start3A_285] : memref<32x128xi32, #tpu.memory_space<vmem>> -> memref<1x128xi32, #tpu.memory_space<vmem>>
        %dma_start3A_287 = tpu.memref_squeeze %dma_start3A_286 : memref<1x128xi32, #tpu.memory_space<vmem>> -> memref<128xi32, #tpu.memory_space<vmem>>
        %dma_start3A_288 = arith.constant 0 : i32
        %dma_start3A_289 = arith.constant 0 : i32
        %dma_start3A_290 = tpu.memref_slice %arg10[%dma_start3A_288, %dma_start3A_289] : memref<10000x64xf32, #tpu.memory_space<vmem_shared>> -> memref<10000x64xf32, #tpu.memory_space<vmem_shared>>
        tpu.enqueue_indirect_dma source(%dma_start3A_290 : memref<10000x64xf32, #tpu.memory_space<vmem_shared>>) target(%dma_start3A_284 : memref<128x64xf32, #tpu.memory_space<vmem>>) offsets(%dma_start3A_287 : memref<128xi32, #tpu.memory_space<vmem>>) semaphore(%arg12 : memref<!tpu.dma_semaphore, #tpu.memory_space<semaphore_mem>>)
      } else {
      }
    }
    %scan3A_94 = arith.constant 32 : i32
    %scan3A_95 = arith.constant 0 : i32
    %scan3A_96 = arith.constant 0 : i32
    %scan3A_97 = arith.constant 2 : i32
    %scan3A_98 = arith.addi %scan3A_96, %scan3A_97 : i32
    %scan3A_99 = arith.constant 1 : i32
    scf.for %scan3A_250 = %scan3A_96 to %scan3A_98 step %scan3A_99  : i32 {
      %dma_wait3A = arith.constant 0 : i32
      %dma_wait3A_251 = arith.constant 0 : i32
      %dma_wait3A_252 = arith.constant 0 : i32
      %dma_wait3A_253 = arith.constant 0 : i32
      %dma_wait3A_254 = tpu.memref_slice %arg9[%dma_wait3A, %dma_wait3A_252, %dma_wait3A_253] : memref<5x128x64xf32, #tpu.memory_space<vmem>> -> memref<1x128x64xf32, #tpu.memory_space<vmem>>
      %dma_wait3A_255 = tpu.memref_squeeze %dma_wait3A_254 : memref<1x128x64xf32, #tpu.memory_space<vmem>> -> memref<128x64xf32, #tpu.memory_space<vmem>>
      %dma_wait3A_256 = arith.constant 0 : i32
      %dma_wait3A_257 = tpu.memref_slice %arg8[%dma_wait3A_251, %dma_wait3A_256] : memref<32x128xi32, #tpu.memory_space<vmem>> -> memref<1x128xi32, #tpu.memory_space<vmem>>
      %dma_wait3A_258 = tpu.memref_squeeze %dma_wait3A_257 : memref<1x128xi32, #tpu.memory_space<vmem>> -> memref<128xi32, #tpu.memory_space<vmem>>
      %dma_wait3A_259 = arith.constant 0 : i32
      %dma_wait3A_260 = arith.constant 0 : i32
      %dma_wait3A_261 = tpu.memref_slice %arg11[%dma_wait3A_259, %dma_wait3A_260] : memref<10240x64xf32, #tpu.memory_space<vmem_shared>> -> memref<10240x64xf32, #tpu.memory_space<vmem_shared>>
      tpu.wait_indirect_dma semaphore(%arg13 : memref<!tpu.dma_semaphore, #tpu.memory_space<semaphore_mem>>) src(%dma_wait3A_255 : memref<128x64xf32, #tpu.memory_space<vmem>>) dst(%dma_wait3A_261 : memref<10240x64xf32, #tpu.memory_space<vmem_shared>>)
    }
    %scan3A_100 = arith.constant 2 : i32
    "tpu.region"() ({
      %run_scoped3A = tpu.sem_alloc : memref<!tpu.dma_semaphore, #tpu.memory_space<semaphore_mem>>
      %dma_start3A_250 = arith.constant 64 : i32
      %dma_start3A_251 = arith.constant 0 : i32
      %dma_start3A_252 = tpu.memref_slice %arg3[%arg1, %dma_start3A_250, %dma_start3A_251] : memref<16x160x128xi32, #tpu.memory_space<hbm>> -> memref<1x32x128xi32, #tpu.memory_space<hbm>>
      %dma_start3A_253 = tpu.memref_squeeze %dma_start3A_252 : memref<1x32x128xi32, #tpu.memory_space<hbm>> -> memref<32x128xi32, #tpu.memory_space<hbm>>
      %dma_start3A_254 = arith.constant 64 : i32
      %dma_start3A_255 = arith.constant 0 : i32
      %dma_start3A_256 = tpu.memref_slice %arg3[%arg1, %dma_start3A_254, %dma_start3A_255] : memref<16x160x128xi32, #tpu.memory_space<hbm>> -> memref<1x32x128xi32, #tpu.memory_space<hbm>>
      %dma_start3A_257 = tpu.memref_squeeze %dma_start3A_256 : memref<1x32x128xi32, #tpu.memory_space<hbm>> -> memref<32x128xi32, #tpu.memory_space<hbm>>
      tpu.enqueue_dma source(%dma_start3A_257 : memref<32x128xi32, #tpu.memory_space<hbm>>) target(%arg7 : memref<32x128xi32, #tpu.memory_space<vmem>>) target_semaphore(%run_scoped3A : memref<!tpu.dma_semaphore, #tpu.memory_space<semaphore_mem>>)
      %dma_wait3A = arith.constant 64 : i32
      %dma_wait3A_258 = arith.constant 0 : i32
      %dma_wait3A_259 = tpu.memref_slice %arg3[%arg1, %dma_wait3A, %dma_wait3A_258] : memref<16x160x128xi32, #tpu.memory_space<hbm>> -> memref<1x32x128xi32, #tpu.memory_space<hbm>>
      %dma_wait3A_260 = tpu.memref_squeeze %dma_wait3A_259 : memref<1x32x128xi32, #tpu.memory_space<hbm>> -> memref<32x128xi32, #tpu.memory_space<hbm>>
      %dma_wait3A_261 = arith.constant 64 : i32
      %dma_wait3A_262 = arith.constant 0 : i32
      %dma_wait3A_263 = tpu.memref_slice %arg3[%arg1, %dma_wait3A_261, %dma_wait3A_262] : memref<16x160x128xi32, #tpu.memory_space<hbm>> -> memref<1x32x128xi32, #tpu.memory_space<hbm>>
      %dma_wait3A_264 = tpu.memref_squeeze %dma_wait3A_263 : memref<1x32x128xi32, #tpu.memory_space<hbm>> -> memref<32x128xi32, #tpu.memory_space<hbm>>
      tpu.wait_dma2 semaphore(%run_scoped3A : memref<!tpu.dma_semaphore, #tpu.memory_space<semaphore_mem>>) src(%dma_wait3A_264 : memref<32x128xi32, #tpu.memory_space<hbm>>) dst(%arg7 : memref<32x128xi32, #tpu.memory_space<vmem>>)
      tpu.yield
    }) : () -> ()
    "tpu.region"() ({
      %run_scoped3A = tpu.sem_alloc : memref<!tpu.dma_semaphore, #tpu.memory_space<semaphore_mem>>
      %dma_start3A_250 = arith.constant 64 : i32
      %dma_start3A_251 = arith.constant 0 : i32
      %dma_start3A_252 = tpu.memref_slice %arg4[%arg1, %dma_start3A_250, %dma_start3A_251] : memref<16x160x128xi32, #tpu.memory_space<hbm>> -> memref<1x32x128xi32, #tpu.memory_space<hbm>>
      %dma_start3A_253 = tpu.memref_squeeze %dma_start3A_252 : memref<1x32x128xi32, #tpu.memory_space<hbm>> -> memref<32x128xi32, #tpu.memory_space<hbm>>
      %dma_start3A_254 = arith.constant 64 : i32
      %dma_start3A_255 = arith.constant 0 : i32
      %dma_start3A_256 = tpu.memref_slice %arg4[%arg1, %dma_start3A_254, %dma_start3A_255] : memref<16x160x128xi32, #tpu.memory_space<hbm>> -> memref<1x32x128xi32, #tpu.memory_space<hbm>>
      %dma_start3A_257 = tpu.memref_squeeze %dma_start3A_256 : memref<1x32x128xi32, #tpu.memory_space<hbm>> -> memref<32x128xi32, #tpu.memory_space<hbm>>
      tpu.enqueue_dma source(%dma_start3A_257 : memref<32x128xi32, #tpu.memory_space<hbm>>) target(%arg8 : memref<32x128xi32, #tpu.memory_space<vmem>>) target_semaphore(%run_scoped3A : memref<!tpu.dma_semaphore, #tpu.memory_space<semaphore_mem>>)
      %dma_wait3A = arith.constant 64 : i32
      %dma_wait3A_258 = arith.constant 0 : i32
      %dma_wait3A_259 = tpu.memref_slice %arg4[%arg1, %dma_wait3A, %dma_wait3A_258] : memref<16x160x128xi32, #tpu.memory_space<hbm>> -> memref<1x32x128xi32, #tpu.memory_space<hbm>>
      %dma_wait3A_260 = tpu.memref_squeeze %dma_wait3A_259 : memref<1x32x128xi32, #tpu.memory_space<hbm>> -> memref<32x128xi32, #tpu.memory_space<hbm>>
      %dma_wait3A_261 = arith.constant 64 : i32
      %dma_wait3A_262 = arith.constant 0 : i32
      %dma_wait3A_263 = tpu.memref_slice %arg4[%arg1, %dma_wait3A_261, %dma_wait3A_262] : memref<16x160x128xi32, #tpu.memory_space<hbm>> -> memref<1x32x128xi32, #tpu.memory_space<hbm>>
      %dma_wait3A_264 = tpu.memref_squeeze %dma_wait3A_263 : memref<1x32x128xi32, #tpu.memory_space<hbm>> -> memref<32x128xi32, #tpu.memory_space<hbm>>
      tpu.wait_dma2 semaphore(%run_scoped3A : memref<!tpu.dma_semaphore, #tpu.memory_space<semaphore_mem>>) src(%dma_wait3A_264 : memref<32x128xi32, #tpu.memory_space<hbm>>) dst(%arg8 : memref<32x128xi32, #tpu.memory_space<vmem>>)
      tpu.yield
    }) : () -> ()
    %dma_start3A_101 = arith.constant 0 : i32
    %dma_start3A_102 = arith.constant 0 : i32
    %dma_start3A_103 = arith.constant 0 : i32
    %dma_start3A_104 = arith.constant 0 : i32
    %dma_start3A_105 = tpu.memref_slice %arg9[%dma_start3A_102, %dma_start3A_103, %dma_start3A_104] : memref<5x128x64xf32, #tpu.memory_space<vmem>> -> memref<1x128x64xf32, #tpu.memory_space<vmem>>
    %dma_start3A_106 = tpu.memref_squeeze %dma_start3A_105 : memref<1x128x64xf32, #tpu.memory_space<vmem>> -> memref<128x64xf32, #tpu.memory_space<vmem>>
    %dma_start3A_107 = arith.constant 0 : i32
    %dma_start3A_108 = tpu.memref_slice %arg7[%dma_start3A_101, %dma_start3A_107] : memref<32x128xi32, #tpu.memory_space<vmem>> -> memref<1x128xi32, #tpu.memory_space<vmem>>
    %dma_start3A_109 = tpu.memref_squeeze %dma_start3A_108 : memref<1x128xi32, #tpu.memory_space<vmem>> -> memref<128xi32, #tpu.memory_space<vmem>>
    %dma_start3A_110 = arith.constant 0 : i32
    %dma_start3A_111 = arith.constant 0 : i32
    %dma_start3A_112 = tpu.memref_slice %arg10[%dma_start3A_110, %dma_start3A_111] : memref<10000x64xf32, #tpu.memory_space<vmem_shared>> -> memref<10000x64xf32, #tpu.memory_space<vmem_shared>>
    tpu.enqueue_indirect_dma source(%dma_start3A_112 : memref<10000x64xf32, #tpu.memory_space<vmem_shared>>) target(%dma_start3A_106 : memref<128x64xf32, #tpu.memory_space<vmem>>) offsets(%dma_start3A_109 : memref<128xi32, #tpu.memory_space<vmem>>) semaphore(%arg12 : memref<!tpu.dma_semaphore, #tpu.memory_space<semaphore_mem>>)
    %dma_start3A_113 = arith.constant 1 : i32
    %dma_start3A_114 = arith.constant 1 : i32
    %dma_start3A_115 = arith.constant 0 : i32
    %dma_start3A_116 = arith.constant 0 : i32
    %dma_start3A_117 = tpu.memref_slice %arg9[%dma_start3A_114, %dma_start3A_115, %dma_start3A_116] : memref<5x128x64xf32, #tpu.memory_space<vmem>> -> memref<1x128x64xf32, #tpu.memory_space<vmem>>
    %dma_start3A_118 = tpu.memref_squeeze %dma_start3A_117 : memref<1x128x64xf32, #tpu.memory_space<vmem>> -> memref<128x64xf32, #tpu.memory_space<vmem>>
    %dma_start3A_119 = arith.constant 0 : i32
    %dma_start3A_120 = tpu.memref_slice %arg7[%dma_start3A_113, %dma_start3A_119] : memref<32x128xi32, #tpu.memory_space<vmem>> -> memref<1x128xi32, #tpu.memory_space<vmem>>
    %dma_start3A_121 = tpu.memref_squeeze %dma_start3A_120 : memref<1x128xi32, #tpu.memory_space<vmem>> -> memref<128xi32, #tpu.memory_space<vmem>>
    %dma_start3A_122 = arith.constant 0 : i32
    %dma_start3A_123 = arith.constant 0 : i32
    %dma_start3A_124 = tpu.memref_slice %arg10[%dma_start3A_122, %dma_start3A_123] : memref<10000x64xf32, #tpu.memory_space<vmem_shared>> -> memref<10000x64xf32, #tpu.memory_space<vmem_shared>>
    tpu.enqueue_indirect_dma source(%dma_start3A_124 : memref<10000x64xf32, #tpu.memory_space<vmem_shared>>) target(%dma_start3A_118 : memref<128x64xf32, #tpu.memory_space<vmem>>) offsets(%dma_start3A_121 : memref<128xi32, #tpu.memory_space<vmem>>) semaphore(%arg12 : memref<!tpu.dma_semaphore, #tpu.memory_space<semaphore_mem>>)
    %dma_start3A_125 = arith.constant 2 : i32
    %dma_start3A_126 = arith.constant 2 : i32
    %dma_start3A_127 = arith.constant 0 : i32
    %dma_start3A_128 = arith.constant 0 : i32
    %dma_start3A_129 = tpu.memref_slice %arg9[%dma_start3A_126, %dma_start3A_127, %dma_start3A_128] : memref<5x128x64xf32, #tpu.memory_space<vmem>> -> memref<1x128x64xf32, #tpu.memory_space<vmem>>
    %dma_start3A_130 = tpu.memref_squeeze %dma_start3A_129 : memref<1x128x64xf32, #tpu.memory_space<vmem>> -> memref<128x64xf32, #tpu.memory_space<vmem>>
    %dma_start3A_131 = arith.constant 0 : i32
    %dma_start3A_132 = tpu.memref_slice %arg7[%dma_start3A_125, %dma_start3A_131] : memref<32x128xi32, #tpu.memory_space<vmem>> -> memref<1x128xi32, #tpu.memory_space<vmem>>
    %dma_start3A_133 = tpu.memref_squeeze %dma_start3A_132 : memref<1x128xi32, #tpu.memory_space<vmem>> -> memref<128xi32, #tpu.memory_space<vmem>>
    %dma_start3A_134 = arith.constant 0 : i32
    %dma_start3A_135 = arith.constant 0 : i32
    %dma_start3A_136 = tpu.memref_slice %arg10[%dma_start3A_134, %dma_start3A_135] : memref<10000x64xf32, #tpu.memory_space<vmem_shared>> -> memref<10000x64xf32, #tpu.memory_space<vmem_shared>>
    tpu.enqueue_indirect_dma source(%dma_start3A_136 : memref<10000x64xf32, #tpu.memory_space<vmem_shared>>) target(%dma_start3A_130 : memref<128x64xf32, #tpu.memory_space<vmem>>) offsets(%dma_start3A_133 : memref<128xi32, #tpu.memory_space<vmem>>) semaphore(%arg12 : memref<!tpu.dma_semaphore, #tpu.memory_space<semaphore_mem>>)
    %scan3A_137 = arith.constant 0 : i32
    %scan3A_138 = arith.constant 0 : i32
    %scan3A_139 = arith.constant 32 : i32
    %scan3A_140 = arith.addi %scan3A_138, %scan3A_139 : i32
    %scan3A_141 = arith.constant 1 : i32
    scf.for %scan3A_250 = %scan3A_138 to %scan3A_140 step %scan3A_141  : i32 {
      %rem3A = arith.constant 5 : i32
      %rem3A_251 = arith.remsi %scan3A_250, %rem3A : i32
      %dma_wait3A = arith.constant 0 : i32
      %dma_wait3A_252 = arith.constant 0 : i32
      %dma_wait3A_253 = tpu.memref_slice %arg9[%rem3A_251, %dma_wait3A, %dma_wait3A_252] : memref<5x128x64xf32, #tpu.memory_space<vmem>> -> memref<1x128x64xf32, #tpu.memory_space<vmem>>
      %dma_wait3A_254 = tpu.memref_squeeze %dma_wait3A_253 : memref<1x128x64xf32, #tpu.memory_space<vmem>> -> memref<128x64xf32, #tpu.memory_space<vmem>>
      %dma_wait3A_255 = arith.constant 0 : i32
      %dma_wait3A_256 = tpu.memref_slice %arg7[%scan3A_250, %dma_wait3A_255] : memref<32x128xi32, #tpu.memory_space<vmem>> -> memref<1x128xi32, #tpu.memory_space<vmem>>
      %dma_wait3A_257 = tpu.memref_squeeze %dma_wait3A_256 : memref<1x128xi32, #tpu.memory_space<vmem>> -> memref<128xi32, #tpu.memory_space<vmem>>
      %dma_wait3A_258 = arith.constant 0 : i32
      %dma_wait3A_259 = arith.constant 0 : i32
      %dma_wait3A_260 = tpu.memref_slice %arg10[%dma_wait3A_258, %dma_wait3A_259] : memref<10000x64xf32, #tpu.memory_space<vmem_shared>> -> memref<10000x64xf32, #tpu.memory_space<vmem_shared>>
      tpu.wait_indirect_dma semaphore(%arg12 : memref<!tpu.dma_semaphore, #tpu.memory_space<semaphore_mem>>) src(%dma_wait3A_260 : memref<10000x64xf32, #tpu.memory_space<vmem_shared>>) dst(%dma_wait3A_254 : memref<128x64xf32, #tpu.memory_space<vmem>>)
      %dma_start3A_261 = arith.constant 0 : i32
      %dma_start3A_262 = arith.constant 0 : i32
      %dma_start3A_263 = tpu.memref_slice %arg9[%rem3A_251, %dma_start3A_261, %dma_start3A_262] : memref<5x128x64xf32, #tpu.memory_space<vmem>> -> memref<1x128x64xf32, #tpu.memory_space<vmem>>
      %dma_start3A_264 = tpu.memref_squeeze %dma_start3A_263 : memref<1x128x64xf32, #tpu.memory_space<vmem>> -> memref<128x64xf32, #tpu.memory_space<vmem>>
      %dma_start3A_265 = arith.constant 0 : i32
      %dma_start3A_266 = tpu.memref_slice %arg8[%scan3A_250, %dma_start3A_265] : memref<32x128xi32, #tpu.memory_space<vmem>> -> memref<1x128xi32, #tpu.memory_space<vmem>>
      %dma_start3A_267 = tpu.memref_squeeze %dma_start3A_266 : memref<1x128xi32, #tpu.memory_space<vmem>> -> memref<128xi32, #tpu.memory_space<vmem>>
      %dma_start3A_268 = arith.constant 0 : i32
      %dma_start3A_269 = arith.constant 0 : i32
      %dma_start3A_270 = tpu.memref_slice %arg11[%dma_start3A_268, %dma_start3A_269] : memref<10240x64xf32, #tpu.memory_space<vmem_shared>> -> memref<10240x64xf32, #tpu.memory_space<vmem_shared>>
      tpu.enqueue_indirect_dma source(%dma_start3A_264 : memref<128x64xf32, #tpu.memory_space<vmem>>) target(%dma_start3A_270 : memref<10240x64xf32, #tpu.memory_space<vmem_shared>>) offsets(%dma_start3A_267 : memref<128xi32, #tpu.memory_space<vmem>>) semaphore(%arg13 : memref<!tpu.dma_semaphore, #tpu.memory_space<semaphore_mem>>) {add = true}
      %ge3A = arith.constant 2 : i32
      %ge3A_271 = arith.cmpi sge, %scan3A_250, %ge3A : i32
      %convert_element_type3A = arith.extui %ge3A_271 : i1 to i32
      %cond3A = arith.constant 0 : i32
      %cond3A_272 = arith.cmpi ne, %convert_element_type3A, %cond3A : i32
      scf.if %cond3A_272 {
        %dma_wait3A_279 = arith.constant 0 : i32
        %dma_wait3A_280 = arith.constant 0 : i32
        %dma_wait3A_281 = arith.constant 0 : i32
        %dma_wait3A_282 = arith.constant 0 : i32
        %dma_wait3A_283 = tpu.memref_slice %arg9[%dma_wait3A_279, %dma_wait3A_281, %dma_wait3A_282] : memref<5x128x64xf32, #tpu.memory_space<vmem>> -> memref<1x128x64xf32, #tpu.memory_space<vmem>>
        %dma_wait3A_284 = tpu.memref_squeeze %dma_wait3A_283 : memref<1x128x64xf32, #tpu.memory_space<vmem>> -> memref<128x64xf32, #tpu.memory_space<vmem>>
        %dma_wait3A_285 = arith.constant 0 : i32
        %dma_wait3A_286 = tpu.memref_slice %arg8[%dma_wait3A_280, %dma_wait3A_285] : memref<32x128xi32, #tpu.memory_space<vmem>> -> memref<1x128xi32, #tpu.memory_space<vmem>>
        %dma_wait3A_287 = tpu.memref_squeeze %dma_wait3A_286 : memref<1x128xi32, #tpu.memory_space<vmem>> -> memref<128xi32, #tpu.memory_space<vmem>>
        %dma_wait3A_288 = arith.constant 0 : i32
        %dma_wait3A_289 = arith.constant 0 : i32
        %dma_wait3A_290 = tpu.memref_slice %arg11[%dma_wait3A_288, %dma_wait3A_289] : memref<10240x64xf32, #tpu.memory_space<vmem_shared>> -> memref<10240x64xf32, #tpu.memory_space<vmem_shared>>
        tpu.wait_indirect_dma semaphore(%arg13 : memref<!tpu.dma_semaphore, #tpu.memory_space<semaphore_mem>>) src(%dma_wait3A_284 : memref<128x64xf32, #tpu.memory_space<vmem>>) dst(%dma_wait3A_290 : memref<10240x64xf32, #tpu.memory_space<vmem_shared>>)
      } else {
      }
      %add3A_273 = arith.constant 3 : i32
      %add3A_274 = arith.addi %scan3A_250, %add3A_273 : i32
      %lt3A = arith.constant 32 : i32
      %lt3A_275 = arith.cmpi slt, %add3A_274, %lt3A : i32
      %convert_element_type3A_276 = arith.extui %lt3A_275 : i1 to i32
      %cond3A_277 = arith.constant 0 : i32
      %cond3A_278 = arith.cmpi ne, %convert_element_type3A_276, %cond3A_277 : i32
      scf.if %cond3A_278 {
        %rem3A_279 = arith.constant 5 : i32
        %rem3A_280 = arith.remsi %add3A_274, %rem3A_279 : i32
        %dma_start3A_281 = arith.constant 0 : i32
        %dma_start3A_282 = arith.constant 0 : i32
        %dma_start3A_283 = tpu.memref_slice %arg9[%rem3A_280, %dma_start3A_281, %dma_start3A_282] : memref<5x128x64xf32, #tpu.memory_space<vmem>> -> memref<1x128x64xf32, #tpu.memory_space<vmem>>
        %dma_start3A_284 = tpu.memref_squeeze %dma_start3A_283 : memref<1x128x64xf32, #tpu.memory_space<vmem>> -> memref<128x64xf32, #tpu.memory_space<vmem>>
        %dma_start3A_285 = arith.constant 0 : i32
        %dma_start3A_286 = tpu.memref_slice %arg7[%add3A_274, %dma_start3A_285] : memref<32x128xi32, #tpu.memory_space<vmem>> -> memref<1x128xi32, #tpu.memory_space<vmem>>
        %dma_start3A_287 = tpu.memref_squeeze %dma_start3A_286 : memref<1x128xi32, #tpu.memory_space<vmem>> -> memref<128xi32, #tpu.memory_space<vmem>>
        %dma_start3A_288 = arith.constant 0 : i32
        %dma_start3A_289 = arith.constant 0 : i32
        %dma_start3A_290 = tpu.memref_slice %arg10[%dma_start3A_288, %dma_start3A_289] : memref<10000x64xf32, #tpu.memory_space<vmem_shared>> -> memref<10000x64xf32, #tpu.memory_space<vmem_shared>>
        tpu.enqueue_indirect_dma source(%dma_start3A_290 : memref<10000x64xf32, #tpu.memory_space<vmem_shared>>) target(%dma_start3A_284 : memref<128x64xf32, #tpu.memory_space<vmem>>) offsets(%dma_start3A_287 : memref<128xi32, #tpu.memory_space<vmem>>) semaphore(%arg12 : memref<!tpu.dma_semaphore, #tpu.memory_space<semaphore_mem>>)
      } else {
      }
    }
    %scan3A_142 = arith.constant 32 : i32
    %scan3A_143 = arith.constant 0 : i32
    %scan3A_144 = arith.constant 0 : i32
    %scan3A_145 = arith.constant 2 : i32
    %scan3A_146 = arith.addi %scan3A_144, %scan3A_145 : i32
    %scan3A_147 = arith.constant 1 : i32
    scf.for %scan3A_250 = %scan3A_144 to %scan3A_146 step %scan3A_147  : i32 {
      %dma_wait3A = arith.constant 0 : i32
      %dma_wait3A_251 = arith.constant 0 : i32
      %dma_wait3A_252 = arith.constant 0 : i32
      %dma_wait3A_253 = arith.constant 0 : i32
      %dma_wait3A_254 = tpu.memref_slice %arg9[%dma_wait3A, %dma_wait3A_252, %dma_wait3A_253] : memref<5x128x64xf32, #tpu.memory_space<vmem>> -> memref<1x128x64xf32, #tpu.memory_space<vmem>>
      %dma_wait3A_255 = tpu.memref_squeeze %dma_wait3A_254 : memref<1x128x64xf32, #tpu.memory_space<vmem>> -> memref<128x64xf32, #tpu.memory_space<vmem>>
      %dma_wait3A_256 = arith.constant 0 : i32
      %dma_wait3A_257 = tpu.memref_slice %arg8[%dma_wait3A_251, %dma_wait3A_256] : memref<32x128xi32, #tpu.memory_space<vmem>> -> memref<1x128xi32, #tpu.memory_space<vmem>>
      %dma_wait3A_258 = tpu.memref_squeeze %dma_wait3A_257 : memref<1x128xi32, #tpu.memory_space<vmem>> -> memref<128xi32, #tpu.memory_space<vmem>>
      %dma_wait3A_259 = arith.constant 0 : i32
      %dma_wait3A_260 = arith.constant 0 : i32
      %dma_wait3A_261 = tpu.memref_slice %arg11[%dma_wait3A_259, %dma_wait3A_260] : memref<10240x64xf32, #tpu.memory_space<vmem_shared>> -> memref<10240x64xf32, #tpu.memory_space<vmem_shared>>
      tpu.wait_indirect_dma semaphore(%arg13 : memref<!tpu.dma_semaphore, #tpu.memory_space<semaphore_mem>>) src(%dma_wait3A_255 : memref<128x64xf32, #tpu.memory_space<vmem>>) dst(%dma_wait3A_261 : memref<10240x64xf32, #tpu.memory_space<vmem_shared>>)
    }
    %scan3A_148 = arith.constant 2 : i32
    "tpu.region"() ({
      %run_scoped3A = tpu.sem_alloc : memref<!tpu.dma_semaphore, #tpu.memory_space<semaphore_mem>>
      %dma_start3A_250 = arith.constant 96 : i32
      %dma_start3A_251 = arith.constant 0 : i32
      %dma_start3A_252 = tpu.memref_slice %arg3[%arg1, %dma_start3A_250, %dma_start3A_251] : memref<16x160x128xi32, #tpu.memory_space<hbm>> -> memref<1x32x128xi32, #tpu.memory_space<hbm>>
      %dma_start3A_253 = tpu.memref_squeeze %dma_start3A_252 : memref<1x32x128xi32, #tpu.memory_space<hbm>> -> memref<32x128xi32, #tpu.memory_space<hbm>>
      %dma_start3A_254 = arith.constant 96 : i32
      %dma_start3A_255 = arith.constant 0 : i32
      %dma_start3A_256 = tpu.memref_slice %arg3[%arg1, %dma_start3A_254, %dma_start3A_255] : memref<16x160x128xi32, #tpu.memory_space<hbm>> -> memref<1x32x128xi32, #tpu.memory_space<hbm>>
      %dma_start3A_257 = tpu.memref_squeeze %dma_start3A_256 : memref<1x32x128xi32, #tpu.memory_space<hbm>> -> memref<32x128xi32, #tpu.memory_space<hbm>>
      tpu.enqueue_dma source(%dma_start3A_257 : memref<32x128xi32, #tpu.memory_space<hbm>>) target(%arg7 : memref<32x128xi32, #tpu.memory_space<vmem>>) target_semaphore(%run_scoped3A : memref<!tpu.dma_semaphore, #tpu.memory_space<semaphore_mem>>)
      %dma_wait3A = arith.constant 96 : i32
      %dma_wait3A_258 = arith.constant 0 : i32
      %dma_wait3A_259 = tpu.memref_slice %arg3[%arg1, %dma_wait3A, %dma_wait3A_258] : memref<16x160x128xi32, #tpu.memory_space<hbm>> -> memref<1x32x128xi32, #tpu.memory_space<hbm>>
      %dma_wait3A_260 = tpu.memref_squeeze %dma_wait3A_259 : memref<1x32x128xi32, #tpu.memory_space<hbm>> -> memref<32x128xi32, #tpu.memory_space<hbm>>
      %dma_wait3A_261 = arith.constant 96 : i32
      %dma_wait3A_262 = arith.constant 0 : i32
      %dma_wait3A_263 = tpu.memref_slice %arg3[%arg1, %dma_wait3A_261, %dma_wait3A_262] : memref<16x160x128xi32, #tpu.memory_space<hbm>> -> memref<1x32x128xi32, #tpu.memory_space<hbm>>
      %dma_wait3A_264 = tpu.memref_squeeze %dma_wait3A_263 : memref<1x32x128xi32, #tpu.memory_space<hbm>> -> memref<32x128xi32, #tpu.memory_space<hbm>>
      tpu.wait_dma2 semaphore(%run_scoped3A : memref<!tpu.dma_semaphore, #tpu.memory_space<semaphore_mem>>) src(%dma_wait3A_264 : memref<32x128xi32, #tpu.memory_space<hbm>>) dst(%arg7 : memref<32x128xi32, #tpu.memory_space<vmem>>)
      tpu.yield
    }) : () -> ()
    "tpu.region"() ({
      %run_scoped3A = tpu.sem_alloc : memref<!tpu.dma_semaphore, #tpu.memory_space<semaphore_mem>>
      %dma_start3A_250 = arith.constant 96 : i32
      %dma_start3A_251 = arith.constant 0 : i32
      %dma_start3A_252 = tpu.memref_slice %arg4[%arg1, %dma_start3A_250, %dma_start3A_251] : memref<16x160x128xi32, #tpu.memory_space<hbm>> -> memref<1x32x128xi32, #tpu.memory_space<hbm>>
      %dma_start3A_253 = tpu.memref_squeeze %dma_start3A_252 : memref<1x32x128xi32, #tpu.memory_space<hbm>> -> memref<32x128xi32, #tpu.memory_space<hbm>>
      %dma_start3A_254 = arith.constant 96 : i32
      %dma_start3A_255 = arith.constant 0 : i32
      %dma_start3A_256 = tpu.memref_slice %arg4[%arg1, %dma_start3A_254, %dma_start3A_255] : memref<16x160x128xi32, #tpu.memory_space<hbm>> -> memref<1x32x128xi32, #tpu.memory_space<hbm>>
      %dma_start3A_257 = tpu.memref_squeeze %dma_start3A_256 : memref<1x32x128xi32, #tpu.memory_space<hbm>> -> memref<32x128xi32, #tpu.memory_space<hbm>>
      tpu.enqueue_dma source(%dma_start3A_257 : memref<32x128xi32, #tpu.memory_space<hbm>>) target(%arg8 : memref<32x128xi32, #tpu.memory_space<vmem>>) target_semaphore(%run_scoped3A : memref<!tpu.dma_semaphore, #tpu.memory_space<semaphore_mem>>)
      %dma_wait3A = arith.constant 96 : i32
      %dma_wait3A_258 = arith.constant 0 : i32
      %dma_wait3A_259 = tpu.memref_slice %arg4[%arg1, %dma_wait3A, %dma_wait3A_258] : memref<16x160x128xi32, #tpu.memory_space<hbm>> -> memref<1x32x128xi32, #tpu.memory_space<hbm>>
      %dma_wait3A_260 = tpu.memref_squeeze %dma_wait3A_259 : memref<1x32x128xi32, #tpu.memory_space<hbm>> -> memref<32x128xi32, #tpu.memory_space<hbm>>
      %dma_wait3A_261 = arith.constant 96 : i32
      %dma_wait3A_262 = arith.constant 0 : i32
      %dma_wait3A_263 = tpu.memref_slice %arg4[%arg1, %dma_wait3A_261, %dma_wait3A_262] : memref<16x160x128xi32, #tpu.memory_space<hbm>> -> memref<1x32x128xi32, #tpu.memory_space<hbm>>
      %dma_wait3A_264 = tpu.memref_squeeze %dma_wait3A_263 : memref<1x32x128xi32, #tpu.memory_space<hbm>> -> memref<32x128xi32, #tpu.memory_space<hbm>>
      tpu.wait_dma2 semaphore(%run_scoped3A : memref<!tpu.dma_semaphore, #tpu.memory_space<semaphore_mem>>) src(%dma_wait3A_264 : memref<32x128xi32, #tpu.memory_space<hbm>>) dst(%arg8 : memref<32x128xi32, #tpu.memory_space<vmem>>)
      tpu.yield
    }) : () -> ()
    %dma_start3A_149 = arith.constant 0 : i32
    %dma_start3A_150 = arith.constant 0 : i32
    %dma_start3A_151 = arith.constant 0 : i32
    %dma_start3A_152 = arith.constant 0 : i32
    %dma_start3A_153 = tpu.memref_slice %arg9[%dma_start3A_150, %dma_start3A_151, %dma_start3A_152] : memref<5x128x64xf32, #tpu.memory_space<vmem>> -> memref<1x128x64xf32, #tpu.memory_space<vmem>>
    %dma_start3A_154 = tpu.memref_squeeze %dma_start3A_153 : memref<1x128x64xf32, #tpu.memory_space<vmem>> -> memref<128x64xf32, #tpu.memory_space<vmem>>
    %dma_start3A_155 = arith.constant 0 : i32
    %dma_start3A_156 = tpu.memref_slice %arg7[%dma_start3A_149, %dma_start3A_155] : memref<32x128xi32, #tpu.memory_space<vmem>> -> memref<1x128xi32, #tpu.memory_space<vmem>>
    %dma_start3A_157 = tpu.memref_squeeze %dma_start3A_156 : memref<1x128xi32, #tpu.memory_space<vmem>> -> memref<128xi32, #tpu.memory_space<vmem>>
    %dma_start3A_158 = arith.constant 0 : i32
    %dma_start3A_159 = arith.constant 0 : i32
    %dma_start3A_160 = tpu.memref_slice %arg10[%dma_start3A_158, %dma_start3A_159] : memref<10000x64xf32, #tpu.memory_space<vmem_shared>> -> memref<10000x64xf32, #tpu.memory_space<vmem_shared>>
    tpu.enqueue_indirect_dma source(%dma_start3A_160 : memref<10000x64xf32, #tpu.memory_space<vmem_shared>>) target(%dma_start3A_154 : memref<128x64xf32, #tpu.memory_space<vmem>>) offsets(%dma_start3A_157 : memref<128xi32, #tpu.memory_space<vmem>>) semaphore(%arg12 : memref<!tpu.dma_semaphore, #tpu.memory_space<semaphore_mem>>)
    %dma_start3A_161 = arith.constant 1 : i32
    %dma_start3A_162 = arith.constant 1 : i32
    %dma_start3A_163 = arith.constant 0 : i32
    %dma_start3A_164 = arith.constant 0 : i32
    %dma_start3A_165 = tpu.memref_slice %arg9[%dma_start3A_162, %dma_start3A_163, %dma_start3A_164] : memref<5x128x64xf32, #tpu.memory_space<vmem>> -> memref<1x128x64xf32, #tpu.memory_space<vmem>>
    %dma_start3A_166 = tpu.memref_squeeze %dma_start3A_165 : memref<1x128x64xf32, #tpu.memory_space<vmem>> -> memref<128x64xf32, #tpu.memory_space<vmem>>
    %dma_start3A_167 = arith.constant 0 : i32
    %dma_start3A_168 = tpu.memref_slice %arg7[%dma_start3A_161, %dma_start3A_167] : memref<32x128xi32, #tpu.memory_space<vmem>> -> memref<1x128xi32, #tpu.memory_space<vmem>>
    %dma_start3A_169 = tpu.memref_squeeze %dma_start3A_168 : memref<1x128xi32, #tpu.memory_space<vmem>> -> memref<128xi32, #tpu.memory_space<vmem>>
    %dma_start3A_170 = arith.constant 0 : i32
    %dma_start3A_171 = arith.constant 0 : i32
    %dma_start3A_172 = tpu.memref_slice %arg10[%dma_start3A_170, %dma_start3A_171] : memref<10000x64xf32, #tpu.memory_space<vmem_shared>> -> memref<10000x64xf32, #tpu.memory_space<vmem_shared>>
    tpu.enqueue_indirect_dma source(%dma_start3A_172 : memref<10000x64xf32, #tpu.memory_space<vmem_shared>>) target(%dma_start3A_166 : memref<128x64xf32, #tpu.memory_space<vmem>>) offsets(%dma_start3A_169 : memref<128xi32, #tpu.memory_space<vmem>>) semaphore(%arg12 : memref<!tpu.dma_semaphore, #tpu.memory_space<semaphore_mem>>)
    %dma_start3A_173 = arith.constant 2 : i32
    %dma_start3A_174 = arith.constant 2 : i32
    %dma_start3A_175 = arith.constant 0 : i32
    %dma_start3A_176 = arith.constant 0 : i32
    %dma_start3A_177 = tpu.memref_slice %arg9[%dma_start3A_174, %dma_start3A_175, %dma_start3A_176] : memref<5x128x64xf32, #tpu.memory_space<vmem>> -> memref<1x128x64xf32, #tpu.memory_space<vmem>>
    %dma_start3A_178 = tpu.memref_squeeze %dma_start3A_177 : memref<1x128x64xf32, #tpu.memory_space<vmem>> -> memref<128x64xf32, #tpu.memory_space<vmem>>
    %dma_start3A_179 = arith.constant 0 : i32
    %dma_start3A_180 = tpu.memref_slice %arg7[%dma_start3A_173, %dma_start3A_179] : memref<32x128xi32, #tpu.memory_space<vmem>> -> memref<1x128xi32, #tpu.memory_space<vmem>>
    %dma_start3A_181 = tpu.memref_squeeze %dma_start3A_180 : memref<1x128xi32, #tpu.memory_space<vmem>> -> memref<128xi32, #tpu.memory_space<vmem>>
    %dma_start3A_182 = arith.constant 0 : i32
    %dma_start3A_183 = arith.constant 0 : i32
    %dma_start3A_184 = tpu.memref_slice %arg10[%dma_start3A_182, %dma_start3A_183] : memref<10000x64xf32, #tpu.memory_space<vmem_shared>> -> memref<10000x64xf32, #tpu.memory_space<vmem_shared>>
    tpu.enqueue_indirect_dma source(%dma_start3A_184 : memref<10000x64xf32, #tpu.memory_space<vmem_shared>>) target(%dma_start3A_178 : memref<128x64xf32, #tpu.memory_space<vmem>>) offsets(%dma_start3A_181 : memref<128xi32, #tpu.memory_space<vmem>>) semaphore(%arg12 : memref<!tpu.dma_semaphore, #tpu.memory_space<semaphore_mem>>)
    %scan3A_185 = arith.constant 0 : i32
    %scan3A_186 = arith.constant 0 : i32
    %scan3A_187 = arith.constant 32 : i32
    %scan3A_188 = arith.addi %scan3A_186, %scan3A_187 : i32
    %scan3A_189 = arith.constant 1 : i32
    scf.for %scan3A_250 = %scan3A_186 to %scan3A_188 step %scan3A_189  : i32 {
      %rem3A = arith.constant 5 : i32
      %rem3A_251 = arith.remsi %scan3A_250, %rem3A : i32
      %dma_wait3A = arith.constant 0 : i32
      %dma_wait3A_252 = arith.constant 0 : i32
      %dma_wait3A_253 = tpu.memref_slice %arg9[%rem3A_251, %dma_wait3A, %dma_wait3A_252] : memref<5x128x64xf32, #tpu.memory_space<vmem>> -> memref<1x128x64xf32, #tpu.memory_space<vmem>>
      %dma_wait3A_254 = tpu.memref_squeeze %dma_wait3A_253 : memref<1x128x64xf32, #tpu.memory_space<vmem>> -> memref<128x64xf32, #tpu.memory_space<vmem>>
      %dma_wait3A_255 = arith.constant 0 : i32
      %dma_wait3A_256 = tpu.memref_slice %arg7[%scan3A_250, %dma_wait3A_255] : memref<32x128xi32, #tpu.memory_space<vmem>> -> memref<1x128xi32, #tpu.memory_space<vmem>>
      %dma_wait3A_257 = tpu.memref_squeeze %dma_wait3A_256 : memref<1x128xi32, #tpu.memory_space<vmem>> -> memref<128xi32, #tpu.memory_space<vmem>>
      %dma_wait3A_258 = arith.constant 0 : i32
      %dma_wait3A_259 = arith.constant 0 : i32
      %dma_wait3A_260 = tpu.memref_slice %arg10[%dma_wait3A_258, %dma_wait3A_259] : memref<10000x64xf32, #tpu.memory_space<vmem_shared>> -> memref<10000x64xf32, #tpu.memory_space<vmem_shared>>
      tpu.wait_indirect_dma semaphore(%arg12 : memref<!tpu.dma_semaphore, #tpu.memory_space<semaphore_mem>>) src(%dma_wait3A_260 : memref<10000x64xf32, #tpu.memory_space<vmem_shared>>) dst(%dma_wait3A_254 : memref<128x64xf32, #tpu.memory_space<vmem>>)
      %dma_start3A_261 = arith.constant 0 : i32
      %dma_start3A_262 = arith.constant 0 : i32
      %dma_start3A_263 = tpu.memref_slice %arg9[%rem3A_251, %dma_start3A_261, %dma_start3A_262] : memref<5x128x64xf32, #tpu.memory_space<vmem>> -> memref<1x128x64xf32, #tpu.memory_space<vmem>>
      %dma_start3A_264 = tpu.memref_squeeze %dma_start3A_263 : memref<1x128x64xf32, #tpu.memory_space<vmem>> -> memref<128x64xf32, #tpu.memory_space<vmem>>
      %dma_start3A_265 = arith.constant 0 : i32
      %dma_start3A_266 = tpu.memref_slice %arg8[%scan3A_250, %dma_start3A_265] : memref<32x128xi32, #tpu.memory_space<vmem>> -> memref<1x128xi32, #tpu.memory_space<vmem>>
      %dma_start3A_267 = tpu.memref_squeeze %dma_start3A_266 : memref<1x128xi32, #tpu.memory_space<vmem>> -> memref<128xi32, #tpu.memory_space<vmem>>
      %dma_start3A_268 = arith.constant 0 : i32
      %dma_start3A_269 = arith.constant 0 : i32
      %dma_start3A_270 = tpu.memref_slice %arg11[%dma_start3A_268, %dma_start3A_269] : memref<10240x64xf32, #tpu.memory_space<vmem_shared>> -> memref<10240x64xf32, #tpu.memory_space<vmem_shared>>
      tpu.enqueue_indirect_dma source(%dma_start3A_264 : memref<128x64xf32, #tpu.memory_space<vmem>>) target(%dma_start3A_270 : memref<10240x64xf32, #tpu.memory_space<vmem_shared>>) offsets(%dma_start3A_267 : memref<128xi32, #tpu.memory_space<vmem>>) semaphore(%arg13 : memref<!tpu.dma_semaphore, #tpu.memory_space<semaphore_mem>>) {add = true}
      %ge3A = arith.constant 2 : i32
      %ge3A_271 = arith.cmpi sge, %scan3A_250, %ge3A : i32
      %convert_element_type3A = arith.extui %ge3A_271 : i1 to i32
      %cond3A = arith.constant 0 : i32
      %cond3A_272 = arith.cmpi ne, %convert_element_type3A, %cond3A : i32
      scf.if %cond3A_272 {
        %dma_wait3A_279 = arith.constant 0 : i32
        %dma_wait3A_280 = arith.constant 0 : i32
        %dma_wait3A_281 = arith.constant 0 : i32
        %dma_wait3A_282 = arith.constant 0 : i32
        %dma_wait3A_283 = tpu.memref_slice %arg9[%dma_wait3A_279, %dma_wait3A_281, %dma_wait3A_282] : memref<5x128x64xf32, #tpu.memory_space<vmem>> -> memref<1x128x64xf32, #tpu.memory_space<vmem>>
        %dma_wait3A_284 = tpu.memref_squeeze %dma_wait3A_283 : memref<1x128x64xf32, #tpu.memory_space<vmem>> -> memref<128x64xf32, #tpu.memory_space<vmem>>
        %dma_wait3A_285 = arith.constant 0 : i32
        %dma_wait3A_286 = tpu.memref_slice %arg8[%dma_wait3A_280, %dma_wait3A_285] : memref<32x128xi32, #tpu.memory_space<vmem>> -> memref<1x128xi32, #tpu.memory_space<vmem>>
        %dma_wait3A_287 = tpu.memref_squeeze %dma_wait3A_286 : memref<1x128xi32, #tpu.memory_space<vmem>> -> memref<128xi32, #tpu.memory_space<vmem>>
        %dma_wait3A_288 = arith.constant 0 : i32
        %dma_wait3A_289 = arith.constant 0 : i32
        %dma_wait3A_290 = tpu.memref_slice %arg11[%dma_wait3A_288, %dma_wait3A_289] : memref<10240x64xf32, #tpu.memory_space<vmem_shared>> -> memref<10240x64xf32, #tpu.memory_space<vmem_shared>>
        tpu.wait_indirect_dma semaphore(%arg13 : memref<!tpu.dma_semaphore, #tpu.memory_space<semaphore_mem>>) src(%dma_wait3A_284 : memref<128x64xf32, #tpu.memory_space<vmem>>) dst(%dma_wait3A_290 : memref<10240x64xf32, #tpu.memory_space<vmem_shared>>)
      } else {
      }
      %add3A_273 = arith.constant 3 : i32
      %add3A_274 = arith.addi %scan3A_250, %add3A_273 : i32
      %lt3A = arith.constant 32 : i32
      %lt3A_275 = arith.cmpi slt, %add3A_274, %lt3A : i32
      %convert_element_type3A_276 = arith.extui %lt3A_275 : i1 to i32
      %cond3A_277 = arith.constant 0 : i32
      %cond3A_278 = arith.cmpi ne, %convert_element_type3A_276, %cond3A_277 : i32
      scf.if %cond3A_278 {
        %rem3A_279 = arith.constant 5 : i32
        %rem3A_280 = arith.remsi %add3A_274, %rem3A_279 : i32
        %dma_start3A_281 = arith.constant 0 : i32
        %dma_start3A_282 = arith.constant 0 : i32
        %dma_start3A_283 = tpu.memref_slice %arg9[%rem3A_280, %dma_start3A_281, %dma_start3A_282] : memref<5x128x64xf32, #tpu.memory_space<vmem>> -> memref<1x128x64xf32, #tpu.memory_space<vmem>>
        %dma_start3A_284 = tpu.memref_squeeze %dma_start3A_283 : memref<1x128x64xf32, #tpu.memory_space<vmem>> -> memref<128x64xf32, #tpu.memory_space<vmem>>
        %dma_start3A_285 = arith.constant 0 : i32
        %dma_start3A_286 = tpu.memref_slice %arg7[%add3A_274, %dma_start3A_285] : memref<32x128xi32, #tpu.memory_space<vmem>> -> memref<1x128xi32, #tpu.memory_space<vmem>>
        %dma_start3A_287 = tpu.memref_squeeze %dma_start3A_286 : memref<1x128xi32, #tpu.memory_space<vmem>> -> memref<128xi32, #tpu.memory_space<vmem>>
        %dma_start3A_288 = arith.constant 0 : i32
        %dma_start3A_289 = arith.constant 0 : i32
        %dma_start3A_290 = tpu.memref_slice %arg10[%dma_start3A_288, %dma_start3A_289] : memref<10000x64xf32, #tpu.memory_space<vmem_shared>> -> memref<10000x64xf32, #tpu.memory_space<vmem_shared>>
        tpu.enqueue_indirect_dma source(%dma_start3A_290 : memref<10000x64xf32, #tpu.memory_space<vmem_shared>>) target(%dma_start3A_284 : memref<128x64xf32, #tpu.memory_space<vmem>>) offsets(%dma_start3A_287 : memref<128xi32, #tpu.memory_space<vmem>>) semaphore(%arg12 : memref<!tpu.dma_semaphore, #tpu.memory_space<semaphore_mem>>)
      } else {
      }
    }
    %scan3A_190 = arith.constant 32 : i32
    %scan3A_191 = arith.constant 0 : i32
    %scan3A_192 = arith.constant 0 : i32
    %scan3A_193 = arith.constant 2 : i32
    %scan3A_194 = arith.addi %scan3A_192, %scan3A_193 : i32
    %scan3A_195 = arith.constant 1 : i32
    scf.for %scan3A_250 = %scan3A_192 to %scan3A_194 step %scan3A_195  : i32 {
      %dma_wait3A = arith.constant 0 : i32
      %dma_wait3A_251 = arith.constant 0 : i32
      %dma_wait3A_252 = arith.constant 0 : i32
      %dma_wait3A_253 = arith.constant 0 : i32
      %dma_wait3A_254 = tpu.memref_slice %arg9[%dma_wait3A, %dma_wait3A_252, %dma_wait3A_253] : memref<5x128x64xf32, #tpu.memory_space<vmem>> -> memref<1x128x64xf32, #tpu.memory_space<vmem>>
      %dma_wait3A_255 = tpu.memref_squeeze %dma_wait3A_254 : memref<1x128x64xf32, #tpu.memory_space<vmem>> -> memref<128x64xf32, #tpu.memory_space<vmem>>
      %dma_wait3A_256 = arith.constant 0 : i32
      %dma_wait3A_257 = tpu.memref_slice %arg8[%dma_wait3A_251, %dma_wait3A_256] : memref<32x128xi32, #tpu.memory_space<vmem>> -> memref<1x128xi32, #tpu.memory_space<vmem>>
      %dma_wait3A_258 = tpu.memref_squeeze %dma_wait3A_257 : memref<1x128xi32, #tpu.memory_space<vmem>> -> memref<128xi32, #tpu.memory_space<vmem>>
      %dma_wait3A_259 = arith.constant 0 : i32
      %dma_wait3A_260 = arith.constant 0 : i32
      %dma_wait3A_261 = tpu.memref_slice %arg11[%dma_wait3A_259, %dma_wait3A_260] : memref<10240x64xf32, #tpu.memory_space<vmem_shared>> -> memref<10240x64xf32, #tpu.memory_space<vmem_shared>>
      tpu.wait_indirect_dma semaphore(%arg13 : memref<!tpu.dma_semaphore, #tpu.memory_space<semaphore_mem>>) src(%dma_wait3A_255 : memref<128x64xf32, #tpu.memory_space<vmem>>) dst(%dma_wait3A_261 : memref<10240x64xf32, #tpu.memory_space<vmem_shared>>)
    }
    %scan3A_196 = arith.constant 2 : i32
    "tpu.region"() ({
      %run_scoped3A = tpu.sem_alloc : memref<!tpu.dma_semaphore, #tpu.memory_space<semaphore_mem>>
      %dma_start3A_250 = arith.constant 128 : i32
      %dma_start3A_251 = arith.constant 0 : i32
      %dma_start3A_252 = tpu.memref_slice %arg3[%arg1, %dma_start3A_250, %dma_start3A_251] : memref<16x160x128xi32, #tpu.memory_space<hbm>> -> memref<1x32x128xi32, #tpu.memory_space<hbm>>
      %dma_start3A_253 = tpu.memref_squeeze %dma_start3A_252 : memref<1x32x128xi32, #tpu.memory_space<hbm>> -> memref<32x128xi32, #tpu.memory_space<hbm>>
      %dma_start3A_254 = arith.constant 128 : i32
      %dma_start3A_255 = arith.constant 0 : i32
      %dma_start3A_256 = tpu.memref_slice %arg3[%arg1, %dma_start3A_254, %dma_start3A_255] : memref<16x160x128xi32, #tpu.memory_space<hbm>> -> memref<1x32x128xi32, #tpu.memory_space<hbm>>
      %dma_start3A_257 = tpu.memref_squeeze %dma_start3A_256 : memref<1x32x128xi32, #tpu.memory_space<hbm>> -> memref<32x128xi32, #tpu.memory_space<hbm>>
      tpu.enqueue_dma source(%dma_start3A_257 : memref<32x128xi32, #tpu.memory_space<hbm>>) target(%arg7 : memref<32x128xi32, #tpu.memory_space<vmem>>) target_semaphore(%run_scoped3A : memref<!tpu.dma_semaphore, #tpu.memory_space<semaphore_mem>>)
      %dma_wait3A = arith.constant 128 : i32
      %dma_wait3A_258 = arith.constant 0 : i32
      %dma_wait3A_259 = tpu.memref_slice %arg3[%arg1, %dma_wait3A, %dma_wait3A_258] : memref<16x160x128xi32, #tpu.memory_space<hbm>> -> memref<1x32x128xi32, #tpu.memory_space<hbm>>
      %dma_wait3A_260 = tpu.memref_squeeze %dma_wait3A_259 : memref<1x32x128xi32, #tpu.memory_space<hbm>> -> memref<32x128xi32, #tpu.memory_space<hbm>>
      %dma_wait3A_261 = arith.constant 128 : i32
      %dma_wait3A_262 = arith.constant 0 : i32
      %dma_wait3A_263 = tpu.memref_slice %arg3[%arg1, %dma_wait3A_261, %dma_wait3A_262] : memref<16x160x128xi32, #tpu.memory_space<hbm>> -> memref<1x32x128xi32, #tpu.memory_space<hbm>>
      %dma_wait3A_264 = tpu.memref_squeeze %dma_wait3A_263 : memref<1x32x128xi32, #tpu.memory_space<hbm>> -> memref<32x128xi32, #tpu.memory_space<hbm>>
      tpu.wait_dma2 semaphore(%run_scoped3A : memref<!tpu.dma_semaphore, #tpu.memory_space<semaphore_mem>>) src(%dma_wait3A_264 : memref<32x128xi32, #tpu.memory_space<hbm>>) dst(%arg7 : memref<32x128xi32, #tpu.memory_space<vmem>>)
      tpu.yield
    }) : () -> ()
    "tpu.region"() ({
      %run_scoped3A = tpu.sem_alloc : memref<!tpu.dma_semaphore, #tpu.memory_space<semaphore_mem>>
      %dma_start3A_250 = arith.constant 128 : i32
      %dma_start3A_251 = arith.constant 0 : i32
      %dma_start3A_252 = tpu.memref_slice %arg4[%arg1, %dma_start3A_250, %dma_start3A_251] : memref<16x160x128xi32, #tpu.memory_space<hbm>> -> memref<1x32x128xi32, #tpu.memory_space<hbm>>
      %dma_start3A_253 = tpu.memref_squeeze %dma_start3A_252 : memref<1x32x128xi32, #tpu.memory_space<hbm>> -> memref<32x128xi32, #tpu.memory_space<hbm>>
      %dma_start3A_254 = arith.constant 128 : i32
      %dma_start3A_255 = arith.constant 0 : i32
      %dma_start3A_256 = tpu.memref_slice %arg4[%arg1, %dma_start3A_254, %dma_start3A_255] : memref<16x160x128xi32, #tpu.memory_space<hbm>> -> memref<1x32x128xi32, #tpu.memory_space<hbm>>
      %dma_start3A_257 = tpu.memref_squeeze %dma_start3A_256 : memref<1x32x128xi32, #tpu.memory_space<hbm>> -> memref<32x128xi32, #tpu.memory_space<hbm>>
      tpu.enqueue_dma source(%dma_start3A_257 : memref<32x128xi32, #tpu.memory_space<hbm>>) target(%arg8 : memref<32x128xi32, #tpu.memory_space<vmem>>) target_semaphore(%run_scoped3A : memref<!tpu.dma_semaphore, #tpu.memory_space<semaphore_mem>>)
      %dma_wait3A = arith.constant 128 : i32
      %dma_wait3A_258 = arith.constant 0 : i32
      %dma_wait3A_259 = tpu.memref_slice %arg4[%arg1, %dma_wait3A, %dma_wait3A_258] : memref<16x160x128xi32, #tpu.memory_space<hbm>> -> memref<1x32x128xi32, #tpu.memory_space<hbm>>
      %dma_wait3A_260 = tpu.memref_squeeze %dma_wait3A_259 : memref<1x32x128xi32, #tpu.memory_space<hbm>> -> memref<32x128xi32, #tpu.memory_space<hbm>>
      %dma_wait3A_261 = arith.constant 128 : i32
      %dma_wait3A_262 = arith.constant 0 : i32
      %dma_wait3A_263 = tpu.memref_slice %arg4[%arg1, %dma_wait3A_261, %dma_wait3A_262] : memref<16x160x128xi32, #tpu.memory_space<hbm>> -> memref<1x32x128xi32, #tpu.memory_space<hbm>>
      %dma_wait3A_264 = tpu.memref_squeeze %dma_wait3A_263 : memref<1x32x128xi32, #tpu.memory_space<hbm>> -> memref<32x128xi32, #tpu.memory_space<hbm>>
      tpu.wait_dma2 semaphore(%run_scoped3A : memref<!tpu.dma_semaphore, #tpu.memory_space<semaphore_mem>>) src(%dma_wait3A_264 : memref<32x128xi32, #tpu.memory_space<hbm>>) dst(%arg8 : memref<32x128xi32, #tpu.memory_space<vmem>>)
      tpu.yield
    }) : () -> ()
    %dma_start3A_197 = arith.constant 0 : i32
    %dma_start3A_198 = arith.constant 0 : i32
    %dma_start3A_199 = arith.constant 0 : i32
    %dma_start3A_200 = arith.constant 0 : i32
    %dma_start3A_201 = tpu.memref_slice %arg9[%dma_start3A_198, %dma_start3A_199, %dma_start3A_200] : memref<5x128x64xf32, #tpu.memory_space<vmem>> -> memref<1x128x64xf32, #tpu.memory_space<vmem>>
    %dma_start3A_202 = tpu.memref_squeeze %dma_start3A_201 : memref<1x128x64xf32, #tpu.memory_space<vmem>> -> memref<128x64xf32, #tpu.memory_space<vmem>>
    %dma_start3A_203 = arith.constant 0 : i32
    %dma_start3A_204 = tpu.memref_slice %arg7[%dma_start3A_197, %dma_start3A_203] : memref<32x128xi32, #tpu.memory_space<vmem>> -> memref<1x128xi32, #tpu.memory_space<vmem>>
    %dma_start3A_205 = tpu.memref_squeeze %dma_start3A_204 : memref<1x128xi32, #tpu.memory_space<vmem>> -> memref<128xi32, #tpu.memory_space<vmem>>
    %dma_start3A_206 = arith.constant 0 : i32
    %dma_start3A_207 = arith.constant 0 : i32
    %dma_start3A_208 = tpu.memref_slice %arg10[%dma_start3A_206, %dma_start3A_207] : memref<10000x64xf32, #tpu.memory_space<vmem_shared>> -> memref<10000x64xf32, #tpu.memory_space<vmem_shared>>
    tpu.enqueue_indirect_dma source(%dma_start3A_208 : memref<10000x64xf32, #tpu.memory_space<vmem_shared>>) target(%dma_start3A_202 : memref<128x64xf32, #tpu.memory_space<vmem>>) offsets(%dma_start3A_205 : memref<128xi32, #tpu.memory_space<vmem>>) semaphore(%arg12 : memref<!tpu.dma_semaphore, #tpu.memory_space<semaphore_mem>>)
    %dma_start3A_209 = arith.constant 1 : i32
    %dma_start3A_210 = arith.constant 1 : i32
    %dma_start3A_211 = arith.constant 0 : i32
    %dma_start3A_212 = arith.constant 0 : i32
    %dma_start3A_213 = tpu.memref_slice %arg9[%dma_start3A_210, %dma_start3A_211, %dma_start3A_212] : memref<5x128x64xf32, #tpu.memory_space<vmem>> -> memref<1x128x64xf32, #tpu.memory_space<vmem>>
    %dma_start3A_214 = tpu.memref_squeeze %dma_start3A_213 : memref<1x128x64xf32, #tpu.memory_space<vmem>> -> memref<128x64xf32, #tpu.memory_space<vmem>>
    %dma_start3A_215 = arith.constant 0 : i32
    %dma_start3A_216 = tpu.memref_slice %arg7[%dma_start3A_209, %dma_start3A_215] : memref<32x128xi32, #tpu.memory_space<vmem>> -> memref<1x128xi32, #tpu.memory_space<vmem>>
    %dma_start3A_217 = tpu.memref_squeeze %dma_start3A_216 : memref<1x128xi32, #tpu.memory_space<vmem>> -> memref<128xi32, #tpu.memory_space<vmem>>
    %dma_start3A_218 = arith.constant 0 : i32
    %dma_start3A_219 = arith.constant 0 : i32
    %dma_start3A_220 = tpu.memref_slice %arg10[%dma_start3A_218, %dma_start3A_219] : memref<10000x64xf32, #tpu.memory_space<vmem_shared>> -> memref<10000x64xf32, #tpu.memory_space<vmem_shared>>
    tpu.enqueue_indirect_dma source(%dma_start3A_220 : memref<10000x64xf32, #tpu.memory_space<vmem_shared>>) target(%dma_start3A_214 : memref<128x64xf32, #tpu.memory_space<vmem>>) offsets(%dma_start3A_217 : memref<128xi32, #tpu.memory_space<vmem>>) semaphore(%arg12 : memref<!tpu.dma_semaphore, #tpu.memory_space<semaphore_mem>>)
    %dma_start3A_221 = arith.constant 2 : i32
    %dma_start3A_222 = arith.constant 2 : i32
    %dma_start3A_223 = arith.constant 0 : i32
    %dma_start3A_224 = arith.constant 0 : i32
    %dma_start3A_225 = tpu.memref_slice %arg9[%dma_start3A_222, %dma_start3A_223, %dma_start3A_224] : memref<5x128x64xf32, #tpu.memory_space<vmem>> -> memref<1x128x64xf32, #tpu.memory_space<vmem>>
    %dma_start3A_226 = tpu.memref_squeeze %dma_start3A_225 : memref<1x128x64xf32, #tpu.memory_space<vmem>> -> memref<128x64xf32, #tpu.memory_space<vmem>>
    %dma_start3A_227 = arith.constant 0 : i32
    %dma_start3A_228 = tpu.memref_slice %arg7[%dma_start3A_221, %dma_start3A_227] : memref<32x128xi32, #tpu.memory_space<vmem>> -> memref<1x128xi32, #tpu.memory_space<vmem>>
    %dma_start3A_229 = tpu.memref_squeeze %dma_start3A_228 : memref<1x128xi32, #tpu.memory_space<vmem>> -> memref<128xi32, #tpu.memory_space<vmem>>
    %dma_start3A_230 = arith.constant 0 : i32
    %dma_start3A_231 = arith.constant 0 : i32
    %dma_start3A_232 = tpu.memref_slice %arg10[%dma_start3A_230, %dma_start3A_231] : memref<10000x64xf32, #tpu.memory_space<vmem_shared>> -> memref<10000x64xf32, #tpu.memory_space<vmem_shared>>
    tpu.enqueue_indirect_dma source(%dma_start3A_232 : memref<10000x64xf32, #tpu.memory_space<vmem_shared>>) target(%dma_start3A_226 : memref<128x64xf32, #tpu.memory_space<vmem>>) offsets(%dma_start3A_229 : memref<128xi32, #tpu.memory_space<vmem>>) semaphore(%arg12 : memref<!tpu.dma_semaphore, #tpu.memory_space<semaphore_mem>>)
    %scan3A_233 = arith.constant 0 : i32
    %scan3A_234 = arith.constant 0 : i32
    %scan3A_235 = arith.constant 32 : i32
    %scan3A_236 = arith.addi %scan3A_234, %scan3A_235 : i32
    %scan3A_237 = arith.constant 1 : i32
    scf.for %scan3A_250 = %scan3A_234 to %scan3A_236 step %scan3A_237  : i32 {
      %rem3A = arith.constant 5 : i32
      %rem3A_251 = arith.remsi %scan3A_250, %rem3A : i32
      %dma_wait3A = arith.constant 0 : i32
      %dma_wait3A_252 = arith.constant 0 : i32
      %dma_wait3A_253 = tpu.memref_slice %arg9[%rem3A_251, %dma_wait3A, %dma_wait3A_252] : memref<5x128x64xf32, #tpu.memory_space<vmem>> -> memref<1x128x64xf32, #tpu.memory_space<vmem>>
      %dma_wait3A_254 = tpu.memref_squeeze %dma_wait3A_253 : memref<1x128x64xf32, #tpu.memory_space<vmem>> -> memref<128x64xf32, #tpu.memory_space<vmem>>
      %dma_wait3A_255 = arith.constant 0 : i32
      %dma_wait3A_256 = tpu.memref_slice %arg7[%scan3A_250, %dma_wait3A_255] : memref<32x128xi32, #tpu.memory_space<vmem>> -> memref<1x128xi32, #tpu.memory_space<vmem>>
      %dma_wait3A_257 = tpu.memref_squeeze %dma_wait3A_256 : memref<1x128xi32, #tpu.memory_space<vmem>> -> memref<128xi32, #tpu.memory_space<vmem>>
      %dma_wait3A_258 = arith.constant 0 : i32
      %dma_wait3A_259 = arith.constant 0 : i32
      %dma_wait3A_260 = tpu.memref_slice %arg10[%dma_wait3A_258, %dma_wait3A_259] : memref<10000x64xf32, #tpu.memory_space<vmem_shared>> -> memref<10000x64xf32, #tpu.memory_space<vmem_shared>>
      tpu.wait_indirect_dma semaphore(%arg12 : memref<!tpu.dma_semaphore, #tpu.memory_space<semaphore_mem>>) src(%dma_wait3A_260 : memref<10000x64xf32, #tpu.memory_space<vmem_shared>>) dst(%dma_wait3A_254 : memref<128x64xf32, #tpu.memory_space<vmem>>)
      %dma_start3A_261 = arith.constant 0 : i32
      %dma_start3A_262 = arith.constant 0 : i32
      %dma_start3A_263 = tpu.memref_slice %arg9[%rem3A_251, %dma_start3A_261, %dma_start3A_262] : memref<5x128x64xf32, #tpu.memory_space<vmem>> -> memref<1x128x64xf32, #tpu.memory_space<vmem>>
      %dma_start3A_264 = tpu.memref_squeeze %dma_start3A_263 : memref<1x128x64xf32, #tpu.memory_space<vmem>> -> memref<128x64xf32, #tpu.memory_space<vmem>>
      %dma_start3A_265 = arith.constant 0 : i32
      %dma_start3A_266 = tpu.memref_slice %arg8[%scan3A_250, %dma_start3A_265] : memref<32x128xi32, #tpu.memory_space<vmem>> -> memref<1x128xi32, #tpu.memory_space<vmem>>
      %dma_start3A_267 = tpu.memref_squeeze %dma_start3A_266 : memref<1x128xi32, #tpu.memory_space<vmem>> -> memref<128xi32, #tpu.memory_space<vmem>>
      %dma_start3A_268 = arith.constant 0 : i32
      %dma_start3A_269 = arith.constant 0 : i32
      %dma_start3A_270 = tpu.memref_slice %arg11[%dma_start3A_268, %dma_start3A_269] : memref<10240x64xf32, #tpu.memory_space<vmem_shared>> -> memref<10240x64xf32, #tpu.memory_space<vmem_shared>>
      tpu.enqueue_indirect_dma source(%dma_start3A_264 : memref<128x64xf32, #tpu.memory_space<vmem>>) target(%dma_start3A_270 : memref<10240x64xf32, #tpu.memory_space<vmem_shared>>) offsets(%dma_start3A_267 : memref<128xi32, #tpu.memory_space<vmem>>) semaphore(%arg13 : memref<!tpu.dma_semaphore, #tpu.memory_space<semaphore_mem>>) {add = true}
      %ge3A = arith.constant 2 : i32
      %ge3A_271 = arith.cmpi sge, %scan3A_250, %ge3A : i32
      %convert_element_type3A = arith.extui %ge3A_271 : i1 to i32
      %cond3A = arith.constant 0 : i32
      %cond3A_272 = arith.cmpi ne, %convert_element_type3A, %cond3A : i32
      scf.if %cond3A_272 {
        %dma_wait3A_279 = arith.constant 0 : i32
        %dma_wait3A_280 = arith.constant 0 : i32
        %dma_wait3A_281 = arith.constant 0 : i32
        %dma_wait3A_282 = arith.constant 0 : i32
        %dma_wait3A_283 = tpu.memref_slice %arg9[%dma_wait3A_279, %dma_wait3A_281, %dma_wait3A_282] : memref<5x128x64xf32, #tpu.memory_space<vmem>> -> memref<1x128x64xf32, #tpu.memory_space<vmem>>
        %dma_wait3A_284 = tpu.memref_squeeze %dma_wait3A_283 : memref<1x128x64xf32, #tpu.memory_space<vmem>> -> memref<128x64xf32, #tpu.memory_space<vmem>>
        %dma_wait3A_285 = arith.constant 0 : i32
        %dma_wait3A_286 = tpu.memref_slice %arg8[%dma_wait3A_280, %dma_wait3A_285] : memref<32x128xi32, #tpu.memory_space<vmem>> -> memref<1x128xi32, #tpu.memory_space<vmem>>
        %dma_wait3A_287 = tpu.memref_squeeze %dma_wait3A_286 : memref<1x128xi32, #tpu.memory_space<vmem>> -> memref<128xi32, #tpu.memory_space<vmem>>
        %dma_wait3A_288 = arith.constant 0 : i32
        %dma_wait3A_289 = arith.constant 0 : i32
        %dma_wait3A_290 = tpu.memref_slice %arg11[%dma_wait3A_288, %dma_wait3A_289] : memref<10240x64xf32, #tpu.memory_space<vmem_shared>> -> memref<10240x64xf32, #tpu.memory_space<vmem_shared>>
        tpu.wait_indirect_dma semaphore(%arg13 : memref<!tpu.dma_semaphore, #tpu.memory_space<semaphore_mem>>) src(%dma_wait3A_284 : memref<128x64xf32, #tpu.memory_space<vmem>>) dst(%dma_wait3A_290 : memref<10240x64xf32, #tpu.memory_space<vmem_shared>>)
      } else {
      }
      %add3A_273 = arith.constant 3 : i32
      %add3A_274 = arith.addi %scan3A_250, %add3A_273 : i32
      %lt3A = arith.constant 32 : i32
      %lt3A_275 = arith.cmpi slt, %add3A_274, %lt3A : i32
      %convert_element_type3A_276 = arith.extui %lt3A_275 : i1 to i32
      %cond3A_277 = arith.constant 0 : i32
      %cond3A_278 = arith.cmpi ne, %convert_element_type3A_276, %cond3A_277 : i32
      scf.if %cond3A_278 {
        %rem3A_279 = arith.constant 5 : i32
        %rem3A_280 = arith.remsi %add3A_274, %rem3A_279 : i32
        %dma_start3A_281 = arith.constant 0 : i32
        %dma_start3A_282 = arith.constant 0 : i32
        %dma_start3A_283 = tpu.memref_slice %arg9[%rem3A_280, %dma_start3A_281, %dma_start3A_282] : memref<5x128x64xf32, #tpu.memory_space<vmem>> -> memref<1x128x64xf32, #tpu.memory_space<vmem>>
        %dma_start3A_284 = tpu.memref_squeeze %dma_start3A_283 : memref<1x128x64xf32, #tpu.memory_space<vmem>> -> memref<128x64xf32, #tpu.memory_space<vmem>>
        %dma_start3A_285 = arith.constant 0 : i32
        %dma_start3A_286 = tpu.memref_slice %arg7[%add3A_274, %dma_start3A_285] : memref<32x128xi32, #tpu.memory_space<vmem>> -> memref<1x128xi32, #tpu.memory_space<vmem>>
        %dma_start3A_287 = tpu.memref_squeeze %dma_start3A_286 : memref<1x128xi32, #tpu.memory_space<vmem>> -> memref<128xi32, #tpu.memory_space<vmem>>
        %dma_start3A_288 = arith.constant 0 : i32
        %dma_start3A_289 = arith.constant 0 : i32
        %dma_start3A_290 = tpu.memref_slice %arg10[%dma_start3A_288, %dma_start3A_289] : memref<10000x64xf32, #tpu.memory_space<vmem_shared>> -> memref<10000x64xf32, #tpu.memory_space<vmem_shared>>
        tpu.enqueue_indirect_dma source(%dma_start3A_290 : memref<10000x64xf32, #tpu.memory_space<vmem_shared>>) target(%dma_start3A_284 : memref<128x64xf32, #tpu.memory_space<vmem>>) offsets(%dma_start3A_287 : memref<128xi32, #tpu.memory_space<vmem>>) semaphore(%arg12 : memref<!tpu.dma_semaphore, #tpu.memory_space<semaphore_mem>>)
      } else {
      }
    }
    %scan3A_238 = arith.constant 32 : i32
    %scan3A_239 = arith.constant 0 : i32
    %scan3A_240 = arith.constant 0 : i32
    %scan3A_241 = arith.constant 2 : i32
    %scan3A_242 = arith.addi %scan3A_240, %scan3A_241 : i32
    %scan3A_243 = arith.constant 1 : i32
    scf.for %scan3A_250 = %scan3A_240 to %scan3A_242 step %scan3A_243  : i32 {
      %dma_wait3A = arith.constant 0 : i32
      %dma_wait3A_251 = arith.constant 0 : i32
      %dma_wait3A_252 = arith.constant 0 : i32
      %dma_wait3A_253 = arith.constant 0 : i32
      %dma_wait3A_254 = tpu.memref_slice %arg9[%dma_wait3A, %dma_wait3A_252, %dma_wait3A_253] : memref<5x128x64xf32, #tpu.memory_space<vmem>> -> memref<1x128x64xf32, #tpu.memory_space<vmem>>
      %dma_wait3A_255 = tpu.memref_squeeze %dma_wait3A_254 : memref<1x128x64xf32, #tpu.memory_space<vmem>> -> memref<128x64xf32, #tpu.memory_space<vmem>>
      %dma_wait3A_256 = arith.constant 0 : i32
      %dma_wait3A_257 = tpu.memref_slice %arg8[%dma_wait3A_251, %dma_wait3A_256] : memref<32x128xi32, #tpu.memory_space<vmem>> -> memref<1x128xi32, #tpu.memory_space<vmem>>
      %dma_wait3A_258 = tpu.memref_squeeze %dma_wait3A_257 : memref<1x128xi32, #tpu.memory_space<vmem>> -> memref<128xi32, #tpu.memory_space<vmem>>
      %dma_wait3A_259 = arith.constant 0 : i32
      %dma_wait3A_260 = arith.constant 0 : i32
      %dma_wait3A_261 = tpu.memref_slice %arg11[%dma_wait3A_259, %dma_wait3A_260] : memref<10240x64xf32, #tpu.memory_space<vmem_shared>> -> memref<10240x64xf32, #tpu.memory_space<vmem_shared>>
      tpu.wait_indirect_dma semaphore(%arg13 : memref<!tpu.dma_semaphore, #tpu.memory_space<semaphore_mem>>) src(%dma_wait3A_255 : memref<128x64xf32, #tpu.memory_space<vmem>>) dst(%dma_wait3A_261 : memref<10240x64xf32, #tpu.memory_space<vmem_shared>>)
    }
    %scan3A_244 = arith.constant 2 : i32
    %barrier3A_245 = arith.constant 0 : index
    tpu.barrier barrier_id(%barrier3A_245)
    %mul3A_246 = arith.constant 640 : i32
    %mul3A_247 = arith.muli %arg1, %mul3A_246 : i32
    %mul3A_248 = arith.constant 640 : i32
    %mul3A_249 = arith.muli %arg1, %mul3A_248 : i32
    "tpu.region"() ({
      %run_scoped3A = tpu.sem_alloc : memref<!tpu.dma_semaphore, #tpu.memory_space<semaphore_mem>>
      %dma_start3A_250 = arith.constant 0 : i32
      %dma_start3A_251 = tpu.memref_slice %arg6[%arg0, %mul3A_249, %dma_start3A_250] : memref<2x10240x64xf32, #tpu.memory_space<hbm>> -> memref<1x640x64xf32, #tpu.memory_space<hbm>>
      %dma_start3A_252 = tpu.memref_squeeze %dma_start3A_251 : memref<1x640x64xf32, #tpu.memory_space<hbm>> -> memref<640x64xf32, #tpu.memory_space<hbm>>
      %dma_start3A_253 = arith.constant 0 : i32
      %dma_start3A_254 = tpu.memref_slice %arg11[%mul3A_247, %dma_start3A_253] : memref<10240x64xf32, #tpu.memory_space<vmem_shared>> -> memref<640x64xf32, #tpu.memory_space<vmem_shared>>
      tpu.enqueue_dma source(%dma_start3A_254 : memref<640x64xf32, #tpu.memory_space<vmem_shared>>) target(%dma_start3A_252 : memref<640x64xf32, #tpu.memory_space<hbm>>) target_semaphore(%run_scoped3A : memref<!tpu.dma_semaphore, #tpu.memory_space<semaphore_mem>>)
      %dma_wait3A = arith.constant 0 : i32
      %dma_wait3A_255 = tpu.memref_slice %arg6[%arg0, %mul3A_249, %dma_wait3A] : memref<2x10240x64xf32, #tpu.memory_space<hbm>> -> memref<1x640x64xf32, #tpu.memory_space<hbm>>
      %dma_wait3A_256 = tpu.memref_squeeze %dma_wait3A_255 : memref<1x640x64xf32, #tpu.memory_space<hbm>> -> memref<640x64xf32, #tpu.memory_space<hbm>>
      %dma_wait3A_257 = arith.constant 0 : i32
      %dma_wait3A_258 = tpu.memref_slice %arg11[%mul3A_247, %dma_wait3A_257] : memref<10240x64xf32, #tpu.memory_space<vmem_shared>> -> memref<640x64xf32, #tpu.memory_space<vmem_shared>>
      tpu.wait_dma2 semaphore(%run_scoped3A : memref<!tpu.dma_semaphore, #tpu.memory_space<semaphore_mem>>) src(%dma_wait3A_258 : memref<640x64xf32, #tpu.memory_space<vmem_shared>>) dst(%dma_wait3A_256 : memref<640x64xf32, #tpu.memory_space<hbm>>)
      tpu.yield
    }) : () -> ()
    return
  }
}

#map = affine_map<(d0, d1) -> (0, 0, 0)>
#map1 = affine_map<(d0, d1) -> (0)>
module attributes {stable_mosaic.version = 14 : i64} {
  func.func @_deg_body(%arg0: i32, %arg1: i32, %arg2: memref<32x80x128xi32, #tpu.memory_space<hbm>>, %arg3: memref<640xf32, #tpu.memory_space<hbm>>, %arg4: memref<20480xf32, #tpu.memory_space<hbm>>, %arg5: memref<80x128xi32, #tpu.memory_space<vmem>>, %arg6: memref<128xf32, #tpu.memory_space<vmem>>, %arg7: memref<10240xf32, #tpu.memory_space<vmem_shared>>, %arg8: memref<!tpu.dma_semaphore, #tpu.memory_space<semaphore_mem>>) attributes {dimension_semantics = [#tpu.dimension_semantics<core_parallel>, #tpu.dimension_semantics<subcore_parallel>], iteration_bounds = array<i64: 2, 16>, scalar_prefetch = 0 : i64, scratch_operands = 4 : i64, tpu.core_type = #tpu.core_type<sc_vector_subcore>, window_params = [{transform_indices = #map}, {transform_indices = #map1}, {transform_indices = #map1}]} {
    %mul3A = arith.constant 16 : i32
    %mul3A_0 = arith.muli %arg0, %mul3A : i32
    %add3A = arith.addi %mul3A_0, %arg1 : i32
    %mul3A_1 = arith.constant 640 : i32
    %mul3A_2 = arith.muli %arg1, %mul3A_1 : i32
    "tpu.region"() ({
      %run_scoped3A = tpu.sem_alloc : memref<!tpu.dma_semaphore, #tpu.memory_space<semaphore_mem>>
      %dma_start3A_109 = tpu.memref_slice %arg7[%mul3A_2] : memref<10240xf32, #tpu.memory_space<vmem_shared>> -> memref<640xf32, #tpu.memory_space<vmem_shared>>
      tpu.enqueue_dma source(%arg3 : memref<640xf32, #tpu.memory_space<hbm>>) target(%dma_start3A_109 : memref<640xf32, #tpu.memory_space<vmem_shared>>) target_semaphore(%run_scoped3A : memref<!tpu.dma_semaphore, #tpu.memory_space<semaphore_mem>>)
      %dma_wait3A = tpu.memref_slice %arg7[%mul3A_2] : memref<10240xf32, #tpu.memory_space<vmem_shared>> -> memref<640xf32, #tpu.memory_space<vmem_shared>>
      tpu.wait_dma2 semaphore(%run_scoped3A : memref<!tpu.dma_semaphore, #tpu.memory_space<semaphore_mem>>) src(%arg3 : memref<640xf32, #tpu.memory_space<hbm>>) dst(%dma_wait3A : memref<640xf32, #tpu.memory_space<vmem_shared>>)
      tpu.yield
    }) : () -> ()
    "tpu.region"() ({
      %run_scoped3A = tpu.sem_alloc : memref<!tpu.dma_semaphore, #tpu.memory_space<semaphore_mem>>
      %dma_start3A_109 = arith.constant 0 : i32
      %dma_start3A_110 = arith.constant 0 : i32
      %dma_start3A_111 = tpu.memref_slice %arg2[%add3A, %dma_start3A_109, %dma_start3A_110] : memref<32x80x128xi32, #tpu.memory_space<hbm>> -> memref<1x80x128xi32, #tpu.memory_space<hbm>>
      %dma_start3A_112 = tpu.memref_squeeze %dma_start3A_111 : memref<1x80x128xi32, #tpu.memory_space<hbm>> -> memref<80x128xi32, #tpu.memory_space<hbm>>
      %dma_start3A_113 = arith.constant 0 : i32
      %dma_start3A_114 = arith.constant 0 : i32
      %dma_start3A_115 = tpu.memref_slice %arg2[%add3A, %dma_start3A_113, %dma_start3A_114] : memref<32x80x128xi32, #tpu.memory_space<hbm>> -> memref<1x80x128xi32, #tpu.memory_space<hbm>>
      %dma_start3A_116 = tpu.memref_squeeze %dma_start3A_115 : memref<1x80x128xi32, #tpu.memory_space<hbm>> -> memref<80x128xi32, #tpu.memory_space<hbm>>
      tpu.enqueue_dma source(%dma_start3A_116 : memref<80x128xi32, #tpu.memory_space<hbm>>) target(%arg5 : memref<80x128xi32, #tpu.memory_space<vmem>>) target_semaphore(%run_scoped3A : memref<!tpu.dma_semaphore, #tpu.memory_space<semaphore_mem>>)
      %dma_wait3A = arith.constant 0 : i32
      %dma_wait3A_117 = arith.constant 0 : i32
      %dma_wait3A_118 = tpu.memref_slice %arg2[%add3A, %dma_wait3A, %dma_wait3A_117] : memref<32x80x128xi32, #tpu.memory_space<hbm>> -> memref<1x80x128xi32, #tpu.memory_space<hbm>>
      %dma_wait3A_119 = tpu.memref_squeeze %dma_wait3A_118 : memref<1x80x128xi32, #tpu.memory_space<hbm>> -> memref<80x128xi32, #tpu.memory_space<hbm>>
      %dma_wait3A_120 = arith.constant 0 : i32
      %dma_wait3A_121 = arith.constant 0 : i32
      %dma_wait3A_122 = tpu.memref_slice %arg2[%add3A, %dma_wait3A_120, %dma_wait3A_121] : memref<32x80x128xi32, #tpu.memory_space<hbm>> -> memref<1x80x128xi32, #tpu.memory_space<hbm>>
      %dma_wait3A_123 = tpu.memref_squeeze %dma_wait3A_122 : memref<1x80x128xi32, #tpu.memory_space<hbm>> -> memref<80x128xi32, #tpu.memory_space<hbm>>
      tpu.wait_dma2 semaphore(%run_scoped3A : memref<!tpu.dma_semaphore, #tpu.memory_space<semaphore_mem>>) src(%dma_wait3A_123 : memref<80x128xi32, #tpu.memory_space<hbm>>) dst(%arg5 : memref<80x128xi32, #tpu.memory_space<vmem>>)
      tpu.yield
    }) : () -> ()
    %broadcast_in_dim3A = arith.constant 1.000000e+00 : f32
    %broadcast_in_dim3A_3 = vector.broadcast %broadcast_in_dim3A : f32 to vector<16xf32>
    %swap3A = arith.constant 0 : index
    %swap3A_4 = tpu.vector_load %arg6[%swap3A] {strides = array<i32>} : memref<128xf32, #tpu.memory_space<vmem>>, vector<16xf32>,
    %swap3A_5 = vector.shape_cast %swap3A_4 : vector<16xf32> to vector<16xf32>
    %swap3A_6 = vector.shape_cast %broadcast_in_dim3A_3 : vector<16xf32> to vector<16xf32>
    tpu.vector_store %arg6[%swap3A], %swap3A_6 {strides = array<i32>} : memref<128xf32, #tpu.memory_space<vmem>>, vector<16xf32>,
    %broadcast_in_dim3A_7 = arith.constant 1.000000e+00 : f32
    %broadcast_in_dim3A_8 = vector.broadcast %broadcast_in_dim3A_7 : f32 to vector<16xf32>
    %swap3A_9 = arith.constant 16 : index
    %swap3A_10 = tpu.vector_load %arg6[%swap3A_9] {strides = array<i32>} : memref<128xf32, #tpu.memory_space<vmem>>, vector<16xf32>,
    %swap3A_11 = vector.shape_cast %swap3A_10 : vector<16xf32> to vector<16xf32>
    %swap3A_12 = vector.shape_cast %broadcast_in_dim3A_8 : vector<16xf32> to vector<16xf32>
    tpu.vector_store %arg6[%swap3A_9], %swap3A_12 {strides = array<i32>} : memref<128xf32, #tpu.memory_space<vmem>>, vector<16xf32>,
    %broadcast_in_dim3A_13 = arith.constant 1.000000e+00 : f32
    %broadcast_in_dim3A_14 = vector.broadcast %broadcast_in_dim3A_13 : f32 to vector<16xf32>
    %swap3A_15 = arith.constant 32 : index
    %swap3A_16 = tpu.vector_load %arg6[%swap3A_15] {strides = array<i32>} : memref<128xf32, #tpu.memory_space<vmem>>, vector<16xf32>,
    %swap3A_17 = vector.shape_cast %swap3A_16 : vector<16xf32> to vector<16xf32>
    %swap3A_18 = vector.shape_cast %broadcast_in_dim3A_14 : vector<16xf32> to vector<16xf32>
    tpu.vector_store %arg6[%swap3A_15], %swap3A_18 {strides = array<i32>} : memref<128xf32, #tpu.memory_space<vmem>>, vector<16xf32>,
    %broadcast_in_dim3A_19 = arith.constant 1.000000e+00 : f32
    %broadcast_in_dim3A_20 = vector.broadcast %broadcast_in_dim3A_19 : f32 to vector<16xf32>
    %swap3A_21 = arith.constant 48 : index
    %swap3A_22 = tpu.vector_load %arg6[%swap3A_21] {strides = array<i32>} : memref<128xf32, #tpu.memory_space<vmem>>, vector<16xf32>,
    %swap3A_23 = vector.shape_cast %swap3A_22 : vector<16xf32> to vector<16xf32>
    %swap3A_24 = vector.shape_cast %broadcast_in_dim3A_20 : vector<16xf32> to vector<16xf32>
    tpu.vector_store %arg6[%swap3A_21], %swap3A_24 {strides = array<i32>} : memref<128xf32, #tpu.memory_space<vmem>>, vector<16xf32>,
    %broadcast_in_dim3A_25 = arith.constant 1.000000e+00 : f32
    %broadcast_in_dim3A_26 = vector.broadcast %broadcast_in_dim3A_25 : f32 to vector<16xf32>
    %swap3A_27 = arith.constant 64 : index
    %swap3A_28 = tpu.vector_load %arg6[%swap3A_27] {strides = array<i32>} : memref<128xf32, #tpu.memory_space<vmem>>, vector<16xf32>,
    %swap3A_29 = vector.shape_cast %swap3A_28 : vector<16xf32> to vector<16xf32>
    %swap3A_30 = vector.shape_cast %broadcast_in_dim3A_26 : vector<16xf32> to vector<16xf32>
    tpu.vector_store %arg6[%swap3A_27], %swap3A_30 {strides = array<i32>} : memref<128xf32, #tpu.memory_space<vmem>>, vector<16xf32>,
    %broadcast_in_dim3A_31 = arith.constant 1.000000e+00 : f32
    %broadcast_in_dim3A_32 = vector.broadcast %broadcast_in_dim3A_31 : f32 to vector<16xf32>
    %swap3A_33 = arith.constant 80 : index
    %swap3A_34 = tpu.vector_load %arg6[%swap3A_33] {strides = array<i32>} : memref<128xf32, #tpu.memory_space<vmem>>, vector<16xf32>,
    %swap3A_35 = vector.shape_cast %swap3A_34 : vector<16xf32> to vector<16xf32>
    %swap3A_36 = vector.shape_cast %broadcast_in_dim3A_32 : vector<16xf32> to vector<16xf32>
    tpu.vector_store %arg6[%swap3A_33], %swap3A_36 {strides = array<i32>} : memref<128xf32, #tpu.memory_space<vmem>>, vector<16xf32>,
    %broadcast_in_dim3A_37 = arith.constant 1.000000e+00 : f32
    %broadcast_in_dim3A_38 = vector.broadcast %broadcast_in_dim3A_37 : f32 to vector<16xf32>
    %swap3A_39 = arith.constant 96 : index
    %swap3A_40 = tpu.vector_load %arg6[%swap3A_39] {strides = array<i32>} : memref<128xf32, #tpu.memory_space<vmem>>, vector<16xf32>,
    %swap3A_41 = vector.shape_cast %swap3A_40 : vector<16xf32> to vector<16xf32>
    %swap3A_42 = vector.shape_cast %broadcast_in_dim3A_38 : vector<16xf32> to vector<16xf32>
    tpu.vector_store %arg6[%swap3A_39], %swap3A_42 {strides = array<i32>} : memref<128xf32, #tpu.memory_space<vmem>>, vector<16xf32>,
    %broadcast_in_dim3A_43 = arith.constant 1.000000e+00 : f32
    %broadcast_in_dim3A_44 = vector.broadcast %broadcast_in_dim3A_43 : f32 to vector<16xf32>
    %swap3A_45 = arith.constant 112 : index
    %swap3A_46 = tpu.vector_load %arg6[%swap3A_45] {strides = array<i32>} : memref<128xf32, #tpu.memory_space<vmem>>, vector<16xf32>,
    %swap3A_47 = vector.shape_cast %swap3A_46 : vector<16xf32> to vector<16xf32>
    %swap3A_48 = vector.shape_cast %broadcast_in_dim3A_44 : vector<16xf32> to vector<16xf32>
    tpu.vector_store %arg6[%swap3A_45], %swap3A_48 {strides = array<i32>} : memref<128xf32, #tpu.memory_space<vmem>>, vector<16xf32>,
    %barrier3A = arith.constant 0 : index
    tpu.barrier barrier_id(%barrier3A)
    %dma_start3A = arith.constant 0 : i32
    %dma_start3A_49 = arith.constant 0 : i32
    %dma_start3A_50 = tpu.memref_slice %arg5[%dma_start3A, %dma_start3A_49] : memref<80x128xi32, #tpu.memory_space<vmem>> -> memref<1x128xi32, #tpu.memory_space<vmem>>
    %dma_start3A_51 = tpu.memref_squeeze %dma_start3A_50 : memref<1x128xi32, #tpu.memory_space<vmem>> -> memref<128xi32, #tpu.memory_space<vmem>>
    %dma_start3A_52 = arith.constant 0 : i32
    %dma_start3A_53 = tpu.memref_slice %arg7[%dma_start3A_52] : memref<10240xf32, #tpu.memory_space<vmem_shared>> -> memref<10240xf32, #tpu.memory_space<vmem_shared>>
    tpu.enqueue_indirect_dma source(%arg6 : memref<128xf32, #tpu.memory_space<vmem>>) target(%dma_start3A_53 : memref<10240xf32, #tpu.memory_space<vmem_shared>>) offsets(%dma_start3A_51 : memref<128xi32, #tpu.memory_space<vmem>>) semaphore(%arg8 : memref<!tpu.dma_semaphore, #tpu.memory_space<semaphore_mem>>) {add = true}
    %dma_start3A_54 = arith.constant 1 : i32
    %dma_start3A_55 = arith.constant 0 : i32
    %dma_start3A_56 = tpu.memref_slice %arg5[%dma_start3A_54, %dma_start3A_55] : memref<80x128xi32, #tpu.memory_space<vmem>> -> memref<1x128xi32, #tpu.memory_space<vmem>>
    %dma_start3A_57 = tpu.memref_squeeze %dma_start3A_56 : memref<1x128xi32, #tpu.memory_space<vmem>> -> memref<128xi32, #tpu.memory_space<vmem>>
    %dma_start3A_58 = arith.constant 0 : i32
    %dma_start3A_59 = tpu.memref_slice %arg7[%dma_start3A_58] : memref<10240xf32, #tpu.memory_space<vmem_shared>> -> memref<10240xf32, #tpu.memory_space<vmem_shared>>
    tpu.enqueue_indirect_dma source(%arg6 : memref<128xf32, #tpu.memory_space<vmem>>) target(%dma_start3A_59 : memref<10240xf32, #tpu.memory_space<vmem_shared>>) offsets(%dma_start3A_57 : memref<128xi32, #tpu.memory_space<vmem>>) semaphore(%arg8 : memref<!tpu.dma_semaphore, #tpu.memory_space<semaphore_mem>>) {add = true}
    %dma_start3A_60 = arith.constant 2 : i32
    %dma_start3A_61 = arith.constant 0 : i32
    %dma_start3A_62 = tpu.memref_slice %arg5[%dma_start3A_60, %dma_start3A_61] : memref<80x128xi32, #tpu.memory_space<vmem>> -> memref<1x128xi32, #tpu.memory_space<vmem>>
    %dma_start3A_63 = tpu.memref_squeeze %dma_start3A_62 : memref<1x128xi32, #tpu.memory_space<vmem>> -> memref<128xi32, #tpu.memory_space<vmem>>
    %dma_start3A_64 = arith.constant 0 : i32
    %dma_start3A_65 = tpu.memref_slice %arg7[%dma_start3A_64] : memref<10240xf32, #tpu.memory_space<vmem_shared>> -> memref<10240xf32, #tpu.memory_space<vmem_shared>>
    tpu.enqueue_indirect_dma source(%arg6 : memref<128xf32, #tpu.memory_space<vmem>>) target(%dma_start3A_65 : memref<10240xf32, #tpu.memory_space<vmem_shared>>) offsets(%dma_start3A_63 : memref<128xi32, #tpu.memory_space<vmem>>) semaphore(%arg8 : memref<!tpu.dma_semaphore, #tpu.memory_space<semaphore_mem>>) {add = true}
    %dma_start3A_66 = arith.constant 3 : i32
    %dma_start3A_67 = arith.constant 0 : i32
    %dma_start3A_68 = tpu.memref_slice %arg5[%dma_start3A_66, %dma_start3A_67] : memref<80x128xi32, #tpu.memory_space<vmem>> -> memref<1x128xi32, #tpu.memory_space<vmem>>
    %dma_start3A_69 = tpu.memref_squeeze %dma_start3A_68 : memref<1x128xi32, #tpu.memory_space<vmem>> -> memref<128xi32, #tpu.memory_space<vmem>>
    %dma_start3A_70 = arith.constant 0 : i32
    %dma_start3A_71 = tpu.memref_slice %arg7[%dma_start3A_70] : memref<10240xf32, #tpu.memory_space<vmem_shared>> -> memref<10240xf32, #tpu.memory_space<vmem_shared>>
    tpu.enqueue_indirect_dma source(%arg6 : memref<128xf32, #tpu.memory_space<vmem>>) target(%dma_start3A_71 : memref<10240xf32, #tpu.memory_space<vmem_shared>>) offsets(%dma_start3A_69 : memref<128xi32, #tpu.memory_space<vmem>>) semaphore(%arg8 : memref<!tpu.dma_semaphore, #tpu.memory_space<semaphore_mem>>) {add = true}
    %dma_start3A_72 = arith.constant 4 : i32
    %dma_start3A_73 = arith.constant 0 : i32
    %dma_start3A_74 = tpu.memref_slice %arg5[%dma_start3A_72, %dma_start3A_73] : memref<80x128xi32, #tpu.memory_space<vmem>> -> memref<1x128xi32, #tpu.memory_space<vmem>>
    %dma_start3A_75 = tpu.memref_squeeze %dma_start3A_74 : memref<1x128xi32, #tpu.memory_space<vmem>> -> memref<128xi32, #tpu.memory_space<vmem>>
    %dma_start3A_76 = arith.constant 0 : i32
    %dma_start3A_77 = tpu.memref_slice %arg7[%dma_start3A_76] : memref<10240xf32, #tpu.memory_space<vmem_shared>> -> memref<10240xf32, #tpu.memory_space<vmem_shared>>
    tpu.enqueue_indirect_dma source(%arg6 : memref<128xf32, #tpu.memory_space<vmem>>) target(%dma_start3A_77 : memref<10240xf32, #tpu.memory_space<vmem_shared>>) offsets(%dma_start3A_75 : memref<128xi32, #tpu.memory_space<vmem>>) semaphore(%arg8 : memref<!tpu.dma_semaphore, #tpu.memory_space<semaphore_mem>>) {add = true}
    %dma_start3A_78 = arith.constant 5 : i32
    %dma_start3A_79 = arith.constant 0 : i32
    %dma_start3A_80 = tpu.memref_slice %arg5[%dma_start3A_78, %dma_start3A_79] : memref<80x128xi32, #tpu.memory_space<vmem>> -> memref<1x128xi32, #tpu.memory_space<vmem>>
    %dma_start3A_81 = tpu.memref_squeeze %dma_start3A_80 : memref<1x128xi32, #tpu.memory_space<vmem>> -> memref<128xi32, #tpu.memory_space<vmem>>
    %dma_start3A_82 = arith.constant 0 : i32
    %dma_start3A_83 = tpu.memref_slice %arg7[%dma_start3A_82] : memref<10240xf32, #tpu.memory_space<vmem_shared>> -> memref<10240xf32, #tpu.memory_space<vmem_shared>>
    tpu.enqueue_indirect_dma source(%arg6 : memref<128xf32, #tpu.memory_space<vmem>>) target(%dma_start3A_83 : memref<10240xf32, #tpu.memory_space<vmem_shared>>) offsets(%dma_start3A_81 : memref<128xi32, #tpu.memory_space<vmem>>) semaphore(%arg8 : memref<!tpu.dma_semaphore, #tpu.memory_space<semaphore_mem>>) {add = true}
    %dma_start3A_84 = arith.constant 6 : i32
    %dma_start3A_85 = arith.constant 0 : i32
    %dma_start3A_86 = tpu.memref_slice %arg5[%dma_start3A_84, %dma_start3A_85] : memref<80x128xi32, #tpu.memory_space<vmem>> -> memref<1x128xi32, #tpu.memory_space<vmem>>
    %dma_start3A_87 = tpu.memref_squeeze %dma_start3A_86 : memref<1x128xi32, #tpu.memory_space<vmem>> -> memref<128xi32, #tpu.memory_space<vmem>>
    %dma_start3A_88 = arith.constant 0 : i32
    %dma_start3A_89 = tpu.memref_slice %arg7[%dma_start3A_88] : memref<10240xf32, #tpu.memory_space<vmem_shared>> -> memref<10240xf32, #tpu.memory_space<vmem_shared>>
    tpu.enqueue_indirect_dma source(%arg6 : memref<128xf32, #tpu.memory_space<vmem>>) target(%dma_start3A_89 : memref<10240xf32, #tpu.memory_space<vmem_shared>>) offsets(%dma_start3A_87 : memref<128xi32, #tpu.memory_space<vmem>>) semaphore(%arg8 : memref<!tpu.dma_semaphore, #tpu.memory_space<semaphore_mem>>) {add = true}
    %dma_start3A_90 = arith.constant 7 : i32
    %dma_start3A_91 = arith.constant 0 : i32
    %dma_start3A_92 = tpu.memref_slice %arg5[%dma_start3A_90, %dma_start3A_91] : memref<80x128xi32, #tpu.memory_space<vmem>> -> memref<1x128xi32, #tpu.memory_space<vmem>>
    %dma_start3A_93 = tpu.memref_squeeze %dma_start3A_92 : memref<1x128xi32, #tpu.memory_space<vmem>> -> memref<128xi32, #tpu.memory_space<vmem>>
    %dma_start3A_94 = arith.constant 0 : i32
    %dma_start3A_95 = tpu.memref_slice %arg7[%dma_start3A_94] : memref<10240xf32, #tpu.memory_space<vmem_shared>> -> memref<10240xf32, #tpu.memory_space<vmem_shared>>
    tpu.enqueue_indirect_dma source(%arg6 : memref<128xf32, #tpu.memory_space<vmem>>) target(%dma_start3A_95 : memref<10240xf32, #tpu.memory_space<vmem_shared>>) offsets(%dma_start3A_93 : memref<128xi32, #tpu.memory_space<vmem>>) semaphore(%arg8 : memref<!tpu.dma_semaphore, #tpu.memory_space<semaphore_mem>>) {add = true}
    %scan3A = arith.constant 0 : i32
    %scan3A_96 = arith.constant 0 : i32
    %scan3A_97 = arith.constant 80 : i32
    %scan3A_98 = arith.addi %scan3A_96, %scan3A_97 : i32
    %scan3A_99 = arith.constant 1 : i32
    scf.for %scan3A_109 = %scan3A_96 to %scan3A_98 step %scan3A_99  : i32 {
      %dma_wait3A = arith.constant 0 : i32
      %dma_wait3A_110 = tpu.memref_slice %arg5[%scan3A_109, %dma_wait3A] : memref<80x128xi32, #tpu.memory_space<vmem>> -> memref<1x128xi32, #tpu.memory_space<vmem>>
      %dma_wait3A_111 = tpu.memref_squeeze %dma_wait3A_110 : memref<1x128xi32, #tpu.memory_space<vmem>> -> memref<128xi32, #tpu.memory_space<vmem>>
      %dma_wait3A_112 = arith.constant 0 : i32
      %dma_wait3A_113 = tpu.memref_slice %arg7[%dma_wait3A_112] : memref<10240xf32, #tpu.memory_space<vmem_shared>> -> memref<10240xf32, #tpu.memory_space<vmem_shared>>
      tpu.wait_indirect_dma semaphore(%arg8 : memref<!tpu.dma_semaphore, #tpu.memory_space<semaphore_mem>>) src(%arg6 : memref<128xf32, #tpu.memory_space<vmem>>) dst(%dma_wait3A_113 : memref<10240xf32, #tpu.memory_space<vmem_shared>>)
      %add3A_114 = arith.constant 8 : i32
      %add3A_115 = arith.addi %scan3A_109, %add3A_114 : i32
      %lt3A = arith.constant 80 : i32
      %lt3A_116 = arith.cmpi slt, %add3A_115, %lt3A : i32
      %convert_element_type3A = arith.extui %lt3A_116 : i1 to i32
      %cond3A = arith.constant 0 : i32
      %cond3A_117 = arith.cmpi ne, %convert_element_type3A, %cond3A : i32
      scf.if %cond3A_117 {
        %dma_start3A_118 = arith.constant 0 : i32
        %dma_start3A_119 = tpu.memref_slice %arg5[%add3A_115, %dma_start3A_118] : memref<80x128xi32, #tpu.memory_space<vmem>> -> memref<1x128xi32, #tpu.memory_space<vmem>>
        %dma_start3A_120 = tpu.memref_squeeze %dma_start3A_119 : memref<1x128xi32, #tpu.memory_space<vmem>> -> memref<128xi32, #tpu.memory_space<vmem>>
        %dma_start3A_121 = arith.constant 0 : i32
        %dma_start3A_122 = tpu.memref_slice %arg7[%dma_start3A_121] : memref<10240xf32, #tpu.memory_space<vmem_shared>> -> memref<10240xf32, #tpu.memory_space<vmem_shared>>
        tpu.enqueue_indirect_dma source(%arg6 : memref<128xf32, #tpu.memory_space<vmem>>) target(%dma_start3A_122 : memref<10240xf32, #tpu.memory_space<vmem_shared>>) offsets(%dma_start3A_120 : memref<128xi32, #tpu.memory_space<vmem>>) semaphore(%arg8 : memref<!tpu.dma_semaphore, #tpu.memory_space<semaphore_mem>>) {add = true}
      } else {
      }
    }
    %scan3A_100 = arith.constant 80 : i32
    %barrier3A_101 = arith.constant 0 : index
    tpu.barrier barrier_id(%barrier3A_101)
    %mul3A_102 = arith.constant 640 : i32
    %mul3A_103 = arith.muli %arg1, %mul3A_102 : i32
    %mul3A_104 = arith.constant 10240 : i32
    %mul3A_105 = arith.muli %arg0, %mul3A_104 : i32
    %mul3A_106 = arith.constant 640 : i32
    %mul3A_107 = arith.muli %arg1, %mul3A_106 : i32
    %add3A_108 = arith.addi %mul3A_105, %mul3A_107 : i32
    "tpu.region"() ({
      %run_scoped3A = tpu.sem_alloc : memref<!tpu.dma_semaphore, #tpu.memory_space<semaphore_mem>>
      %dma_start3A_109 = tpu.memref_slice %arg4[%add3A_108] : memref<20480xf32, #tpu.memory_space<hbm>> -> memref<640xf32, #tpu.memory_space<hbm>>
      %dma_start3A_110 = tpu.memref_slice %arg7[%mul3A_103] : memref<10240xf32, #tpu.memory_space<vmem_shared>> -> memref<640xf32, #tpu.memory_space<vmem_shared>>
      tpu.enqueue_dma source(%dma_start3A_110 : memref<640xf32, #tpu.memory_space<vmem_shared>>) target(%dma_start3A_109 : memref<640xf32, #tpu.memory_space<hbm>>) target_semaphore(%run_scoped3A : memref<!tpu.dma_semaphore, #tpu.memory_space<semaphore_mem>>)
      %dma_wait3A = tpu.memref_slice %arg4[%add3A_108] : memref<20480xf32, #tpu.memory_space<hbm>> -> memref<640xf32, #tpu.memory_space<hbm>>
      %dma_wait3A_111 = tpu.memref_slice %arg7[%mul3A_103] : memref<10240xf32, #tpu.memory_space<vmem_shared>> -> memref<640xf32, #tpu.memory_space<vmem_shared>>
      tpu.wait_dma2 semaphore(%run_scoped3A : memref<!tpu.dma_semaphore, #tpu.memory_space<semaphore_mem>>) src(%dma_wait3A_111 : memref<640xf32, #tpu.memory_space<vmem_shared>>) dst(%dma_wait3A : memref<640xf32, #tpu.memory_space<hbm>>)
      tpu.yield
    }) : () -> ()
    return
  }
}

module attributes {stable_mosaic.version = 14 : i64} {
  func.func @_prescale_body(%arg0: i32, %arg1: memref<1000x1xf32, #tpu.memory_space<vmem>>, %arg2: memref<1000x1xf32, #tpu.memory_space<vmem>>, %arg3: memref<1000x128xf32, #tpu.memory_space<vmem>>, %arg4: memref<2x1000x64xf32, #tpu.memory_space<vmem>>, %arg5: memref<1000x1xf32, #tpu.memory_space<vmem>>) attributes {dimension_semantics = [#tpu.dimension_semantics<arbitrary>], iteration_bounds = array<i64: 10>, scalar_prefetch = 0 : i64, scratch_operands = 0 : i64, tpu.core_type = #tpu.core_type<tc>, window_params = [{transform_indices = @transform_0, window_bounds = array<i64: 1000, 1>}, {transform_indices = @transform_1, window_bounds = array<i64: 1000, 1>}, {transform_indices = @transform_2, window_bounds = array<i64: 1000, 128>}, {transform_indices = @transform_3, window_bounds = array<i64: 2, 1000, 64>}, {transform_indices = @transform_4, window_bounds = array<i64: 1000, 1>}]} {
    %get3A = arith.constant 0 : index
    %get3A_0 = arith.constant 0 : index
    %get3A_1 = vector.load %arg1[%get3A, %get3A_0] : memref<1000x1xf32, #tpu.memory_space<vmem>>, vector<1000x1xf32>
    %get3A_2 = arith.constant 0 : index
    %get3A_3 = arith.constant 0 : index
    %get3A_4 = vector.load %arg2[%get3A_2, %get3A_3] : memref<1000x1xf32, #tpu.memory_space<vmem>>, vector<1000x1xf32>
    %add3A = arith.addf %get3A_1, %get3A_4 : vector<1000x1xf32>
    %add3A_5 = arith.constant 1.000000e+00 : f32
    %add3A_6 = vector.broadcast %add3A_5 : f32 to vector<1000x1xf32>
    %add3A_7 = arith.addf %add3A, %add3A_6 : vector<1000x1xf32>
    %rsqrt3A = math.rsqrt %add3A_7 : vector<1000x1xf32>
    %get3A_8 = arith.constant 0 : index
    %get3A_9 = arith.constant 0 : index
    %get3A_10 = vector.load %arg3[%get3A_8, %get3A_9] : memref<1000x128xf32, #tpu.memory_space<vmem>>, vector<1000x128xf32>
    %mul3A = vector.broadcast %rsqrt3A : vector<1000x1xf32> to vector<1000x128xf32>
    %mul3A_11 = arith.mulf %get3A_10, %mul3A : vector<1000x128xf32>
    %slice3A = vector.extract_strided_slice %mul3A_11 {offsets = [0, 0], sizes = [1000, 64], strides = [1, 1]} : vector<1000x128xf32> to vector<1000x64xf32>
    %swap3A = arith.constant 0 : index
    %swap3A_12 = arith.constant 0 : index
    %swap3A_13 = arith.constant 0 : index
    %swap3A_14 = vector.load %arg4[%swap3A, %swap3A_12, %swap3A_13] : memref<2x1000x64xf32, #tpu.memory_space<vmem>>, vector<1x1000x64xf32>
    %swap3A_15 = vector.shape_cast %swap3A_14 : vector<1x1000x64xf32> to vector<1000x64xf32>
    %swap3A_16 = vector.shape_cast %slice3A : vector<1000x64xf32> to vector<1x1000x64xf32>
    tpu.vector_store %arg4[%swap3A, %swap3A_12, %swap3A_13], %swap3A_16 {strides = array<i32>} : memref<2x1000x64xf32, #tpu.memory_space<vmem>>, vector<1x1000x64xf32>,
    %slice3A_17 = vector.extract_strided_slice %mul3A_11 {offsets = [0, 64], sizes = [1000, 64], strides = [1, 1]} : vector<1000x128xf32> to vector<1000x64xf32>
    %swap3A_18 = arith.constant 1 : index
    %swap3A_19 = arith.constant 0 : index
    %swap3A_20 = arith.constant 0 : index
    %swap3A_21 = vector.load %arg4[%swap3A_18, %swap3A_19, %swap3A_20] : memref<2x1000x64xf32, #tpu.memory_space<vmem>>, vector<1x1000x64xf32>
    %swap3A_22 = vector.shape_cast %swap3A_21 : vector<1x1000x64xf32> to vector<1000x64xf32>
    %swap3A_23 = vector.shape_cast %slice3A_17 : vector<1000x64xf32> to vector<1x1000x64xf32>
    tpu.vector_store %arg4[%swap3A_18, %swap3A_19, %swap3A_20], %swap3A_23 {strides = array<i32>} : memref<2x1000x64xf32, #tpu.memory_space<vmem>>, vector<1x1000x64xf32>,
    %swap3A_24 = arith.constant 0 : index
    %swap3A_25 = arith.constant 0 : index
    %swap3A_26 = vector.load %arg5[%swap3A_24, %swap3A_25] : memref<1000x1xf32, #tpu.memory_space<vmem>>, vector<1000x1xf32>
    tpu.vector_store %arg5[%swap3A_24, %swap3A_25], %rsqrt3A {strides = array<i32>} : memref<1000x1xf32, #tpu.memory_space<vmem>>, vector<1000x1xf32>,
    return
  }
  func.func @transform_0(%arg0: i32) -> (i32, i32) {
    %c0_i32 = arith.constant 0 : i32
    %c0_i32_0 = arith.constant 0 : i32
    return %arg0, %c0_i32 : i32, i32
  }
  func.func @transform_1(%arg0: i32) -> (i32, i32) {
    %c0_i32 = arith.constant 0 : i32
    %c0_i32_0 = arith.constant 0 : i32
    return %arg0, %c0_i32 : i32, i32
  }
  func.func @transform_2(%arg0: i32) -> (i32, i32) {
    %c0_i32 = arith.constant 0 : i32
    %c0_i32_0 = arith.constant 0 : i32
    return %arg0, %c0_i32 : i32, i32
  }
  func.func @transform_3(%arg0: i32) -> (i32, i32, i32) {
    %c0_i32 = arith.constant 0 : i32
    %c0_i32_0 = arith.constant 0 : i32
    %c0_i32_1 = arith.constant 0 : i32
    return %c0_i32, %arg0, %c0_i32_0 : i32, i32, i32
  }
  func.func @transform_4(%arg0: i32) -> (i32, i32) {
    %c0_i32 = arith.constant 0 : i32
    %c0_i32_0 = arith.constant 0 : i32
    return %arg0, %c0_i32 : i32, i32
  }
}

module attributes {stable_mosaic.version = 14 : i64} {
  func.func @_dense_body(%arg0: i32, %arg1: memref<1x1000x64xf32, #tpu.memory_space<vmem>>, %arg2: memref<1x1000x64xf32, #tpu.memory_space<vmem>>, %arg3: memref<1x1000x64xf32, #tpu.memory_space<vmem>>, %arg4: memref<1x1000x64xf32, #tpu.memory_space<vmem>>, %arg5: memref<1000x1xf32, #tpu.memory_space<vmem>>, %arg6: memref<128x256xf32, #tpu.memory_space<vmem>>, %arg7: memref<1x256xf32, #tpu.memory_space<vmem>>, %arg8: memref<256x128xf32, #tpu.memory_space<vmem>>, %arg9: memref<2x1000x64xf32, #tpu.memory_space<vmem>>) attributes {dimension_semantics = [#tpu.dimension_semantics<arbitrary>], iteration_bounds = array<i64: 10>, scalar_prefetch = 0 : i64, scratch_operands = 0 : i64, tpu.core_type = #tpu.core_type<tc>, window_params = [{transform_indices = @transform_0, window_bounds = array<i64: 1, 1000, 64>}, {transform_indices = @transform_1, window_bounds = array<i64: 1, 1000, 64>}, {transform_indices = @transform_2, window_bounds = array<i64: 1, 1000, 64>}, {transform_indices = @transform_3, window_bounds = array<i64: 1, 1000, 64>}, {transform_indices = @transform_4, window_bounds = array<i64: 1000, 1>}, {pipeline_mode = #tpu.pipeline_mode<synchronous>, transform_indices = @transform_5, window_bounds = array<i64: 128, 256>}, {pipeline_mode = #tpu.pipeline_mode<synchronous>, transform_indices = @transform_6, window_bounds = array<i64: 1, 256>}, {pipeline_mode = #tpu.pipeline_mode<synchronous>, transform_indices = @transform_7, window_bounds = array<i64: 256, 128>}, {transform_indices = @transform_8, window_bounds = array<i64: 2, 1000, 64>}]} {
    %get3A = arith.constant 0 : index
    %get3A_0 = arith.constant 0 : index
    %get3A_1 = arith.constant 0 : index
    %get3A_2 = vector.load %arg1[%get3A, %get3A_0, %get3A_1] : memref<1x1000x64xf32, #tpu.memory_space<vmem>>, vector<1x1000x64xf32>
    %get3A_3 = vector.shape_cast %get3A_2 : vector<1x1000x64xf32> to vector<1000x64xf32>
    %get3A_4 = arith.constant 0 : index
    %get3A_5 = arith.constant 0 : index
    %get3A_6 = arith.constant 0 : index
    %get3A_7 = vector.load %arg2[%get3A_4, %get3A_5, %get3A_6] : memref<1x1000x64xf32, #tpu.memory_space<vmem>>, vector<1x1000x64xf32>
    %get3A_8 = vector.shape_cast %get3A_7 : vector<1x1000x64xf32> to vector<1000x64xf32>
    %concatenate3A = tpu.concatenate %get3A_3, %get3A_8 in 1 : vector<1000x64xf32>, vector<1000x64xf32> -> vector<1000x128xf32>
    %get3A_9 = arith.constant 0 : index
    %get3A_10 = arith.constant 0 : index
    %get3A_11 = arith.constant 0 : index
    %get3A_12 = vector.load %arg3[%get3A_9, %get3A_10, %get3A_11] : memref<1x1000x64xf32, #tpu.memory_space<vmem>>, vector<1x1000x64xf32>
    %get3A_13 = vector.shape_cast %get3A_12 : vector<1x1000x64xf32> to vector<1000x64xf32>
    %get3A_14 = arith.constant 0 : index
    %get3A_15 = arith.constant 0 : index
    %get3A_16 = arith.constant 0 : index
    %get3A_17 = vector.load %arg4[%get3A_14, %get3A_15, %get3A_16] : memref<1x1000x64xf32, #tpu.memory_space<vmem>>, vector<1x1000x64xf32>
    %get3A_18 = vector.shape_cast %get3A_17 : vector<1x1000x64xf32> to vector<1000x64xf32>
    %concatenate3A_19 = tpu.concatenate %get3A_13, %get3A_18 in 1 : vector<1000x64xf32>, vector<1000x64xf32> -> vector<1000x128xf32>
    %get3A_20 = arith.constant 0 : index
    %get3A_21 = arith.constant 0 : index
    %get3A_22 = vector.load %arg5[%get3A_20, %get3A_21] : memref<1000x1xf32, #tpu.memory_space<vmem>>, vector<1000x1xf32>
    %add3A = arith.addf %concatenate3A, %concatenate3A_19 : vector<1000x128xf32>
    %mul3A = vector.broadcast %get3A_22 : vector<1000x1xf32> to vector<1000x128xf32>
    %mul3A_23 = arith.mulf %mul3A, %add3A : vector<1000x128xf32>
    %get3A_24 = arith.constant 0 : index
    %get3A_25 = arith.constant 0 : index
    %get3A_26 = vector.load %arg6[%get3A_24, %get3A_25] : memref<128x256xf32, #tpu.memory_space<vmem>>, vector<128x256xf32>
    %dot_general3A = arith.constant dense<0.000000e+00> : vector<1000x256xf32>
    %dot_general3A_27 = tpu.matmul %mul3A_23, %get3A_26, %dot_general3A {dimension_numbers = #tpu.dot_dimension_numbers<[1], [0], [0], [1], [0, 0, 1, 1], [], []>, transpose_lhs_hint = false} : vector<1000x128xf32>, vector<128x256xf32>, vector<1000x256xf32> -> vector<1000x256xf32>
    %get3A_28 = arith.constant 0 : index
    %get3A_29 = arith.constant 0 : index
    %get3A_30 = vector.load %arg7[%get3A_28, %get3A_29] : memref<1x256xf32, #tpu.memory_space<vmem>>, vector<1x256xf32>
    %add3A_31 = vector.broadcast %get3A_30 : vector<1x256xf32> to vector<1000x256xf32>
    %add3A_32 = arith.addf %dot_general3A_27, %add3A_31 : vector<1000x256xf32>
    %max3A = arith.constant 0.000000e+00 : f32
    %max3A_33 = vector.broadcast %max3A : f32 to vector<1000x256xf32>
    %max3A_34 = arith.maximumf %add3A_32, %max3A_33 : vector<1000x256xf32>
    %get3A_35 = arith.constant 0 : index
    %get3A_36 = arith.constant 0 : index
    %get3A_37 = vector.load %arg8[%get3A_35, %get3A_36] : memref<256x128xf32, #tpu.memory_space<vmem>>, vector<256x128xf32>
    %dot_general3A_38 = arith.constant dense<0.000000e+00> : vector<1000x128xf32>
    %dot_general3A_39 = tpu.matmul %max3A_34, %get3A_37, %dot_general3A_38 {dimension_numbers = #tpu.dot_dimension_numbers<[1], [0], [0], [1], [0, 0, 1, 1], [], []>, transpose_lhs_hint = false} : vector<1000x256xf32>, vector<256x128xf32>, vector<1000x128xf32> -> vector<1000x128xf32>
    %get3A_40 = arith.constant 0 : index
    %get3A_41 = arith.constant 0 : index
    %get3A_42 = vector.load %arg5[%get3A_40, %get3A_41] : memref<1000x1xf32, #tpu.memory_space<vmem>>, vector<1000x1xf32>
    %mul3A_43 = vector.broadcast %get3A_42 : vector<1000x1xf32> to vector<1000x128xf32>
    %mul3A_44 = arith.mulf %dot_general3A_39, %mul3A_43 : vector<1000x128xf32>
    %slice3A = vector.extract_strided_slice %mul3A_44 {offsets = [0, 0], sizes = [1000, 64], strides = [1, 1]} : vector<1000x128xf32> to vector<1000x64xf32>
    %swap3A = arith.constant 0 : index
    %swap3A_45 = arith.constant 0 : index
    %swap3A_46 = arith.constant 0 : index
    %swap3A_47 = vector.load %arg9[%swap3A, %swap3A_45, %swap3A_46] : memref<2x1000x64xf32, #tpu.memory_space<vmem>>, vector<1x1000x64xf32>
    %swap3A_48 = vector.shape_cast %swap3A_47 : vector<1x1000x64xf32> to vector<1000x64xf32>
    %swap3A_49 = vector.shape_cast %slice3A : vector<1000x64xf32> to vector<1x1000x64xf32>
    tpu.vector_store %arg9[%swap3A, %swap3A_45, %swap3A_46], %swap3A_49 {strides = array<i32>} : memref<2x1000x64xf32, #tpu.memory_space<vmem>>, vector<1x1000x64xf32>,
    %slice3A_50 = vector.extract_strided_slice %mul3A_44 {offsets = [0, 64], sizes = [1000, 64], strides = [1, 1]} : vector<1000x128xf32> to vector<1000x64xf32>
    %swap3A_51 = arith.constant 1 : index
    %swap3A_52 = arith.constant 0 : index
    %swap3A_53 = arith.constant 0 : index
    %swap3A_54 = vector.load %arg9[%swap3A_51, %swap3A_52, %swap3A_53] : memref<2x1000x64xf32, #tpu.memory_space<vmem>>, vector<1x1000x64xf32>
    %swap3A_55 = vector.shape_cast %swap3A_54 : vector<1x1000x64xf32> to vector<1000x64xf32>
    %swap3A_56 = vector.shape_cast %slice3A_50 : vector<1000x64xf32> to vector<1x1000x64xf32>
    tpu.vector_store %arg9[%swap3A_51, %swap3A_52, %swap3A_53], %swap3A_56 {strides = array<i32>} : memref<2x1000x64xf32, #tpu.memory_space<vmem>>, vector<1x1000x64xf32>,
    return
  }
  func.func @transform_0(%arg0: i32) -> (i32, i32, i32) {
    %c0_i32 = arith.constant 0 : i32
    %c0_i32_0 = arith.constant 0 : i32
    %c0_i32_1 = arith.constant 0 : i32
    return %c0_i32, %arg0, %c0_i32_0 : i32, i32, i32
  }
  func.func @transform_1(%arg0: i32) -> (i32, i32, i32) {
    %c1_i32 = arith.constant 1 : i32
    %c0_i32 = arith.constant 0 : i32
    %c0_i32_0 = arith.constant 0 : i32
    return %c1_i32, %arg0, %c0_i32 : i32, i32, i32
  }
  func.func @transform_2(%arg0: i32) -> (i32, i32, i32) {
    %c0_i32 = arith.constant 0 : i32
    %c0_i32_0 = arith.constant 0 : i32
    %c0_i32_1 = arith.constant 0 : i32
    return %c0_i32, %arg0, %c0_i32_0 : i32, i32, i32
  }
  func.func @transform_3(%arg0: i32) -> (i32, i32, i32) {
    %c1_i32 = arith.constant 1 : i32
    %c0_i32 = arith.constant 0 : i32
    %c0_i32_0 = arith.constant 0 : i32
    return %c1_i32, %arg0, %c0_i32 : i32, i32, i32
  }
  func.func @transform_4(%arg0: i32) -> (i32, i32) {
    %c0_i32 = arith.constant 0 : i32
    %c0_i32_0 = arith.constant 0 : i32
    return %arg0, %c0_i32 : i32, i32
  }
  func.func @transform_5(%arg0: i32) -> (i32, i32) {
    %c0_i32 = arith.constant 0 : i32
    %c0_i32_0 = arith.constant 0 : i32
    %c0_i32_1 = arith.constant 0 : i32
    return %c0_i32, %c0_i32_0 : i32, i32
  }
  func.func @transform_6(%arg0: i32) -> (i32, i32) {
    %c0_i32 = arith.constant 0 : i32
    %c0_i32_0 = arith.constant 0 : i32
    %c0_i32_1 = arith.constant 0 : i32
    return %c0_i32, %c0_i32_0 : i32, i32
  }
  func.func @transform_7(%arg0: i32) -> (i32, i32) {
    %c0_i32 = arith.constant 0 : i32
    %c0_i32_0 = arith.constant 0 : i32
    %c0_i32_1 = arith.constant 0 : i32
    return %c0_i32, %c0_i32_0 : i32, i32
  }
  func.func @transform_8(%arg0: i32) -> (i32, i32, i32) {
    %c0_i32 = arith.constant 0 : i32
    %c0_i32_0 = arith.constant 0 : i32
    %c0_i32_1 = arith.constant 0 : i32
    return %c0_i32, %arg0, %c0_i32_0 : i32, i32, i32
  }
}

module attributes {stable_mosaic.version = 14 : i64} {
  func.func @_final_body(%arg0: i32, %arg1: memref<1x1000x64xf32, #tpu.memory_space<vmem>>, %arg2: memref<1x1000x64xf32, #tpu.memory_space<vmem>>, %arg3: memref<1x1000x64xf32, #tpu.memory_space<vmem>>, %arg4: memref<1x1000x64xf32, #tpu.memory_space<vmem>>, %arg5: memref<1000x1xf32, #tpu.memory_space<vmem>>, %arg6: memref<1x128xf32, #tpu.memory_space<vmem>>, %arg7: memref<1000x128xf32, #tpu.memory_space<vmem>>) attributes {dimension_semantics = [#tpu.dimension_semantics<arbitrary>], iteration_bounds = array<i64: 10>, scalar_prefetch = 0 : i64, scratch_operands = 0 : i64, tpu.core_type = #tpu.core_type<tc>, window_params = [{transform_indices = @transform_0, window_bounds = array<i64: 1, 1000, 64>}, {transform_indices = @transform_1, window_bounds = array<i64: 1, 1000, 64>}, {transform_indices = @transform_2, window_bounds = array<i64: 1, 1000, 64>}, {transform_indices = @transform_3, window_bounds = array<i64: 1, 1000, 64>}, {transform_indices = @transform_4, window_bounds = array<i64: 1000, 1>}, {pipeline_mode = #tpu.pipeline_mode<synchronous>, transform_indices = @transform_5, window_bounds = array<i64: 1, 128>}, {transform_indices = @transform_6, window_bounds = array<i64: 1000, 128>}]} {
    %get3A = arith.constant 0 : index
    %get3A_0 = arith.constant 0 : index
    %get3A_1 = arith.constant 0 : index
    %get3A_2 = vector.load %arg1[%get3A, %get3A_0, %get3A_1] : memref<1x1000x64xf32, #tpu.memory_space<vmem>>, vector<1x1000x64xf32>
    %get3A_3 = vector.shape_cast %get3A_2 : vector<1x1000x64xf32> to vector<1000x64xf32>
    %get3A_4 = arith.constant 0 : index
    %get3A_5 = arith.constant 0 : index
    %get3A_6 = arith.constant 0 : index
    %get3A_7 = vector.load %arg2[%get3A_4, %get3A_5, %get3A_6] : memref<1x1000x64xf32, #tpu.memory_space<vmem>>, vector<1x1000x64xf32>
    %get3A_8 = vector.shape_cast %get3A_7 : vector<1x1000x64xf32> to vector<1000x64xf32>
    %concatenate3A = tpu.concatenate %get3A_3, %get3A_8 in 1 : vector<1000x64xf32>, vector<1000x64xf32> -> vector<1000x128xf32>
    %get3A_9 = arith.constant 0 : index
    %get3A_10 = arith.constant 0 : index
    %get3A_11 = arith.constant 0 : index
    %get3A_12 = vector.load %arg3[%get3A_9, %get3A_10, %get3A_11] : memref<1x1000x64xf32, #tpu.memory_space<vmem>>, vector<1x1000x64xf32>
    %get3A_13 = vector.shape_cast %get3A_12 : vector<1x1000x64xf32> to vector<1000x64xf32>
    %get3A_14 = arith.constant 0 : index
    %get3A_15 = arith.constant 0 : index
    %get3A_16 = arith.constant 0 : index
    %get3A_17 = vector.load %arg4[%get3A_14, %get3A_15, %get3A_16] : memref<1x1000x64xf32, #tpu.memory_space<vmem>>, vector<1x1000x64xf32>
    %get3A_18 = vector.shape_cast %get3A_17 : vector<1x1000x64xf32> to vector<1000x64xf32>
    %concatenate3A_19 = tpu.concatenate %get3A_13, %get3A_18 in 1 : vector<1000x64xf32>, vector<1000x64xf32> -> vector<1000x128xf32>
    %get3A_20 = arith.constant 0 : index
    %get3A_21 = arith.constant 0 : index
    %get3A_22 = vector.load %arg5[%get3A_20, %get3A_21] : memref<1000x1xf32, #tpu.memory_space<vmem>>, vector<1000x1xf32>
    %add3A = arith.addf %concatenate3A, %concatenate3A_19 : vector<1000x128xf32>
    %mul3A = vector.broadcast %get3A_22 : vector<1000x1xf32> to vector<1000x128xf32>
    %mul3A_23 = arith.mulf %mul3A, %add3A : vector<1000x128xf32>
    %get3A_24 = arith.constant 0 : index
    %get3A_25 = arith.constant 0 : index
    %get3A_26 = vector.load %arg6[%get3A_24, %get3A_25] : memref<1x128xf32, #tpu.memory_space<vmem>>, vector<1x128xf32>
    %add3A_27 = vector.broadcast %get3A_26 : vector<1x128xf32> to vector<1000x128xf32>
    %add3A_28 = arith.addf %mul3A_23, %add3A_27 : vector<1000x128xf32>
    %swap3A = arith.constant 0 : index
    %swap3A_29 = arith.constant 0 : index
    %swap3A_30 = vector.load %arg7[%swap3A, %swap3A_29] : memref<1000x128xf32, #tpu.memory_space<vmem>>, vector<1000x128xf32>
    tpu.vector_store %arg7[%swap3A, %swap3A_29], %add3A_28 {strides = array<i32>} : memref<1000x128xf32, #tpu.memory_space<vmem>>, vector<1000x128xf32>,
    return
  }
  func.func @transform_0(%arg0: i32) -> (i32, i32, i32) {
    %c0_i32 = arith.constant 0 : i32
    %c0_i32_0 = arith.constant 0 : i32
    %c0_i32_1 = arith.constant 0 : i32
    return %c0_i32, %arg0, %c0_i32_0 : i32, i32, i32
  }
  func.func @transform_1(%arg0: i32) -> (i32, i32, i32) {
    %c1_i32 = arith.constant 1 : i32
    %c0_i32 = arith.constant 0 : i32
    %c0_i32_0 = arith.constant 0 : i32
    return %c1_i32, %arg0, %c0_i32 : i32, i32, i32
  }
  func.func @transform_2(%arg0: i32) -> (i32, i32, i32) {
    %c0_i32 = arith.constant 0 : i32
    %c0_i32_0 = arith.constant 0 : i32
    %c0_i32_1 = arith.constant 0 : i32
    return %c0_i32, %arg0, %c0_i32_0 : i32, i32, i32
  }
  func.func @transform_3(%arg0: i32) -> (i32, i32, i32) {
    %c1_i32 = arith.constant 1 : i32
    %c0_i32 = arith.constant 0 : i32
    %c0_i32_0 = arith.constant 0 : i32
    return %c1_i32, %arg0, %c0_i32 : i32, i32, i32
  }
  func.func @transform_4(%arg0: i32) -> (i32, i32) {
    %c0_i32 = arith.constant 0 : i32
    %c0_i32_0 = arith.constant 0 : i32
    return %arg0, %c0_i32 : i32, i32
  }
  func.func @transform_5(%arg0: i32) -> (i32, i32) {
    %c0_i32 = arith.constant 0 : i32
    %c0_i32_0 = arith.constant 0 : i32
    %c0_i32_1 = arith.constant 0 : i32
    return %c0_i32, %c0_i32_0 : i32, i32
  }
  func.func @transform_6(%arg0: i32) -> (i32, i32) {
    %c0_i32 = arith.constant 0 : i32
    %c0_i32_0 = arith.constant 0 : i32
    return %arg0, %c0_i32 : i32, i32
  }
}

</mosaic_0001>

<sc_bundles>
// kernel: kernel.11.cloned.1.call-start
scs
__scs_entry_jumppad:
0x0: {  	(pc) =	sbr.rel $0x88, $3  }
0x1: {  	(tag) =	ssettag $0x0;
	lr =	simm.s32 $0x1  }
0x2: {  	[smem:$0x3F9B] =	sst lr;
	_ =	strace $0xD0000000  }
0x3: {  	_ = 	snop  }
0x4: {  	_ = 	snop  }
0x5: {  	_ = 	snop  }
0x6: {  	_ = 	snop  }
0x7: {  	_ = 	snop  }
__scs_overlays_trampoline_lowered:
0x8: {  	[smem:$0x3FAA] =	sst s0  }
0x9: {  	[smem:$0x3FAB] =	sst s1  }
0xa: {  	[smem:$0x3FAC] =	sst s2  }
0xb: {  	[smem:$0x3FAD] =	sst s3  }
0xc: {  	[smem:$0x3FAE] =	sst s4  }
0xd: {  	[smem:$0x3FAF] =	sst s5  }
0xe: {  	[smem:$0x3FB0] =	sst s6  }
0xf: {  	[smem:$0x3FB1] =	sst s7  }
0x10: {  	[smem:$0x3FB2] =	sst s8  }
0x11: {  	[smem:$0x3FB3] =	sst s9;
	s0 =	simm.s32 @!p0 $0x0  }
0x12: {  	s1 =	sld [smem:$0x3F99];
	s0 =	simm.s32 @p0 $0x1  }
0x13: {  	[smem:$0x3FB4] =	sst s0;
	s0 =	simm.s32 @!p1 $0x0  }
0x14: {  	s2 =	sld [smem:$0x3F98];
	s0 =	simm.s32 @p1 $0x1  }
0x15: {  	[smem:$0x3FB5] =	sst s0;
	s0 =	simm.s32 @!p2 $0x0  }
0x16: {  	s3 =	sld [smem:$0x3FDB];
	s0 =	simm.s32 @p2 $0x1  }
0x17: {  	s4 =	simm.s32 $0x1BF5;
	[smem:$0x3FB7] =	sst s0  }
0x18: {  	s0 =	sld [smem:$0x3F9A];
	_ =	swait.ge [sflag:s4], $0x0  }
0x19: {  	s7 =	sld [smem:$0x3F9B]  }
0x1a: {  	s8 =	sadd.s32 $0xFFFFE003, lr  }
0x1b: {  	s9 =	sadd.s32 $0xFFFFFEF7, lr;
	s5 =	simm.s32 $0xFFFFFFFF;
	p2 =	slt.u32 s8, $0xFFFFF086  }
0x1c: {  	p1 =	slt.u32 s9, $0xF7A;
	s5 =	simm.s32 @!p2 $0x0  }
0x1d: {  	s5 =	simm.s32 @p1 $0x1;
	p0 =	seq.s32 s7, s2  }
0x1e: {  	s7 =	smul.u32 @!p0 $0xF7A, s2;
	p2 =	seq.s32 @!p0 s5, $0x0  }
0x1f: {  	s9 =	smul.u32 $0xF7A, s1;
	s8 =	simm.s32 @!p0 $0x1BF5;
	p2 =	por !p2, p0  }
0x20: {  	[sflag:s8] =	ssyncset.s32 @!p0 $0xFFFFF086;
	s6 =	sadd.s32 @!p0 s3, s7;
	s7 =	simm.s32 @!p0 $0x108  }
0x21: {  	s3 =	sadd.s32 s3, s9;
	s6 =	sadd.s32 @!p0 $0x88, s6;
	s7 =	simm.s32 @p2 $0x1082  }
0x22: {  	[simem:s7], [sflag:s8] =	dma.local @!p0 [hbm:s6], $0xF7A  }
0x23: {  	s9 =	sor.u32 $0xD0000000, s2;
	s6 =	simm.s32 $0x108;
	_ =	swait.ge @!p0 [sflag:s8], $0x0  }
0x24: {  	s3 =	sadd.s32 $0x88, s3;
	s6 =	simm.s32 @!p1 $0x1082;
	[sflag:s4] =	ssyncset.s32 $0xFFFFF086  }
0x25: {  	[simem:s6], [sflag:s4] =	dma.local [hbm:s3], $0xF7A  }
0x26: {  	[smem:$0x3F9B] =	sst s1;
	(tag) =	ssettag s2;
	_ =	strace s9  }
0x27: {  	s1 =	sld [smem:$0x3FAB]  }
0x28: {  	s2 =	sld [smem:$0x3FAC]  }
0x29: {  	s4 =	sld [smem:$0x3FAE]  }
0x2a: {  	p0 =	seq.s32 s5, $0x0;
	s5 =	sld [smem:$0x3FAF]  }
0x2b: {  	s6 =	sld [smem:$0x3FB0]  }
0x2c: {  	s7 =	sld [smem:$0x3FB1]  }
0x2d: {  	s3 =	simm.s32 $0x108;
	s8 =	sld [smem:$0x3FB2]  }
0x2e: {  	s3 =	simm.s32 @!p0 $0x1082;
	s9 =	sld [smem:$0x3FB3]  }
0x2f: {  	lr =	sadd.s32 s0, s3;
	s0 =	sld [smem:$0x3FAA]  }
0x30: {  	s3 =	sld [smem:$0x3FAD]  }
0x31: {  	[smem:$0x3FB6] =	sst s10  }
0x32: {  	s10 =	sld [smem:$0x3FB4];
	_ =	sdelay $0x3  }
0x33: {  	p0 =	seq.s32 s10, $0x1;
	s10 =	sld [smem:$0x3FB6];
	_ =	sdelay $0x3  }
0x34: {  	[smem:$0x3FB6] =	sst s10  }
0x35: {  	s10 =	sld [smem:$0x3FB5];
	_ =	sdelay $0x3  }
0x36: {  	p1 =	seq.s32 s10, $0x1;
	s10 =	sld [smem:$0x3FB6];
	_ =	sdelay $0x3  }
0x37: {  	[smem:$0x3FB6] =	sst s10  }
0x38: {  	s10 =	sld [smem:$0x3FB7]  }
0x39: {  	_ = 	snop;
	(pc) =	sbr.ind lr, $3  }
0x3a: {  	_ = 	snop  }
0x3b: {  	_ = 	snop  }
0x3c: {  	p2 =	seq.s32 s10, $0x1;
	s10 =	sld [smem:$0x3FB6]  }
0x3d: {  	_ =	shalt  }
0x3e: {  	_ =	shalt  }
0x3f: {  	_ =	shalt  }
0x40: {  	_ =	shalt  }
0x41: {  	_ =	shalt  }
0x42: {  	_ =	shalt  }
0x43: {  	_ =	shalt  }
0x44: {  	_ =	shalt  }
0x45: {  	_ =	shalt  }
0x46: {  	_ =	shalt  }
0x47: {  	_ =	shalt  }
0x48: {  	_ =	shalt  }
0x49: {  	_ =	shalt  }
0x4a: {  	_ =	shalt  }
0x4b: {  	_ =	shalt  }
0x4c: {  	_ =	shalt  }
0x4d: {  	_ =	shalt  }
0x4e: {  	_ =	shalt  }
0x4f: {  	_ =	shalt  }
0x50: {  	_ =	shalt  }
0x51: {  	_ =	shalt  }
0x52: {  	_ =	shalt  }
0x53: {  	_ =	shalt  }
0x54: {  	_ =	shalt  }
0x55: {  	_ =	shalt  }
0x56: {  	_ =	shalt  }
0x57: {  	_ =	shalt  }
0x58: {  	_ =	shalt  }
0x59: {  	_ =	shalt  }
0x5a: {  	_ =	shalt  }
0x5b: {  	_ =	shalt  }
0x5c: {  	_ =	shalt  }
0x5d: {  	_ =	shalt  }
0x5e: {  	_ =	shalt  }
0x5f: {  	_ =	shalt  }
0x60: {  	_ =	shalt  }
0x61: {  	_ =	shalt  }
0x62: {  	_ =	shalt  }
0x63: {  	_ =	shalt  }
0x64: {  	_ =	shalt  }
0x65: {  	_ =	shalt  }
0x66: {  	_ =	shalt  }
0x67: {  	_ =	shalt  }
0x68: {  	_ =	shalt  }
0x69: {  	_ =	shalt  }
0x6a: {  	_ =	shalt  }
0x6b: {  	_ =	shalt  }
0x6c: {  	_ =	shalt  }
0x6d: {  	_ =	shalt  }
0x6e: {  	_ =	shalt  }
0x6f: {  	_ =	shalt  }
0x70: {  	_ =	shalt  }
0x71: {  	_ =	shalt  }
0x72: {  	_ =	shalt  }
0x73: {  	_ =	shalt  }
0x74: {  	_ =	shalt  }
0x75: {  	_ =	shalt  }
0x76: {  	_ =	shalt  }
0x77: {  	_ =	shalt  }
0x78: {  	_ =	shalt  }
0x79: {  	_ =	shalt  }
0x7a: {  	_ =	shalt  }
0x7b: {  	_ =	shalt  }
0x7c: {  	_ =	shalt  }
0x7d: {  	_ =	shalt  }
0x7e: {  	_ =	shalt  }
0x7f: {  	_ =	shalt  }
0x80: {  	_ =	shalt  }
0x81: {  	_ =	shalt  }
0x82: {  	_ =	shalt  }
0x83: {  	_ =	shalt  }
0x84: {  	_ =	shalt  }
0x85: {  	_ =	shalt  }
0x86: {  	_ =	shalt  }
0x87: {  	_ =	shalt  }
.Lfunc_end0:
.L_simem_size_0:
called_computation.1_lowered:
.L_overlay_start_0:
0x88: {  	s2 =	sld [smem:$0x3FD9]  }
0x89: {  	s3 =	sld [smem:$0x3FFE];
	_ =	sdelay $0x1  }
0x8a: {  	s1 =	srdreg.scid  }
0x8b: {  	s0 =	sand.u32 $0x1, s1  }
0x8c: {  	s17 =	sshll.u32 s0, $0xA;
	s2 =	sadd.s32 s3, s2  }
0x8d: {  	s2 =	sadd.s32 s2, s17  }
0x8e: {  	[smem:$0x3FC2] =	sst s2  }
0x8f: {  	_ = 	snop  }
0x90: {  	s2 =	sld [smem:$0x3FD0];
	(tm) =	ssettm $0x1  }
0x91: {  	s18 =	sld [smem:$0x3FFB];
	_ =	sdelay $0x3  }
0x92: {  	_ =	strace s18  }
0x93: {  	s3 =	sld [smem:$0x3FFC];
	_ =	sdelay $0x3  }
0x94: {  	_ =	strace s3  }
0x95: {  	s3 =	sld [smem:$0x3FFD];
	_ =	sdelay $0x3  }
0x96: {  	_ =	strace s3  }
0x97: {  	_ =	strace $0x8FFFFFFF  }
0x98: {  	s19 =	sld [smem:$0x3FDB];
	_ =	sdelay $0x1  }
0x99: {  	s4 =	simm.s32 $_scs_section_size  }
0x9a: {  	s5 =	simm.s32 $_size__tile_overlayer_lowered;
	s6 =	simm.s32 $_tile_overlayer_lowered  }
0x9b: {  	s22 =	simm.s32 $0x1BFF;
	s21 =	sshll.u32 s6, $0x1;
	s3 =	sadd.s32 s4, s19  }
0x9c: {  	s7 =	simm.s32 $0x0;
	s20 =	sshll.u32 s5, $0x1;
	s5 =	sadd.s32 s21, s3  }
0x9d: {  	[timem:s7], [sflag:s22] =	dma.local [hbm:s5], s20  }
0x9e: {  	_ =	swait.ge [sflag:s22], s20  }
0x9f: {  	s4 =	ssub.s32 $0x0, s20;
	[sflag:s22] =	ssyncset.done $0x0  }
0xa0: {  	[sflag:s22] =	ssyncadd.s32 s4;
	_ =	sdelay $0x1  }
0xa1: {  	s23 =	simm.s32 $0x1B8B  }
0xa2: {  	_ =	swait.ge [sflag:s23], $0x1  }
0xa3: {  	[sflag:s23] =	ssyncset.done $0x0  }
0xa4: {  	s25 =	simm.s32 $0x1B8E;
	s24 =	sld [smem:$0x3FFE];
	[sflag:s23] =	ssyncadd.s32 $0xFFFFFFFF  }
0xa5: {  	s26 =	simm.s32 $execute0_lowered;
	[smem:$0x3FD2] =	sst s25  }
0xa6: {  	s5 =	sshll.u32 s26, $0x1;
	_ =	strace $0x80000049;
	[dreg:$0x1] =	wrdreg $0xFFFFFFFF  }
0xa7: {  	s28 =	simm.s32 $_size_execute0_lowered;
	s3 =	sadd.s32 s3, s5;
	[dreg:$0x0] =	wrdreg $0x0  }
0xa8: {  	s5 =	sshll.u32 s28, $0x1;
	[dreg:$0x2] =	wrdreg s3  }
0xa9: {  	[dreg:$0x3] =	wrdreg s5  }
0xaa: {  	[dreg:$0x4] =	wrdreg $0xC0  }
0xab: {  	_ =	task [dreg:s7], $0x5FFFF  }
0xac: {  	[dreg:$0x1] =	wrdreg $0xFFFFFFFF  }
0xad: {  	[dreg:$0x0] =	wrdreg $0x60  }
0xae: {  	[dreg:$0x2] =	wrdreg s2  }
0xaf: {  	[dreg:$0x3] =	wrdreg s24  }
0xb0: {  	[dreg:$0x4] =	wrdreg $0x15C400  }
0xb1: {  	[dreg:$0x5] =	wrdreg $0xC0000  }
0xb2: {  	[dreg:$0x6] =	wrdreg $0x9  }
0xb3: {  	_ =	task.clear_ibuf [dreg:s7], $0x7FFFF;
	_ =	strace $0x90000049  }
0xb4: {  	s29 =	simm.s32 $0x9;
	_ =	strace $0x8000004B  }
0xb5: {  	_ =	swait.ge [sflag:s29], $0x1  }
0xb6: {  	[sflag:s29] =	ssyncadd.s32 $0xFFFFFFFF  }
0xb7: {  	_ =	strace $0x9000004B  }
0xb8: {  	_ =	sfence  }
0xb9: {  	s30 =	sld [smem:$0x0];
	_ =	sdelay $0x2  }
0xba: {  	s31 =	sshll.u32 s1, $0xD;
	s1 =	sshrl.u32 s1, $0x2  }
0xbb: {  	s3 =	sand.u32 $0x4000, s31;
	s1 =	sadd.s32 s1, s30  }
0xbc: {  	s0 =	sor.u32 s3, s0;
	s1 =	sshll.u32 s1, $0x11  }
0xbd: {  	s0 =	sor.u32 s1, s0  }
0xbe: {  	s0 =	sadd.s32 $0x8F2B, s0  }
0xbf: {  	[sflag:s0] =	ssyncadd.remote.s32 $0x1  }
0xc0: {  	_ =	sfence.sel $0xFFFF  }
0xc1: {  	[dreg:$0x0] =	wrdreg $0xFFFFFFFF;
	(pc) =	sbr.abs _section_cstart, $3  }
0xc2: {  	[dreg:$0x1] =	wrdreg $0xFFFFFFFF  }
0xc3: {  	_ =	task.clear_ibuf [dreg:s7], $0x2FFFF;
	_ =	strace $0x9FFFFFFF  }
0xc4: {  	(tm) =	ssettm $0x7FFFFFFF  }
0xc5: {  	_ =	shalt  }
tec
execute0_lowered:
.L_overlay_start_1:
0x0: {  	(tag) =	ssettag $0x1  }
0x1: {  	s0 =	rddreg [dreg:$0x0]  }
0x2: {  	s1 =	rddreg [dreg:$0x1]  }
0x3: {  	s2 =	rddreg [dreg:$0x2]  }
0x4: {  	s3 =	rddreg [dreg:$0x3]  }
0x5: {  	s5 =	srdreg.scid;
	s11 =	stileid.u32  }
0x6: {  	s4 =	simm.s32 $0x0;
	s28 =	simm.s32 $0x6000;
	s29 =	simm.s32 $0x1  }
0x7: {  	s30 =	simm.s32 $0x2;
	s31 =	simm.s32 $0x0;
	s6 =	smul.u32 $0xA000, s11  }
0x8: {  	s5 =	sand.u32 $0x1, s5;
	[smem:$0x7FF] =	sst s4;
	s14 =	smul.u32 $0x27100, s11  }
0x9: {  	s17 =	sadd.s32 $0xBA00, s1;
	s18 =	sadd.s32 $0x1800, s1;
	s10 =	smul.u32 $0x1388, s11  }
0xa: {  	s8 =	sadd.s32 $0x63C00, s1;
	s16 =	sshll.u32 s11, $0x6;
	s19 =	smul.u32 $0x5000, s11  }
0xb: {  	s7 =	smul.u32 $0xA0000, s5;
	_ =	strace $0x8000004A;
	s9 =	ssub.s32 $0x2, s5  }
0xc: {  	[dreg:$0x5] =	wrdreg s8;
	s5 =	smul.u32 $0x13880, s5;
	s15 =	sshrl.u32 s9, $0x1  }
0xd: {  	s21 =	sshrl.u32 s14, $0x2;
	s7 =	sadd.s32 s6, s7;
	s20 =	ssub.s32 s9, s15  }
0xe: {  	s6 =	sadd.s32 s6, s2;
	s5 =	sadd.s32 s10, s5;
	s7 =	sshrl.u32 s7, $0x3  }
0xf: {  	[dreg:$0x6] =	wrdreg s6;
	s6 =	sadd.s32 s21, s3;
	s0 =	sadd.s32 s0, s5  }
0x10: {  	s20 =	smax.u32 s20, $0x1;
	s21 =	simm.s32 $0x3;
	s1 =	sadd.s32 s7, s1  }
0x11: {  	s7 =	sor.u32 $0x1C03, s16;
	s16 =	sshrl.u32 s19, $0x3;
	[dreg:$0x7] =	wrdreg s0  }
0x12: {  	s22 =	sadd.s32 s17, s16;
	s23 =	sadd.s32 $0x200, s16;
	s10 =	sadd.s32 s18, s16  }
0x13: {  	s24 =	sadd.s32 $0x400, s16;
	s25 =	sadd.s32 $0x600, s16;
	s26 =	sadd.s32 $0x800, s16  }
0x14: {  	s19 =	sadd.s32 $0x65000, s1;
	[dreg:$0x8] =	wrdreg s22;
	s11 =	sadd.s32 s17, s23  }
0x15: {  	s12 =	sadd.s32 s18, s23;
	s13 =	sadd.s32 s17, s24;
	s14 =	sadd.s32 s18, s24  }
0x16: {  	s15 =	sadd.s32 s17, s25;
	s16 =	sadd.s32 s18, s25;
	s17 =	sadd.s32 s17, s26  }
0x17: {  	s18 =	sadd.s32 s18, s26;
	s22 =	sshrl.u32 s6, $0x3;
	s23 =	simm.s32 $0x80  }
0x18: {  	s24 =	simm.s32 $0x2000;
	s25 =	simm.s32 $0x4000;
	s26 =	simm.s32 $0x100  }
.LBB2_1:
0x19: {  	s0 =	rddreg [dreg:$0x6]  }
0x1a: {  	s1 =	rddreg [dreg:$0x5];
	s0 =	sshrl.u32 s0, $0x3  }
0x1b: {  	[spmem:s0], [sflag:s7] =	dma.local [hbm:s1], $0x1400  }
0x1c: {  	_ =	swait.ge [sflag:s21], $0x1400  }
0x1d: {  	[sflag:s21] =	ssyncset.done $0x0  }
0x1e: {  	s8 =	rddreg [dreg:$0x7];
	[sflag:s21] =	ssyncadd.s32 $0xFFFFEC00  }
0x1f: {  	[spmem:s22], [sflag:s7] =	dma.local [hbm:s8], $0x1388  }
0x20: {  	_ =	swait.ge [sflag:s21], $0x1388  }
0x21: {  	[sflag:s21] =	ssyncset.done $0x0  }
0x22: {  	[sflag:s21] =	ssyncadd.s32 $0xFFFFEC78  }
0x23: {  	[bflag:$0x0] =	sbarrier.arrive $0xFFFF  }
0x24: {  	s9 =	rddreg [dreg:$0x8]  }
0x25: {  	[tilespmem:s4], [sflag:$0x3] =	stream.linear.gather [hbm4b:s9+s4], $0x1000, $0x38;
	[tilespmem:$0x1FC40] =	vst v63  }
0x26: {  	_ =	swait.ge [sflag:s21], $0x1000  }
0x27: {  	[sflag:s21] =	ssyncset.done $0x0  }
0x28: {  	s1 =	simm.s32 $0x1000;
	[sflag:s21] =	ssyncadd.s32 $0xFFFFF000  }
0x29: {  	[tilespmem:s1], [sflag:$0x3] =	stream.linear.gather [hbm4b:s10+s4], $0x1000, $0x38;
	[tilespmem:$0x1FC40] =	vst v63  }
0x2a: {  	_ =	swait.ge [sflag:s21], $0x1000  }
0x2b: {  	[sflag:s21] =	ssyncset.done $0x0  }
0x2c: {  	[sflag:s21] =	ssyncadd.s32 $0xFFFFF000  }
0x2d: {  	[tilespmem:s24], [sflag:$0x1] =	stream.indirect.gather [spmem:s3], $0x40, s4, s23, $0xb8;
	[tilespmem:$0x1FC40] =	vst v63  }
0x2e: {  	_ = 	snop  }
0x2f: {  	[tilespmem:s25], [sflag:$0x1] =	stream.indirect.gather [spmem:s3], $0x40, s23, s23, $0xb8;
	[tilespmem:$0x1FC40] =	vst v63  }
0x30: {  	s5 =	simm.s32 $0x180;
	s6 =	simm.s32 $0x0  }
0x31: {  	[tilespmem:s28], [sflag:$0x1] =	stream.indirect.gather [spmem:s3], $0x40, s26, s23, $0xb8;
	[tilespmem:$0x1FC40] =	vst v63  }
.LBB2_2:
0x32: {  	s8 =	smul.u32 $0xCD, s6;
	_ =	sdelay $0x1  }
0x33: {  	s8 =	sshrl.u32 s8, $0xA  }
0x34: {  	s8 =	sand.u32 $0x3F, s8  }
0x35: {  	s8 =	smul.u32 $0x5, s8;
	_ =	sdelay $0x1  }
0x36: {  	s8 =	ssub.s32 s6, s8  }
0x37: {  	_ =	swait.ge [sflag:s29], $0x2000;
	s8 =	sand.u32 $0xFF, s8  }
0x38: {  	[sflag:s29] =	ssyncset.done $0x0;
	s8 =	sshll.u32 s8, $0xD  }
0x39: {  	p0 =	slt.u32 s6, $0x2;
	[sflag:s29] =	ssyncadd.s32 $0xFFFFE000;
	s8 =	sadd.s32 $0x2000, s8  }
0x3a: {  	[spmem:s2] =	stream.indirect.scatter.add.f32 [tilespmem:s8], [sflag:$0x2], $0x40, s1, s23, $0xb8;
	[tilespmem:$0x1FC40] =	vst v63  }
0x3b: {  	s8 =	simm.s32 @!p0 $0x2  }
0x3c: {  	p1 =	sgt.u32 @!p0 s6, $0x1C;
	_ =	swait.ge @!p0 [sflag:s8], $0x2000  }
0x3d: {  	p1 =	por p0, !p1;
	[sflag:s8] =	ssyncset.done @!p0 $0x0  }
0x3e: {  	[sflag:s8] =	ssyncadd.s32 @!p0 $0xFFFFE000;
	s8 =	sadd.s32 @p1 $0x3, s6  }
0x3f: {  	s9 =	smul.u32 @p1 $0xCD, s8;
	_ =	sdelay $0x1  }
0x40: {  	s9 =	sshrl.u32 @p1 s9, $0xA  }
0x41: {  	s9 =	sand.u32 @p1 $0x3F, s9  }
0x42: {  	s9 =	smul.u32 @p1 $0x5, s9  }
0x43: {  	s6 =	sadd.s32 $0x1, s6  }
0x44: {  	p0 =	sne.s32 s6, $0x20;
	s8 =	ssub.s32 @p1 s8, s9  }
.Ltmp0:
0x45: {  	s8 =	sand.u32 @p1 $0xFF, s8;
	(pc) =	sbr.rel @p0 .LBB2_2-.Ltmp0, $4  }
0x46: {  	s8 =	sshll.u32 @p1 s8, $0xD  }
0x47: {  	s8 =	sadd.s32 @p1 $0x2000, s8  }
0x48: {  	[tilespmem:s8], [sflag:$0x1] =	stream.indirect.gather @p1 [spmem:s3], $0x40, s5, s23, $0xb8;
	[tilespmem:$0x1FC40] =	vst v63  }
0x49: {  	s1 =	sadd.s32 $0x80, s1;
	s5 =	sadd.s32 $0x80, s5  }
0x4a: {  	_ =	swait.ge [sflag:s30], $0x2000  }
0x4b: {  	[sflag:s30] =	ssyncset.done $0x0  }
0x4c: {  	[sflag:s30] =	ssyncadd.s32 $0xFFFFE000  }
0x4d: {  	_ =	swait.ge [sflag:s30], $0x2000  }
0x4e: {  	[sflag:s30] =	ssyncset.done $0x0  }
0x4f: {  	s1 =	simm.s32 $0x0;
	[sflag:s30] =	ssyncadd.s32 $0xFFFFE000  }
0x50: {  	[tilespmem:s1], [sflag:$0x3] =	stream.linear.gather [hbm4b:s11+s1], $0x1000, $0x38;
	[tilespmem:$0x1FC40] =	vst v63  }
0x51: {  	_ =	swait.ge [sflag:s21], $0x1000  }
0x52: {  	[sflag:s21] =	ssyncset.done $0x0  }
0x53: {  	s5 =	simm.s32 $0x1000;
	[sflag:s21] =	ssyncadd.s32 $0xFFFFF000  }
0x54: {  	[tilespmem:s5], [sflag:$0x3] =	stream.linear.gather [hbm4b:s12+s1], $0x1000, $0x38;
	[tilespmem:$0x1FC40] =	vst v63  }
0x55: {  	_ =	swait.ge [sflag:s21], $0x1000  }
0x56: {  	[sflag:s21] =	ssyncset.done $0x0  }
0x57: {  	[sflag:s21] =	ssyncadd.s32 $0xFFFFF000  }
0x58: {  	[tilespmem:s24], [sflag:$0x1] =	stream.indirect.gather [spmem:s3], $0x40, s1, s23, $0xb8;
	[tilespmem:$0x1FC40] =	vst v63  }
0x59: {  	_ = 	snop  }
0x5a: {  	[tilespmem:s25], [sflag:$0x1] =	stream.indirect.gather [spmem:s3], $0x40, s23, s23, $0xb8;
	[tilespmem:$0x1FC40] =	vst v63  }
0x5b: {  	s6 =	simm.s32 $0x180  }
0x5c: {  	[tilespmem:s28], [sflag:$0x1] =	stream.indirect.gather [spmem:s3], $0x40, s26, s23, $0xb8;
	[tilespmem:$0x1FC40] =	vst v63  }
.LBB2_4:
0x5d: {  	s8 =	smul.u32 $0xCD, s1;
	_ =	sdelay $0x1  }
0x5e: {  	s8 =	sshrl.u32 s8, $0xA  }
0x5f: {  	s8 =	sand.u32 $0x3F, s8  }
0x60: {  	s8 =	smul.u32 $0x5, s8;
	_ =	sdelay $0x1  }
0x61: {  	s8 =	ssub.s32 s1, s8  }
0x62: {  	_ =	swait.ge [sflag:s29], $0x2000;
	s8 =	sand.u32 $0xFF, s8  }
0x63: {  	[sflag:s29] =	ssyncset.done $0x0;
	s8 =	sshll.u32 s8, $0xD  }
0x64: {  	p0 =	slt.u32 s1, $0x2;
	[sflag:s29] =	ssyncadd.s32 $0xFFFFE000;
	s8 =	sadd.s32 $0x2000, s8  }
0x65: {  	[spmem:s2] =	stream.indirect.scatter.add.f32 [tilespmem:s8], [sflag:$0x2], $0x40, s5, s23, $0xb8;
	[tilespmem:$0x1FC40] =	vst v63  }
0x66: {  	s8 =	simm.s32 @!p0 $0x2  }
0x67: {  	p1 =	sgt.u32 @!p0 s1, $0x1C;
	_ =	swait.ge @!p0 [sflag:s8], $0x2000  }
0x68: {  	p1 =	por p0, !p1;
	[sflag:s8] =	ssyncset.done @!p0 $0x0  }
0x69: {  	[sflag:s8] =	ssyncadd.s32 @!p0 $0xFFFFE000;
	s8 =	sadd.s32 @p1 $0x3, s1  }
0x6a: {  	s9 =	smul.u32 @p1 $0xCD, s8;
	_ =	sdelay $0x1  }
0x6b: {  	s9 =	sshrl.u32 @p1 s9, $0xA  }
0x6c: {  	s9 =	sand.u32 @p1 $0x3F, s9  }
0x6d: {  	s9 =	smul.u32 @p1 $0x5, s9  }
0x6e: {  	s1 =	sadd.s32 $0x1, s1  }
0x6f: {  	p0 =	sne.s32 s1, $0x20;
	s8 =	ssub.s32 @p1 s8, s9  }
.Ltmp1:
0x70: {  	s8 =	sand.u32 @p1 $0xFF, s8;
	(pc) =	sbr.rel @p0 .LBB2_4-.Ltmp1, $4  }
0x71: {  	s8 =	sshll.u32 @p1 s8, $0xD  }
0x72: {  	s8 =	sadd.s32 @p1 $0x2000, s8  }
0x73: {  	[tilespmem:s8], [sflag:$0x1] =	stream.indirect.gather @p1 [spmem:s3], $0x40, s6, s23, $0xb8;
	[tilespmem:$0x1FC40] =	vst v63  }
0x74: {  	s5 =	sadd.s32 $0x80, s5;
	s6 =	sadd.s32 $0x80, s6  }
0x75: {  	_ =	swait.ge [sflag:s30], $0x2000  }
0x76: {  	[sflag:s30] =	ssyncset.done $0x0  }
0x77: {  	[sflag:s30] =	ssyncadd.s32 $0xFFFFE000  }
0x78: {  	_ =	swait.ge [sflag:s30], $0x2000  }
0x79: {  	[sflag:s30] =	ssyncset.done $0x0  }
0x7a: {  	s1 =	simm.s32 $0x0;
	[sflag:s30] =	ssyncadd.s32 $0xFFFFE000  }
0x7b: {  	[tilespmem:s1], [sflag:$0x3] =	stream.linear.gather [hbm4b:s13+s1], $0x1000, $0x38;
	[tilespmem:$0x1FC40] =	vst v63  }
0x7c: {  	_ =	swait.ge [sflag:s21], $0x1000  }
0x7d: {  	[sflag:s21] =	ssyncset.done $0x0  }
0x7e: {  	s5 =	simm.s32 $0x1000;
	[sflag:s21] =	ssyncadd.s32 $0xFFFFF000  }
0x7f: {  	[tilespmem:s5], [sflag:$0x3] =	stream.linear.gather [hbm4b:s14+s1], $0x1000, $0x38;
	[tilespmem:$0x1FC40] =	vst v63  }
0x80: {  	_ =	swait.ge [sflag:s21], $0x1000  }
0x81: {  	[sflag:s21] =	ssyncset.done $0x0  }
0x82: {  	[sflag:s21] =	ssyncadd.s32 $0xFFFFF000  }
0x83: {  	[tilespmem:s24], [sflag:$0x1] =	stream.indirect.gather [spmem:s3], $0x40, s1, s23, $0xb8;
	[tilespmem:$0x1FC40] =	vst v63  }
0x84: {  	_ = 	snop  }
0x85: {  	[tilespmem:s25], [sflag:$0x1] =	stream.indirect.gather [spmem:s3], $0x40, s23, s23, $0xb8;
	[tilespmem:$0x1FC40] =	vst v63  }
0x86: {  	s6 =	simm.s32 $0x180  }
0x87: {  	[tilespmem:s28], [sflag:$0x1] =	stream.indirect.gather [spmem:s3], $0x40, s26, s23, $0xb8;
	[tilespmem:$0x1FC40] =	vst v63  }
.LBB2_6:
0x88: {  	s8 =	smul.u32 $0xCD, s1;
	_ =	sdelay $0x1  }
0x89: {  	s8 =	sshrl.u32 s8, $0xA  }
0x8a: {  	s8 =	sand.u32 $0x3F, s8  }
0x8b: {  	s8 =	smul.u32 $0x5, s8;
	_ =	sdelay $0x1  }
0x8c: {  	s8 =	ssub.s32 s1, s8  }
0x8d: {  	_ =	swait.ge [sflag:s29], $0x2000;
	s8 =	sand.u32 $0xFF, s8  }
0x8e: {  	[sflag:s29] =	ssyncset.done $0x0;
	s8 =	sshll.u32 s8, $0xD  }
0x8f: {  	p0 =	slt.u32 s1, $0x2;
	[sflag:s29] =	ssyncadd.s32 $0xFFFFE000;
	s8 =	sadd.s32 $0x2000, s8  }
0x90: {  	[spmem:s2] =	stream.indirect.scatter.add.f32 [tilespmem:s8], [sflag:$0x2], $0x40, s5, s23, $0xb8;
	[tilespmem:$0x1FC40] =	vst v63  }
0x91: {  	s8 =	simm.s32 @!p0 $0x2  }
0x92: {  	p1 =	sgt.u32 @!p0 s1, $0x1C;
	_ =	swait.ge @!p0 [sflag:s8], $0x2000  }
0x93: {  	p1 =	por p0, !p1;
	[sflag:s8] =	ssyncset.done @!p0 $0x0  }
0x94: {  	[sflag:s8] =	ssyncadd.s32 @!p0 $0xFFFFE000;
	s8 =	sadd.s32 @p1 $0x3, s1  }
0x95: {  	s9 =	smul.u32 @p1 $0xCD, s8;
	_ =	sdelay $0x1  }
0x96: {  	s9 =	sshrl.u32 @p1 s9, $0xA  }
0x97: {  	s9 =	sand.u32 @p1 $0x3F, s9  }
0x98: {  	s9 =	smul.u32 @p1 $0x5, s9  }
0x99: {  	s1 =	sadd.s32 $0x1, s1  }
0x9a: {  	p0 =	sne.s32 s1, $0x20;
	s8 =	ssub.s32 @p1 s8, s9  }
.Ltmp2:
0x9b: {  	s8 =	sand.u32 @p1 $0xFF, s8;
	(pc) =	sbr.rel @p0 .LBB2_6-.Ltmp2, $4  }
0x9c: {  	s8 =	sshll.u32 @p1 s8, $0xD  }
0x9d: {  	s8 =	sadd.s32 @p1 $0x2000, s8  }
0x9e: {  	[tilespmem:s8], [sflag:$0x1] =	stream.indirect.gather @p1 [spmem:s3], $0x40, s6, s23, $0xb8;
	[tilespmem:$0x1FC40] =	vst v63  }
0x9f: {  	s5 =	sadd.s32 $0x80, s5;
	s6 =	sadd.s32 $0x80, s6  }
0xa0: {  	_ =	swait.ge [sflag:s30], $0x2000  }
0xa1: {  	[sflag:s30] =	ssyncset.done $0x0  }
0xa2: {  	[sflag:s30] =	ssyncadd.s32 $0xFFFFE000  }
0xa3: {  	_ =	swait.ge [sflag:s30], $0x2000  }
0xa4: {  	[sflag:s30] =	ssyncset.done $0x0  }
0xa5: {  	s1 =	simm.s32 $0x0;
	[sflag:s30] =	ssyncadd.s32 $0xFFFFE000  }
0xa6: {  	[tilespmem:s1], [sflag:$0x3] =	stream.linear.gather [hbm4b:s15+s1], $0x1000, $0x38;
	[tilespmem:$0x1FC40] =	vst v63  }
0xa7: {  	_ =	swait.ge [sflag:s21], $0x1000  }
0xa8: {  	[sflag:s21] =	ssyncset.done $0x0  }
0xa9: {  	s5 =	simm.s32 $0x1000;
	[sflag:s21] =	ssyncadd.s32 $0xFFFFF000  }
0xaa: {  	[tilespmem:s5], [sflag:$0x3] =	stream.linear.gather [hbm4b:s16+s1], $0x1000, $0x38;
	[tilespmem:$0x1FC40] =	vst v63  }
0xab: {  	_ =	swait.ge [sflag:s21], $0x1000  }
0xac: {  	[sflag:s21] =	ssyncset.done $0x0  }
0xad: {  	[sflag:s21] =	ssyncadd.s32 $0xFFFFF000  }
0xae: {  	[tilespmem:s24], [sflag:$0x1] =	stream.indirect.gather [spmem:s3], $0x40, s1, s23, $0xb8;
	[tilespmem:$0x1FC40] =	vst v63  }
0xaf: {  	_ = 	snop  }
0xb0: {  	[tilespmem:s25], [sflag:$0x1] =	stream.indirect.gather [spmem:s3], $0x40, s23, s23, $0xb8;
	[tilespmem:$0x1FC40] =	vst v63  }
0xb1: {  	s6 =	simm.s32 $0x180  }
0xb2: {  	[tilespmem:s28], [sflag:$0x1] =	stream.indirect.gather [spmem:s3], $0x40, s26, s23, $0xb8;
	[tilespmem:$0x1FC40] =	vst v63  }
.LBB2_8:
0xb3: {  	s8 =	smul.u32 $0xCD, s1;
	_ =	sdelay $0x1  }
0xb4: {  	s8 =	sshrl.u32 s8, $0xA  }
0xb5: {  	s8 =	sand.u32 $0x3F, s8  }
0xb6: {  	s8 =	smul.u32 $0x5, s8;
	_ =	sdelay $0x1  }
0xb7: {  	s8 =	ssub.s32 s1, s8  }
0xb8: {  	_ =	swait.ge [sflag:s29], $0x2000;
	s8 =	sand.u32 $0xFF, s8  }
0xb9: {  	[sflag:s29] =	ssyncset.done $0x0;
	s8 =	sshll.u32 s8, $0xD  }
0xba: {  	p0 =	slt.u32 s1, $0x2;
	[sflag:s29] =	ssyncadd.s32 $0xFFFFE000;
	s8 =	sadd.s32 $0x2000, s8  }
0xbb: {  	[spmem:s2] =	stream.indirect.scatter.add.f32 [tilespmem:s8], [sflag:$0x2], $0x40, s5, s23, $0xb8;
	[tilespmem:$0x1FC40] =	vst v63  }
0xbc: {  	s8 =	simm.s32 @!p0 $0x2  }
0xbd: {  	p1 =	sgt.u32 @!p0 s1, $0x1C;
	_ =	swait.ge @!p0 [sflag:s8], $0x2000  }
0xbe: {  	p1 =	por p0, !p1;
	[sflag:s8] =	ssyncset.done @!p0 $0x0  }
0xbf: {  	[sflag:s8] =	ssyncadd.s32 @!p0 $0xFFFFE000;
	s8 =	sadd.s32 @p1 $0x3, s1  }
0xc0: {  	s9 =	smul.u32 @p1 $0xCD, s8;
	_ =	sdelay $0x1  }
0xc1: {  	s9 =	sshrl.u32 @p1 s9, $0xA  }
0xc2: {  	s9 =	sand.u32 @p1 $0x3F, s9  }
0xc3: {  	s9 =	smul.u32 @p1 $0x5, s9  }
0xc4: {  	s1 =	sadd.s32 $0x1, s1  }
0xc5: {  	p0 =	sne.s32 s1, $0x20;
	s8 =	ssub.s32 @p1 s8, s9  }
.Ltmp3:
0xc6: {  	s8 =	sand.u32 @p1 $0xFF, s8;
	(pc) =	sbr.rel @p0 .LBB2_8-.Ltmp3, $4  }
0xc7: {  	s8 =	sshll.u32 @p1 s8, $0xD  }
0xc8: {  	s8 =	sadd.s32 @p1 $0x2000, s8  }
0xc9: {  	[tilespmem:s8], [sflag:$0x1] =	stream.indirect.gather @p1 [spmem:s3], $0x40, s6, s23, $0xb8;
	[tilespmem:$0x1FC40] =	vst v63  }
0xca: {  	s5 =	sadd.s32 $0x80, s5;
	s6 =	sadd.s32 $0x80, s6  }
0xcb: {  	_ =	swait.ge [sflag:s30], $0x2000  }
0xcc: {  	[sflag:s30] =	ssyncset.done $0x0  }
0xcd: {  	[sflag:s30] =	ssyncadd.s32 $0xFFFFE000  }
0xce: {  	_ =	swait.ge [sflag:s30], $0x2000  }
0xcf: {  	[sflag:s30] =	ssyncset.done $0x0  }
0xd0: {  	s1 =	simm.s32 $0x0;
	[sflag:s30] =	ssyncadd.s32 $0xFFFFE000  }
0xd1: {  	[tilespmem:s1], [sflag:$0x3] =	stream.linear.gather [hbm4b:s17+s1], $0x1000, $0x38;
	[tilespmem:$0x1FC40] =	vst v63  }
0xd2: {  	_ =	swait.ge [sflag:s21], $0x1000  }
0xd3: {  	[sflag:s21] =	ssyncset.done $0x0  }
0xd4: {  	s5 =	simm.s32 $0x1000;
	[sflag:s21] =	ssyncadd.s32 $0xFFFFF000  }
0xd5: {  	[tilespmem:s5], [sflag:$0x3] =	stream.linear.gather [hbm4b:s18+s1], $0x1000, $0x38;
	[tilespmem:$0x1FC40] =	vst v63  }
0xd6: {  	_ =	swait.ge [sflag:s21], $0x1000  }
0xd7: {  	[sflag:s21] =	ssyncset.done $0x0  }
0xd8: {  	[sflag:s21] =	ssyncadd.s32 $0xFFFFF000  }
0xd9: {  	[tilespmem:s24], [sflag:$0x1] =	stream.indirect.gather [spmem:s3], $0x40, s1, s23, $0xb8;
	[tilespmem:$0x1FC40] =	vst v63  }
0xda: {  	_ = 	snop  }
0xdb: {  	[tilespmem:s25], [sflag:$0x1] =	stream.indirect.gather [spmem:s3], $0x40, s23, s23, $0xb8;
	[tilespmem:$0x1FC40] =	vst v63  }
0xdc: {  	s6 =	simm.s32 $0x180  }
0xdd: {  	[tilespmem:s28], [sflag:$0x1] =	stream.indirect.gather [spmem:s3], $0x40, s26, s23, $0xb8;
	[tilespmem:$0x1FC40] =	vst v63  }
.LBB2_10:
0xde: {  	s8 =	smul.u32 $0xCD, s1;
	_ =	sdelay $0x1  }
0xdf: {  	s8 =	sshrl.u32 s8, $0xA  }
0xe0: {  	s8 =	sand.u32 $0x3F, s8  }
0xe1: {  	s8 =	smul.u32 $0x5, s8;
	_ =	sdelay $0x1  }
0xe2: {  	s8 =	ssub.s32 s1, s8  }
0xe3: {  	_ =	swait.ge [sflag:s29], $0x2000;
	s8 =	sand.u32 $0xFF, s8  }
0xe4: {  	[sflag:s29] =	ssyncset.done $0x0;
	s8 =	sshll.u32 s8, $0xD  }
0xe5: {  	p0 =	slt.u32 s1, $0x2;
	[sflag:s29] =	ssyncadd.s32 $0xFFFFE000;
	s8 =	sadd.s32 $0x2000, s8  }
0xe6: {  	[spmem:s2] =	stream.indirect.scatter.add.f32 [tilespmem:s8], [sflag:$0x2], $0x40, s5, s23, $0xb8;
	[tilespmem:$0x1FC40] =	vst v63  }
0xe7: {  	s8 =	simm.s32 @!p0 $0x2  }
0xe8: {  	p1 =	sgt.u32 @!p0 s1, $0x1C;
	_ =	swait.ge @!p0 [sflag:s8], $0x2000  }
0xe9: {  	p1 =	por p0, !p1;
	[sflag:s8] =	ssyncset.done @!p0 $0x0  }
0xea: {  	[sflag:s8] =	ssyncadd.s32 @!p0 $0xFFFFE000;
	s8 =	sadd.s32 @p1 $0x3, s1  }
0xeb: {  	s9 =	smul.u32 @p1 $0xCD, s8;
	_ =	sdelay $0x1  }
0xec: {  	s9 =	sshrl.u32 @p1 s9, $0xA  }
0xed: {  	s9 =	sand.u32 @p1 $0x3F, s9  }
0xee: {  	s9 =	smul.u32 @p1 $0x5, s9  }
0xef: {  	s1 =	sadd.s32 $0x1, s1  }
0xf0: {  	p0 =	sne.s32 s1, $0x20;
	s8 =	ssub.s32 @p1 s8, s9  }
.Ltmp4:
0xf1: {  	s8 =	sand.u32 @p1 $0xFF, s8;
	(pc) =	sbr.rel @p0 .LBB2_10-.Ltmp4, $4  }
0xf2: {  	s8 =	sshll.u32 @p1 s8, $0xD  }
0xf3: {  	s8 =	sadd.s32 @p1 $0x2000, s8  }
0xf4: {  	[tilespmem:s8], [sflag:$0x1] =	stream.indirect.gather @p1 [spmem:s3], $0x40, s6, s23, $0xb8;
	[tilespmem:$0x1FC40] =	vst v63  }
0xf5: {  	s5 =	sadd.s32 $0x80, s5;
	s6 =	sadd.s32 $0x80, s6  }
0xf6: {  	_ =	swait.ge [sflag:s30], $0x2000  }
0xf7: {  	[sflag:s30] =	ssyncset.done $0x0  }
0xf8: {  	[sflag:s30] =	ssyncadd.s32 $0xFFFFE000  }
0xf9: {  	_ =	swait.ge [sflag:s30], $0x2000  }
0xfa: {  	s31 =	sadd.s32 $0x1, s31;
	[sflag:s30] =	ssyncset.done $0x0  }
0xfb: {  	p0 =	sne.s32 s31, s20;
	[sflag:s30] =	ssyncadd.s32 $0xFFFFE000  }
.Ltmp5:
0xfc: {  	[bflag:$0x0] =	sbarrier.arrive $0xFFFF;
	(pc) =	sbr.rel @p0 .LBB2_1-.Ltmp5, $4  }
0xfd: {  	[hbm:s19], [sflag:s7] =	dma.local [spmem:s0], $0x1400  }
0xfe: {  	_ =	swait.ge [sflag:s21], $0x1400  }
0xff: {  	[sflag:s21] =	ssyncset.done $0x0  }
0x100: {  	[sflag:s21] =	ssyncadd.s32 $0xFFFFEC00  }
0x101: {  	_ =	sfence.sel $0x180000  }
0x102: {  	[bflag:$0x0] =	sbarrier.arrive $0xFFFF  }
0x103: {  	_ =	strace $0x9000004A  }
0x104: {  	s0 =	stileid.u32;
	[bflag:$0x2] =	sbarrier.arrive $0xFFFF  }
0x105: {  	p0 =	sne.s32 s0, $0x0;
	s0 =	rddreg [dreg:$0x4]  }
0x106: {  	s0 =	sadd.s32 @!p0 $0x100000, s0  }
0x107: {  	[sflag:s0] =	ssyncadd.tile.s32 @!p0 $0x1;
	_ =	shalt  }
.Lfunc_end2:
_tile_overlayer_lowered:
.L_overlay_start_2:
0x108: {  	(tag) =	ssettag $0x2  }
0x109: {  	s0 =	rddreg [dreg:$0x0];
	s2 =	stileid.u32  }
0x10a: {  	s1 =	rddreg [dreg:$0x1];
	p0 =	sne.s32 s2, $0x0  }
0x10b: {  	s3 =	rddreg [dreg:$0x2];
	[bflag:$0x3] =	sbarrier.arrive $0xFFFF;
	s2 =	simm.s32 @!p0 $0x1C03  }
0x10c: {  	[timem:s3], [sflag:s2] =	dma.local @!p0 [hbm:s0], s1  }
0x10d: {  	s0 =	simm.s32 @!p0 $0x3  }
0x10e: {  	_ =	swait.ge @!p0 [sflag:s0], s1  }
0x10f: {  	s1 =	ssub.s32 @!p0 $0x0, s1;
	[sflag:s0] =	ssyncset.done @!p0 $0x0  }
0x110: {  	[sflag:s0] =	ssyncadd.s32 @!p0 s1  }
0x111: {  	[bflag:$0x3] =	sbarrier.arrive $0xFFFF  }
0x112: {  	_ =	shalt  }

// kernel: kernel.14.cloned.1.call-start
scs
__scs_entry_jumppad:
0x0: {  	(pc) =	sbr.rel $0x88, $3  }
0x1: {  	(tag) =	ssettag $0x0;
	lr =	simm.s32 $0x1  }
0x2: {  	[smem:$0x3F9B] =	sst lr;
	_ =	strace $0xD0000000  }
0x3: {  	_ = 	snop  }
0x4: {  	_ = 	snop  }
0x5: {  	_ = 	snop  }
0x6: {  	_ = 	snop  }
0x7: {  	_ = 	snop  }
__scs_overlays_trampoline_lowered:
0x8: {  	[smem:$0x3FAA] =	sst s0  }
0x9: {  	[smem:$0x3FAB] =	sst s1  }
0xa: {  	[smem:$0x3FAC] =	sst s2  }
0xb: {  	[smem:$0x3FAD] =	sst s3  }
0xc: {  	[smem:$0x3FAE] =	sst s4  }
0xd: {  	[smem:$0x3FAF] =	sst s5  }
0xe: {  	[smem:$0x3FB0] =	sst s6  }
0xf: {  	[smem:$0x3FB1] =	sst s7  }
0x10: {  	[smem:$0x3FB2] =	sst s8  }
0x11: {  	[smem:$0x3FB3] =	sst s9;
	s0 =	simm.s32 @!p0 $0x0  }
0x12: {  	s1 =	sld [smem:$0x3F99];
	s0 =	simm.s32 @p0 $0x1  }
0x13: {  	[smem:$0x3FB4] =	sst s0;
	s0 =	simm.s32 @!p1 $0x0  }
0x14: {  	s2 =	sld [smem:$0x3F98];
	s0 =	simm.s32 @p1 $0x1  }
0x15: {  	[smem:$0x3FB5] =	sst s0;
	s0 =	simm.s32 @!p2 $0x0  }
0x16: {  	s3 =	sld [smem:$0x3FDB];
	s0 =	simm.s32 @p2 $0x1  }
0x17: {  	s4 =	simm.s32 $0x1BF5;
	[smem:$0x3FB7] =	sst s0  }
0x18: {  	s0 =	sld [smem:$0x3F9A];
	_ =	swait.ge [sflag:s4], $0x0  }
0x19: {  	s7 =	sld [smem:$0x3F9B]  }
0x1a: {  	s8 =	sadd.s32 $0xFFFFE003, lr  }
0x1b: {  	s9 =	sadd.s32 $0xFFFFFEF7, lr;
	s5 =	simm.s32 $0xFFFFFFFF;
	p2 =	slt.u32 s8, $0xFFFFF086  }
0x1c: {  	p1 =	slt.u32 s9, $0xF7A;
	s5 =	simm.s32 @!p2 $0x0  }
0x1d: {  	s5 =	simm.s32 @p1 $0x1;
	p0 =	seq.s32 s7, s2  }
0x1e: {  	s7 =	smul.u32 @!p0 $0xF7A, s2;
	p2 =	seq.s32 @!p0 s5, $0x0  }
0x1f: {  	s9 =	smul.u32 $0xF7A, s1;
	s8 =	simm.s32 @!p0 $0x1BF5;
	p2 =	por !p2, p0  }
0x20: {  	[sflag:s8] =	ssyncset.s32 @!p0 $0xFFFFF086;
	s6 =	sadd.s32 @!p0 s3, s7;
	s7 =	simm.s32 @!p0 $0x108  }
0x21: {  	s3 =	sadd.s32 s3, s9;
	s6 =	sadd.s32 @!p0 $0x88, s6;
	s7 =	simm.s32 @p2 $0x1082  }
0x22: {  	[simem:s7], [sflag:s8] =	dma.local @!p0 [hbm:s6], $0xF7A  }
0x23: {  	s9 =	sor.u32 $0xD0000000, s2;
	s6 =	simm.s32 $0x108;
	_ =	swait.ge @!p0 [sflag:s8], $0x0  }
0x24: {  	s3 =	sadd.s32 $0x88, s3;
	s6 =	simm.s32 @!p1 $0x1082;
	[sflag:s4] =	ssyncset.s32 $0xFFFFF086  }
0x25: {  	[simem:s6], [sflag:s4] =	dma.local [hbm:s3], $0xF7A  }
0x26: {  	[smem:$0x3F9B] =	sst s1;
	(tag) =	ssettag s2;
	_ =	strace s9  }
0x27: {  	s1 =	sld [smem:$0x3FAB]  }
0x28: {  	s2 =	sld [smem:$0x3FAC]  }
0x29: {  	s4 =	sld [smem:$0x3FAE]  }
0x2a: {  	p0 =	seq.s32 s5, $0x0;
	s5 =	sld [smem:$0x3FAF]  }
0x2b: {  	s6 =	sld [smem:$0x3FB0]  }
0x2c: {  	s7 =	sld [smem:$0x3FB1]  }
0x2d: {  	s3 =	simm.s32 $0x108;
	s8 =	sld [smem:$0x3FB2]  }
0x2e: {  	s3 =	simm.s32 @!p0 $0x1082;
	s9 =	sld [smem:$0x3FB3]  }
0x2f: {  	lr =	sadd.s32 s0, s3;
	s0 =	sld [smem:$0x3FAA]  }
0x30: {  	s3 =	sld [smem:$0x3FAD]  }
0x31: {  	[smem:$0x3FB6] =	sst s10  }
0x32: {  	s10 =	sld [smem:$0x3FB4];
	_ =	sdelay $0x3  }
0x33: {  	p0 =	seq.s32 s10, $0x1;
	s10 =	sld [smem:$0x3FB6];
	_ =	sdelay $0x3  }
0x34: {  	[smem:$0x3FB6] =	sst s10  }
0x35: {  	s10 =	sld [smem:$0x3FB5];
	_ =	sdelay $0x3  }
0x36: {  	p1 =	seq.s32 s10, $0x1;
	s10 =	sld [smem:$0x3FB6];
	_ =	sdelay $0x3  }
0x37: {  	[smem:$0x3FB6] =	sst s10  }
0x38: {  	s10 =	sld [smem:$0x3FB7]  }
0x39: {  	_ = 	snop;
	(pc) =	sbr.ind lr, $3  }
0x3a: {  	_ = 	snop  }
0x3b: {  	_ = 	snop  }
0x3c: {  	p2 =	seq.s32 s10, $0x1;
	s10 =	sld [smem:$0x3FB6]  }
0x3d: {  	_ =	shalt  }
0x3e: {  	_ =	shalt  }
0x3f: {  	_ =	shalt  }
0x40: {  	_ =	shalt  }
0x41: {  	_ =	shalt  }
0x42: {  	_ =	shalt  }
0x43: {  	_ =	shalt  }
0x44: {  	_ =	shalt  }
0x45: {  	_ =	shalt  }
0x46: {  	_ =	shalt  }
0x47: {  	_ =	shalt  }
0x48: {  	_ =	shalt  }
0x49: {  	_ =	shalt  }
0x4a: {  	_ =	shalt  }
0x4b: {  	_ =	shalt  }
0x4c: {  	_ =	shalt  }
0x4d: {  	_ =	shalt  }
0x4e: {  	_ =	shalt  }
0x4f: {  	_ =	shalt  }
0x50: {  	_ =	shalt  }
0x51: {  	_ =	shalt  }
0x52: {  	_ =	shalt  }
0x53: {  	_ =	shalt  }
0x54: {  	_ =	shalt  }
0x55: {  	_ =	shalt  }
0x56: {  	_ =	shalt  }
0x57: {  	_ =	shalt  }
0x58: {  	_ =	shalt  }
0x59: {  	_ =	shalt  }
0x5a: {  	_ =	shalt  }
0x5b: {  	_ =	shalt  }
0x5c: {  	_ =	shalt  }
0x5d: {  	_ =	shalt  }
0x5e: {  	_ =	shalt  }
0x5f: {  	_ =	shalt  }
0x60: {  	_ =	shalt  }
0x61: {  	_ =	shalt  }
0x62: {  	_ =	shalt  }
0x63: {  	_ =	shalt  }
0x64: {  	_ =	shalt  }
0x65: {  	_ =	shalt  }
0x66: {  	_ =	shalt  }
0x67: {  	_ =	shalt  }
0x68: {  	_ =	shalt  }
0x69: {  	_ =	shalt  }
0x6a: {  	_ =	shalt  }
0x6b: {  	_ =	shalt  }
0x6c: {  	_ =	shalt  }
0x6d: {  	_ =	shalt  }
0x6e: {  	_ =	shalt  }
0x6f: {  	_ =	shalt  }
0x70: {  	_ =	shalt  }
0x71: {  	_ =	shalt  }
0x72: {  	_ =	shalt  }
0x73: {  	_ =	shalt  }
0x74: {  	_ =	shalt  }
0x75: {  	_ =	shalt  }
0x76: {  	_ =	shalt  }
0x77: {  	_ =	shalt  }
0x78: {  	_ =	shalt  }
0x79: {  	_ =	shalt  }
0x7a: {  	_ =	shalt  }
0x7b: {  	_ =	shalt  }
0x7c: {  	_ =	shalt  }
0x7d: {  	_ =	shalt  }
0x7e: {  	_ =	shalt  }
0x7f: {  	_ =	shalt  }
0x80: {  	_ =	shalt  }
0x81: {  	_ =	shalt  }
0x82: {  	_ =	shalt  }
0x83: {  	_ =	shalt  }
0x84: {  	_ =	shalt  }
0x85: {  	_ =	shalt  }
0x86: {  	_ =	shalt  }
0x87: {  	_ =	shalt  }
.Lfunc_end0:
.L_simem_size_0:
called_computation.2_lowered:
.L_overlay_start_0:
0x88: {  	s2 =	sld [smem:$0x3FD9]  }
0x89: {  	s3 =	sld [smem:$0x3FFE];
	_ =	sdelay $0x1  }
0x8a: {  	s1 =	srdreg.scid  }
0x8b: {  	s0 =	sand.u32 $0x1, s1  }
0x8c: {  	s17 =	sshll.u32 s0, $0xA;
	s2 =	sadd.s32 s3, s2  }
0x8d: {  	s2 =	sadd.s32 s2, s17  }
0x8e: {  	[smem:$0x3FC2] =	sst s2  }
0x8f: {  	_ = 	snop  }
0x90: {  	s2 =	sld [smem:$0x3FD0];
	(tm) =	ssettm $0x1  }
0x91: {  	s18 =	sld [smem:$0x3FFB];
	_ =	sdelay $0x3  }
0x92: {  	_ =	strace s18  }
0x93: {  	s3 =	sld [smem:$0x3FFC];
	_ =	sdelay $0x3  }
0x94: {  	_ =	strace s3  }
0x95: {  	s3 =	sld [smem:$0x3FFD];
	_ =	sdelay $0x3  }
0x96: {  	_ =	strace s3  }
0x97: {  	_ =	strace $0x8FFFFFFF  }
0x98: {  	s19 =	sld [smem:$0x3FDB];
	_ =	sdelay $0x1  }
0x99: {  	s4 =	simm.s32 $_scs_section_size  }
0x9a: {  	s5 =	simm.s32 $_size__tile_overlayer_lowered;
	s6 =	simm.s32 $_tile_overlayer_lowered  }
0x9b: {  	s22 =	simm.s32 $0x1BFF;
	s21 =	sshll.u32 s6, $0x1;
	s3 =	sadd.s32 s4, s19  }
0x9c: {  	s7 =	simm.s32 $0x0;
	s20 =	sshll.u32 s5, $0x1;
	s5 =	sadd.s32 s21, s3  }
0x9d: {  	[timem:s7], [sflag:s22] =	dma.local [hbm:s5], s20  }
0x9e: {  	_ =	swait.ge [sflag:s22], s20  }
0x9f: {  	s4 =	ssub.s32 $0x0, s20;
	[sflag:s22] =	ssyncset.done $0x0  }
0xa0: {  	[sflag:s22] =	ssyncadd.s32 s4;
	_ =	sdelay $0x1  }
0xa1: {  	s23 =	simm.s32 $0x1B8B  }
0xa2: {  	_ =	swait.ge [sflag:s23], $0x1  }
0xa3: {  	[sflag:s23] =	ssyncset.done $0x0  }
0xa4: {  	s25 =	simm.s32 $0x1B8E;
	s24 =	sld [smem:$0x3FFE];
	[sflag:s23] =	ssyncadd.s32 $0xFFFFFFFF  }
0xa5: {  	s26 =	simm.s32 $execute0_lowered;
	[smem:$0x3FD2] =	sst s25  }
0xa6: {  	s5 =	sshll.u32 s26, $0x1;
	_ =	strace $0x8000004C;
	[dreg:$0x1] =	wrdreg $0xFFFFFFFF  }
0xa7: {  	s28 =	simm.s32 $_size_execute0_lowered;
	s3 =	sadd.s32 s3, s5;
	[dreg:$0x0] =	wrdreg $0x0  }
0xa8: {  	s5 =	sshll.u32 s28, $0x1;
	[dreg:$0x2] =	wrdreg s3  }
0xa9: {  	[dreg:$0x3] =	wrdreg s5  }
0xaa: {  	[dreg:$0x4] =	wrdreg $0xC0  }
0xab: {  	_ =	task [dreg:s7], $0x5FFFF  }
0xac: {  	[dreg:$0x1] =	wrdreg $0xFFFFFFFF  }
0xad: {  	[dreg:$0x0] =	wrdreg $0x60  }
0xae: {  	[dreg:$0x2] =	wrdreg s2  }
0xaf: {  	[dreg:$0x3] =	wrdreg s24  }
0xb0: {  	[dreg:$0x4] =	wrdreg $0x15C400  }
0xb1: {  	[dreg:$0x5] =	wrdreg $0xC0000  }
0xb2: {  	[dreg:$0x6] =	wrdreg $0x9  }
0xb3: {  	_ =	task.clear_ibuf [dreg:s7], $0x7FFFF;
	_ =	strace $0x9000004C  }
0xb4: {  	s29 =	simm.s32 $0x9;
	_ =	strace $0x8000004E  }
0xb5: {  	_ =	swait.ge [sflag:s29], $0x1  }
0xb6: {  	[sflag:s29] =	ssyncadd.s32 $0xFFFFFFFF  }
0xb7: {  	_ =	strace $0x9000004E  }
0xb8: {  	_ =	sfence  }
0xb9: {  	s30 =	sld [smem:$0x0];
	_ =	sdelay $0x2  }
0xba: {  	s31 =	sshll.u32 s1, $0xD;
	s1 =	sshrl.u32 s1, $0x2  }
0xbb: {  	s3 =	sand.u32 $0x4000, s31;
	s1 =	sadd.s32 s1, s30  }
0xbc: {  	s0 =	sor.u32 s3, s0;
	s1 =	sshll.u32 s1, $0x11  }
0xbd: {  	s0 =	sor.u32 s1, s0  }
0xbe: {  	s0 =	sadd.s32 $0x8F2B, s0  }
0xbf: {  	[sflag:s0] =	ssyncadd.remote.s32 $0x1  }
0xc0: {  	_ =	sfence.sel $0xFFFF  }
0xc1: {  	[dreg:$0x0] =	wrdreg $0xFFFFFFFF;
	(pc) =	sbr.abs _section_cstart, $3  }
0xc2: {  	[dreg:$0x1] =	wrdreg $0xFFFFFFFF  }
0xc3: {  	_ =	task.clear_ibuf [dreg:s7], $0x2FFFF;
	_ =	strace $0x9FFFFFFF  }
0xc4: {  	(tm) =	ssettm $0x7FFFFFFF  }
0xc5: {  	_ =	shalt  }
tec
execute0_lowered:
.L_overlay_start_1:
0x0: {  	(tag) =	ssettag $0x1  }
0x1: {  	s0 =	rddreg [dreg:$0x0]  }
0x2: {  	s1 =	rddreg [dreg:$0x1]  }
0x3: {  	s2 =	rddreg [dreg:$0x2]  }
0x4: {  	s3 =	rddreg [dreg:$0x3]  }
0x5: {  	s5 =	srdreg.scid;
	s11 =	stileid.u32  }
0x6: {  	s4 =	simm.s32 $0x0;
	s28 =	simm.s32 $0x6000;
	s29 =	simm.s32 $0x1  }
0x7: {  	s30 =	simm.s32 $0x2;
	s31 =	simm.s32 $0x0;
	s6 =	smul.u32 $0xA000, s11  }
0x8: {  	s5 =	sand.u32 $0x1, s5;
	[smem:$0x7FF] =	sst s4;
	s14 =	smul.u32 $0x27100, s11  }
0x9: {  	s17 =	sadd.s32 $0xBA00, s1;
	s18 =	sadd.s32 $0x1800, s1;
	s10 =	smul.u32 $0x1388, s11  }
0xa: {  	s8 =	sadd.s32 $0x63C00, s1;
	s16 =	sshll.u32 s11, $0x6;
	s19 =	smul.u32 $0x5000, s11  }
0xb: {  	s7 =	smul.u32 $0xA0000, s5;
	_ =	strace $0x8000004D;
	s9 =	ssub.s32 $0x2, s5  }
0xc: {  	[dreg:$0x5] =	wrdreg s8;
	s5 =	smul.u32 $0x13880, s5;
	s15 =	sshrl.u32 s9, $0x1  }
0xd: {  	s21 =	sshrl.u32 s14, $0x2;
	s7 =	sadd.s32 s6, s7;
	s20 =	ssub.s32 s9, s15  }
0xe: {  	s6 =	sadd.s32 s6, s2;
	s5 =	sadd.s32 s10, s5;
	s7 =	sshrl.u32 s7, $0x3  }
0xf: {  	[dreg:$0x6] =	wrdreg s6;
	s6 =	sadd.s32 s21, s3;
	s0 =	sadd.s32 s0, s5  }
0x10: {  	s20 =	smax.u32 s20, $0x1;
	s21 =	simm.s32 $0x3;
	s1 =	sadd.s32 s7, s1  }
0x11: {  	s7 =	sor.u32 $0x1C03, s16;
	s16 =	sshrl.u32 s19, $0x3;
	[dreg:$0x7] =	wrdreg s0  }
0x12: {  	s22 =	sadd.s32 s17, s16;
	s23 =	sadd.s32 $0x200, s16;
	s10 =	sadd.s32 s18, s16  }
0x13: {  	s24 =	sadd.s32 $0x400, s16;
	s25 =	sadd.s32 $0x600, s16;
	s26 =	sadd.s32 $0x800, s16  }
0x14: {  	s19 =	sadd.s32 $0x15A00, s1;
	[dreg:$0x8] =	wrdreg s22;
	s11 =	sadd.s32 s17, s23  }
0x15: {  	s12 =	sadd.s32 s18, s23;
	s13 =	sadd.s32 s17, s24;
	s14 =	sadd.s32 s18, s24  }
0x16: {  	s15 =	sadd.s32 s17, s25;
	s16 =	sadd.s32 s18, s25;
	s17 =	sadd.s32 s17, s26  }
0x17: {  	s18 =	sadd.s32 s18, s26;
	s22 =	sshrl.u32 s6, $0x3;
	s23 =	simm.s32 $0x80  }
0x18: {  	s24 =	simm.s32 $0x2000;
	s25 =	simm.s32 $0x4000;
	s26 =	simm.s32 $0x100  }
.LBB2_1:
0x19: {  	s0 =	rddreg [dreg:$0x6]  }
0x1a: {  	s1 =	rddreg [dreg:$0x5];
	s0 =	sshrl.u32 s0, $0x3  }
0x1b: {  	[spmem:s0], [sflag:s7] =	dma.local [hbm:s1], $0x1400  }
0x1c: {  	_ =	swait.ge [sflag:s21], $0x1400  }
0x1d: {  	[sflag:s21] =	ssyncset.done $0x0  }
0x1e: {  	s8 =	rddreg [dreg:$0x7];
	[sflag:s21] =	ssyncadd.s32 $0xFFFFEC00  }
0x1f: {  	[spmem:s22], [sflag:s7] =	dma.local [hbm:s8], $0x1388  }
0x20: {  	_ =	swait.ge [sflag:s21], $0x1388  }
0x21: {  	[sflag:s21] =	ssyncset.done $0x0  }
0x22: {  	[sflag:s21] =	ssyncadd.s32 $0xFFFFEC78  }
0x23: {  	[bflag:$0x0] =	sbarrier.arrive $0xFFFF  }
0x24: {  	s9 =	rddreg [dreg:$0x8]  }
0x25: {  	[tilespmem:s4], [sflag:$0x3] =	stream.linear.gather [hbm4b:s9+s4], $0x1000, $0x38;
	[tilespmem:$0x1FC40] =	vst v63  }
0x26: {  	_ =	swait.ge [sflag:s21], $0x1000  }
0x27: {  	[sflag:s21] =	ssyncset.done $0x0  }
0x28: {  	s1 =	simm.s32 $0x1000;
	[sflag:s21] =	ssyncadd.s32 $0xFFFFF000  }
0x29: {  	[tilespmem:s1], [sflag:$0x3] =	stream.linear.gather [hbm4b:s10+s4], $0x1000, $0x38;
	[tilespmem:$0x1FC40] =	vst v63  }
0x2a: {  	_ =	swait.ge [sflag:s21], $0x1000  }
0x2b: {  	[sflag:s21] =	ssyncset.done $0x0  }
0x2c: {  	[sflag:s21] =	ssyncadd.s32 $0xFFFFF000  }
0x2d: {  	[tilespmem:s24], [sflag:$0x1] =	stream.indirect.gather [spmem:s3], $0x40, s4, s23, $0xb8;
	[tilespmem:$0x1FC40] =	vst v63  }
0x2e: {  	_ = 	snop  }
0x2f: {  	[tilespmem:s25], [sflag:$0x1] =	stream.indirect.gather [spmem:s3], $0x40, s23, s23, $0xb8;
	[tilespmem:$0x1FC40] =	vst v63  }
0x30: {  	s5 =	simm.s32 $0x180;
	s6 =	simm.s32 $0x0  }
0x31: {  	[tilespmem:s28], [sflag:$0x1] =	stream.indirect.gather [spmem:s3], $0x40, s26, s23, $0xb8;
	[tilespmem:$0x1FC40] =	vst v63  }
.LBB2_2:
0x32: {  	s8 =	smul.u32 $0xCD, s6;
	_ =	sdelay $0x1  }
0x33: {  	s8 =	sshrl.u32 s8, $0xA  }
0x34: {  	s8 =	sand.u32 $0x3F, s8  }
0x35: {  	s8 =	smul.u32 $0x5, s8;
	_ =	sdelay $0x1  }
0x36: {  	s8 =	ssub.s32 s6, s8  }
0x37: {  	_ =	swait.ge [sflag:s29], $0x2000;
	s8 =	sand.u32 $0xFF, s8  }
0x38: {  	[sflag:s29] =	ssyncset.done $0x0;
	s8 =	sshll.u32 s8, $0xD  }
0x39: {  	p0 =	slt.u32 s6, $0x2;
	[sflag:s29] =	ssyncadd.s32 $0xFFFFE000;
	s8 =	sadd.s32 $0x2000, s8  }
0x3a: {  	[spmem:s2] =	stream.indirect.scatter.add.f32 [tilespmem:s8], [sflag:$0x2], $0x40, s1, s23, $0xb8;
	[tilespmem:$0x1FC40] =	vst v63  }
0x3b: {  	s8 =	simm.s32 @!p0 $0x2  }
0x3c: {  	p1 =	sgt.u32 @!p0 s6, $0x1C;
	_ =	swait.ge @!p0 [sflag:s8], $0x2000  }
0x3d: {  	p1 =	por p0, !p1;
	[sflag:s8] =	ssyncset.done @!p0 $0x0  }
0x3e: {  	[sflag:s8] =	ssyncadd.s32 @!p0 $0xFFFFE000;
	s8 =	sadd.s32 @p1 $0x3, s6  }
0x3f: {  	s9 =	smul.u32 @p1 $0xCD, s8;
	_ =	sdelay $0x1  }
0x40: {  	s9 =	sshrl.u32 @p1 s9, $0xA  }
0x41: {  	s9 =	sand.u32 @p1 $0x3F, s9  }
0x42: {  	s9 =	smul.u32 @p1 $0x5, s9  }
0x43: {  	s6 =	sadd.s32 $0x1, s6  }
0x44: {  	p0 =	sne.s32 s6, $0x20;
	s8 =	ssub.s32 @p1 s8, s9  }
.Ltmp0:
0x45: {  	s8 =	sand.u32 @p1 $0xFF, s8;
	(pc) =	sbr.rel @p0 .LBB2_2-.Ltmp0, $4  }
0x46: {  	s8 =	sshll.u32 @p1 s8, $0xD  }
0x47: {  	s8 =	sadd.s32 @p1 $0x2000, s8  }
0x48: {  	[tilespmem:s8], [sflag:$0x1] =	stream.indirect.gather @p1 [spmem:s3], $0x40, s5, s23, $0xb8;
	[tilespmem:$0x1FC40] =	vst v63  }
0x49: {  	s1 =	sadd.s32 $0x80, s1;
	s5 =	sadd.s32 $0x80, s5  }
0x4a: {  	_ =	swait.ge [sflag:s30], $0x2000  }
0x4b: {  	[sflag:s30] =	ssyncset.done $0x0  }
0x4c: {  	[sflag:s30] =	ssyncadd.s32 $0xFFFFE000  }
0x4d: {  	_ =	swait.ge [sflag:s30], $0x2000  }
0x4e: {  	[sflag:s30] =	ssyncset.done $0x0  }
0x4f: {  	s1 =	simm.s32 $0x0;
	[sflag:s30] =	ssyncadd.s32 $0xFFFFE000  }
0x50: {  	[tilespmem:s1], [sflag:$0x3] =	stream.linear.gather [hbm4b:s11+s1], $0x1000, $0x38;
	[tilespmem:$0x1FC40] =	vst v63  }
0x51: {  	_ =	swait.ge [sflag:s21], $0x1000  }
0x52: {  	[sflag:s21] =	ssyncset.done $0x0  }
0x53: {  	s5 =	simm.s32 $0x1000;
	[sflag:s21] =	ssyncadd.s32 $0xFFFFF000  }
0x54: {  	[tilespmem:s5], [sflag:$0x3] =	stream.linear.gather [hbm4b:s12+s1], $0x1000, $0x38;
	[tilespmem:$0x1FC40] =	vst v63  }
0x55: {  	_ =	swait.ge [sflag:s21], $0x1000  }
0x56: {  	[sflag:s21] =	ssyncset.done $0x0  }
0x57: {  	[sflag:s21] =	ssyncadd.s32 $0xFFFFF000  }
0x58: {  	[tilespmem:s24], [sflag:$0x1] =	stream.indirect.gather [spmem:s3], $0x40, s1, s23, $0xb8;
	[tilespmem:$0x1FC40] =	vst v63  }
0x59: {  	_ = 	snop  }
0x5a: {  	[tilespmem:s25], [sflag:$0x1] =	stream.indirect.gather [spmem:s3], $0x40, s23, s23, $0xb8;
	[tilespmem:$0x1FC40] =	vst v63  }
0x5b: {  	s6 =	simm.s32 $0x180  }
0x5c: {  	[tilespmem:s28], [sflag:$0x1] =	stream.indirect.gather [spmem:s3], $0x40, s26, s23, $0xb8;
	[tilespmem:$0x1FC40] =	vst v63  }
.LBB2_4:
0x5d: {  	s8 =	smul.u32 $0xCD, s1;
	_ =	sdelay $0x1  }
0x5e: {  	s8 =	sshrl.u32 s8, $0xA  }
0x5f: {  	s8 =	sand.u32 $0x3F, s8  }
0x60: {  	s8 =	smul.u32 $0x5, s8;
	_ =	sdelay $0x1  }
0x61: {  	s8 =	ssub.s32 s1, s8  }
0x62: {  	_ =	swait.ge [sflag:s29], $0x2000;
	s8 =	sand.u32 $0xFF, s8  }
0x63: {  	[sflag:s29] =	ssyncset.done $0x0;
	s8 =	sshll.u32 s8, $0xD  }
0x64: {  	p0 =	slt.u32 s1, $0x2;
	[sflag:s29] =	ssyncadd.s32 $0xFFFFE000;
	s8 =	sadd.s32 $0x2000, s8  }
0x65: {  	[spmem:s2] =	stream.indirect.scatter.add.f32 [tilespmem:s8], [sflag:$0x2], $0x40, s5, s23, $0xb8;
	[tilespmem:$0x1FC40] =	vst v63  }
0x66: {  	s8 =	simm.s32 @!p0 $0x2  }
0x67: {  	p1 =	sgt.u32 @!p0 s1, $0x1C;
	_ =	swait.ge @!p0 [sflag:s8], $0x2000  }
0x68: {  	p1 =	por p0, !p1;
	[sflag:s8] =	ssyncset.done @!p0 $0x0  }
0x69: {  	[sflag:s8] =	ssyncadd.s32 @!p0 $0xFFFFE000;
	s8 =	sadd.s32 @p1 $0x3, s1  }
0x6a: {  	s9 =	smul.u32 @p1 $0xCD, s8;
	_ =	sdelay $0x1  }
0x6b: {  	s9 =	sshrl.u32 @p1 s9, $0xA  }
0x6c: {  	s9 =	sand.u32 @p1 $0x3F, s9  }
0x6d: {  	s9 =	smul.u32 @p1 $0x5, s9  }
0x6e: {  	s1 =	sadd.s32 $0x1, s1  }
0x6f: {  	p0 =	sne.s32 s1, $0x20;
	s8 =	ssub.s32 @p1 s8, s9  }
.Ltmp1:
0x70: {  	s8 =	sand.u32 @p1 $0xFF, s8;
	(pc) =	sbr.rel @p0 .LBB2_4-.Ltmp1, $4  }
0x71: {  	s8 =	sshll.u32 @p1 s8, $0xD  }
0x72: {  	s8 =	sadd.s32 @p1 $0x2000, s8  }
0x73: {  	[tilespmem:s8], [sflag:$0x1] =	stream.indirect.gather @p1 [spmem:s3], $0x40, s6, s23, $0xb8;
	[tilespmem:$0x1FC40] =	vst v63  }
0x74: {  	s5 =	sadd.s32 $0x80, s5;
	s6 =	sadd.s32 $0x80, s6  }
0x75: {  	_ =	swait.ge [sflag:s30], $0x2000  }
0x76: {  	[sflag:s30] =	ssyncset.done $0x0  }
0x77: {  	[sflag:s30] =	ssyncadd.s32 $0xFFFFE000  }
0x78: {  	_ =	swait.ge [sflag:s30], $0x2000  }
0x79: {  	[sflag:s30] =	ssyncset.done $0x0  }
0x7a: {  	s1 =	simm.s32 $0x0;
	[sflag:s30] =	ssyncadd.s32 $0xFFFFE000  }
0x7b: {  	[tilespmem:s1], [sflag:$0x3] =	stream.linear.gather [hbm4b:s13+s1], $0x1000, $0x38;
	[tilespmem:$0x1FC40] =	vst v63  }
0x7c: {  	_ =	swait.ge [sflag:s21], $0x1000  }
0x7d: {  	[sflag:s21] =	ssyncset.done $0x0  }
0x7e: {  	s5 =	simm.s32 $0x1000;
	[sflag:s21] =	ssyncadd.s32 $0xFFFFF000  }
0x7f: {  	[tilespmem:s5], [sflag:$0x3] =	stream.linear.gather [hbm4b:s14+s1], $0x1000, $0x38;
	[tilespmem:$0x1FC40] =	vst v63  }
0x80: {  	_ =	swait.ge [sflag:s21], $0x1000  }
0x81: {  	[sflag:s21] =	ssyncset.done $0x0  }
0x82: {  	[sflag:s21] =	ssyncadd.s32 $0xFFFFF000  }
0x83: {  	[tilespmem:s24], [sflag:$0x1] =	stream.indirect.gather [spmem:s3], $0x40, s1, s23, $0xb8;
	[tilespmem:$0x1FC40] =	vst v63  }
0x84: {  	_ = 	snop  }
0x85: {  	[tilespmem:s25], [sflag:$0x1] =	stream.indirect.gather [spmem:s3], $0x40, s23, s23, $0xb8;
	[tilespmem:$0x1FC40] =	vst v63  }
0x86: {  	s6 =	simm.s32 $0x180  }
0x87: {  	[tilespmem:s28], [sflag:$0x1] =	stream.indirect.gather [spmem:s3], $0x40, s26, s23, $0xb8;
	[tilespmem:$0x1FC40] =	vst v63  }
.LBB2_6:
0x88: {  	s8 =	smul.u32 $0xCD, s1;
	_ =	sdelay $0x1  }
0x89: {  	s8 =	sshrl.u32 s8, $0xA  }
0x8a: {  	s8 =	sand.u32 $0x3F, s8  }
0x8b: {  	s8 =	smul.u32 $0x5, s8;
	_ =	sdelay $0x1  }
0x8c: {  	s8 =	ssub.s32 s1, s8  }
0x8d: {  	_ =	swait.ge [sflag:s29], $0x2000;
	s8 =	sand.u32 $0xFF, s8  }
0x8e: {  	[sflag:s29] =	ssyncset.done $0x0;
	s8 =	sshll.u32 s8, $0xD  }
0x8f: {  	p0 =	slt.u32 s1, $0x2;
	[sflag:s29] =	ssyncadd.s32 $0xFFFFE000;
	s8 =	sadd.s32 $0x2000, s8  }
0x90: {  	[spmem:s2] =	stream.indirect.scatter.add.f32 [tilespmem:s8], [sflag:$0x2], $0x40, s5, s23, $0xb8;
	[tilespmem:$0x1FC40] =	vst v63  }
0x91: {  	s8 =	simm.s32 @!p0 $0x2  }
0x92: {  	p1 =	sgt.u32 @!p0 s1, $0x1C;
	_ =	swait.ge @!p0 [sflag:s8], $0x2000  }
0x93: {  	p1 =	por p0, !p1;
	[sflag:s8] =	ssyncset.done @!p0 $0x0  }
0x94: {  	[sflag:s8] =	ssyncadd.s32 @!p0 $0xFFFFE000;
	s8 =	sadd.s32 @p1 $0x3, s1  }
0x95: {  	s9 =	smul.u32 @p1 $0xCD, s8;
	_ =	sdelay $0x1  }
0x96: {  	s9 =	sshrl.u32 @p1 s9, $0xA  }
0x97: {  	s9 =	sand.u32 @p1 $0x3F, s9  }
0x98: {  	s9 =	smul.u32 @p1 $0x5, s9  }
0x99: {  	s1 =	sadd.s32 $0x1, s1  }
0x9a: {  	p0 =	sne.s32 s1, $0x20;
	s8 =	ssub.s32 @p1 s8, s9  }
.Ltmp2:
0x9b: {  	s8 =	sand.u32 @p1 $0xFF, s8;
	(pc) =	sbr.rel @p0 .LBB2_6-.Ltmp2, $4  }
0x9c: {  	s8 =	sshll.u32 @p1 s8, $0xD  }
0x9d: {  	s8 =	sadd.s32 @p1 $0x2000, s8  }
0x9e: {  	[tilespmem:s8], [sflag:$0x1] =	stream.indirect.gather @p1 [spmem:s3], $0x40, s6, s23, $0xb8;
	[tilespmem:$0x1FC40] =	vst v63  }
0x9f: {  	s5 =	sadd.s32 $0x80, s5;
	s6 =	sadd.s32 $0x80, s6  }
0xa0: {  	_ =	swait.ge [sflag:s30], $0x2000  }
0xa1: {  	[sflag:s30] =	ssyncset.done $0x0  }
0xa2: {  	[sflag:s30] =	ssyncadd.s32 $0xFFFFE000  }
0xa3: {  	_ =	swait.ge [sflag:s30], $0x2000  }
0xa4: {  	[sflag:s30] =	ssyncset.done $0x0  }
0xa5: {  	s1 =	simm.s32 $0x0;
	[sflag:s30] =	ssyncadd.s32 $0xFFFFE000  }
0xa6: {  	[tilespmem:s1], [sflag:$0x3] =	stream.linear.gather [hbm4b:s15+s1], $0x1000, $0x38;
	[tilespmem:$0x1FC40] =	vst v63  }
0xa7: {  	_ =	swait.ge [sflag:s21], $0x1000  }
0xa8: {  	[sflag:s21] =	ssyncset.done $0x0  }
0xa9: {  	s5 =	simm.s32 $0x1000;
	[sflag:s21] =	ssyncadd.s32 $0xFFFFF000  }
0xaa: {  	[tilespmem:s5], [sflag:$0x3] =	stream.linear.gather [hbm4b:s16+s1], $0x1000, $0x38;
	[tilespmem:$0x1FC40] =	vst v63  }
0xab: {  	_ =	swait.ge [sflag:s21], $0x1000  }
0xac: {  	[sflag:s21] =	ssyncset.done $0x0  }
0xad: {  	[sflag:s21] =	ssyncadd.s32 $0xFFFFF000  }
0xae: {  	[tilespmem:s24], [sflag:$0x1] =	stream.indirect.gather [spmem:s3], $0x40, s1, s23, $0xb8;
	[tilespmem:$0x1FC40] =	vst v63  }
0xaf: {  	_ = 	snop  }
0xb0: {  	[tilespmem:s25], [sflag:$0x1] =	stream.indirect.gather [spmem:s3], $0x40, s23, s23, $0xb8;
	[tilespmem:$0x1FC40] =	vst v63  }
0xb1: {  	s6 =	simm.s32 $0x180  }
0xb2: {  	[tilespmem:s28], [sflag:$0x1] =	stream.indirect.gather [spmem:s3], $0x40, s26, s23, $0xb8;
	[tilespmem:$0x1FC40] =	vst v63  }
.LBB2_8:
0xb3: {  	s8 =	smul.u32 $0xCD, s1;
	_ =	sdelay $0x1  }
0xb4: {  	s8 =	sshrl.u32 s8, $0xA  }
0xb5: {  	s8 =	sand.u32 $0x3F, s8  }
0xb6: {  	s8 =	smul.u32 $0x5, s8;
	_ =	sdelay $0x1  }
0xb7: {  	s8 =	ssub.s32 s1, s8  }
0xb8: {  	_ =	swait.ge [sflag:s29], $0x2000;
	s8 =	sand.u32 $0xFF, s8  }
0xb9: {  	[sflag:s29] =	ssyncset.done $0x0;
	s8 =	sshll.u32 s8, $0xD  }
0xba: {  	p0 =	slt.u32 s1, $0x2;
	[sflag:s29] =	ssyncadd.s32 $0xFFFFE000;
	s8 =	sadd.s32 $0x2000, s8  }
0xbb: {  	[spmem:s2] =	stream.indirect.scatter.add.f32 [tilespmem:s8], [sflag:$0x2], $0x40, s5, s23, $0xb8;
	[tilespmem:$0x1FC40] =	vst v63  }
0xbc: {  	s8 =	simm.s32 @!p0 $0x2  }
0xbd: {  	p1 =	sgt.u32 @!p0 s1, $0x1C;
	_ =	swait.ge @!p0 [sflag:s8], $0x2000  }
0xbe: {  	p1 =	por p0, !p1;
	[sflag:s8] =	ssyncset.done @!p0 $0x0  }
0xbf: {  	[sflag:s8] =	ssyncadd.s32 @!p0 $0xFFFFE000;
	s8 =	sadd.s32 @p1 $0x3, s1  }
0xc0: {  	s9 =	smul.u32 @p1 $0xCD, s8;
	_ =	sdelay $0x1  }
0xc1: {  	s9 =	sshrl.u32 @p1 s9, $0xA  }
0xc2: {  	s9 =	sand.u32 @p1 $0x3F, s9  }
0xc3: {  	s9 =	smul.u32 @p1 $0x5, s9  }
0xc4: {  	s1 =	sadd.s32 $0x1, s1  }
0xc5: {  	p0 =	sne.s32 s1, $0x20;
	s8 =	ssub.s32 @p1 s8, s9  }
.Ltmp3:
0xc6: {  	s8 =	sand.u32 @p1 $0xFF, s8;
	(pc) =	sbr.rel @p0 .LBB2_8-.Ltmp3, $4  }
0xc7: {  	s8 =	sshll.u32 @p1 s8, $0xD  }
0xc8: {  	s8 =	sadd.s32 @p1 $0x2000, s8  }
0xc9: {  	[tilespmem:s8], [sflag:$0x1] =	stream.indirect.gather @p1 [spmem:s3], $0x40, s6, s23, $0xb8;
	[tilespmem:$0x1FC40] =	vst v63  }
0xca: {  	s5 =	sadd.s32 $0x80, s5;
	s6 =	sadd.s32 $0x80, s6  }
0xcb: {  	_ =	swait.ge [sflag:s30], $0x2000  }
0xcc: {  	[sflag:s30] =	ssyncset.done $0x0  }
0xcd: {  	[sflag:s30] =	ssyncadd.s32 $0xFFFFE000  }
0xce: {  	_ =	swait.ge [sflag:s30], $0x2000  }
0xcf: {  	[sflag:s30] =	ssyncset.done $0x0  }
0xd0: {  	s1 =	simm.s32 $0x0;
	[sflag:s30] =	ssyncadd.s32 $0xFFFFE000  }
0xd1: {  	[tilespmem:s1], [sflag:$0x3] =	stream.linear.gather [hbm4b:s17+s1], $0x1000, $0x38;
	[tilespmem:$0x1FC40] =	vst v63  }
0xd2: {  	_ =	swait.ge [sflag:s21], $0x1000  }
0xd3: {  	[sflag:s21] =	ssyncset.done $0x0  }
0xd4: {  	s5 =	simm.s32 $0x1000;
	[sflag:s21] =	ssyncadd.s32 $0xFFFFF000  }
0xd5: {  	[tilespmem:s5], [sflag:$0x3] =	stream.linear.gather [hbm4b:s18+s1], $0x1000, $0x38;
	[tilespmem:$0x1FC40] =	vst v63  }
0xd6: {  	_ =	swait.ge [sflag:s21], $0x1000  }
0xd7: {  	[sflag:s21] =	ssyncset.done $0x0  }
0xd8: {  	[sflag:s21] =	ssyncadd.s32 $0xFFFFF000  }
0xd9: {  	[tilespmem:s24], [sflag:$0x1] =	stream.indirect.gather [spmem:s3], $0x40, s1, s23, $0xb8;
	[tilespmem:$0x1FC40] =	vst v63  }
0xda: {  	_ = 	snop  }
0xdb: {  	[tilespmem:s25], [sflag:$0x1] =	stream.indirect.gather [spmem:s3], $0x40, s23, s23, $0xb8;
	[tilespmem:$0x1FC40] =	vst v63  }
0xdc: {  	s6 =	simm.s32 $0x180  }
0xdd: {  	[tilespmem:s28], [sflag:$0x1] =	stream.indirect.gather [spmem:s3], $0x40, s26, s23, $0xb8;
	[tilespmem:$0x1FC40] =	vst v63  }
.LBB2_10:
0xde: {  	s8 =	smul.u32 $0xCD, s1;
	_ =	sdelay $0x1  }
0xdf: {  	s8 =	sshrl.u32 s8, $0xA  }
0xe0: {  	s8 =	sand.u32 $0x3F, s8  }
0xe1: {  	s8 =	smul.u32 $0x5, s8;
	_ =	sdelay $0x1  }
0xe2: {  	s8 =	ssub.s32 s1, s8  }
0xe3: {  	_ =	swait.ge [sflag:s29], $0x2000;
	s8 =	sand.u32 $0xFF, s8  }
0xe4: {  	[sflag:s29] =	ssyncset.done $0x0;
	s8 =	sshll.u32 s8, $0xD  }
0xe5: {  	p0 =	slt.u32 s1, $0x2;
	[sflag:s29] =	ssyncadd.s32 $0xFFFFE000;
	s8 =	sadd.s32 $0x2000, s8  }
0xe6: {  	[spmem:s2] =	stream.indirect.scatter.add.f32 [tilespmem:s8], [sflag:$0x2], $0x40, s5, s23, $0xb8;
	[tilespmem:$0x1FC40] =	vst v63  }
0xe7: {  	s8 =	simm.s32 @!p0 $0x2  }
0xe8: {  	p1 =	sgt.u32 @!p0 s1, $0x1C;
	_ =	swait.ge @!p0 [sflag:s8], $0x2000  }
0xe9: {  	p1 =	por p0, !p1;
	[sflag:s8] =	ssyncset.done @!p0 $0x0  }
0xea: {  	[sflag:s8] =	ssyncadd.s32 @!p0 $0xFFFFE000;
	s8 =	sadd.s32 @p1 $0x3, s1  }
0xeb: {  	s9 =	smul.u32 @p1 $0xCD, s8;
	_ =	sdelay $0x1  }
0xec: {  	s9 =	sshrl.u32 @p1 s9, $0xA  }
0xed: {  	s9 =	sand.u32 @p1 $0x3F, s9  }
0xee: {  	s9 =	smul.u32 @p1 $0x5, s9  }
0xef: {  	s1 =	sadd.s32 $0x1, s1  }
0xf0: {  	p0 =	sne.s32 s1, $0x20;
	s8 =	ssub.s32 @p1 s8, s9  }
.Ltmp4:
0xf1: {  	s8 =	sand.u32 @p1 $0xFF, s8;
	(pc) =	sbr.rel @p0 .LBB2_10-.Ltmp4, $4  }
0xf2: {  	s8 =	sshll.u32 @p1 s8, $0xD  }
0xf3: {  	s8 =	sadd.s32 @p1 $0x2000, s8  }
0xf4: {  	[tilespmem:s8], [sflag:$0x1] =	stream.indirect.gather @p1 [spmem:s3], $0x40, s6, s23, $0xb8;
	[tilespmem:$0x1FC40] =	vst v63  }
0xf5: {  	s5 =	sadd.s32 $0x80, s5;
	s6 =	sadd.s32 $0x80, s6  }
0xf6: {  	_ =	swait.ge [sflag:s30], $0x2000  }
0xf7: {  	[sflag:s30] =	ssyncset.done $0x0  }
0xf8: {  	[sflag:s30] =	ssyncadd.s32 $0xFFFFE000  }
0xf9: {  	_ =	swait.ge [sflag:s30], $0x2000  }
0xfa: {  	s31 =	sadd.s32 $0x1, s31;
	[sflag:s30] =	ssyncset.done $0x0  }
0xfb: {  	p0 =	sne.s32 s31, s20;
	[sflag:s30] =	ssyncadd.s32 $0xFFFFE000  }
.Ltmp5:
0xfc: {  	[bflag:$0x0] =	sbarrier.arrive $0xFFFF;
	(pc) =	sbr.rel @p0 .LBB2_1-.Ltmp5, $4  }
0xfd: {  	[hbm:s19], [sflag:s7] =	dma.local [spmem:s0], $0x1400  }
0xfe: {  	_ =	swait.ge [sflag:s21], $0x1400  }
0xff: {  	[sflag:s21] =	ssyncset.done $0x0  }
0x100: {  	[sflag:s21] =	ssyncadd.s32 $0xFFFFEC00  }
0x101: {  	_ =	sfence.sel $0x180000  }
0x102: {  	[bflag:$0x0] =	sbarrier.arrive $0xFFFF  }
0x103: {  	_ =	strace $0x9000004D  }
0x104: {  	s0 =	stileid.u32;
	[bflag:$0x2] =	sbarrier.arrive $0xFFFF  }
0x105: {  	p0 =	sne.s32 s0, $0x0;
	s0 =	rddreg [dreg:$0x4]  }
0x106: {  	s0 =	sadd.s32 @!p0 $0x100000, s0  }
0x107: {  	[sflag:s0] =	ssyncadd.tile.s32 @!p0 $0x1;
	_ =	shalt  }
.Lfunc_end2:
_tile_overlayer_lowered:
.L_overlay_start_2:
0x108: {  	(tag) =	ssettag $0x2  }
0x109: {  	s0 =	rddreg [dreg:$0x0];
	s2 =	stileid.u32  }
0x10a: {  	s1 =	rddreg [dreg:$0x1];
	p0 =	sne.s32 s2, $0x0  }
0x10b: {  	s3 =	rddreg [dreg:$0x2];
	[bflag:$0x3] =	sbarrier.arrive $0xFFFF;
	s2 =	simm.s32 @!p0 $0x1C03  }
0x10c: {  	[timem:s3], [sflag:s2] =	dma.local @!p0 [hbm:s0], s1  }
0x10d: {  	s0 =	simm.s32 @!p0 $0x3  }
0x10e: {  	_ =	swait.ge @!p0 [sflag:s0], s1  }
0x10f: {  	s1 =	ssub.s32 @!p0 $0x0, s1;
	[sflag:s0] =	ssyncset.done @!p0 $0x0  }
0x110: {  	[sflag:s0] =	ssyncadd.s32 @!p0 s1  }
0x111: {  	[bflag:$0x3] =	sbarrier.arrive $0xFFFF  }
0x112: {  	_ =	shalt  }

// kernel: kernel.8.cloned.1.call-start
scs
__scs_entry_jumppad:
0x0: {  	(pc) =	sbr.rel $0x88, $3  }
0x1: {  	(tag) =	ssettag $0x0;
	lr =	simm.s32 $0x1  }
0x2: {  	[smem:$0x3F9B] =	sst lr;
	_ =	strace $0xD0000000  }
0x3: {  	_ = 	snop  }
0x4: {  	_ = 	snop  }
0x5: {  	_ = 	snop  }
0x6: {  	_ = 	snop  }
0x7: {  	_ = 	snop  }
__scs_overlays_trampoline_lowered:
0x8: {  	[smem:$0x3FAA] =	sst s0  }
0x9: {  	[smem:$0x3FAB] =	sst s1  }
0xa: {  	[smem:$0x3FAC] =	sst s2  }
0xb: {  	[smem:$0x3FAD] =	sst s3  }
0xc: {  	[smem:$0x3FAE] =	sst s4  }
0xd: {  	[smem:$0x3FAF] =	sst s5  }
0xe: {  	[smem:$0x3FB0] =	sst s6  }
0xf: {  	[smem:$0x3FB1] =	sst s7  }
0x10: {  	[smem:$0x3FB2] =	sst s8  }
0x11: {  	[smem:$0x3FB3] =	sst s9;
	s0 =	simm.s32 @!p0 $0x0  }
0x12: {  	s1 =	sld [smem:$0x3F99];
	s0 =	simm.s32 @p0 $0x1  }
0x13: {  	[smem:$0x3FB4] =	sst s0;
	s0 =	simm.s32 @!p1 $0x0  }
0x14: {  	s2 =	sld [smem:$0x3F98];
	s0 =	simm.s32 @p1 $0x1  }
0x15: {  	[smem:$0x3FB5] =	sst s0;
	s0 =	simm.s32 @!p2 $0x0  }
0x16: {  	s3 =	sld [smem:$0x3FDB];
	s0 =	simm.s32 @p2 $0x1  }
0x17: {  	s4 =	simm.s32 $0x1BF5;
	[smem:$0x3FB7] =	sst s0  }
0x18: {  	s0 =	sld [smem:$0x3F9A];
	_ =	swait.ge [sflag:s4], $0x0  }
0x19: {  	s7 =	sld [smem:$0x3F9B]  }
0x1a: {  	s8 =	sadd.s32 $0xFFFFE003, lr  }
0x1b: {  	s9 =	sadd.s32 $0xFFFFFEF7, lr;
	s5 =	simm.s32 $0xFFFFFFFF;
	p2 =	slt.u32 s8, $0xFFFFF086  }
0x1c: {  	p1 =	slt.u32 s9, $0xF7A;
	s5 =	simm.s32 @!p2 $0x0  }
0x1d: {  	s5 =	simm.s32 @p1 $0x1;
	p0 =	seq.s32 s7, s2  }
0x1e: {  	s7 =	smul.u32 @!p0 $0xF7A, s2;
	p2 =	seq.s32 @!p0 s5, $0x0  }
0x1f: {  	s9 =	smul.u32 $0xF7A, s1;
	s8 =	simm.s32 @!p0 $0x1BF5;
	p2 =	por !p2, p0  }
0x20: {  	[sflag:s8] =	ssyncset.s32 @!p0 $0xFFFFF086;
	s6 =	sadd.s32 @!p0 s3, s7;
	s7 =	simm.s32 @!p0 $0x108  }
0x21: {  	s3 =	sadd.s32 s3, s9;
	s6 =	sadd.s32 @!p0 $0x88, s6;
	s7 =	simm.s32 @p2 $0x1082  }
0x22: {  	[simem:s7], [sflag:s8] =	dma.local @!p0 [hbm:s6], $0xF7A  }
0x23: {  	s9 =	sor.u32 $0xD0000000, s2;
	s6 =	simm.s32 $0x108;
	_ =	swait.ge @!p0 [sflag:s8], $0x0  }
0x24: {  	s3 =	sadd.s32 $0x88, s3;
	s6 =	simm.s32 @!p1 $0x1082;
	[sflag:s4] =	ssyncset.s32 $0xFFFFF086  }
0x25: {  	[simem:s6], [sflag:s4] =	dma.local [hbm:s3], $0xF7A  }
0x26: {  	[smem:$0x3F9B] =	sst s1;
	(tag) =	ssettag s2;
	_ =	strace s9  }
0x27: {  	s1 =	sld [smem:$0x3FAB]  }
0x28: {  	s2 =	sld [smem:$0x3FAC]  }
0x29: {  	s4 =	sld [smem:$0x3FAE]  }
0x2a: {  	p0 =	seq.s32 s5, $0x0;
	s5 =	sld [smem:$0x3FAF]  }
0x2b: {  	s6 =	sld [smem:$0x3FB0]  }
0x2c: {  	s7 =	sld [smem:$0x3FB1]  }
0x2d: {  	s3 =	simm.s32 $0x108;
	s8 =	sld [smem:$0x3FB2]  }
0x2e: {  	s3 =	simm.s32 @!p0 $0x1082;
	s9 =	sld [smem:$0x3FB3]  }
0x2f: {  	lr =	sadd.s32 s0, s3;
	s0 =	sld [smem:$0x3FAA]  }
0x30: {  	s3 =	sld [smem:$0x3FAD]  }
0x31: {  	[smem:$0x3FB6] =	sst s10  }
0x32: {  	s10 =	sld [smem:$0x3FB4];
	_ =	sdelay $0x3  }
0x33: {  	p0 =	seq.s32 s10, $0x1;
	s10 =	sld [smem:$0x3FB6];
	_ =	sdelay $0x3  }
0x34: {  	[smem:$0x3FB6] =	sst s10  }
0x35: {  	s10 =	sld [smem:$0x3FB5];
	_ =	sdelay $0x3  }
0x36: {  	p1 =	seq.s32 s10, $0x1;
	s10 =	sld [smem:$0x3FB6];
	_ =	sdelay $0x3  }
0x37: {  	[smem:$0x3FB6] =	sst s10  }
0x38: {  	s10 =	sld [smem:$0x3FB7]  }
0x39: {  	_ = 	snop;
	(pc) =	sbr.ind lr, $3  }
0x3a: {  	_ = 	snop  }
0x3b: {  	_ = 	snop  }
0x3c: {  	p2 =	seq.s32 s10, $0x1;
	s10 =	sld [smem:$0x3FB6]  }
0x3d: {  	_ =	shalt  }
0x3e: {  	_ =	shalt  }
0x3f: {  	_ =	shalt  }
0x40: {  	_ =	shalt  }
0x41: {  	_ =	shalt  }
0x42: {  	_ =	shalt  }
0x43: {  	_ =	shalt  }
0x44: {  	_ =	shalt  }
0x45: {  	_ =	shalt  }
0x46: {  	_ =	shalt  }
0x47: {  	_ =	shalt  }
0x48: {  	_ =	shalt  }
0x49: {  	_ =	shalt  }
0x4a: {  	_ =	shalt  }
0x4b: {  	_ =	shalt  }
0x4c: {  	_ =	shalt  }
0x4d: {  	_ =	shalt  }
0x4e: {  	_ =	shalt  }
0x4f: {  	_ =	shalt  }
0x50: {  	_ =	shalt  }
0x51: {  	_ =	shalt  }
0x52: {  	_ =	shalt  }
0x53: {  	_ =	shalt  }
0x54: {  	_ =	shalt  }
0x55: {  	_ =	shalt  }
0x56: {  	_ =	shalt  }
0x57: {  	_ =	shalt  }
0x58: {  	_ =	shalt  }
0x59: {  	_ =	shalt  }
0x5a: {  	_ =	shalt  }
0x5b: {  	_ =	shalt  }
0x5c: {  	_ =	shalt  }
0x5d: {  	_ =	shalt  }
0x5e: {  	_ =	shalt  }
0x5f: {  	_ =	shalt  }
0x60: {  	_ =	shalt  }
0x61: {  	_ =	shalt  }
0x62: {  	_ =	shalt  }
0x63: {  	_ =	shalt  }
0x64: {  	_ =	shalt  }
0x65: {  	_ =	shalt  }
0x66: {  	_ =	shalt  }
0x67: {  	_ =	shalt  }
0x68: {  	_ =	shalt  }
0x69: {  	_ =	shalt  }
0x6a: {  	_ =	shalt  }
0x6b: {  	_ =	shalt  }
0x6c: {  	_ =	shalt  }
0x6d: {  	_ =	shalt  }
0x6e: {  	_ =	shalt  }
0x6f: {  	_ =	shalt  }
0x70: {  	_ =	shalt  }
0x71: {  	_ =	shalt  }
0x72: {  	_ =	shalt  }
0x73: {  	_ =	shalt  }
0x74: {  	_ =	shalt  }
0x75: {  	_ =	shalt  }
0x76: {  	_ =	shalt  }
0x77: {  	_ =	shalt  }
0x78: {  	_ =	shalt  }
0x79: {  	_ =	shalt  }
0x7a: {  	_ =	shalt  }
0x7b: {  	_ =	shalt  }
0x7c: {  	_ =	shalt  }
0x7d: {  	_ =	shalt  }
0x7e: {  	_ =	shalt  }
0x7f: {  	_ =	shalt  }
0x80: {  	_ =	shalt  }
0x81: {  	_ =	shalt  }
0x82: {  	_ =	shalt  }
0x83: {  	_ =	shalt  }
0x84: {  	_ =	shalt  }
0x85: {  	_ =	shalt  }
0x86: {  	_ =	shalt  }
0x87: {  	_ =	shalt  }
.Lfunc_end0:
.L_simem_size_0:
called_computation_lowered:
.L_overlay_start_0:
0x88: {  	s2 =	sld [smem:$0x3FD9]  }
0x89: {  	s3 =	sld [smem:$0x3FFE];
	_ =	sdelay $0x1  }
0x8a: {  	s1 =	srdreg.scid  }
0x8b: {  	s0 =	sand.u32 $0x1, s1  }
0x8c: {  	s17 =	sshll.u32 s0, $0xA;
	s2 =	sadd.s32 s3, s2  }
0x8d: {  	s2 =	sadd.s32 s2, s17  }
0x8e: {  	[smem:$0x3FC2] =	sst s2  }
0x8f: {  	_ = 	snop  }
0x90: {  	s2 =	sld [smem:$0x3FD0];
	(tm) =	ssettm $0x1  }
0x91: {  	s18 =	sld [smem:$0x3FFB];
	_ =	sdelay $0x3  }
0x92: {  	_ =	strace s18  }
0x93: {  	s3 =	sld [smem:$0x3FFC];
	_ =	sdelay $0x3  }
0x94: {  	_ =	strace s3  }
0x95: {  	s3 =	sld [smem:$0x3FFD];
	_ =	sdelay $0x3  }
0x96: {  	_ =	strace s3  }
0x97: {  	_ =	strace $0x8FFFFFFF  }
0x98: {  	s19 =	sld [smem:$0x3FDB];
	_ =	sdelay $0x1  }
0x99: {  	s4 =	simm.s32 $_scs_section_size  }
0x9a: {  	s5 =	simm.s32 $_size__tile_overlayer_lowered;
	s6 =	simm.s32 $_tile_overlayer_lowered  }
0x9b: {  	s22 =	simm.s32 $0x1BFF;
	s21 =	sshll.u32 s6, $0x1;
	s3 =	sadd.s32 s4, s19  }
0x9c: {  	s7 =	simm.s32 $0x0;
	s20 =	sshll.u32 s5, $0x1;
	s5 =	sadd.s32 s21, s3  }
0x9d: {  	[timem:s7], [sflag:s22] =	dma.local [hbm:s5], s20  }
0x9e: {  	_ =	swait.ge [sflag:s22], s20  }
0x9f: {  	s4 =	ssub.s32 $0x0, s20;
	[sflag:s22] =	ssyncset.done $0x0  }
0xa0: {  	[sflag:s22] =	ssyncadd.s32 s4;
	_ =	sdelay $0x1  }
0xa1: {  	s23 =	simm.s32 $0x1B8B  }
0xa2: {  	_ =	swait.ge [sflag:s23], $0x1  }
0xa3: {  	[sflag:s23] =	ssyncset.done $0x0  }
0xa4: {  	s25 =	simm.s32 $0x1B8E;
	s24 =	sld [smem:$0x3FFE];
	[sflag:s23] =	ssyncadd.s32 $0xFFFFFFFF  }
0xa5: {  	s26 =	simm.s32 $execute0_lowered;
	[smem:$0x3FD2] =	sst s25  }
0xa6: {  	s5 =	sshll.u32 s26, $0x1;
	_ =	strace $0x80000046;
	[dreg:$0x1] =	wrdreg $0xFFFFFFFF  }
0xa7: {  	s28 =	simm.s32 $_size_execute0_lowered;
	s3 =	sadd.s32 s3, s5;
	[dreg:$0x0] =	wrdreg $0x0  }
0xa8: {  	s5 =	sshll.u32 s28, $0x1;
	[dreg:$0x2] =	wrdreg s3  }
0xa9: {  	[dreg:$0x3] =	wrdreg s5  }
0xaa: {  	[dreg:$0x4] =	wrdreg $0xC0  }
0xab: {  	_ =	task [dreg:s7], $0x5FFFF  }
0xac: {  	[dreg:$0x1] =	wrdreg $0xFFFFFFFF  }
0xad: {  	[dreg:$0x0] =	wrdreg $0x60  }
0xae: {  	[dreg:$0x2] =	wrdreg s24  }
0xaf: {  	[dreg:$0x3] =	wrdreg s2  }
0xb0: {  	[dreg:$0x4] =	wrdreg $0x28800  }
0xb1: {  	[dreg:$0x5] =	wrdreg $0x9  }
0xb2: {  	_ =	task.clear_ibuf [dreg:s7], $0x6FFFF;
	_ =	strace $0x90000046  }
0xb3: {  	s29 =	simm.s32 $0x9;
	_ =	strace $0x80000048  }
0xb4: {  	_ =	swait.ge [sflag:s29], $0x1  }
0xb5: {  	[sflag:s29] =	ssyncadd.s32 $0xFFFFFFFF  }
0xb6: {  	_ =	strace $0x90000048  }
0xb7: {  	_ =	sfence  }
0xb8: {  	s30 =	sld [smem:$0x0];
	_ =	sdelay $0x2  }
0xb9: {  	s31 =	sshll.u32 s1, $0xD;
	s1 =	sshrl.u32 s1, $0x2  }
0xba: {  	s3 =	sand.u32 $0x4000, s31;
	s1 =	sadd.s32 s1, s30  }
0xbb: {  	s0 =	sor.u32 s3, s0;
	s1 =	sshll.u32 s1, $0x11  }
0xbc: {  	s0 =	sor.u32 s1, s0  }
0xbd: {  	s0 =	sadd.s32 $0x8F2B, s0  }
0xbe: {  	[sflag:s0] =	ssyncadd.remote.s32 $0x1  }
0xbf: {  	_ =	sfence.sel $0xFFFF  }
0xc0: {  	[dreg:$0x0] =	wrdreg $0xFFFFFFFF;
	(pc) =	sbr.abs _section_cstart, $3  }
0xc1: {  	[dreg:$0x1] =	wrdreg $0xFFFFFFFF  }
0xc2: {  	_ =	task.clear_ibuf [dreg:s7], $0x2FFFF;
	_ =	strace $0x9FFFFFFF  }
0xc3: {  	(tm) =	ssettm $0x7FFFFFFF  }
tec
execute0_lowered:
.L_overlay_start_1:
0x0: {  	(tag) =	ssettag $0x1  }
0x1: {  	s4 =	rddreg [dreg:$0x0]  }
0x2: {  	s7 =	rddreg [dreg:$0x1]  }
0x3: {  	s0 =	srdreg.scid;
	s2 =	rddreg [dreg:$0x2]  }
0x4: {  	s3 =	simm.s32 $0x0;
	s13 =	simm.s32 $0x100;
	s14 =	simm.s32 $0x180  }
0x5: {  	s15 =	simm.s32 $0x200;
	s16 =	simm.s32 $0x280;
	s17 =	simm.s32 $0x300  }
0x6: {  	s18 =	simm.s32 $0x380;
	s19 =	simm.s32 $0x1;
	s20 =	simm.s32 $0x0  }
0x7: {  	s5 =	sand.u32 $0x1, s0;
	s0 =	stileid.u32;
	[smem:$0x7FF] =	sst s3  }
0x8: {  	s1 =	sshll.u32 s5, $0x4;
	s8 =	smul.u32 $0x280, s0;
	s9 =	ssub.s32 $0x2, s5  }
0x9: {  	s5 =	smul.u32 $0x2800, s5;
	s30 =	sshll.u32 s0, $0x6;
	s6 =	sor.u32 s0, s1  }
0xa: {  	s1 =	rddreg [dreg:$0x3];
	_ =	strace $0x80000047;
	s10 =	sshrl.u32 s9, $0x1  }
0xb: {  	s6 =	smul.u32 $0x500, s6;
	s9 =	ssub.s32 s9, s10;
	s11 =	sadd.s32 s8, s5  }
0xc: {  	s12 =	sadd.s32 s8, s2;
	s5 =	sor.u32 $0x1C02, s30;
	s10 =	simm.s32 $0x2  }
0xd: {  	s31 =	sshrl.u32 s11, $0x3;
	s8 =	smax.u32 s9, $0x1;
	s9 =	sshrl.u32 s12, $0x3  }
0xe: {  	s11 =	simm.s32 $0x80;
	s12 =	simm.s32 $0x2800;
	s6 =	sadd.s32 s6, s4  }
0xf: {  	v0 =	vimm.f32 $1.000000000e+00;
	s4 =	sadd.s32 $0xB800, s4;
	s7 =	sadd.s32 s7, s31;
	s6 =	sadd.s32 $0x1800, s6  }
.LBB2_1:
0x10: {  	[spmem:s9], [sflag:s5] =	dma.local [hbm:s4], $0x50  }
0x11: {  	_ =	swait.ge [sflag:s10], $0x50  }
0x12: {  	[sflag:s10] =	ssyncset.done $0x0  }
0x13: {  	[sflag:s10] =	ssyncadd.s32 $0xFFFFFFB0  }
0x14: {  	[tilespmem:s3], [sflag:$0x2] =	stream.linear.gather [hbm4b:s6+s3], $0x2800, $0x38;
	[tilespmem:$0x2B00] =	vst v63  }
0x15: {  	_ =	swait.ge [sflag:s10], $0x2800  }
0x16: {  	[sflag:s10] =	ssyncset.done $0x0  }
0x17: {  	[sflag:s10] =	ssyncadd.s32 $0xFFFFD800  }
0x18: {  	[tilespmem:$0x2800] =	vst v0  }
0x19: {  	[tilespmem:$0x2810] =	vst v0  }
0x1a: {  	[tilespmem:$0x2820] =	vst v0  }
0x1b: {  	[tilespmem:$0x2830] =	vst v0  }
0x1c: {  	[tilespmem:$0x2840] =	vst v0  }
0x1d: {  	[tilespmem:$0x2850] =	vst v0  }
0x1e: {  	[tilespmem:$0x2860] =	vst v0  }
0x1f: {  	[tilespmem:$0x2870] =	vst v0  }
0x20: {  	[bflag:$0x0] =	sbarrier.arrive $0xFFFF  }
0x21: {  	[spmem:s2] =	stream.indirect.scatter.add.f32 [tilespmem:s12], [sflag:$0x1], $0x1, s3, s11, $0xb8;
	[tilespmem:$0x2B00] =	vst v63  }
0x22: {  	_ = 	snop  }
0x23: {  	[spmem:s2] =	stream.indirect.scatter.add.f32 [tilespmem:s12], [sflag:$0x1], $0x1, s11, s11, $0xb8;
	[tilespmem:$0x2B00] =	vst v63  }
0x24: {  	_ = 	snop  }
0x25: {  	[spmem:s2] =	stream.indirect.scatter.add.f32 [tilespmem:s12], [sflag:$0x1], $0x1, s13, s11, $0xb8;
	[tilespmem:$0x2B00] =	vst v63  }
0x26: {  	_ = 	snop  }
0x27: {  	[spmem:s2] =	stream.indirect.scatter.add.f32 [tilespmem:s12], [sflag:$0x1], $0x1, s14, s11, $0xb8;
	[tilespmem:$0x2B00] =	vst v63  }
0x28: {  	_ = 	snop  }
0x29: {  	[spmem:s2] =	stream.indirect.scatter.add.f32 [tilespmem:s12], [sflag:$0x1], $0x1, s15, s11, $0xb8;
	[tilespmem:$0x2B00] =	vst v63  }
0x2a: {  	_ = 	snop  }
0x2b: {  	[spmem:s2] =	stream.indirect.scatter.add.f32 [tilespmem:s12], [sflag:$0x1], $0x1, s16, s11, $0xb8;
	[tilespmem:$0x2B00] =	vst v63  }
0x2c: {  	_ = 	snop  }
0x2d: {  	[spmem:s2] =	stream.indirect.scatter.add.f32 [tilespmem:s12], [sflag:$0x1], $0x1, s17, s11, $0xb8;
	[tilespmem:$0x2B00] =	vst v63  }
0x2e: {  	_ = 	snop  }
0x2f: {  	[spmem:s2] =	stream.indirect.scatter.add.f32 [tilespmem:s12], [sflag:$0x1], $0x1, s18, s11, $0xb8;
	[tilespmem:$0x2B00] =	vst v63  }
0x30: {  	s22 =	simm.s32 $0x400;
	s21 =	simm.s32 $0x1;
	_ =	swait.ge [sflag:s19], $0x80  }
0x31: {  	p0 =	por $0x0, $0x0;
	s23 =	simm.s32 $0x480;
	[sflag:s19] =	ssyncset.done $0x0  }
0x32: {  	s24 =	simm.s32 @!p0 $0x80;
	s25 =	simm.s32 @!p0 $0x2800;
	[sflag:s19] =	ssyncadd.s32 $0xFFFFFF80  }
.LBB2_2:
0x33: {  	[spmem:s2] =	stream.indirect.scatter.add.f32 @!p0 [tilespmem:s25], [sflag:$0x1], $0x1, s22, s24, $0xb8;
	[tilespmem:$0x2B00] =	vst v63  }
0x34: {  	s24 =	smov.u32 s21;
	s21 =	sadd.s32 $0x1, s21  }
0x35: {  	p1 =	sne.s32 s21, $0x50  }
.Ltmp0:
0x36: {  	(pc) =	sbr.rel @p1 .LBB2_2-.Ltmp0, $4  }
0x37: {  	s22 =	smov.u32 s23  }
0x38: {  	_ =	swait.ge [sflag:s19], $0x80  }
0x39: {  	s23 =	sadd.s32 $0x80, s23;
	p0 =	sgt.u32 s24, $0x47;
	[sflag:s19] =	ssyncset.done $0x0  }
0x3a: {  	s24 =	simm.s32 @!p0 $0x80;
	s25 =	simm.s32 @!p0 $0x2800;
	[sflag:s19] =	ssyncadd.s32 $0xFFFFFF80  }
0x3b: {  	[spmem:s2] =	stream.indirect.scatter.add.f32 @!p0 [tilespmem:s25], [sflag:$0x1], $0x1, s22, s24, $0xb8;
	[tilespmem:$0x2B00] =	vst v63  }
0x3c: {  	s20 =	sadd.s32 $0x1, s20  }
0x3d: {  	p0 =	sne.s32 s20, s8  }
.Ltmp1:
0x3e: {  	[bflag:$0x0] =	sbarrier.arrive $0xFFFF;
	(pc) =	sbr.rel @p0 .LBB2_1-.Ltmp1, $4  }
0x3f: {  	[hbm:s7], [sflag:s5] =	dma.local [spmem:s9], $0x50  }
0x40: {  	_ =	swait.ge [sflag:s10], $0x50  }
0x41: {  	[sflag:s10] =	ssyncset.done $0x0  }
0x42: {  	[sflag:s10] =	ssyncadd.s32 $0xFFFFFFB0  }
0x43: {  	_ =	sfence.sel $0x180000  }
0x44: {  	[bflag:$0x0] =	sbarrier.arrive $0xFFFF  }
0x45: {  	p0 =	sne.s32 s0, $0x0;
	_ =	strace $0x90000047  }
0x46: {  	s0 =	sadd.s32 @!p0 $0x100000, s1;
	[bflag:$0x2] =	sbarrier.arrive $0xFFFF  }
0x47: {  	[sflag:s0] =	ssyncadd.tile.s32 @!p0 $0x1;
	_ =	shalt  }
.Lfunc_end2:
_tile_overlayer_lowered:
.L_overlay_start_2:
0x48: {  	(tag) =	ssettag $0x2  }
0x49: {  	s0 =	rddreg [dreg:$0x0];
	s2 =	stileid.u32  }
0x4a: {  	s1 =	rddreg [dreg:$0x1];
	p0 =	sne.s32 s2, $0x0  }
0x4b: {  	s3 =	rddreg [dreg:$0x2];
	[bflag:$0x3] =	sbarrier.arrive $0xFFFF;
	s2 =	simm.s32 @!p0 $0x1C02  }
0x4c: {  	[timem:s3], [sflag:s2] =	dma.local @!p0 [hbm:s0], s1  }
0x4d: {  	s0 =	simm.s32 @!p0 $0x2  }
0x4e: {  	_ =	swait.ge @!p0 [sflag:s0], s1  }
0x4f: {  	s1 =	ssub.s32 @!p0 $0x0, s1;
	[sflag:s0] =	ssyncset.done @!p0 $0x0  }
0x50: {  	[sflag:s0] =	ssyncadd.s32 @!p0 s1  }
0x51: {  	[bflag:$0x3] =	sbarrier.arrive $0xFFFF  }
0x52: {  	_ =	shalt  }

</sc_bundles>
